<compile_context>
chip_gen: v7x
topology: tpu7x:2x2x1
jax: 0.10.2.dev20260603
libtpu: 0.0.44.dev20260713+nightly
codegen_flags: <defaults>
</compile_context>

<pallas_src>
import functools

import jax
import jax.numpy as jnp
from jax import lax
from jax.experimental import pallas as pl
from jax.experimental.pallas import tpu as pltpu
from jax.experimental.pallas import tpu_sc as plsc

_NUM_MOODS = 100000
_EMBED_DIM = 32
_NUM_EMBEDDINGS = _NUM_MOODS + 1

_L = 16
_NW = 32
_IDXW = 128


def _make_kernel(n_b: int, n_s: int):
    assert n_b % (_NW * _IDXW) == 0
    bpw = n_b // _NW
    kk = bpw // _IDXW
    n_ct = n_b // _IDXW
    n_rt = _EMBED_DIM // 8

    mesh = plsc.VectorSubcoreMesh(core_axis_name="c", subcore_axis_name="s")

    @functools.partial(
        pl.kernel,
        mesh=mesh,
        out_type=jax.ShapeDtypeStruct((n_s, n_rt, n_ct * 8 * _IDXW),
                                      jnp.float32),
        scratch_types=[
            pltpu.VMEM((bpw * n_s,), jnp.int32),
            [pltpu.VMEM((bpw,), jnp.int32)] * 2,
            [pltpu.VMEM((bpw, _EMBED_DIM), jnp.float32)] * 2,
            [pltpu.VMEM((n_rt * kk * 8 * _IDXW,), jnp.float32)] * 2,
            pltpu.SemaphoreType.DMA,
            [pltpu.SemaphoreType.DMA] * 2,
            [pltpu.SemaphoreType.DMA] * 2,
        ],
        compiler_params=pltpu.CompilerParams(
            use_tc_tiling_on_sc=False, needs_layout_passes=False),
    )
    def gather_kernel(ids_hbm, table_hbm, out_hbm, blk, idx_v, rows_v, stage_v,
                      bsem, gsem, osem):
        wid = lax.axis_index("s") * 2 + lax.axis_index("c")
        ct0 = wid * kk

        pltpu.async_copy(
            ids_hbm.at[pl.ds(wid * (bpw * n_s), bpw * n_s)], blk, bsem
        ).wait()

        iota = lax.iota(jnp.int32, _L)
        iota_ns = iota * n_s

        def extract_clamp(s, p):
            def body(c, carry):
                v = plsc.load_gather(blk, [iota_ns + (s + c * (_L * n_s))])
                v = jnp.minimum(jnp.maximum(v, 0), _NUM_EMBEDDINGS - 1)
                idx_v[p][pl.ds(c * _L, _L)] = v
                return carry
            lax.fori_loop(0, bpw // _L, body, 0)

        def fire_gathers(p):
            return [
                pltpu.async_copy(
                    table_hbm.at[idx_v[p].at[pl.ds(j * _IDXW, _IDXW)]],
                    rows_v[p].at[pl.ds(j * _IDXW, _IDXW)],
                    gsem[p])
                for j in range(kk)
            ]

        rot = [(iota + k) & (_L - 1) for k in range(_L)]
        colv = [[h * _L + rk for rk in rot] for h in range(2)]
        posv = [[(cv >> 3) * (kk * 8 * _IDXW) + (cv & 7) * _IDXW + iota
                 for cv in colv[h]] for h in range(2)]

        def transpose_fill(p):
            def body(m, carry):
                rowvec = iota + m * _L
                base = (m // 8) * (8 * _IDXW) + (m % 8) * _L
                bsplat = jnp.full((_L,), base, jnp.int32)
                for h in range(2):
                    vecs = [plsc.load_gather(rows_v[p], [rowvec, colv[h][k]])
                            for k in range(_L)]
                    targs = [posv[h][k] + bsplat for k in range(_L)]
                    for k in range(_L):
                        plsc.store_scatter(stage_v[p], [targs[k]], vecs[k])
                return carry
            lax.fori_loop(0, bpw // _L, body, 0)

        tile_w = kk * 8 * _IDXW

        def fire_stores(s, p):
            return [
                pltpu.async_copy(
                    stage_v[p].at[pl.ds(r * tile_w, tile_w)],
                    out_hbm.at[s, r, pl.ds(ct0 * (8 * _IDXW), tile_w)],
                    osem[p])
                for r in range(n_rt)
            ]

        def wait_gathers(p):
            for j in range(kk):
                pltpu.make_async_copy(
                    table_hbm.at[idx_v[p].at[pl.ds(j * _IDXW, _IDXW)]],
                    rows_v[p].at[pl.ds(j * _IDXW, _IDXW)],
                    gsem[p]).wait()

        def wait_stores(s, p):
            for r in range(n_rt):
                pltpu.make_async_copy(
                    stage_v[p].at[pl.ds(r * tile_w, tile_w)],
                    out_hbm.at[s, r, pl.ds(ct0 * (8 * _IDXW), tile_w)],
                    osem[p]).wait()

        extract_clamp(0, 0)
        fire_gathers(0)
        extract_clamp(1, 1)
        wait_gathers(0)
        fire_gathers(1)
        transpose_fill(0)
        fire_stores(0, 0)
        extract_clamp(2, 0)
        wait_gathers(1)
        fire_gathers(0)
        transpose_fill(1)
        fire_stores(1, 1)

        def pair_body(t, carry):
            s0 = 2 * t
            s1 = s0 + 1
            extract_clamp(s1, 1)
            wait_gathers(0)
            fire_gathers(1)
            wait_stores(s0 - 2, 0)
            transpose_fill(0)
            fire_stores(s0, 0)
            extract_clamp(jnp.minimum(s0 + 2, n_s - 1), 0)
            wait_gathers(1)
            fire_gathers(0)
            wait_stores(s1 - 2, 1)
            transpose_fill(1)
            fire_stores(s1, 1)
            return carry

        lax.fori_loop(1, n_s // 2, pair_body, 0)

        wait_gathers(0)
        wait_stores(n_s - 2, 0)
        wait_stores(n_s - 1, 1)

    return gather_kernel


def kernel(mood_ids, table):
    n_b, n_s = mood_ids.shape
    ids_flat = mood_ids.astype(jnp.int32).reshape(n_b * n_s)
    out5 = _make_kernel(n_b, n_s)(ids_flat, table)
    out5 = out5.reshape(n_s, _EMBED_DIM // 8, n_b // 128, 8, 128)
    out = jnp.transpose(out5, (2, 4, 0, 1, 3)).reshape(n_b, n_s, _EMBED_DIM)
    return out

# --- scband reference (transcript-rebuilt; emitter-appended) ---
"""Pipeline reference for scband-mood-embedding-56100862820359 (READ-ONLY COPY).

The authoritative reference and input builder live on the scoring server;
editing this copy changes nothing except your own understanding.
"""

import jax, jax.numpy as jnp
import numpy as np

NUM_MOODS = 100000
EMBED_DIM = 32
NUM_EMBEDDINGS = NUM_MOODS + 1


def setup_inputs(seed: int = 0) -> dict:
    key = jax.random.key(seed)
    k1, k2 = jax.random.split(key)
    mood_ids = jax.random.randint(k1, (16384, 50), 0, 100001, dtype=jnp.int64 if jax.config.jax_enable_x64 else jnp.int32)
    # xavier_uniform init for embedding table [NUM_EMBEDDINGS, EMBED_DIM]
    fan_in, fan_out = NUM_EMBEDDINGS, EMBED_DIM
    bound = float(np.sqrt(6.0 / (fan_in + fan_out)))
    table = jax.random.uniform(k2, (NUM_EMBEDDINGS, EMBED_DIM), dtype=jnp.float32, minval=-bound, maxval=bound)
    return {"mood_ids": mood_ids, "table": table}


def reference(mood_ids, table):
    ids = jnp.clip(mood_ids, 0, NUM_EMBEDDINGS - 1)
    return jnp.take(table, ids, axis=0)

if __name__ == "__main__":
    import jax
    _d = setup_inputs()
    print(jax.jit(kernel)(*tuple(_d.values())))

</pallas_src>

<mosaic_0001>
#map = affine_map<(d0, d1) -> (0)>
#map1 = affine_map<(d0, d1) -> (0, 0)>
#map2 = affine_map<(d0, d1) -> (0, 0, 0)>
module attributes {stable_mosaic.version = 14 : i64} {
  func.func @gather_kernel(%arg0: i32, %arg1: i32, %arg2: memref<819200xi32, #tpu.memory_space<hbm>>, %arg3: memref<100001x32xf32, #tpu.memory_space<hbm>>, %arg4: memref<50x4x131072xf32, #tpu.memory_space<hbm>>, %arg5: memref<25600xi32, #tpu.memory_space<vmem>>, %arg6: memref<512xi32, #tpu.memory_space<vmem>>, %arg7: memref<512xi32, #tpu.memory_space<vmem>>, %arg8: memref<512x32xf32, #tpu.memory_space<vmem>>, %arg9: memref<512x32xf32, #tpu.memory_space<vmem>>, %arg10: memref<16384xf32, #tpu.memory_space<vmem>>, %arg11: memref<16384xf32, #tpu.memory_space<vmem>>, %arg12: memref<!tpu.dma_semaphore, #tpu.memory_space<semaphore_mem>>, %arg13: memref<!tpu.dma_semaphore, #tpu.memory_space<semaphore_mem>>, %arg14: memref<!tpu.dma_semaphore, #tpu.memory_space<semaphore_mem>>, %arg15: memref<!tpu.dma_semaphore, #tpu.memory_space<semaphore_mem>>, %arg16: memref<!tpu.dma_semaphore, #tpu.memory_space<semaphore_mem>>) attributes {dimension_semantics = [#tpu.dimension_semantics<core_parallel>, #tpu.dimension_semantics<subcore_parallel>], iteration_bounds = array<i64: 2, 16>, scalar_prefetch = 0 : i64, scratch_operands = 12 : i64, tpu.core_type = #tpu.core_type<sc_vector_subcore>, window_params = [{transform_indices = #map}, {transform_indices = #map1}, {transform_indices = #map2}]} {
    %mul3A = arith.constant 2 : i32
    %mul3A_0 = arith.muli %arg1, %mul3A : i32
    %add3A = arith.addi %mul3A_0, %arg0 : i32
    %mul3A_1 = arith.constant 4 : i32
    %mul3A_2 = arith.muli %add3A, %mul3A_1 : i32
    %mul3A_3 = arith.constant 25600 : i32
    %mul3A_4 = arith.muli %add3A, %mul3A_3 : i32
    %dma_start3A = tpu.memref_slice %arg2[%mul3A_4] : memref<819200xi32, #tpu.memory_space<hbm>> -> memref<25600xi32, #tpu.memory_space<hbm>>
    %dma_start3A_5 = tpu.memref_slice %arg2[%mul3A_4] : memref<819200xi32, #tpu.memory_space<hbm>> -> memref<25600xi32, #tpu.memory_space<hbm>>
    tpu.enqueue_dma source(%dma_start3A_5 : memref<25600xi32, #tpu.memory_space<hbm>>) target(%arg5 : memref<25600xi32, #tpu.memory_space<vmem>>) target_semaphore(%arg12 : memref<!tpu.dma_semaphore, #tpu.memory_space<semaphore_mem>>)
    %dma_wait3A = tpu.memref_slice %arg2[%mul3A_4] : memref<819200xi32, #tpu.memory_space<hbm>> -> memref<25600xi32, #tpu.memory_space<hbm>>
    %dma_wait3A_6 = tpu.memref_slice %arg2[%mul3A_4] : memref<819200xi32, #tpu.memory_space<hbm>> -> memref<25600xi32, #tpu.memory_space<hbm>>
    tpu.wait_dma2 semaphore(%arg12 : memref<!tpu.dma_semaphore, #tpu.memory_space<semaphore_mem>>) src(%dma_wait3A_6 : memref<25600xi32, #tpu.memory_space<hbm>>) dst(%arg5 : memref<25600xi32, #tpu.memory_space<vmem>>)
    %iota3A = tpu.iota {dimensions = array<i32: 0>} : vector<16xi32>
    %mul3A_7 = arith.constant 50 : i32
    %mul3A_8 = vector.broadcast %mul3A_7 : i32 to vector<16xi32>
    %mul3A_9 = arith.muli %iota3A, %mul3A_8 : vector<16xi32>
    %add3A_10 = arith.constant 0 : i32
    %add3A_11 = vector.broadcast %add3A_10 : i32 to vector<16xi32>
    %add3A_12 = arith.addi %iota3A, %add3A_11 : vector<16xi32>
    %and3A = arith.constant 15 : i32
    %and3A_13 = vector.broadcast %and3A : i32 to vector<16xi32>
    %and3A_14 = arith.andi %add3A_12, %and3A_13 : vector<16xi32>
    %add3A_15 = arith.constant 1 : i32
    %add3A_16 = vector.broadcast %add3A_15 : i32 to vector<16xi32>
    %add3A_17 = arith.addi %iota3A, %add3A_16 : vector<16xi32>
    %and3A_18 = arith.constant 15 : i32
    %and3A_19 = vector.broadcast %and3A_18 : i32 to vector<16xi32>
    %and3A_20 = arith.andi %add3A_17, %and3A_19 : vector<16xi32>
    %add3A_21 = arith.constant 2 : i32
    %add3A_22 = vector.broadcast %add3A_21 : i32 to vector<16xi32>
    %add3A_23 = arith.addi %iota3A, %add3A_22 : vector<16xi32>
    %and3A_24 = arith.constant 15 : i32
    %and3A_25 = vector.broadcast %and3A_24 : i32 to vector<16xi32>
    %and3A_26 = arith.andi %add3A_23, %and3A_25 : vector<16xi32>
    %add3A_27 = arith.constant 3 : i32
    %add3A_28 = vector.broadcast %add3A_27 : i32 to vector<16xi32>
    %add3A_29 = arith.addi %iota3A, %add3A_28 : vector<16xi32>
    %and3A_30 = arith.constant 15 : i32
    %and3A_31 = vector.broadcast %and3A_30 : i32 to vector<16xi32>
    %and3A_32 = arith.andi %add3A_29, %and3A_31 : vector<16xi32>
    %add3A_33 = arith.constant 4 : i32
    %add3A_34 = vector.broadcast %add3A_33 : i32 to vector<16xi32>
    %add3A_35 = arith.addi %iota3A, %add3A_34 : vector<16xi32>
    %and3A_36 = arith.constant 15 : i32
    %and3A_37 = vector.broadcast %and3A_36 : i32 to vector<16xi32>
    %and3A_38 = arith.andi %add3A_35, %and3A_37 : vector<16xi32>
    %add3A_39 = arith.constant 5 : i32
    %add3A_40 = vector.broadcast %add3A_39 : i32 to vector<16xi32>
    %add3A_41 = arith.addi %iota3A, %add3A_40 : vector<16xi32>
    %and3A_42 = arith.constant 15 : i32
    %and3A_43 = vector.broadcast %and3A_42 : i32 to vector<16xi32>
    %and3A_44 = arith.andi %add3A_41, %and3A_43 : vector<16xi32>
    %add3A_45 = arith.constant 6 : i32
    %add3A_46 = vector.broadcast %add3A_45 : i32 to vector<16xi32>
    %add3A_47 = arith.addi %iota3A, %add3A_46 : vector<16xi32>
    %and3A_48 = arith.constant 15 : i32
    %and3A_49 = vector.broadcast %and3A_48 : i32 to vector<16xi32>
    %and3A_50 = arith.andi %add3A_47, %and3A_49 : vector<16xi32>
    %add3A_51 = arith.constant 7 : i32
    %add3A_52 = vector.broadcast %add3A_51 : i32 to vector<16xi32>
    %add3A_53 = arith.addi %iota3A, %add3A_52 : vector<16xi32>
    %and3A_54 = arith.constant 15 : i32
    %and3A_55 = vector.broadcast %and3A_54 : i32 to vector<16xi32>
    %and3A_56 = arith.andi %add3A_53, %and3A_55 : vector<16xi32>
    %add3A_57 = arith.constant 8 : i32
    %add3A_58 = vector.broadcast %add3A_57 : i32 to vector<16xi32>
    %add3A_59 = arith.addi %iota3A, %add3A_58 : vector<16xi32>
    %and3A_60 = arith.constant 15 : i32
    %and3A_61 = vector.broadcast %and3A_60 : i32 to vector<16xi32>
    %and3A_62 = arith.andi %add3A_59, %and3A_61 : vector<16xi32>
    %add3A_63 = arith.constant 9 : i32
    %add3A_64 = vector.broadcast %add3A_63 : i32 to vector<16xi32>
    %add3A_65 = arith.addi %iota3A, %add3A_64 : vector<16xi32>
    %and3A_66 = arith.constant 15 : i32
    %and3A_67 = vector.broadcast %and3A_66 : i32 to vector<16xi32>
    %and3A_68 = arith.andi %add3A_65, %and3A_67 : vector<16xi32>
    %add3A_69 = arith.constant 10 : i32
    %add3A_70 = vector.broadcast %add3A_69 : i32 to vector<16xi32>
    %add3A_71 = arith.addi %iota3A, %add3A_70 : vector<16xi32>
    %and3A_72 = arith.constant 15 : i32
    %and3A_73 = vector.broadcast %and3A_72 : i32 to vector<16xi32>
    %and3A_74 = arith.andi %add3A_71, %and3A_73 : vector<16xi32>
    %add3A_75 = arith.constant 11 : i32
    %add3A_76 = vector.broadcast %add3A_75 : i32 to vector<16xi32>
    %add3A_77 = arith.addi %iota3A, %add3A_76 : vector<16xi32>
    %and3A_78 = arith.constant 15 : i32
    %and3A_79 = vector.broadcast %and3A_78 : i32 to vector<16xi32>
    %and3A_80 = arith.andi %add3A_77, %and3A_79 : vector<16xi32>
    %add3A_81 = arith.constant 12 : i32
    %add3A_82 = vector.broadcast %add3A_81 : i32 to vector<16xi32>
    %add3A_83 = arith.addi %iota3A, %add3A_82 : vector<16xi32>
    %and3A_84 = arith.constant 15 : i32
    %and3A_85 = vector.broadcast %and3A_84 : i32 to vector<16xi32>
    %and3A_86 = arith.andi %add3A_83, %and3A_85 : vector<16xi32>
    %add3A_87 = arith.constant 13 : i32
    %add3A_88 = vector.broadcast %add3A_87 : i32 to vector<16xi32>
    %add3A_89 = arith.addi %iota3A, %add3A_88 : vector<16xi32>
    %and3A_90 = arith.constant 15 : i32
    %and3A_91 = vector.broadcast %and3A_90 : i32 to vector<16xi32>
    %and3A_92 = arith.andi %add3A_89, %and3A_91 : vector<16xi32>
    %add3A_93 = arith.constant 14 : i32
    %add3A_94 = vector.broadcast %add3A_93 : i32 to vector<16xi32>
    %add3A_95 = arith.addi %iota3A, %add3A_94 : vector<16xi32>
    %and3A_96 = arith.constant 15 : i32
    %and3A_97 = vector.broadcast %and3A_96 : i32 to vector<16xi32>
    %and3A_98 = arith.andi %add3A_95, %and3A_97 : vector<16xi32>
    %add3A_99 = arith.constant 15 : i32
    %add3A_100 = vector.broadcast %add3A_99 : i32 to vector<16xi32>
    %add3A_101 = arith.addi %iota3A, %add3A_100 : vector<16xi32>
    %and3A_102 = arith.constant 15 : i32
    %and3A_103 = vector.broadcast %and3A_102 : i32 to vector<16xi32>
    %and3A_104 = arith.andi %add3A_101, %and3A_103 : vector<16xi32>
    %add3A_105 = arith.constant 0 : i32
    %add3A_106 = vector.broadcast %add3A_105 : i32 to vector<16xi32>
    %add3A_107 = arith.addi %add3A_106, %and3A_14 : vector<16xi32>
    %add3A_108 = arith.constant 0 : i32
    %add3A_109 = vector.broadcast %add3A_108 : i32 to vector<16xi32>
    %add3A_110 = arith.addi %add3A_109, %and3A_20 : vector<16xi32>
    %add3A_111 = arith.constant 0 : i32
    %add3A_112 = vector.broadcast %add3A_111 : i32 to vector<16xi32>
    %add3A_113 = arith.addi %add3A_112, %and3A_26 : vector<16xi32>
    %add3A_114 = arith.constant 0 : i32
    %add3A_115 = vector.broadcast %add3A_114 : i32 to vector<16xi32>
    %add3A_116 = arith.addi %add3A_115, %and3A_32 : vector<16xi32>
    %add3A_117 = arith.constant 0 : i32
    %add3A_118 = vector.broadcast %add3A_117 : i32 to vector<16xi32>
    %add3A_119 = arith.addi %add3A_118, %and3A_38 : vector<16xi32>
    %add3A_120 = arith.constant 0 : i32
    %add3A_121 = vector.broadcast %add3A_120 : i32 to vector<16xi32>
    %add3A_122 = arith.addi %add3A_121, %and3A_44 : vector<16xi32>
    %add3A_123 = arith.constant 0 : i32
    %add3A_124 = vector.broadcast %add3A_123 : i32 to vector<16xi32>
    %add3A_125 = arith.addi %add3A_124, %and3A_50 : vector<16xi32>
    %add3A_126 = arith.constant 0 : i32
    %add3A_127 = vector.broadcast %add3A_126 : i32 to vector<16xi32>
    %add3A_128 = arith.addi %add3A_127, %and3A_56 : vector<16xi32>
    %add3A_129 = arith.constant 0 : i32
    %add3A_130 = vector.broadcast %add3A_129 : i32 to vector<16xi32>
    %add3A_131 = arith.addi %add3A_130, %and3A_62 : vector<16xi32>
    %add3A_132 = arith.constant 0 : i32
    %add3A_133 = vector.broadcast %add3A_132 : i32 to vector<16xi32>
    %add3A_134 = arith.addi %add3A_133, %and3A_68 : vector<16xi32>
    %add3A_135 = arith.constant 0 : i32
    %add3A_136 = vector.broadcast %add3A_135 : i32 to vector<16xi32>
    %add3A_137 = arith.addi %add3A_136, %and3A_74 : vector<16xi32>
    %add3A_138 = arith.constant 0 : i32
    %add3A_139 = vector.broadcast %add3A_138 : i32 to vector<16xi32>
    %add3A_140 = arith.addi %add3A_139, %and3A_80 : vector<16xi32>
    %add3A_141 = arith.constant 0 : i32
    %add3A_142 = vector.broadcast %add3A_141 : i32 to vector<16xi32>
    %add3A_143 = arith.addi %add3A_142, %and3A_86 : vector<16xi32>
    %add3A_144 = arith.constant 0 : i32
    %add3A_145 = vector.broadcast %add3A_144 : i32 to vector<16xi32>
    %add3A_146 = arith.addi %add3A_145, %and3A_92 : vector<16xi32>
    %add3A_147 = arith.constant 0 : i32
    %add3A_148 = vector.broadcast %add3A_147 : i32 to vector<16xi32>
    %add3A_149 = arith.addi %add3A_148, %and3A_98 : vector<16xi32>
    %add3A_150 = arith.constant 0 : i32
    %add3A_151 = vector.broadcast %add3A_150 : i32 to vector<16xi32>
    %add3A_152 = arith.addi %add3A_151, %and3A_104 : vector<16xi32>
    %add3A_153 = arith.constant 16 : i32
    %add3A_154 = vector.broadcast %add3A_153 : i32 to vector<16xi32>
    %add3A_155 = arith.addi %add3A_154, %and3A_14 : vector<16xi32>
    %add3A_156 = arith.constant 16 : i32
    %add3A_157 = vector.broadcast %add3A_156 : i32 to vector<16xi32>
    %add3A_158 = arith.addi %add3A_157, %and3A_20 : vector<16xi32>
    %add3A_159 = arith.constant 16 : i32
    %add3A_160 = vector.broadcast %add3A_159 : i32 to vector<16xi32>
    %add3A_161 = arith.addi %add3A_160, %and3A_26 : vector<16xi32>
    %add3A_162 = arith.constant 16 : i32
    %add3A_163 = vector.broadcast %add3A_162 : i32 to vector<16xi32>
    %add3A_164 = arith.addi %add3A_163, %and3A_32 : vector<16xi32>
    %add3A_165 = arith.constant 16 : i32
    %add3A_166 = vector.broadcast %add3A_165 : i32 to vector<16xi32>
    %add3A_167 = arith.addi %add3A_166, %and3A_38 : vector<16xi32>
    %add3A_168 = arith.constant 16 : i32
    %add3A_169 = vector.broadcast %add3A_168 : i32 to vector<16xi32>
    %add3A_170 = arith.addi %add3A_169, %and3A_44 : vector<16xi32>
    %add3A_171 = arith.constant 16 : i32
    %add3A_172 = vector.broadcast %add3A_171 : i32 to vector<16xi32>
    %add3A_173 = arith.addi %add3A_172, %and3A_50 : vector<16xi32>
    %add3A_174 = arith.constant 16 : i32
    %add3A_175 = vector.broadcast %add3A_174 : i32 to vector<16xi32>
    %add3A_176 = arith.addi %add3A_175, %and3A_56 : vector<16xi32>
    %add3A_177 = arith.constant 16 : i32
    %add3A_178 = vector.broadcast %add3A_177 : i32 to vector<16xi32>
    %add3A_179 = arith.addi %add3A_178, %and3A_62 : vector<16xi32>
    %add3A_180 = arith.constant 16 : i32
    %add3A_181 = vector.broadcast %add3A_180 : i32 to vector<16xi32>
    %add3A_182 = arith.addi %add3A_181, %and3A_68 : vector<16xi32>
    %add3A_183 = arith.constant 16 : i32
    %add3A_184 = vector.broadcast %add3A_183 : i32 to vector<16xi32>
    %add3A_185 = arith.addi %add3A_184, %and3A_74 : vector<16xi32>
    %add3A_186 = arith.constant 16 : i32
    %add3A_187 = vector.broadcast %add3A_186 : i32 to vector<16xi32>
    %add3A_188 = arith.addi %add3A_187, %and3A_80 : vector<16xi32>
    %add3A_189 = arith.constant 16 : i32
    %add3A_190 = vector.broadcast %add3A_189 : i32 to vector<16xi32>
    %add3A_191 = arith.addi %add3A_190, %and3A_86 : vector<16xi32>
    %add3A_192 = arith.constant 16 : i32
    %add3A_193 = vector.broadcast %add3A_192 : i32 to vector<16xi32>
    %add3A_194 = arith.addi %add3A_193, %and3A_92 : vector<16xi32>
    %add3A_195 = arith.constant 16 : i32
    %add3A_196 = vector.broadcast %add3A_195 : i32 to vector<16xi32>
    %add3A_197 = arith.addi %add3A_196, %and3A_98 : vector<16xi32>
    %add3A_198 = arith.constant 16 : i32
    %add3A_199 = vector.broadcast %add3A_198 : i32 to vector<16xi32>
    %add3A_200 = arith.addi %add3A_199, %and3A_104 : vector<16xi32>
    %shift_right_arithmetic3A = arith.constant 3 : i32
    %shift_right_arithmetic3A_201 = vector.broadcast %shift_right_arithmetic3A : i32 to vector<16xi32>
    %shift_right_arithmetic3A_202 = arith.shrsi %add3A_107, %shift_right_arithmetic3A_201 : vector<16xi32>
    %mul3A_203 = arith.constant 4096 : i32
    %mul3A_204 = vector.broadcast %mul3A_203 : i32 to vector<16xi32>
    %mul3A_205 = arith.muli %shift_right_arithmetic3A_202, %mul3A_204 : vector<16xi32>
    %and3A_206 = arith.constant 7 : i32
    %and3A_207 = vector.broadcast %and3A_206 : i32 to vector<16xi32>
    %and3A_208 = arith.andi %add3A_107, %and3A_207 : vector<16xi32>
    %mul3A_209 = arith.constant 128 : i32
    %mul3A_210 = vector.broadcast %mul3A_209 : i32 to vector<16xi32>
    %mul3A_211 = arith.muli %and3A_208, %mul3A_210 : vector<16xi32>
    %add3A_212 = arith.addi %mul3A_205, %mul3A_211 : vector<16xi32>
    %add3A_213 = arith.addi %add3A_212, %iota3A : vector<16xi32>
    %shift_right_arithmetic3A_214 = arith.constant 3 : i32
    %shift_right_arithmetic3A_215 = vector.broadcast %shift_right_arithmetic3A_214 : i32 to vector<16xi32>
    %shift_right_arithmetic3A_216 = arith.shrsi %add3A_110, %shift_right_arithmetic3A_215 : vector<16xi32>
    %mul3A_217 = arith.constant 4096 : i32
    %mul3A_218 = vector.broadcast %mul3A_217 : i32 to vector<16xi32>
    %mul3A_219 = arith.muli %shift_right_arithmetic3A_216, %mul3A_218 : vector<16xi32>
    %and3A_220 = arith.constant 7 : i32
    %and3A_221 = vector.broadcast %and3A_220 : i32 to vector<16xi32>
    %and3A_222 = arith.andi %add3A_110, %and3A_221 : vector<16xi32>
    %mul3A_223 = arith.constant 128 : i32
    %mul3A_224 = vector.broadcast %mul3A_223 : i32 to vector<16xi32>
    %mul3A_225 = arith.muli %and3A_222, %mul3A_224 : vector<16xi32>
    %add3A_226 = arith.addi %mul3A_219, %mul3A_225 : vector<16xi32>
    %add3A_227 = arith.addi %add3A_226, %iota3A : vector<16xi32>
    %shift_right_arithmetic3A_228 = arith.constant 3 : i32
    %shift_right_arithmetic3A_229 = vector.broadcast %shift_right_arithmetic3A_228 : i32 to vector<16xi32>
    %shift_right_arithmetic3A_230 = arith.shrsi %add3A_113, %shift_right_arithmetic3A_229 : vector<16xi32>
    %mul3A_231 = arith.constant 4096 : i32
    %mul3A_232 = vector.broadcast %mul3A_231 : i32 to vector<16xi32>
    %mul3A_233 = arith.muli %shift_right_arithmetic3A_230, %mul3A_232 : vector<16xi32>
    %and3A_234 = arith.constant 7 : i32
    %and3A_235 = vector.broadcast %and3A_234 : i32 to vector<16xi32>
    %and3A_236 = arith.andi %add3A_113, %and3A_235 : vector<16xi32>
    %mul3A_237 = arith.constant 128 : i32
    %mul3A_238 = vector.broadcast %mul3A_237 : i32 to vector<16xi32>
    %mul3A_239 = arith.muli %and3A_236, %mul3A_238 : vector<16xi32>
    %add3A_240 = arith.addi %mul3A_233, %mul3A_239 : vector<16xi32>
    %add3A_241 = arith.addi %add3A_240, %iota3A : vector<16xi32>
    %shift_right_arithmetic3A_242 = arith.constant 3 : i32
    %shift_right_arithmetic3A_243 = vector.broadcast %shift_right_arithmetic3A_242 : i32 to vector<16xi32>
    %shift_right_arithmetic3A_244 = arith.shrsi %add3A_116, %shift_right_arithmetic3A_243 : vector<16xi32>
    %mul3A_245 = arith.constant 4096 : i32
    %mul3A_246 = vector.broadcast %mul3A_245 : i32 to vector<16xi32>
    %mul3A_247 = arith.muli %shift_right_arithmetic3A_244, %mul3A_246 : vector<16xi32>
    %and3A_248 = arith.constant 7 : i32
    %and3A_249 = vector.broadcast %and3A_248 : i32 to vector<16xi32>
    %and3A_250 = arith.andi %add3A_116, %and3A_249 : vector<16xi32>
    %mul3A_251 = arith.constant 128 : i32
    %mul3A_252 = vector.broadcast %mul3A_251 : i32 to vector<16xi32>
    %mul3A_253 = arith.muli %and3A_250, %mul3A_252 : vector<16xi32>
    %add3A_254 = arith.addi %mul3A_247, %mul3A_253 : vector<16xi32>
    %add3A_255 = arith.addi %add3A_254, %iota3A : vector<16xi32>
    %shift_right_arithmetic3A_256 = arith.constant 3 : i32
    %shift_right_arithmetic3A_257 = vector.broadcast %shift_right_arithmetic3A_256 : i32 to vector<16xi32>
    %shift_right_arithmetic3A_258 = arith.shrsi %add3A_119, %shift_right_arithmetic3A_257 : vector<16xi32>
    %mul3A_259 = arith.constant 4096 : i32
    %mul3A_260 = vector.broadcast %mul3A_259 : i32 to vector<16xi32>
    %mul3A_261 = arith.muli %shift_right_arithmetic3A_258, %mul3A_260 : vector<16xi32>
    %and3A_262 = arith.constant 7 : i32
    %and3A_263 = vector.broadcast %and3A_262 : i32 to vector<16xi32>
    %and3A_264 = arith.andi %add3A_119, %and3A_263 : vector<16xi32>
    %mul3A_265 = arith.constant 128 : i32
    %mul3A_266 = vector.broadcast %mul3A_265 : i32 to vector<16xi32>
    %mul3A_267 = arith.muli %and3A_264, %mul3A_266 : vector<16xi32>
    %add3A_268 = arith.addi %mul3A_261, %mul3A_267 : vector<16xi32>
    %add3A_269 = arith.addi %add3A_268, %iota3A : vector<16xi32>
    %shift_right_arithmetic3A_270 = arith.constant 3 : i32
    %shift_right_arithmetic3A_271 = vector.broadcast %shift_right_arithmetic3A_270 : i32 to vector<16xi32>
    %shift_right_arithmetic3A_272 = arith.shrsi %add3A_122, %shift_right_arithmetic3A_271 : vector<16xi32>
    %mul3A_273 = arith.constant 4096 : i32
    %mul3A_274 = vector.broadcast %mul3A_273 : i32 to vector<16xi32>
    %mul3A_275 = arith.muli %shift_right_arithmetic3A_272, %mul3A_274 : vector<16xi32>
    %and3A_276 = arith.constant 7 : i32
    %and3A_277 = vector.broadcast %and3A_276 : i32 to vector<16xi32>
    %and3A_278 = arith.andi %add3A_122, %and3A_277 : vector<16xi32>
    %mul3A_279 = arith.constant 128 : i32
    %mul3A_280 = vector.broadcast %mul3A_279 : i32 to vector<16xi32>
    %mul3A_281 = arith.muli %and3A_278, %mul3A_280 : vector<16xi32>
    %add3A_282 = arith.addi %mul3A_275, %mul3A_281 : vector<16xi32>
    %add3A_283 = arith.addi %add3A_282, %iota3A : vector<16xi32>
    %shift_right_arithmetic3A_284 = arith.constant 3 : i32
    %shift_right_arithmetic3A_285 = vector.broadcast %shift_right_arithmetic3A_284 : i32 to vector<16xi32>
    %shift_right_arithmetic3A_286 = arith.shrsi %add3A_125, %shift_right_arithmetic3A_285 : vector<16xi32>
    %mul3A_287 = arith.constant 4096 : i32
    %mul3A_288 = vector.broadcast %mul3A_287 : i32 to vector<16xi32>
    %mul3A_289 = arith.muli %shift_right_arithmetic3A_286, %mul3A_288 : vector<16xi32>
    %and3A_290 = arith.constant 7 : i32
    %and3A_291 = vector.broadcast %and3A_290 : i32 to vector<16xi32>
    %and3A_292 = arith.andi %add3A_125, %and3A_291 : vector<16xi32>
    %mul3A_293 = arith.constant 128 : i32
    %mul3A_294 = vector.broadcast %mul3A_293 : i32 to vector<16xi32>
    %mul3A_295 = arith.muli %and3A_292, %mul3A_294 : vector<16xi32>
    %add3A_296 = arith.addi %mul3A_289, %mul3A_295 : vector<16xi32>
    %add3A_297 = arith.addi %add3A_296, %iota3A : vector<16xi32>
    %shift_right_arithmetic3A_298 = arith.constant 3 : i32
    %shift_right_arithmetic3A_299 = vector.broadcast %shift_right_arithmetic3A_298 : i32 to vector<16xi32>
    %shift_right_arithmetic3A_300 = arith.shrsi %add3A_128, %shift_right_arithmetic3A_299 : vector<16xi32>
    %mul3A_301 = arith.constant 4096 : i32
    %mul3A_302 = vector.broadcast %mul3A_301 : i32 to vector<16xi32>
    %mul3A_303 = arith.muli %shift_right_arithmetic3A_300, %mul3A_302 : vector<16xi32>
    %and3A_304 = arith.constant 7 : i32
    %and3A_305 = vector.broadcast %and3A_304 : i32 to vector<16xi32>
    %and3A_306 = arith.andi %add3A_128, %and3A_305 : vector<16xi32>
    %mul3A_307 = arith.constant 128 : i32
    %mul3A_308 = vector.broadcast %mul3A_307 : i32 to vector<16xi32>
    %mul3A_309 = arith.muli %and3A_306, %mul3A_308 : vector<16xi32>
    %add3A_310 = arith.addi %mul3A_303, %mul3A_309 : vector<16xi32>
    %add3A_311 = arith.addi %add3A_310, %iota3A : vector<16xi32>
    %shift_right_arithmetic3A_312 = arith.constant 3 : i32
    %shift_right_arithmetic3A_313 = vector.broadcast %shift_right_arithmetic3A_312 : i32 to vector<16xi32>
    %shift_right_arithmetic3A_314 = arith.shrsi %add3A_131, %shift_right_arithmetic3A_313 : vector<16xi32>
    %mul3A_315 = arith.constant 4096 : i32
    %mul3A_316 = vector.broadcast %mul3A_315 : i32 to vector<16xi32>
    %mul3A_317 = arith.muli %shift_right_arithmetic3A_314, %mul3A_316 : vector<16xi32>
    %and3A_318 = arith.constant 7 : i32
    %and3A_319 = vector.broadcast %and3A_318 : i32 to vector<16xi32>
    %and3A_320 = arith.andi %add3A_131, %and3A_319 : vector<16xi32>
    %mul3A_321 = arith.constant 128 : i32
    %mul3A_322 = vector.broadcast %mul3A_321 : i32 to vector<16xi32>
    %mul3A_323 = arith.muli %and3A_320, %mul3A_322 : vector<16xi32>
    %add3A_324 = arith.addi %mul3A_317, %mul3A_323 : vector<16xi32>
    %add3A_325 = arith.addi %add3A_324, %iota3A : vector<16xi32>
    %shift_right_arithmetic3A_326 = arith.constant 3 : i32
    %shift_right_arithmetic3A_327 = vector.broadcast %shift_right_arithmetic3A_326 : i32 to vector<16xi32>
    %shift_right_arithmetic3A_328 = arith.shrsi %add3A_134, %shift_right_arithmetic3A_327 : vector<16xi32>
    %mul3A_329 = arith.constant 4096 : i32
    %mul3A_330 = vector.broadcast %mul3A_329 : i32 to vector<16xi32>
    %mul3A_331 = arith.muli %shift_right_arithmetic3A_328, %mul3A_330 : vector<16xi32>
    %and3A_332 = arith.constant 7 : i32
    %and3A_333 = vector.broadcast %and3A_332 : i32 to vector<16xi32>
    %and3A_334 = arith.andi %add3A_134, %and3A_333 : vector<16xi32>
    %mul3A_335 = arith.constant 128 : i32
    %mul3A_336 = vector.broadcast %mul3A_335 : i32 to vector<16xi32>
    %mul3A_337 = arith.muli %and3A_334, %mul3A_336 : vector<16xi32>
    %add3A_338 = arith.addi %mul3A_331, %mul3A_337 : vector<16xi32>
    %add3A_339 = arith.addi %add3A_338, %iota3A : vector<16xi32>
    %shift_right_arithmetic3A_340 = arith.constant 3 : i32
    %shift_right_arithmetic3A_341 = vector.broadcast %shift_right_arithmetic3A_340 : i32 to vector<16xi32>
    %shift_right_arithmetic3A_342 = arith.shrsi %add3A_137, %shift_right_arithmetic3A_341 : vector<16xi32>
    %mul3A_343 = arith.constant 4096 : i32
    %mul3A_344 = vector.broadcast %mul3A_343 : i32 to vector<16xi32>
    %mul3A_345 = arith.muli %shift_right_arithmetic3A_342, %mul3A_344 : vector<16xi32>
    %and3A_346 = arith.constant 7 : i32
    %and3A_347 = vector.broadcast %and3A_346 : i32 to vector<16xi32>
    %and3A_348 = arith.andi %add3A_137, %and3A_347 : vector<16xi32>
    %mul3A_349 = arith.constant 128 : i32
    %mul3A_350 = vector.broadcast %mul3A_349 : i32 to vector<16xi32>
    %mul3A_351 = arith.muli %and3A_348, %mul3A_350 : vector<16xi32>
    %add3A_352 = arith.addi %mul3A_345, %mul3A_351 : vector<16xi32>
    %add3A_353 = arith.addi %add3A_352, %iota3A : vector<16xi32>
    %shift_right_arithmetic3A_354 = arith.constant 3 : i32
    %shift_right_arithmetic3A_355 = vector.broadcast %shift_right_arithmetic3A_354 : i32 to vector<16xi32>
    %shift_right_arithmetic3A_356 = arith.shrsi %add3A_140, %shift_right_arithmetic3A_355 : vector<16xi32>
    %mul3A_357 = arith.constant 4096 : i32
    %mul3A_358 = vector.broadcast %mul3A_357 : i32 to vector<16xi32>
    %mul3A_359 = arith.muli %shift_right_arithmetic3A_356, %mul3A_358 : vector<16xi32>
    %and3A_360 = arith.constant 7 : i32
    %and3A_361 = vector.broadcast %and3A_360 : i32 to vector<16xi32>
    %and3A_362 = arith.andi %add3A_140, %and3A_361 : vector<16xi32>
    %mul3A_363 = arith.constant 128 : i32
    %mul3A_364 = vector.broadcast %mul3A_363 : i32 to vector<16xi32>
    %mul3A_365 = arith.muli %and3A_362, %mul3A_364 : vector<16xi32>
    %add3A_366 = arith.addi %mul3A_359, %mul3A_365 : vector<16xi32>
    %add3A_367 = arith.addi %add3A_366, %iota3A : vector<16xi32>
    %shift_right_arithmetic3A_368 = arith.constant 3 : i32
    %shift_right_arithmetic3A_369 = vector.broadcast %shift_right_arithmetic3A_368 : i32 to vector<16xi32>
    %shift_right_arithmetic3A_370 = arith.shrsi %add3A_143, %shift_right_arithmetic3A_369 : vector<16xi32>
    %mul3A_371 = arith.constant 4096 : i32
    %mul3A_372 = vector.broadcast %mul3A_371 : i32 to vector<16xi32>
    %mul3A_373 = arith.muli %shift_right_arithmetic3A_370, %mul3A_372 : vector<16xi32>
    %and3A_374 = arith.constant 7 : i32
    %and3A_375 = vector.broadcast %and3A_374 : i32 to vector<16xi32>
    %and3A_376 = arith.andi %add3A_143, %and3A_375 : vector<16xi32>
    %mul3A_377 = arith.constant 128 : i32
    %mul3A_378 = vector.broadcast %mul3A_377 : i32 to vector<16xi32>
    %mul3A_379 = arith.muli %and3A_376, %mul3A_378 : vector<16xi32>
    %add3A_380 = arith.addi %mul3A_373, %mul3A_379 : vector<16xi32>
    %add3A_381 = arith.addi %add3A_380, %iota3A : vector<16xi32>
    %shift_right_arithmetic3A_382 = arith.constant 3 : i32
    %shift_right_arithmetic3A_383 = vector.broadcast %shift_right_arithmetic3A_382 : i32 to vector<16xi32>
    %shift_right_arithmetic3A_384 = arith.shrsi %add3A_146, %shift_right_arithmetic3A_383 : vector<16xi32>
    %mul3A_385 = arith.constant 4096 : i32
    %mul3A_386 = vector.broadcast %mul3A_385 : i32 to vector<16xi32>
    %mul3A_387 = arith.muli %shift_right_arithmetic3A_384, %mul3A_386 : vector<16xi32>
    %and3A_388 = arith.constant 7 : i32
    %and3A_389 = vector.broadcast %and3A_388 : i32 to vector<16xi32>
    %and3A_390 = arith.andi %add3A_146, %and3A_389 : vector<16xi32>
    %mul3A_391 = arith.constant 128 : i32
    %mul3A_392 = vector.broadcast %mul3A_391 : i32 to vector<16xi32>
    %mul3A_393 = arith.muli %and3A_390, %mul3A_392 : vector<16xi32>
    %add3A_394 = arith.addi %mul3A_387, %mul3A_393 : vector<16xi32>
    %add3A_395 = arith.addi %add3A_394, %iota3A : vector<16xi32>
    %shift_right_arithmetic3A_396 = arith.constant 3 : i32
    %shift_right_arithmetic3A_397 = vector.broadcast %shift_right_arithmetic3A_396 : i32 to vector<16xi32>
    %shift_right_arithmetic3A_398 = arith.shrsi %add3A_149, %shift_right_arithmetic3A_397 : vector<16xi32>
    %mul3A_399 = arith.constant 4096 : i32
    %mul3A_400 = vector.broadcast %mul3A_399 : i32 to vector<16xi32>
    %mul3A_401 = arith.muli %shift_right_arithmetic3A_398, %mul3A_400 : vector<16xi32>
    %and3A_402 = arith.constant 7 : i32
    %and3A_403 = vector.broadcast %and3A_402 : i32 to vector<16xi32>
    %and3A_404 = arith.andi %add3A_149, %and3A_403 : vector<16xi32>
    %mul3A_405 = arith.constant 128 : i32
    %mul3A_406 = vector.broadcast %mul3A_405 : i32 to vector<16xi32>
    %mul3A_407 = arith.muli %and3A_404, %mul3A_406 : vector<16xi32>
    %add3A_408 = arith.addi %mul3A_401, %mul3A_407 : vector<16xi32>
    %add3A_409 = arith.addi %add3A_408, %iota3A : vector<16xi32>
    %shift_right_arithmetic3A_410 = arith.constant 3 : i32
    %shift_right_arithmetic3A_411 = vector.broadcast %shift_right_arithmetic3A_410 : i32 to vector<16xi32>
    %shift_right_arithmetic3A_412 = arith.shrsi %add3A_152, %shift_right_arithmetic3A_411 : vector<16xi32>
    %mul3A_413 = arith.constant 4096 : i32
    %mul3A_414 = vector.broadcast %mul3A_413 : i32 to vector<16xi32>
    %mul3A_415 = arith.muli %shift_right_arithmetic3A_412, %mul3A_414 : vector<16xi32>
    %and3A_416 = arith.constant 7 : i32
    %and3A_417 = vector.broadcast %and3A_416 : i32 to vector<16xi32>
    %and3A_418 = arith.andi %add3A_152, %and3A_417 : vector<16xi32>
    %mul3A_419 = arith.constant 128 : i32
    %mul3A_420 = vector.broadcast %mul3A_419 : i32 to vector<16xi32>
    %mul3A_421 = arith.muli %and3A_418, %mul3A_420 : vector<16xi32>
    %add3A_422 = arith.addi %mul3A_415, %mul3A_421 : vector<16xi32>
    %add3A_423 = arith.addi %add3A_422, %iota3A : vector<16xi32>
    %shift_right_arithmetic3A_424 = arith.constant 3 : i32
    %shift_right_arithmetic3A_425 = vector.broadcast %shift_right_arithmetic3A_424 : i32 to vector<16xi32>
    %shift_right_arithmetic3A_426 = arith.shrsi %add3A_155, %shift_right_arithmetic3A_425 : vector<16xi32>
    %mul3A_427 = arith.constant 4096 : i32
    %mul3A_428 = vector.broadcast %mul3A_427 : i32 to vector<16xi32>
    %mul3A_429 = arith.muli %shift_right_arithmetic3A_426, %mul3A_428 : vector<16xi32>
    %and3A_430 = arith.constant 7 : i32
    %and3A_431 = vector.broadcast %and3A_430 : i32 to vector<16xi32>
    %and3A_432 = arith.andi %add3A_155, %and3A_431 : vector<16xi32>
    %mul3A_433 = arith.constant 128 : i32
    %mul3A_434 = vector.broadcast %mul3A_433 : i32 to vector<16xi32>
    %mul3A_435 = arith.muli %and3A_432, %mul3A_434 : vector<16xi32>
    %add3A_436 = arith.addi %mul3A_429, %mul3A_435 : vector<16xi32>
    %add3A_437 = arith.addi %add3A_436, %iota3A : vector<16xi32>
    %shift_right_arithmetic3A_438 = arith.constant 3 : i32
    %shift_right_arithmetic3A_439 = vector.broadcast %shift_right_arithmetic3A_438 : i32 to vector<16xi32>
    %shift_right_arithmetic3A_440 = arith.shrsi %add3A_158, %shift_right_arithmetic3A_439 : vector<16xi32>
    %mul3A_441 = arith.constant 4096 : i32
    %mul3A_442 = vector.broadcast %mul3A_441 : i32 to vector<16xi32>
    %mul3A_443 = arith.muli %shift_right_arithmetic3A_440, %mul3A_442 : vector<16xi32>
    %and3A_444 = arith.constant 7 : i32
    %and3A_445 = vector.broadcast %and3A_444 : i32 to vector<16xi32>
    %and3A_446 = arith.andi %add3A_158, %and3A_445 : vector<16xi32>
    %mul3A_447 = arith.constant 128 : i32
    %mul3A_448 = vector.broadcast %mul3A_447 : i32 to vector<16xi32>
    %mul3A_449 = arith.muli %and3A_446, %mul3A_448 : vector<16xi32>
    %add3A_450 = arith.addi %mul3A_443, %mul3A_449 : vector<16xi32>
    %add3A_451 = arith.addi %add3A_450, %iota3A : vector<16xi32>
    %shift_right_arithmetic3A_452 = arith.constant 3 : i32
    %shift_right_arithmetic3A_453 = vector.broadcast %shift_right_arithmetic3A_452 : i32 to vector<16xi32>
    %shift_right_arithmetic3A_454 = arith.shrsi %add3A_161, %shift_right_arithmetic3A_453 : vector<16xi32>
    %mul3A_455 = arith.constant 4096 : i32
    %mul3A_456 = vector.broadcast %mul3A_455 : i32 to vector<16xi32>
    %mul3A_457 = arith.muli %shift_right_arithmetic3A_454, %mul3A_456 : vector<16xi32>
    %and3A_458 = arith.constant 7 : i32
    %and3A_459 = vector.broadcast %and3A_458 : i32 to vector<16xi32>
    %and3A_460 = arith.andi %add3A_161, %and3A_459 : vector<16xi32>
    %mul3A_461 = arith.constant 128 : i32
    %mul3A_462 = vector.broadcast %mul3A_461 : i32 to vector<16xi32>
    %mul3A_463 = arith.muli %and3A_460, %mul3A_462 : vector<16xi32>
    %add3A_464 = arith.addi %mul3A_457, %mul3A_463 : vector<16xi32>
    %add3A_465 = arith.addi %add3A_464, %iota3A : vector<16xi32>
    %shift_right_arithmetic3A_466 = arith.constant 3 : i32
    %shift_right_arithmetic3A_467 = vector.broadcast %shift_right_arithmetic3A_466 : i32 to vector<16xi32>
    %shift_right_arithmetic3A_468 = arith.shrsi %add3A_164, %shift_right_arithmetic3A_467 : vector<16xi32>
    %mul3A_469 = arith.constant 4096 : i32
    %mul3A_470 = vector.broadcast %mul3A_469 : i32 to vector<16xi32>
    %mul3A_471 = arith.muli %shift_right_arithmetic3A_468, %mul3A_470 : vector<16xi32>
    %and3A_472 = arith.constant 7 : i32
    %and3A_473 = vector.broadcast %and3A_472 : i32 to vector<16xi32>
    %and3A_474 = arith.andi %add3A_164, %and3A_473 : vector<16xi32>
    %mul3A_475 = arith.constant 128 : i32
    %mul3A_476 = vector.broadcast %mul3A_475 : i32 to vector<16xi32>
    %mul3A_477 = arith.muli %and3A_474, %mul3A_476 : vector<16xi32>
    %add3A_478 = arith.addi %mul3A_471, %mul3A_477 : vector<16xi32>
    %add3A_479 = arith.addi %add3A_478, %iota3A : vector<16xi32>
    %shift_right_arithmetic3A_480 = arith.constant 3 : i32
    %shift_right_arithmetic3A_481 = vector.broadcast %shift_right_arithmetic3A_480 : i32 to vector<16xi32>
    %shift_right_arithmetic3A_482 = arith.shrsi %add3A_167, %shift_right_arithmetic3A_481 : vector<16xi32>
    %mul3A_483 = arith.constant 4096 : i32
    %mul3A_484 = vector.broadcast %mul3A_483 : i32 to vector<16xi32>
    %mul3A_485 = arith.muli %shift_right_arithmetic3A_482, %mul3A_484 : vector<16xi32>
    %and3A_486 = arith.constant 7 : i32
    %and3A_487 = vector.broadcast %and3A_486 : i32 to vector<16xi32>
    %and3A_488 = arith.andi %add3A_167, %and3A_487 : vector<16xi32>
    %mul3A_489 = arith.constant 128 : i32
    %mul3A_490 = vector.broadcast %mul3A_489 : i32 to vector<16xi32>
    %mul3A_491 = arith.muli %and3A_488, %mul3A_490 : vector<16xi32>
    %add3A_492 = arith.addi %mul3A_485, %mul3A_491 : vector<16xi32>
    %add3A_493 = arith.addi %add3A_492, %iota3A : vector<16xi32>
    %shift_right_arithmetic3A_494 = arith.constant 3 : i32
    %shift_right_arithmetic3A_495 = vector.broadcast %shift_right_arithmetic3A_494 : i32 to vector<16xi32>
    %shift_right_arithmetic3A_496 = arith.shrsi %add3A_170, %shift_right_arithmetic3A_495 : vector<16xi32>
    %mul3A_497 = arith.constant 4096 : i32
    %mul3A_498 = vector.broadcast %mul3A_497 : i32 to vector<16xi32>
    %mul3A_499 = arith.muli %shift_right_arithmetic3A_496, %mul3A_498 : vector<16xi32>
    %and3A_500 = arith.constant 7 : i32
    %and3A_501 = vector.broadcast %and3A_500 : i32 to vector<16xi32>
    %and3A_502 = arith.andi %add3A_170, %and3A_501 : vector<16xi32>
    %mul3A_503 = arith.constant 128 : i32
    %mul3A_504 = vector.broadcast %mul3A_503 : i32 to vector<16xi32>
    %mul3A_505 = arith.muli %and3A_502, %mul3A_504 : vector<16xi32>
    %add3A_506 = arith.addi %mul3A_499, %mul3A_505 : vector<16xi32>
    %add3A_507 = arith.addi %add3A_506, %iota3A : vector<16xi32>
    %shift_right_arithmetic3A_508 = arith.constant 3 : i32
    %shift_right_arithmetic3A_509 = vector.broadcast %shift_right_arithmetic3A_508 : i32 to vector<16xi32>
    %shift_right_arithmetic3A_510 = arith.shrsi %add3A_173, %shift_right_arithmetic3A_509 : vector<16xi32>
    %mul3A_511 = arith.constant 4096 : i32
    %mul3A_512 = vector.broadcast %mul3A_511 : i32 to vector<16xi32>
    %mul3A_513 = arith.muli %shift_right_arithmetic3A_510, %mul3A_512 : vector<16xi32>
    %and3A_514 = arith.constant 7 : i32
    %and3A_515 = vector.broadcast %and3A_514 : i32 to vector<16xi32>
    %and3A_516 = arith.andi %add3A_173, %and3A_515 : vector<16xi32>
    %mul3A_517 = arith.constant 128 : i32
    %mul3A_518 = vector.broadcast %mul3A_517 : i32 to vector<16xi32>
    %mul3A_519 = arith.muli %and3A_516, %mul3A_518 : vector<16xi32>
    %add3A_520 = arith.addi %mul3A_513, %mul3A_519 : vector<16xi32>
    %add3A_521 = arith.addi %add3A_520, %iota3A : vector<16xi32>
    %shift_right_arithmetic3A_522 = arith.constant 3 : i32
    %shift_right_arithmetic3A_523 = vector.broadcast %shift_right_arithmetic3A_522 : i32 to vector<16xi32>
    %shift_right_arithmetic3A_524 = arith.shrsi %add3A_176, %shift_right_arithmetic3A_523 : vector<16xi32>
    %mul3A_525 = arith.constant 4096 : i32
    %mul3A_526 = vector.broadcast %mul3A_525 : i32 to vector<16xi32>
    %mul3A_527 = arith.muli %shift_right_arithmetic3A_524, %mul3A_526 : vector<16xi32>
    %and3A_528 = arith.constant 7 : i32
    %and3A_529 = vector.broadcast %and3A_528 : i32 to vector<16xi32>
    %and3A_530 = arith.andi %add3A_176, %and3A_529 : vector<16xi32>
    %mul3A_531 = arith.constant 128 : i32
    %mul3A_532 = vector.broadcast %mul3A_531 : i32 to vector<16xi32>
    %mul3A_533 = arith.muli %and3A_530, %mul3A_532 : vector<16xi32>
    %add3A_534 = arith.addi %mul3A_527, %mul3A_533 : vector<16xi32>
    %add3A_535 = arith.addi %add3A_534, %iota3A : vector<16xi32>
    %shift_right_arithmetic3A_536 = arith.constant 3 : i32
    %shift_right_arithmetic3A_537 = vector.broadcast %shift_right_arithmetic3A_536 : i32 to vector<16xi32>
    %shift_right_arithmetic3A_538 = arith.shrsi %add3A_179, %shift_right_arithmetic3A_537 : vector<16xi32>
    %mul3A_539 = arith.constant 4096 : i32
    %mul3A_540 = vector.broadcast %mul3A_539 : i32 to vector<16xi32>
    %mul3A_541 = arith.muli %shift_right_arithmetic3A_538, %mul3A_540 : vector<16xi32>
    %and3A_542 = arith.constant 7 : i32
    %and3A_543 = vector.broadcast %and3A_542 : i32 to vector<16xi32>
    %and3A_544 = arith.andi %add3A_179, %and3A_543 : vector<16xi32>
    %mul3A_545 = arith.constant 128 : i32
    %mul3A_546 = vector.broadcast %mul3A_545 : i32 to vector<16xi32>
    %mul3A_547 = arith.muli %and3A_544, %mul3A_546 : vector<16xi32>
    %add3A_548 = arith.addi %mul3A_541, %mul3A_547 : vector<16xi32>
    %add3A_549 = arith.addi %add3A_548, %iota3A : vector<16xi32>
    %shift_right_arithmetic3A_550 = arith.constant 3 : i32
    %shift_right_arithmetic3A_551 = vector.broadcast %shift_right_arithmetic3A_550 : i32 to vector<16xi32>
    %shift_right_arithmetic3A_552 = arith.shrsi %add3A_182, %shift_right_arithmetic3A_551 : vector<16xi32>
    %mul3A_553 = arith.constant 4096 : i32
    %mul3A_554 = vector.broadcast %mul3A_553 : i32 to vector<16xi32>
    %mul3A_555 = arith.muli %shift_right_arithmetic3A_552, %mul3A_554 : vector<16xi32>
    %and3A_556 = arith.constant 7 : i32
    %and3A_557 = vector.broadcast %and3A_556 : i32 to vector<16xi32>
    %and3A_558 = arith.andi %add3A_182, %and3A_557 : vector<16xi32>
    %mul3A_559 = arith.constant 128 : i32
    %mul3A_560 = vector.broadcast %mul3A_559 : i32 to vector<16xi32>
    %mul3A_561 = arith.muli %and3A_558, %mul3A_560 : vector<16xi32>
    %add3A_562 = arith.addi %mul3A_555, %mul3A_561 : vector<16xi32>
    %add3A_563 = arith.addi %add3A_562, %iota3A : vector<16xi32>
    %shift_right_arithmetic3A_564 = arith.constant 3 : i32
    %shift_right_arithmetic3A_565 = vector.broadcast %shift_right_arithmetic3A_564 : i32 to vector<16xi32>
    %shift_right_arithmetic3A_566 = arith.shrsi %add3A_185, %shift_right_arithmetic3A_565 : vector<16xi32>
    %mul3A_567 = arith.constant 4096 : i32
    %mul3A_568 = vector.broadcast %mul3A_567 : i32 to vector<16xi32>
    %mul3A_569 = arith.muli %shift_right_arithmetic3A_566, %mul3A_568 : vector<16xi32>
    %and3A_570 = arith.constant 7 : i32
    %and3A_571 = vector.broadcast %and3A_570 : i32 to vector<16xi32>
    %and3A_572 = arith.andi %add3A_185, %and3A_571 : vector<16xi32>
    %mul3A_573 = arith.constant 128 : i32
    %mul3A_574 = vector.broadcast %mul3A_573 : i32 to vector<16xi32>
    %mul3A_575 = arith.muli %and3A_572, %mul3A_574 : vector<16xi32>
    %add3A_576 = arith.addi %mul3A_569, %mul3A_575 : vector<16xi32>
    %add3A_577 = arith.addi %add3A_576, %iota3A : vector<16xi32>
    %shift_right_arithmetic3A_578 = arith.constant 3 : i32
    %shift_right_arithmetic3A_579 = vector.broadcast %shift_right_arithmetic3A_578 : i32 to vector<16xi32>
    %shift_right_arithmetic3A_580 = arith.shrsi %add3A_188, %shift_right_arithmetic3A_579 : vector<16xi32>
    %mul3A_581 = arith.constant 4096 : i32
    %mul3A_582 = vector.broadcast %mul3A_581 : i32 to vector<16xi32>
    %mul3A_583 = arith.muli %shift_right_arithmetic3A_580, %mul3A_582 : vector<16xi32>
    %and3A_584 = arith.constant 7 : i32
    %and3A_585 = vector.broadcast %and3A_584 : i32 to vector<16xi32>
    %and3A_586 = arith.andi %add3A_188, %and3A_585 : vector<16xi32>
    %mul3A_587 = arith.constant 128 : i32
    %mul3A_588 = vector.broadcast %mul3A_587 : i32 to vector<16xi32>
    %mul3A_589 = arith.muli %and3A_586, %mul3A_588 : vector<16xi32>
    %add3A_590 = arith.addi %mul3A_583, %mul3A_589 : vector<16xi32>
    %add3A_591 = arith.addi %add3A_590, %iota3A : vector<16xi32>
    %shift_right_arithmetic3A_592 = arith.constant 3 : i32
    %shift_right_arithmetic3A_593 = vector.broadcast %shift_right_arithmetic3A_592 : i32 to vector<16xi32>
    %shift_right_arithmetic3A_594 = arith.shrsi %add3A_191, %shift_right_arithmetic3A_593 : vector<16xi32>
    %mul3A_595 = arith.constant 4096 : i32
    %mul3A_596 = vector.broadcast %mul3A_595 : i32 to vector<16xi32>
    %mul3A_597 = arith.muli %shift_right_arithmetic3A_594, %mul3A_596 : vector<16xi32>
    %and3A_598 = arith.constant 7 : i32
    %and3A_599 = vector.broadcast %and3A_598 : i32 to vector<16xi32>
    %and3A_600 = arith.andi %add3A_191, %and3A_599 : vector<16xi32>
    %mul3A_601 = arith.constant 128 : i32
    %mul3A_602 = vector.broadcast %mul3A_601 : i32 to vector<16xi32>
    %mul3A_603 = arith.muli %and3A_600, %mul3A_602 : vector<16xi32>
    %add3A_604 = arith.addi %mul3A_597, %mul3A_603 : vector<16xi32>
    %add3A_605 = arith.addi %add3A_604, %iota3A : vector<16xi32>
    %shift_right_arithmetic3A_606 = arith.constant 3 : i32
    %shift_right_arithmetic3A_607 = vector.broadcast %shift_right_arithmetic3A_606 : i32 to vector<16xi32>
    %shift_right_arithmetic3A_608 = arith.shrsi %add3A_194, %shift_right_arithmetic3A_607 : vector<16xi32>
    %mul3A_609 = arith.constant 4096 : i32
    %mul3A_610 = vector.broadcast %mul3A_609 : i32 to vector<16xi32>
    %mul3A_611 = arith.muli %shift_right_arithmetic3A_608, %mul3A_610 : vector<16xi32>
    %and3A_612 = arith.constant 7 : i32
    %and3A_613 = vector.broadcast %and3A_612 : i32 to vector<16xi32>
    %and3A_614 = arith.andi %add3A_194, %and3A_613 : vector<16xi32>
    %mul3A_615 = arith.constant 128 : i32
    %mul3A_616 = vector.broadcast %mul3A_615 : i32 to vector<16xi32>
    %mul3A_617 = arith.muli %and3A_614, %mul3A_616 : vector<16xi32>
    %add3A_618 = arith.addi %mul3A_611, %mul3A_617 : vector<16xi32>
    %add3A_619 = arith.addi %add3A_618, %iota3A : vector<16xi32>
    %shift_right_arithmetic3A_620 = arith.constant 3 : i32
    %shift_right_arithmetic3A_621 = vector.broadcast %shift_right_arithmetic3A_620 : i32 to vector<16xi32>
    %shift_right_arithmetic3A_622 = arith.shrsi %add3A_197, %shift_right_arithmetic3A_621 : vector<16xi32>
    %mul3A_623 = arith.constant 4096 : i32
    %mul3A_624 = vector.broadcast %mul3A_623 : i32 to vector<16xi32>
    %mul3A_625 = arith.muli %shift_right_arithmetic3A_622, %mul3A_624 : vector<16xi32>
    %and3A_626 = arith.constant 7 : i32
    %and3A_627 = vector.broadcast %and3A_626 : i32 to vector<16xi32>
    %and3A_628 = arith.andi %add3A_197, %and3A_627 : vector<16xi32>
    %mul3A_629 = arith.constant 128 : i32
    %mul3A_630 = vector.broadcast %mul3A_629 : i32 to vector<16xi32>
    %mul3A_631 = arith.muli %and3A_628, %mul3A_630 : vector<16xi32>
    %add3A_632 = arith.addi %mul3A_625, %mul3A_631 : vector<16xi32>
    %add3A_633 = arith.addi %add3A_632, %iota3A : vector<16xi32>
    %shift_right_arithmetic3A_634 = arith.constant 3 : i32
    %shift_right_arithmetic3A_635 = vector.broadcast %shift_right_arithmetic3A_634 : i32 to vector<16xi32>
    %shift_right_arithmetic3A_636 = arith.shrsi %add3A_200, %shift_right_arithmetic3A_635 : vector<16xi32>
    %mul3A_637 = arith.constant 4096 : i32
    %mul3A_638 = vector.broadcast %mul3A_637 : i32 to vector<16xi32>
    %mul3A_639 = arith.muli %shift_right_arithmetic3A_636, %mul3A_638 : vector<16xi32>
    %and3A_640 = arith.constant 7 : i32
    %and3A_641 = vector.broadcast %and3A_640 : i32 to vector<16xi32>
    %and3A_642 = arith.andi %add3A_200, %and3A_641 : vector<16xi32>
    %mul3A_643 = arith.constant 128 : i32
    %mul3A_644 = vector.broadcast %mul3A_643 : i32 to vector<16xi32>
    %mul3A_645 = arith.muli %and3A_642, %mul3A_644 : vector<16xi32>
    %add3A_646 = arith.addi %mul3A_639, %mul3A_645 : vector<16xi32>
    %add3A_647 = arith.addi %add3A_646, %iota3A : vector<16xi32>
    %scan3A = arith.constant 0 : i32
    %scan3A_648 = arith.constant 0 : i32
    %scan3A_649 = arith.constant 32 : i32
    %scan3A_650 = arith.addi %scan3A_648, %scan3A_649 : i32
    %scan3A_651 = arith.constant 1 : i32
    scf.for %scan3A_1067 = %scan3A_648 to %scan3A_650 step %scan3A_651  : i32 {
      %mul3A_1068 = arith.constant 800 : i32
      %mul3A_1069 = arith.muli %scan3A_1067, %mul3A_1068 : i32
      %add3A_1070 = arith.constant 0 : i32
      %add3A_1071 = arith.addi %add3A_1070, %mul3A_1069 : i32
      %add3A_1072 = vector.broadcast %add3A_1071 : i32 to vector<16xi32>
      %add3A_1073 = arith.addi %mul3A_9, %add3A_1072 : vector<16xi32>
      %gather3A = tpu.vector_load_idx %arg5[%add3A_1073] : memref<25600xi32, #tpu.memory_space<vmem>>[vector<16xi32>], vector<16xi32>,
      %max3A = arith.constant 0 : i32
      %max3A_1074 = vector.broadcast %max3A : i32 to vector<16xi32>
      %max3A_1075 = arith.maxsi %gather3A, %max3A_1074 : vector<16xi32>
      %min3A = arith.constant 100000 : i32
      %min3A_1076 = vector.broadcast %min3A : i32 to vector<16xi32>
      %min3A_1077 = arith.minsi %max3A_1075, %min3A_1076 : vector<16xi32>
      %mul3A_1078 = arith.constant 16 : i32
      %mul3A_1079 = arith.muli %scan3A_1067, %mul3A_1078 : i32
      %swap3A = arith.index_cast %mul3A_1079 : i32 to index
      %swap3A_1080 = tpu.vector_load %arg6[%swap3A] {strides = array<i32>} : memref<512xi32, #tpu.memory_space<vmem>>, vector<16xi32>,
      tpu.vector_store %arg6[%swap3A], %min3A_1077 {strides = array<i32>} : memref<512xi32, #tpu.memory_space<vmem>>, vector<16xi32>,
    }
    %scan3A_652 = arith.constant 32 : i32
    %dma_start3A_653 = arith.constant 0 : i32
    %dma_start3A_654 = arith.constant 0 : i32
    %dma_start3A_655 = tpu.memref_slice %arg8[%dma_start3A_653, %dma_start3A_654] : memref<512x32xf32, #tpu.memory_space<vmem>> -> memref<128x32xf32, #tpu.memory_space<vmem>>
    %dma_start3A_656 = arith.constant 0 : i32
    %dma_start3A_657 = tpu.memref_slice %arg6[%dma_start3A_656] : memref<512xi32, #tpu.memory_space<vmem>> -> memref<128xi32, #tpu.memory_space<vmem>>
    %dma_start3A_658 = arith.constant 0 : i32
    %dma_start3A_659 = arith.constant 0 : i32
    %dma_start3A_660 = tpu.memref_slice %arg3[%dma_start3A_658, %dma_start3A_659] : memref<100001x32xf32, #tpu.memory_space<hbm>> -> memref<100001x32xf32, #tpu.memory_space<hbm>>
    tpu.enqueue_indirect_dma source(%dma_start3A_660 : memref<100001x32xf32, #tpu.memory_space<hbm>>) target(%dma_start3A_655 : memref<128x32xf32, #tpu.memory_space<vmem>>) offsets(%dma_start3A_657 : memref<128xi32, #tpu.memory_space<vmem>>) semaphore(%arg13 : memref<!tpu.dma_semaphore, #tpu.memory_space<semaphore_mem>>)
    %dma_start3A_661 = arith.constant 128 : i32
    %dma_start3A_662 = arith.constant 0 : i32
    %dma_start3A_663 = tpu.memref_slice %arg8[%dma_start3A_661, %dma_start3A_662] : memref<512x32xf32, #tpu.memory_space<vmem>> -> memref<128x32xf32, #tpu.memory_space<vmem>>
    %dma_start3A_664 = arith.constant 128 : i32
    %dma_start3A_665 = tpu.memref_slice %arg6[%dma_start3A_664] : memref<512xi32, #tpu.memory_space<vmem>> -> memref<128xi32, #tpu.memory_space<vmem>>
    %dma_start3A_666 = arith.constant 0 : i32
    %dma_start3A_667 = arith.constant 0 : i32
    %dma_start3A_668 = tpu.memref_slice %arg3[%dma_start3A_666, %dma_start3A_667] : memref<100001x32xf32, #tpu.memory_space<hbm>> -> memref<100001x32xf32, #tpu.memory_space<hbm>>
    tpu.enqueue_indirect_dma source(%dma_start3A_668 : memref<100001x32xf32, #tpu.memory_space<hbm>>) target(%dma_start3A_663 : memref<128x32xf32, #tpu.memory_space<vmem>>) offsets(%dma_start3A_665 : memref<128xi32, #tpu.memory_space<vmem>>) semaphore(%arg13 : memref<!tpu.dma_semaphore, #tpu.memory_space<semaphore_mem>>)
    %dma_start3A_669 = arith.constant 256 : i32
    %dma_start3A_670 = arith.constant 0 : i32
    %dma_start3A_671 = tpu.memref_slice %arg8[%dma_start3A_669, %dma_start3A_670] : memref<512x32xf32, #tpu.memory_space<vmem>> -> memref<128x32xf32, #tpu.memory_space<vmem>>
    %dma_start3A_672 = arith.constant 256 : i32
    %dma_start3A_673 = tpu.memref_slice %arg6[%dma_start3A_672] : memref<512xi32, #tpu.memory_space<vmem>> -> memref<128xi32, #tpu.memory_space<vmem>>
    %dma_start3A_674 = arith.constant 0 : i32
    %dma_start3A_675 = arith.constant 0 : i32
    %dma_start3A_676 = tpu.memref_slice %arg3[%dma_start3A_674, %dma_start3A_675] : memref<100001x32xf32, #tpu.memory_space<hbm>> -> memref<100001x32xf32, #tpu.memory_space<hbm>>
    tpu.enqueue_indirect_dma source(%dma_start3A_676 : memref<100001x32xf32, #tpu.memory_space<hbm>>) target(%dma_start3A_671 : memref<128x32xf32, #tpu.memory_space<vmem>>) offsets(%dma_start3A_673 : memref<128xi32, #tpu.memory_space<vmem>>) semaphore(%arg13 : memref<!tpu.dma_semaphore, #tpu.memory_space<semaphore_mem>>)
    %dma_start3A_677 = arith.constant 384 : i32
    %dma_start3A_678 = arith.constant 0 : i32
    %dma_start3A_679 = tpu.memref_slice %arg8[%dma_start3A_677, %dma_start3A_678] : memref<512x32xf32, #tpu.memory_space<vmem>> -> memref<128x32xf32, #tpu.memory_space<vmem>>
    %dma_start3A_680 = arith.constant 384 : i32
    %dma_start3A_681 = tpu.memref_slice %arg6[%dma_start3A_680] : memref<512xi32, #tpu.memory_space<vmem>> -> memref<128xi32, #tpu.memory_space<vmem>>
    %dma_start3A_682 = arith.constant 0 : i32
    %dma_start3A_683 = arith.constant 0 : i32
    %dma_start3A_684 = tpu.memref_slice %arg3[%dma_start3A_682, %dma_start3A_683] : memref<100001x32xf32, #tpu.memory_space<hbm>> -> memref<100001x32xf32, #tpu.memory_space<hbm>>
    tpu.enqueue_indirect_dma source(%dma_start3A_684 : memref<100001x32xf32, #tpu.memory_space<hbm>>) target(%dma_start3A_679 : memref<128x32xf32, #tpu.memory_space<vmem>>) offsets(%dma_start3A_681 : memref<128xi32, #tpu.memory_space<vmem>>) semaphore(%arg13 : memref<!tpu.dma_semaphore, #tpu.memory_space<semaphore_mem>>)
    %scan3A_685 = arith.constant 0 : i32
    %scan3A_686 = arith.constant 0 : i32
    %scan3A_687 = arith.constant 32 : i32
    %scan3A_688 = arith.addi %scan3A_686, %scan3A_687 : i32
    %scan3A_689 = arith.constant 1 : i32
    scf.for %scan3A_1067 = %scan3A_686 to %scan3A_688 step %scan3A_689  : i32 {
      %mul3A_1068 = arith.constant 800 : i32
      %mul3A_1069 = arith.muli %scan3A_1067, %mul3A_1068 : i32
      %add3A_1070 = arith.constant 1 : i32
      %add3A_1071 = arith.addi %add3A_1070, %mul3A_1069 : i32
      %add3A_1072 = vector.broadcast %add3A_1071 : i32 to vector<16xi32>
      %add3A_1073 = arith.addi %mul3A_9, %add3A_1072 : vector<16xi32>
      %gather3A = tpu.vector_load_idx %arg5[%add3A_1073] : memref<25600xi32, #tpu.memory_space<vmem>>[vector<16xi32>], vector<16xi32>,
      %max3A = arith.constant 0 : i32
      %max3A_1074 = vector.broadcast %max3A : i32 to vector<16xi32>
      %max3A_1075 = arith.maxsi %gather3A, %max3A_1074 : vector<16xi32>
      %min3A = arith.constant 100000 : i32
      %min3A_1076 = vector.broadcast %min3A : i32 to vector<16xi32>
      %min3A_1077 = arith.minsi %max3A_1075, %min3A_1076 : vector<16xi32>
      %mul3A_1078 = arith.constant 16 : i32
      %mul3A_1079 = arith.muli %scan3A_1067, %mul3A_1078 : i32
      %swap3A = arith.index_cast %mul3A_1079 : i32 to index
      %swap3A_1080 = tpu.vector_load %arg7[%swap3A] {strides = array<i32>} : memref<512xi32, #tpu.memory_space<vmem>>, vector<16xi32>,
      tpu.vector_store %arg7[%swap3A], %min3A_1077 {strides = array<i32>} : memref<512xi32, #tpu.memory_space<vmem>>, vector<16xi32>,
    }
    %scan3A_690 = arith.constant 32 : i32
    %dma_wait3A_691 = arith.constant 0 : i32
    %dma_wait3A_692 = arith.constant 0 : i32
    %dma_wait3A_693 = tpu.memref_slice %arg8[%dma_wait3A_691, %dma_wait3A_692] : memref<512x32xf32, #tpu.memory_space<vmem>> -> memref<128x32xf32, #tpu.memory_space<vmem>>
    %dma_wait3A_694 = arith.constant 0 : i32
    %dma_wait3A_695 = tpu.memref_slice %arg6[%dma_wait3A_694] : memref<512xi32, #tpu.memory_space<vmem>> -> memref<128xi32, #tpu.memory_space<vmem>>
    %dma_wait3A_696 = arith.constant 0 : i32
    %dma_wait3A_697 = arith.constant 0 : i32
    %dma_wait3A_698 = tpu.memref_slice %arg3[%dma_wait3A_696, %dma_wait3A_697] : memref<100001x32xf32, #tpu.memory_space<hbm>> -> memref<100001x32xf32, #tpu.memory_space<hbm>>
    tpu.wait_indirect_dma semaphore(%arg13 : memref<!tpu.dma_semaphore, #tpu.memory_space<semaphore_mem>>) src(%dma_wait3A_698 : memref<100001x32xf32, #tpu.memory_space<hbm>>) dst(%dma_wait3A_693 : memref<128x32xf32, #tpu.memory_space<vmem>>)
    %dma_wait3A_699 = arith.constant 128 : i32
    %dma_wait3A_700 = arith.constant 0 : i32
    %dma_wait3A_701 = tpu.memref_slice %arg8[%dma_wait3A_699, %dma_wait3A_700] : memref<512x32xf32, #tpu.memory_space<vmem>> -> memref<128x32xf32, #tpu.memory_space<vmem>>
    %dma_wait3A_702 = arith.constant 128 : i32
    %dma_wait3A_703 = tpu.memref_slice %arg6[%dma_wait3A_702] : memref<512xi32, #tpu.memory_space<vmem>> -> memref<128xi32, #tpu.memory_space<vmem>>
    %dma_wait3A_704 = arith.constant 0 : i32
    %dma_wait3A_705 = arith.constant 0 : i32
    %dma_wait3A_706 = tpu.memref_slice %arg3[%dma_wait3A_704, %dma_wait3A_705] : memref<100001x32xf32, #tpu.memory_space<hbm>> -> memref<100001x32xf32, #tpu.memory_space<hbm>>
    tpu.wait_indirect_dma semaphore(%arg13 : memref<!tpu.dma_semaphore, #tpu.memory_space<semaphore_mem>>) src(%dma_wait3A_706 : memref<100001x32xf32, #tpu.memory_space<hbm>>) dst(%dma_wait3A_701 : memref<128x32xf32, #tpu.memory_space<vmem>>)
    %dma_wait3A_707 = arith.constant 256 : i32
    %dma_wait3A_708 = arith.constant 0 : i32
    %dma_wait3A_709 = tpu.memref_slice %arg8[%dma_wait3A_707, %dma_wait3A_708] : memref<512x32xf32, #tpu.memory_space<vmem>> -> memref<128x32xf32, #tpu.memory_space<vmem>>
    %dma_wait3A_710 = arith.constant 256 : i32
    %dma_wait3A_711 = tpu.memref_slice %arg6[%dma_wait3A_710] : memref<512xi32, #tpu.memory_space<vmem>> -> memref<128xi32, #tpu.memory_space<vmem>>
    %dma_wait3A_712 = arith.constant 0 : i32
    %dma_wait3A_713 = arith.constant 0 : i32
    %dma_wait3A_714 = tpu.memref_slice %arg3[%dma_wait3A_712, %dma_wait3A_713] : memref<100001x32xf32, #tpu.memory_space<hbm>> -> memref<100001x32xf32, #tpu.memory_space<hbm>>
    tpu.wait_indirect_dma semaphore(%arg13 : memref<!tpu.dma_semaphore, #tpu.memory_space<semaphore_mem>>) src(%dma_wait3A_714 : memref<100001x32xf32, #tpu.memory_space<hbm>>) dst(%dma_wait3A_709 : memref<128x32xf32, #tpu.memory_space<vmem>>)
    %dma_wait3A_715 = arith.constant 384 : i32
    %dma_wait3A_716 = arith.constant 0 : i32
    %dma_wait3A_717 = tpu.memref_slice %arg8[%dma_wait3A_715, %dma_wait3A_716] : memref<512x32xf32, #tpu.memory_space<vmem>> -> memref<128x32xf32, #tpu.memory_space<vmem>>
    %dma_wait3A_718 = arith.constant 384 : i32
    %dma_wait3A_719 = tpu.memref_slice %arg6[%dma_wait3A_718] : memref<512xi32, #tpu.memory_space<vmem>> -> memref<128xi32, #tpu.memory_space<vmem>>
    %dma_wait3A_720 = arith.constant 0 : i32
    %dma_wait3A_721 = arith.constant 0 : i32
    %dma_wait3A_722 = tpu.memref_slice %arg3[%dma_wait3A_720, %dma_wait3A_721] : memref<100001x32xf32, #tpu.memory_space<hbm>> -> memref<100001x32xf32, #tpu.memory_space<hbm>>
    tpu.wait_indirect_dma semaphore(%arg13 : memref<!tpu.dma_semaphore, #tpu.memory_space<semaphore_mem>>) src(%dma_wait3A_722 : memref<100001x32xf32, #tpu.memory_space<hbm>>) dst(%dma_wait3A_717 : memref<128x32xf32, #tpu.memory_space<vmem>>)
    %dma_start3A_723 = arith.constant 0 : i32
    %dma_start3A_724 = arith.constant 0 : i32
    %dma_start3A_725 = tpu.memref_slice %arg9[%dma_start3A_723, %dma_start3A_724] : memref<512x32xf32, #tpu.memory_space<vmem>> -> memref<128x32xf32, #tpu.memory_space<vmem>>
    %dma_start3A_726 = arith.constant 0 : i32
    %dma_start3A_727 = tpu.memref_slice %arg7[%dma_start3A_726] : memref<512xi32, #tpu.memory_space<vmem>> -> memref<128xi32, #tpu.memory_space<vmem>>
    %dma_start3A_728 = arith.constant 0 : i32
    %dma_start3A_729 = arith.constant 0 : i32
    %dma_start3A_730 = tpu.memref_slice %arg3[%dma_start3A_728, %dma_start3A_729] : memref<100001x32xf32, #tpu.memory_space<hbm>> -> memref<100001x32xf32, #tpu.memory_space<hbm>>
    tpu.enqueue_indirect_dma source(%dma_start3A_730 : memref<100001x32xf32, #tpu.memory_space<hbm>>) target(%dma_start3A_725 : memref<128x32xf32, #tpu.memory_space<vmem>>) offsets(%dma_start3A_727 : memref<128xi32, #tpu.memory_space<vmem>>) semaphore(%arg14 : memref<!tpu.dma_semaphore, #tpu.memory_space<semaphore_mem>>)
    %dma_start3A_731 = arith.constant 128 : i32
    %dma_start3A_732 = arith.constant 0 : i32
    %dma_start3A_733 = tpu.memref_slice %arg9[%dma_start3A_731, %dma_start3A_732] : memref<512x32xf32, #tpu.memory_space<vmem>> -> memref<128x32xf32, #tpu.memory_space<vmem>>
    %dma_start3A_734 = arith.constant 128 : i32
    %dma_start3A_735 = tpu.memref_slice %arg7[%dma_start3A_734] : memref<512xi32, #tpu.memory_space<vmem>> -> memref<128xi32, #tpu.memory_space<vmem>>
    %dma_start3A_736 = arith.constant 0 : i32
    %dma_start3A_737 = arith.constant 0 : i32
    %dma_start3A_738 = tpu.memref_slice %arg3[%dma_start3A_736, %dma_start3A_737] : memref<100001x32xf32, #tpu.memory_space<hbm>> -> memref<100001x32xf32, #tpu.memory_space<hbm>>
    tpu.enqueue_indirect_dma source(%dma_start3A_738 : memref<100001x32xf32, #tpu.memory_space<hbm>>) target(%dma_start3A_733 : memref<128x32xf32, #tpu.memory_space<vmem>>) offsets(%dma_start3A_735 : memref<128xi32, #tpu.memory_space<vmem>>) semaphore(%arg14 : memref<!tpu.dma_semaphore, #tpu.memory_space<semaphore_mem>>)
    %dma_start3A_739 = arith.constant 256 : i32
    %dma_start3A_740 = arith.constant 0 : i32
    %dma_start3A_741 = tpu.memref_slice %arg9[%dma_start3A_739, %dma_start3A_740] : memref<512x32xf32, #tpu.memory_space<vmem>> -> memref<128x32xf32, #tpu.memory_space<vmem>>
    %dma_start3A_742 = arith.constant 256 : i32
    %dma_start3A_743 = tpu.memref_slice %arg7[%dma_start3A_742] : memref<512xi32, #tpu.memory_space<vmem>> -> memref<128xi32, #tpu.memory_space<vmem>>
    %dma_start3A_744 = arith.constant 0 : i32
    %dma_start3A_745 = arith.constant 0 : i32
    %dma_start3A_746 = tpu.memref_slice %arg3[%dma_start3A_744, %dma_start3A_745] : memref<100001x32xf32, #tpu.memory_space<hbm>> -> memref<100001x32xf32, #tpu.memory_space<hbm>>
    tpu.enqueue_indirect_dma source(%dma_start3A_746 : memref<100001x32xf32, #tpu.memory_space<hbm>>) target(%dma_start3A_741 : memref<128x32xf32, #tpu.memory_space<vmem>>) offsets(%dma_start3A_743 : memref<128xi32, #tpu.memory_space<vmem>>) semaphore(%arg14 : memref<!tpu.dma_semaphore, #tpu.memory_space<semaphore_mem>>)
    %dma_start3A_747 = arith.constant 384 : i32
    %dma_start3A_748 = arith.constant 0 : i32
    %dma_start3A_749 = tpu.memref_slice %arg9[%dma_start3A_747, %dma_start3A_748] : memref<512x32xf32, #tpu.memory_space<vmem>> -> memref<128x32xf32, #tpu.memory_space<vmem>>
    %dma_start3A_750 = arith.constant 384 : i32
    %dma_start3A_751 = tpu.memref_slice %arg7[%dma_start3A_750] : memref<512xi32, #tpu.memory_space<vmem>> -> memref<128xi32, #tpu.memory_space<vmem>>
    %dma_start3A_752 = arith.constant 0 : i32
    %dma_start3A_753 = arith.constant 0 : i32
    %dma_start3A_754 = tpu.memref_slice %arg3[%dma_start3A_752, %dma_start3A_753] : memref<100001x32xf32, #tpu.memory_space<hbm>> -> memref<100001x32xf32, #tpu.memory_space<hbm>>
    tpu.enqueue_indirect_dma source(%dma_start3A_754 : memref<100001x32xf32, #tpu.memory_space<hbm>>) target(%dma_start3A_749 : memref<128x32xf32, #tpu.memory_space<vmem>>) offsets(%dma_start3A_751 : memref<128xi32, #tpu.memory_space<vmem>>) semaphore(%arg14 : memref<!tpu.dma_semaphore, #tpu.memory_space<semaphore_mem>>)
    %scan3A_755 = arith.constant 0 : i32
    %scan3A_756 = arith.constant 0 : i32
    %scan3A_757 = arith.constant 32 : i32
    %scan3A_758 = arith.addi %scan3A_756, %scan3A_757 : i32
    %scan3A_759 = arith.constant 1 : i32
    scf.for %scan3A_1067 = %scan3A_756 to %scan3A_758 step %scan3A_759  : i32 {
      %mul3A_1068 = arith.constant 16 : i32
      %mul3A_1069 = arith.muli %scan3A_1067, %mul3A_1068 : i32
      %add3A_1070 = vector.broadcast %mul3A_1069 : i32 to vector<16xi32>
      %add3A_1071 = arith.addi %iota3A, %add3A_1070 : vector<16xi32>
      %jit3A = arith.constant 8 : i32
      %div3A = arith.divsi %scan3A_1067, %jit3A : i32
      %sign3A = arith.constant 0 : i32
      %sign3A_1072 = arith.cmpi sgt, %scan3A_1067, %sign3A : i32
      %sign3A_1073 = arith.extui %sign3A_1072 : i1 to i32
      %sign3A_1074 = arith.constant 0 : i32
      %sign3A_1075 = arith.cmpi slt, %scan3A_1067, %sign3A_1074 : i32
      %sign3A_1076 = arith.extui %sign3A_1075 : i1 to i32
      %sign3A_1077 = arith.subi %sign3A_1073, %sign3A_1076 : i32
      %sign3A_1078 = arith.constant 0 : i32
      %sign3A_1079 = arith.cmpi sgt, %jit3A, %sign3A_1078 : i32
      %sign3A_1080 = arith.extui %sign3A_1079 : i1 to i32
      %sign3A_1081 = arith.constant 0 : i32
      %sign3A_1082 = arith.cmpi slt, %jit3A, %sign3A_1081 : i32
      %sign3A_1083 = arith.extui %sign3A_1082 : i1 to i32
      %sign3A_1084 = arith.subi %sign3A_1080, %sign3A_1083 : i32
      %ne3A = arith.cmpi ne, %sign3A_1077, %sign3A_1084 : i32
      %rem3A = arith.remsi %scan3A_1067, %jit3A : i32
      %ne3A_1085 = arith.constant 0 : i32
      %ne3A_1086 = arith.cmpi ne, %rem3A, %ne3A_1085 : i32
      %and3A_1087 = arith.andi %ne3A, %ne3A_1086 : i1
      %sub3A = arith.constant 1 : i32
      %sub3A_1088 = arith.subi %div3A, %sub3A : i32
      %select_n3A = arith.select %and3A_1087, %sub3A_1088, %div3A : i32
      %mul3A_1089 = arith.constant 1024 : i32
      %mul3A_1090 = arith.muli %select_n3A, %mul3A_1089 : i32
      %jit3A_1091 = arith.constant 8 : i32
      %eq3A = arith.constant 0 : i32
      %eq3A_1092 = arith.cmpi eq, %jit3A_1091, %eq3A : i32
      %jit3A_1093 = arith.constant 1 : i32
      %select_n3A_1094 = arith.select %eq3A_1092, %jit3A_1093, %jit3A_1091 : i32
      %rem3A_1095 = arith.remsi %scan3A_1067, %select_n3A_1094 : i32
      %ne3A_1096 = arith.constant 0 : i32
      %ne3A_1097 = arith.cmpi ne, %rem3A_1095, %ne3A_1096 : i32
      %lt3A = arith.constant 0 : i32
      %lt3A_1098 = arith.cmpi slt, %rem3A_1095, %lt3A : i32
      %lt3A_1099 = arith.constant 0 : i32
      %lt3A_1100 = arith.cmpi slt, %select_n3A_1094, %lt3A_1099 : i32
      %ne3A_1101 = arith.xori %lt3A_1098, %lt3A_1100 : i1
      %and3A_1102 = arith.andi %ne3A_1101, %ne3A_1097 : i1
      %add3A_1103 = arith.addi %rem3A_1095, %select_n3A_1094 : i32
      %select_n3A_1104 = arith.select %and3A_1102, %add3A_1103, %rem3A_1095 : i32
      %mul3A_1105 = arith.constant 16 : i32
      %mul3A_1106 = arith.muli %select_n3A_1104, %mul3A_1105 : i32
      %add3A_1107 = arith.addi %mul3A_1090, %mul3A_1106 : i32
      %broadcast_in_dim3A = vector.broadcast %add3A_1107 : i32 to vector<16xi32>
      %gather3A = tpu.vector_load_idx %arg8[%add3A_1071, %add3A_107] : memref<512x32xf32, #tpu.memory_space<vmem>>[vector<16xi32>, vector<16xi32>], vector<16xf32>,
      %gather3A_1108 = tpu.vector_load_idx %arg8[%add3A_1071, %add3A_110] : memref<512x32xf32, #tpu.memory_space<vmem>>[vector<16xi32>, vector<16xi32>], vector<16xf32>,
      %gather3A_1109 = tpu.vector_load_idx %arg8[%add3A_1071, %add3A_113] : memref<512x32xf32, #tpu.memory_space<vmem>>[vector<16xi32>, vector<16xi32>], vector<16xf32>,
      %gather3A_1110 = tpu.vector_load_idx %arg8[%add3A_1071, %add3A_116] : memref<512x32xf32, #tpu.memory_space<vmem>>[vector<16xi32>, vector<16xi32>], vector<16xf32>,
      %gather3A_1111 = tpu.vector_load_idx %arg8[%add3A_1071, %add3A_119] : memref<512x32xf32, #tpu.memory_space<vmem>>[vector<16xi32>, vector<16xi32>], vector<16xf32>,
      %gather3A_1112 = tpu.vector_load_idx %arg8[%add3A_1071, %add3A_122] : memref<512x32xf32, #tpu.memory_space<vmem>>[vector<16xi32>, vector<16xi32>], vector<16xf32>,
      %gather3A_1113 = tpu.vector_load_idx %arg8[%add3A_1071, %add3A_125] : memref<512x32xf32, #tpu.memory_space<vmem>>[vector<16xi32>, vector<16xi32>], vector<16xf32>,
      %gather3A_1114 = tpu.vector_load_idx %arg8[%add3A_1071, %add3A_128] : memref<512x32xf32, #tpu.memory_space<vmem>>[vector<16xi32>, vector<16xi32>], vector<16xf32>,
      %gather3A_1115 = tpu.vector_load_idx %arg8[%add3A_1071, %add3A_131] : memref<512x32xf32, #tpu.memory_space<vmem>>[vector<16xi32>, vector<16xi32>], vector<16xf32>,
      %gather3A_1116 = tpu.vector_load_idx %arg8[%add3A_1071, %add3A_134] : memref<512x32xf32, #tpu.memory_space<vmem>>[vector<16xi32>, vector<16xi32>], vector<16xf32>,
      %gather3A_1117 = tpu.vector_load_idx %arg8[%add3A_1071, %add3A_137] : memref<512x32xf32, #tpu.memory_space<vmem>>[vector<16xi32>, vector<16xi32>], vector<16xf32>,
      %gather3A_1118 = tpu.vector_load_idx %arg8[%add3A_1071, %add3A_140] : memref<512x32xf32, #tpu.memory_space<vmem>>[vector<16xi32>, vector<16xi32>], vector<16xf32>,
      %gather3A_1119 = tpu.vector_load_idx %arg8[%add3A_1071, %add3A_143] : memref<512x32xf32, #tpu.memory_space<vmem>>[vector<16xi32>, vector<16xi32>], vector<16xf32>,
      %gather3A_1120 = tpu.vector_load_idx %arg8[%add3A_1071, %add3A_146] : memref<512x32xf32, #tpu.memory_space<vmem>>[vector<16xi32>, vector<16xi32>], vector<16xf32>,
      %gather3A_1121 = tpu.vector_load_idx %arg8[%add3A_1071, %add3A_149] : memref<512x32xf32, #tpu.memory_space<vmem>>[vector<16xi32>, vector<16xi32>], vector<16xf32>,
      %gather3A_1122 = tpu.vector_load_idx %arg8[%add3A_1071, %add3A_152] : memref<512x32xf32, #tpu.memory_space<vmem>>[vector<16xi32>, vector<16xi32>], vector<16xf32>,
      %add3A_1123 = arith.addi %add3A_213, %broadcast_in_dim3A : vector<16xi32>
      %add3A_1124 = arith.addi %add3A_227, %broadcast_in_dim3A : vector<16xi32>
      %add3A_1125 = arith.addi %add3A_241, %broadcast_in_dim3A : vector<16xi32>
      %add3A_1126 = arith.addi %add3A_255, %broadcast_in_dim3A : vector<16xi32>
      %add3A_1127 = arith.addi %add3A_269, %broadcast_in_dim3A : vector<16xi32>
      %add3A_1128 = arith.addi %add3A_283, %broadcast_in_dim3A : vector<16xi32>
      %add3A_1129 = arith.addi %add3A_297, %broadcast_in_dim3A : vector<16xi32>
      %add3A_1130 = arith.addi %add3A_311, %broadcast_in_dim3A : vector<16xi32>
      %add3A_1131 = arith.addi %add3A_325, %broadcast_in_dim3A : vector<16xi32>
      %add3A_1132 = arith.addi %add3A_339, %broadcast_in_dim3A : vector<16xi32>
      %add3A_1133 = arith.addi %add3A_353, %broadcast_in_dim3A : vector<16xi32>
      %add3A_1134 = arith.addi %add3A_367, %broadcast_in_dim3A : vector<16xi32>
      %add3A_1135 = arith.addi %add3A_381, %broadcast_in_dim3A : vector<16xi32>
      %add3A_1136 = arith.addi %add3A_395, %broadcast_in_dim3A : vector<16xi32>
      %add3A_1137 = arith.addi %add3A_409, %broadcast_in_dim3A : vector<16xi32>
      %add3A_1138 = arith.addi %add3A_423, %broadcast_in_dim3A : vector<16xi32>
      tpu.vector_store_idx %arg10[%add3A_1123], %gather3A : memref<16384xf32, #tpu.memory_space<vmem>>[vector<16xi32>], vector<16xf32>,
      tpu.vector_store_idx %arg10[%add3A_1124], %gather3A_1108 : memref<16384xf32, #tpu.memory_space<vmem>>[vector<16xi32>], vector<16xf32>,
      tpu.vector_store_idx %arg10[%add3A_1125], %gather3A_1109 : memref<16384xf32, #tpu.memory_space<vmem>>[vector<16xi32>], vector<16xf32>,
      tpu.vector_store_idx %arg10[%add3A_1126], %gather3A_1110 : memref<16384xf32, #tpu.memory_space<vmem>>[vector<16xi32>], vector<16xf32>,
      tpu.vector_store_idx %arg10[%add3A_1127], %gather3A_1111 : memref<16384xf32, #tpu.memory_space<vmem>>[vector<16xi32>], vector<16xf32>,
      tpu.vector_store_idx %arg10[%add3A_1128], %gather3A_1112 : memref<16384xf32, #tpu.memory_space<vmem>>[vector<16xi32>], vector<16xf32>,
      tpu.vector_store_idx %arg10[%add3A_1129], %gather3A_1113 : memref<16384xf32, #tpu.memory_space<vmem>>[vector<16xi32>], vector<16xf32>,
      tpu.vector_store_idx %arg10[%add3A_1130], %gather3A_1114 : memref<16384xf32, #tpu.memory_space<vmem>>[vector<16xi32>], vector<16xf32>,
      tpu.vector_store_idx %arg10[%add3A_1131], %gather3A_1115 : memref<16384xf32, #tpu.memory_space<vmem>>[vector<16xi32>], vector<16xf32>,
      tpu.vector_store_idx %arg10[%add3A_1132], %gather3A_1116 : memref<16384xf32, #tpu.memory_space<vmem>>[vector<16xi32>], vector<16xf32>,
      tpu.vector_store_idx %arg10[%add3A_1133], %gather3A_1117 : memref<16384xf32, #tpu.memory_space<vmem>>[vector<16xi32>], vector<16xf32>,
      tpu.vector_store_idx %arg10[%add3A_1134], %gather3A_1118 : memref<16384xf32, #tpu.memory_space<vmem>>[vector<16xi32>], vector<16xf32>,
      tpu.vector_store_idx %arg10[%add3A_1135], %gather3A_1119 : memref<16384xf32, #tpu.memory_space<vmem>>[vector<16xi32>], vector<16xf32>,
      tpu.vector_store_idx %arg10[%add3A_1136], %gather3A_1120 : memref<16384xf32, #tpu.memory_space<vmem>>[vector<16xi32>], vector<16xf32>,
      tpu.vector_store_idx %arg10[%add3A_1137], %gather3A_1121 : memref<16384xf32, #tpu.memory_space<vmem>>[vector<16xi32>], vector<16xf32>,
      tpu.vector_store_idx %arg10[%add3A_1138], %gather3A_1122 : memref<16384xf32, #tpu.memory_space<vmem>>[vector<16xi32>], vector<16xf32>,
      %gather3A_1139 = tpu.vector_load_idx %arg8[%add3A_1071, %add3A_155] : memref<512x32xf32, #tpu.memory_space<vmem>>[vector<16xi32>, vector<16xi32>], vector<16xf32>,
      %gather3A_1140 = tpu.vector_load_idx %arg8[%add3A_1071, %add3A_158] : memref<512x32xf32, #tpu.memory_space<vmem>>[vector<16xi32>, vector<16xi32>], vector<16xf32>,
      %gather3A_1141 = tpu.vector_load_idx %arg8[%add3A_1071, %add3A_161] : memref<512x32xf32, #tpu.memory_space<vmem>>[vector<16xi32>, vector<16xi32>], vector<16xf32>,
      %gather3A_1142 = tpu.vector_load_idx %arg8[%add3A_1071, %add3A_164] : memref<512x32xf32, #tpu.memory_space<vmem>>[vector<16xi32>, vector<16xi32>], vector<16xf32>,
      %gather3A_1143 = tpu.vector_load_idx %arg8[%add3A_1071, %add3A_167] : memref<512x32xf32, #tpu.memory_space<vmem>>[vector<16xi32>, vector<16xi32>], vector<16xf32>,
      %gather3A_1144 = tpu.vector_load_idx %arg8[%add3A_1071, %add3A_170] : memref<512x32xf32, #tpu.memory_space<vmem>>[vector<16xi32>, vector<16xi32>], vector<16xf32>,
      %gather3A_1145 = tpu.vector_load_idx %arg8[%add3A_1071, %add3A_173] : memref<512x32xf32, #tpu.memory_space<vmem>>[vector<16xi32>, vector<16xi32>], vector<16xf32>,
      %gather3A_1146 = tpu.vector_load_idx %arg8[%add3A_1071, %add3A_176] : memref<512x32xf32, #tpu.memory_space<vmem>>[vector<16xi32>, vector<16xi32>], vector<16xf32>,
      %gather3A_1147 = tpu.vector_load_idx %arg8[%add3A_1071, %add3A_179] : memref<512x32xf32, #tpu.memory_space<vmem>>[vector<16xi32>, vector<16xi32>], vector<16xf32>,
      %gather3A_1148 = tpu.vector_load_idx %arg8[%add3A_1071, %add3A_182] : memref<512x32xf32, #tpu.memory_space<vmem>>[vector<16xi32>, vector<16xi32>], vector<16xf32>,
      %gather3A_1149 = tpu.vector_load_idx %arg8[%add3A_1071, %add3A_185] : memref<512x32xf32, #tpu.memory_space<vmem>>[vector<16xi32>, vector<16xi32>], vector<16xf32>,
      %gather3A_1150 = tpu.vector_load_idx %arg8[%add3A_1071, %add3A_188] : memref<512x32xf32, #tpu.memory_space<vmem>>[vector<16xi32>, vector<16xi32>], vector<16xf32>,
      %gather3A_1151 = tpu.vector_load_idx %arg8[%add3A_1071, %add3A_191] : memref<512x32xf32, #tpu.memory_space<vmem>>[vector<16xi32>, vector<16xi32>], vector<16xf32>,
      %gather3A_1152 = tpu.vector_load_idx %arg8[%add3A_1071, %add3A_194] : memref<512x32xf32, #tpu.memory_space<vmem>>[vector<16xi32>, vector<16xi32>], vector<16xf32>,
      %gather3A_1153 = tpu.vector_load_idx %arg8[%add3A_1071, %add3A_197] : memref<512x32xf32, #tpu.memory_space<vmem>>[vector<16xi32>, vector<16xi32>], vector<16xf32>,
      %gather3A_1154 = tpu.vector_load_idx %arg8[%add3A_1071, %add3A_200] : memref<512x32xf32, #tpu.memory_space<vmem>>[vector<16xi32>, vector<16xi32>], vector<16xf32>,
      %add3A_1155 = arith.addi %add3A_437, %broadcast_in_dim3A : vector<16xi32>
      %add3A_1156 = arith.addi %add3A_451, %broadcast_in_dim3A : vector<16xi32>
      %add3A_1157 = arith.addi %add3A_465, %broadcast_in_dim3A : vector<16xi32>
      %add3A_1158 = arith.addi %add3A_479, %broadcast_in_dim3A : vector<16xi32>
      %add3A_1159 = arith.addi %add3A_493, %broadcast_in_dim3A : vector<16xi32>
      %add3A_1160 = arith.addi %add3A_507, %broadcast_in_dim3A : vector<16xi32>
      %add3A_1161 = arith.addi %add3A_521, %broadcast_in_dim3A : vector<16xi32>
      %add3A_1162 = arith.addi %add3A_535, %broadcast_in_dim3A : vector<16xi32>
      %add3A_1163 = arith.addi %add3A_549, %broadcast_in_dim3A : vector<16xi32>
      %add3A_1164 = arith.addi %add3A_563, %broadcast_in_dim3A : vector<16xi32>
      %add3A_1165 = arith.addi %add3A_577, %broadcast_in_dim3A : vector<16xi32>
      %add3A_1166 = arith.addi %add3A_591, %broadcast_in_dim3A : vector<16xi32>
      %add3A_1167 = arith.addi %add3A_605, %broadcast_in_dim3A : vector<16xi32>
      %add3A_1168 = arith.addi %add3A_619, %broadcast_in_dim3A : vector<16xi32>
      %add3A_1169 = arith.addi %add3A_633, %broadcast_in_dim3A : vector<16xi32>
      %add3A_1170 = arith.addi %add3A_647, %broadcast_in_dim3A : vector<16xi32>
      tpu.vector_store_idx %arg10[%add3A_1155], %gather3A_1139 : memref<16384xf32, #tpu.memory_space<vmem>>[vector<16xi32>], vector<16xf32>,
      tpu.vector_store_idx %arg10[%add3A_1156], %gather3A_1140 : memref<16384xf32, #tpu.memory_space<vmem>>[vector<16xi32>], vector<16xf32>,
      tpu.vector_store_idx %arg10[%add3A_1157], %gather3A_1141 : memref<16384xf32, #tpu.memory_space<vmem>>[vector<16xi32>], vector<16xf32>,
      tpu.vector_store_idx %arg10[%add3A_1158], %gather3A_1142 : memref<16384xf32, #tpu.memory_space<vmem>>[vector<16xi32>], vector<16xf32>,
      tpu.vector_store_idx %arg10[%add3A_1159], %gather3A_1143 : memref<16384xf32, #tpu.memory_space<vmem>>[vector<16xi32>], vector<16xf32>,
      tpu.vector_store_idx %arg10[%add3A_1160], %gather3A_1144 : memref<16384xf32, #tpu.memory_space<vmem>>[vector<16xi32>], vector<16xf32>,
      tpu.vector_store_idx %arg10[%add3A_1161], %gather3A_1145 : memref<16384xf32, #tpu.memory_space<vmem>>[vector<16xi32>], vector<16xf32>,
      tpu.vector_store_idx %arg10[%add3A_1162], %gather3A_1146 : memref<16384xf32, #tpu.memory_space<vmem>>[vector<16xi32>], vector<16xf32>,
      tpu.vector_store_idx %arg10[%add3A_1163], %gather3A_1147 : memref<16384xf32, #tpu.memory_space<vmem>>[vector<16xi32>], vector<16xf32>,
      tpu.vector_store_idx %arg10[%add3A_1164], %gather3A_1148 : memref<16384xf32, #tpu.memory_space<vmem>>[vector<16xi32>], vector<16xf32>,
      tpu.vector_store_idx %arg10[%add3A_1165], %gather3A_1149 : memref<16384xf32, #tpu.memory_space<vmem>>[vector<16xi32>], vector<16xf32>,
      tpu.vector_store_idx %arg10[%add3A_1166], %gather3A_1150 : memref<16384xf32, #tpu.memory_space<vmem>>[vector<16xi32>], vector<16xf32>,
      tpu.vector_store_idx %arg10[%add3A_1167], %gather3A_1151 : memref<16384xf32, #tpu.memory_space<vmem>>[vector<16xi32>], vector<16xf32>,
      tpu.vector_store_idx %arg10[%add3A_1168], %gather3A_1152 : memref<16384xf32, #tpu.memory_space<vmem>>[vector<16xi32>], vector<16xf32>,
      tpu.vector_store_idx %arg10[%add3A_1169], %gather3A_1153 : memref<16384xf32, #tpu.memory_space<vmem>>[vector<16xi32>], vector<16xf32>,
      tpu.vector_store_idx %arg10[%add3A_1170], %gather3A_1154 : memref<16384xf32, #tpu.memory_space<vmem>>[vector<16xi32>], vector<16xf32>,
    }
    %scan3A_760 = arith.constant 32 : i32
    %mul3A_761 = arith.constant 1024 : i32
    %mul3A_762 = arith.muli %mul3A_2, %mul3A_761 : i32
    %dma_start3A_763 = arith.constant 0 : i32
    %dma_start3A_764 = arith.constant 0 : i32
    %dma_start3A_765 = arith.constant 0 : i32
    %dma_start3A_766 = tpu.memref_slice %arg10[%dma_start3A_765] : memref<16384xf32, #tpu.memory_space<vmem>> -> memref<4096xf32, #tpu.memory_space<vmem>>
    %dma_start3A_767 = tpu.memref_slice %arg4[%dma_start3A_763, %dma_start3A_764, %mul3A_762] : memref<50x4x131072xf32, #tpu.memory_space<hbm>> -> memref<1x1x4096xf32, #tpu.memory_space<hbm>>
    %dma_start3A_768 = tpu.memref_squeeze %dma_start3A_767 : memref<1x1x4096xf32, #tpu.memory_space<hbm>> -> memref<4096xf32, #tpu.memory_space<hbm>>
    %dma_start3A_769 = tpu.memref_slice %arg4[%dma_start3A_763, %dma_start3A_764, %mul3A_762] : memref<50x4x131072xf32, #tpu.memory_space<hbm>> -> memref<1x1x4096xf32, #tpu.memory_space<hbm>>
    %dma_start3A_770 = tpu.memref_squeeze %dma_start3A_769 : memref<1x1x4096xf32, #tpu.memory_space<hbm>> -> memref<4096xf32, #tpu.memory_space<hbm>>
    %dma_start3A_771 = arith.constant 0 : i32
    %dma_start3A_772 = tpu.memref_slice %arg10[%dma_start3A_771] : memref<16384xf32, #tpu.memory_space<vmem>> -> memref<4096xf32, #tpu.memory_space<vmem>>
    tpu.enqueue_dma source(%dma_start3A_772 : memref<4096xf32, #tpu.memory_space<vmem>>) target(%dma_start3A_770 : memref<4096xf32, #tpu.memory_space<hbm>>) target_semaphore(%arg15 : memref<!tpu.dma_semaphore, #tpu.memory_space<semaphore_mem>>)
    %mul3A_773 = arith.constant 1024 : i32
    %mul3A_774 = arith.muli %mul3A_2, %mul3A_773 : i32
    %dma_start3A_775 = arith.constant 0 : i32
    %dma_start3A_776 = arith.constant 1 : i32
    %dma_start3A_777 = arith.constant 4096 : i32
    %dma_start3A_778 = tpu.memref_slice %arg10[%dma_start3A_777] : memref<16384xf32, #tpu.memory_space<vmem>> -> memref<4096xf32, #tpu.memory_space<vmem>>
    %dma_start3A_779 = tpu.memref_slice %arg4[%dma_start3A_775, %dma_start3A_776, %mul3A_774] : memref<50x4x131072xf32, #tpu.memory_space<hbm>> -> memref<1x1x4096xf32, #tpu.memory_space<hbm>>
    %dma_start3A_780 = tpu.memref_squeeze %dma_start3A_779 : memref<1x1x4096xf32, #tpu.memory_space<hbm>> -> memref<4096xf32, #tpu.memory_space<hbm>>
    %dma_start3A_781 = tpu.memref_slice %arg4[%dma_start3A_775, %dma_start3A_776, %mul3A_774] : memref<50x4x131072xf32, #tpu.memory_space<hbm>> -> memref<1x1x4096xf32, #tpu.memory_space<hbm>>
    %dma_start3A_782 = tpu.memref_squeeze %dma_start3A_781 : memref<1x1x4096xf32, #tpu.memory_space<hbm>> -> memref<4096xf32, #tpu.memory_space<hbm>>
    %dma_start3A_783 = arith.constant 4096 : i32
    %dma_start3A_784 = tpu.memref_slice %arg10[%dma_start3A_783] : memref<16384xf32, #tpu.memory_space<vmem>> -> memref<4096xf32, #tpu.memory_space<vmem>>
    tpu.enqueue_dma source(%dma_start3A_784 : memref<4096xf32, #tpu.memory_space<vmem>>) target(%dma_start3A_782 : memref<4096xf32, #tpu.memory_space<hbm>>) target_semaphore(%arg15 : memref<!tpu.dma_semaphore, #tpu.memory_space<semaphore_mem>>)
    %mul3A_785 = arith.constant 1024 : i32
    %mul3A_786 = arith.muli %mul3A_2, %mul3A_785 : i32
    %dma_start3A_787 = arith.constant 0 : i32
    %dma_start3A_788 = arith.constant 2 : i32
    %dma_start3A_789 = arith.constant 8192 : i32
    %dma_start3A_790 = tpu.memref_slice %arg10[%dma_start3A_789] : memref<16384xf32, #tpu.memory_space<vmem>> -> memref<4096xf32, #tpu.memory_space<vmem>>
    %dma_start3A_791 = tpu.memref_slice %arg4[%dma_start3A_787, %dma_start3A_788, %mul3A_786] : memref<50x4x131072xf32, #tpu.memory_space<hbm>> -> memref<1x1x4096xf32, #tpu.memory_space<hbm>>
    %dma_start3A_792 = tpu.memref_squeeze %dma_start3A_791 : memref<1x1x4096xf32, #tpu.memory_space<hbm>> -> memref<4096xf32, #tpu.memory_space<hbm>>
    %dma_start3A_793 = tpu.memref_slice %arg4[%dma_start3A_787, %dma_start3A_788, %mul3A_786] : memref<50x4x131072xf32, #tpu.memory_space<hbm>> -> memref<1x1x4096xf32, #tpu.memory_space<hbm>>
    %dma_start3A_794 = tpu.memref_squeeze %dma_start3A_793 : memref<1x1x4096xf32, #tpu.memory_space<hbm>> -> memref<4096xf32, #tpu.memory_space<hbm>>
    %dma_start3A_795 = arith.constant 8192 : i32
    %dma_start3A_796 = tpu.memref_slice %arg10[%dma_start3A_795] : memref<16384xf32, #tpu.memory_space<vmem>> -> memref<4096xf32, #tpu.memory_space<vmem>>
    tpu.enqueue_dma source(%dma_start3A_796 : memref<4096xf32, #tpu.memory_space<vmem>>) target(%dma_start3A_794 : memref<4096xf32, #tpu.memory_space<hbm>>) target_semaphore(%arg15 : memref<!tpu.dma_semaphore, #tpu.memory_space<semaphore_mem>>)
    %mul3A_797 = arith.constant 1024 : i32
    %mul3A_798 = arith.muli %mul3A_2, %mul3A_797 : i32
    %dma_start3A_799 = arith.constant 0 : i32
    %dma_start3A_800 = arith.constant 3 : i32
    %dma_start3A_801 = arith.constant 12288 : i32
    %dma_start3A_802 = tpu.memref_slice %arg10[%dma_start3A_801] : memref<16384xf32, #tpu.memory_space<vmem>> -> memref<4096xf32, #tpu.memory_space<vmem>>
    %dma_start3A_803 = tpu.memref_slice %arg4[%dma_start3A_799, %dma_start3A_800, %mul3A_798] : memref<50x4x131072xf32, #tpu.memory_space<hbm>> -> memref<1x1x4096xf32, #tpu.memory_space<hbm>>
    %dma_start3A_804 = tpu.memref_squeeze %dma_start3A_803 : memref<1x1x4096xf32, #tpu.memory_space<hbm>> -> memref<4096xf32, #tpu.memory_space<hbm>>
    %dma_start3A_805 = tpu.memref_slice %arg4[%dma_start3A_799, %dma_start3A_800, %mul3A_798] : memref<50x4x131072xf32, #tpu.memory_space<hbm>> -> memref<1x1x4096xf32, #tpu.memory_space<hbm>>
    %dma_start3A_806 = tpu.memref_squeeze %dma_start3A_805 : memref<1x1x4096xf32, #tpu.memory_space<hbm>> -> memref<4096xf32, #tpu.memory_space<hbm>>
    %dma_start3A_807 = arith.constant 12288 : i32
    %dma_start3A_808 = tpu.memref_slice %arg10[%dma_start3A_807] : memref<16384xf32, #tpu.memory_space<vmem>> -> memref<4096xf32, #tpu.memory_space<vmem>>
    tpu.enqueue_dma source(%dma_start3A_808 : memref<4096xf32, #tpu.memory_space<vmem>>) target(%dma_start3A_806 : memref<4096xf32, #tpu.memory_space<hbm>>) target_semaphore(%arg15 : memref<!tpu.dma_semaphore, #tpu.memory_space<semaphore_mem>>)
    %scan3A_809 = arith.constant 0 : i32
    %scan3A_810 = arith.constant 0 : i32
    %scan3A_811 = arith.constant 32 : i32
    %scan3A_812 = arith.addi %scan3A_810, %scan3A_811 : i32
    %scan3A_813 = arith.constant 1 : i32
    scf.for %scan3A_1067 = %scan3A_810 to %scan3A_812 step %scan3A_813  : i32 {
      %mul3A_1068 = arith.constant 800 : i32
      %mul3A_1069 = arith.muli %scan3A_1067, %mul3A_1068 : i32
      %add3A_1070 = arith.constant 2 : i32
      %add3A_1071 = arith.addi %add3A_1070, %mul3A_1069 : i32
      %add3A_1072 = vector.broadcast %add3A_1071 : i32 to vector<16xi32>
      %add3A_1073 = arith.addi %mul3A_9, %add3A_1072 : vector<16xi32>
      %gather3A = tpu.vector_load_idx %arg5[%add3A_1073] : memref<25600xi32, #tpu.memory_space<vmem>>[vector<16xi32>], vector<16xi32>,
      %max3A = arith.constant 0 : i32
      %max3A_1074 = vector.broadcast %max3A : i32 to vector<16xi32>
      %max3A_1075 = arith.maxsi %gather3A, %max3A_1074 : vector<16xi32>
      %min3A = arith.constant 100000 : i32
      %min3A_1076 = vector.broadcast %min3A : i32 to vector<16xi32>
      %min3A_1077 = arith.minsi %max3A_1075, %min3A_1076 : vector<16xi32>
      %mul3A_1078 = arith.constant 16 : i32
      %mul3A_1079 = arith.muli %scan3A_1067, %mul3A_1078 : i32
      %swap3A = arith.index_cast %mul3A_1079 : i32 to index
      %swap3A_1080 = tpu.vector_load %arg6[%swap3A] {strides = array<i32>} : memref<512xi32, #tpu.memory_space<vmem>>, vector<16xi32>,
      tpu.vector_store %arg6[%swap3A], %min3A_1077 {strides = array<i32>} : memref<512xi32, #tpu.memory_space<vmem>>, vector<16xi32>,
    }
    %scan3A_814 = arith.constant 32 : i32
    %dma_wait3A_815 = arith.constant 0 : i32
    %dma_wait3A_816 = arith.constant 0 : i32
    %dma_wait3A_817 = tpu.memref_slice %arg9[%dma_wait3A_815, %dma_wait3A_816] : memref<512x32xf32, #tpu.memory_space<vmem>> -> memref<128x32xf32, #tpu.memory_space<vmem>>
    %dma_wait3A_818 = arith.constant 0 : i32
    %dma_wait3A_819 = tpu.memref_slice %arg7[%dma_wait3A_818] : memref<512xi32, #tpu.memory_space<vmem>> -> memref<128xi32, #tpu.memory_space<vmem>>
    %dma_wait3A_820 = arith.constant 0 : i32
    %dma_wait3A_821 = arith.constant 0 : i32
    %dma_wait3A_822 = tpu.memref_slice %arg3[%dma_wait3A_820, %dma_wait3A_821] : memref<100001x32xf32, #tpu.memory_space<hbm>> -> memref<100001x32xf32, #tpu.memory_space<hbm>>
    tpu.wait_indirect_dma semaphore(%arg14 : memref<!tpu.dma_semaphore, #tpu.memory_space<semaphore_mem>>) src(%dma_wait3A_822 : memref<100001x32xf32, #tpu.memory_space<hbm>>) dst(%dma_wait3A_817 : memref<128x32xf32, #tpu.memory_space<vmem>>)
    %dma_wait3A_823 = arith.constant 128 : i32
    %dma_wait3A_824 = arith.constant 0 : i32
    %dma_wait3A_825 = tpu.memref_slice %arg9[%dma_wait3A_823, %dma_wait3A_824] : memref<512x32xf32, #tpu.memory_space<vmem>> -> memref<128x32xf32, #tpu.memory_space<vmem>>
    %dma_wait3A_826 = arith.constant 128 : i32
    %dma_wait3A_827 = tpu.memref_slice %arg7[%dma_wait3A_826] : memref<512xi32, #tpu.memory_space<vmem>> -> memref<128xi32, #tpu.memory_space<vmem>>
    %dma_wait3A_828 = arith.constant 0 : i32
    %dma_wait3A_829 = arith.constant 0 : i32
    %dma_wait3A_830 = tpu.memref_slice %arg3[%dma_wait3A_828, %dma_wait3A_829] : memref<100001x32xf32, #tpu.memory_space<hbm>> -> memref<100001x32xf32, #tpu.memory_space<hbm>>
    tpu.wait_indirect_dma semaphore(%arg14 : memref<!tpu.dma_semaphore, #tpu.memory_space<semaphore_mem>>) src(%dma_wait3A_830 : memref<100001x32xf32, #tpu.memory_space<hbm>>) dst(%dma_wait3A_825 : memref<128x32xf32, #tpu.memory_space<vmem>>)
    %dma_wait3A_831 = arith.constant 256 : i32
    %dma_wait3A_832 = arith.constant 0 : i32
    %dma_wait3A_833 = tpu.memref_slice %arg9[%dma_wait3A_831, %dma_wait3A_832] : memref<512x32xf32, #tpu.memory_space<vmem>> -> memref<128x32xf32, #tpu.memory_space<vmem>>
    %dma_wait3A_834 = arith.constant 256 : i32
    %dma_wait3A_835 = tpu.memref_slice %arg7[%dma_wait3A_834] : memref<512xi32, #tpu.memory_space<vmem>> -> memref<128xi32, #tpu.memory_space<vmem>>
    %dma_wait3A_836 = arith.constant 0 : i32
    %dma_wait3A_837 = arith.constant 0 : i32
    %dma_wait3A_838 = tpu.memref_slice %arg3[%dma_wait3A_836, %dma_wait3A_837] : memref<100001x32xf32, #tpu.memory_space<hbm>> -> memref<100001x32xf32, #tpu.memory_space<hbm>>
    tpu.wait_indirect_dma semaphore(%arg14 : memref<!tpu.dma_semaphore, #tpu.memory_space<semaphore_mem>>) src(%dma_wait3A_838 : memref<100001x32xf32, #tpu.memory_space<hbm>>) dst(%dma_wait3A_833 : memref<128x32xf32, #tpu.memory_space<vmem>>)
    %dma_wait3A_839 = arith.constant 384 : i32
    %dma_wait3A_840 = arith.constant 0 : i32
    %dma_wait3A_841 = tpu.memref_slice %arg9[%dma_wait3A_839, %dma_wait3A_840] : memref<512x32xf32, #tpu.memory_space<vmem>> -> memref<128x32xf32, #tpu.memory_space<vmem>>
    %dma_wait3A_842 = arith.constant 384 : i32
    %dma_wait3A_843 = tpu.memref_slice %arg7[%dma_wait3A_842] : memref<512xi32, #tpu.memory_space<vmem>> -> memref<128xi32, #tpu.memory_space<vmem>>
    %dma_wait3A_844 = arith.constant 0 : i32
    %dma_wait3A_845 = arith.constant 0 : i32
    %dma_wait3A_846 = tpu.memref_slice %arg3[%dma_wait3A_844, %dma_wait3A_845] : memref<100001x32xf32, #tpu.memory_space<hbm>> -> memref<100001x32xf32, #tpu.memory_space<hbm>>
    tpu.wait_indirect_dma semaphore(%arg14 : memref<!tpu.dma_semaphore, #tpu.memory_space<semaphore_mem>>) src(%dma_wait3A_846 : memref<100001x32xf32, #tpu.memory_space<hbm>>) dst(%dma_wait3A_841 : memref<128x32xf32, #tpu.memory_space<vmem>>)
    %dma_start3A_847 = arith.constant 0 : i32
    %dma_start3A_848 = arith.constant 0 : i32
    %dma_start3A_849 = tpu.memref_slice %arg8[%dma_start3A_847, %dma_start3A_848] : memref<512x32xf32, #tpu.memory_space<vmem>> -> memref<128x32xf32, #tpu.memory_space<vmem>>
    %dma_start3A_850 = arith.constant 0 : i32
    %dma_start3A_851 = tpu.memref_slice %arg6[%dma_start3A_850] : memref<512xi32, #tpu.memory_space<vmem>> -> memref<128xi32, #tpu.memory_space<vmem>>
    %dma_start3A_852 = arith.constant 0 : i32
    %dma_start3A_853 = arith.constant 0 : i32
    %dma_start3A_854 = tpu.memref_slice %arg3[%dma_start3A_852, %dma_start3A_853] : memref<100001x32xf32, #tpu.memory_space<hbm>> -> memref<100001x32xf32, #tpu.memory_space<hbm>>
    tpu.enqueue_indirect_dma source(%dma_start3A_854 : memref<100001x32xf32, #tpu.memory_space<hbm>>) target(%dma_start3A_849 : memref<128x32xf32, #tpu.memory_space<vmem>>) offsets(%dma_start3A_851 : memref<128xi32, #tpu.memory_space<vmem>>) semaphore(%arg13 : memref<!tpu.dma_semaphore, #tpu.memory_space<semaphore_mem>>)
    %dma_start3A_855 = arith.constant 128 : i32
    %dma_start3A_856 = arith.constant 0 : i32
    %dma_start3A_857 = tpu.memref_slice %arg8[%dma_start3A_855, %dma_start3A_856] : memref<512x32xf32, #tpu.memory_space<vmem>> -> memref<128x32xf32, #tpu.memory_space<vmem>>
    %dma_start3A_858 = arith.constant 128 : i32
    %dma_start3A_859 = tpu.memref_slice %arg6[%dma_start3A_858] : memref<512xi32, #tpu.memory_space<vmem>> -> memref<128xi32, #tpu.memory_space<vmem>>
    %dma_start3A_860 = arith.constant 0 : i32
    %dma_start3A_861 = arith.constant 0 : i32
    %dma_start3A_862 = tpu.memref_slice %arg3[%dma_start3A_860, %dma_start3A_861] : memref<100001x32xf32, #tpu.memory_space<hbm>> -> memref<100001x32xf32, #tpu.memory_space<hbm>>
    tpu.enqueue_indirect_dma source(%dma_start3A_862 : memref<100001x32xf32, #tpu.memory_space<hbm>>) target(%dma_start3A_857 : memref<128x32xf32, #tpu.memory_space<vmem>>) offsets(%dma_start3A_859 : memref<128xi32, #tpu.memory_space<vmem>>) semaphore(%arg13 : memref<!tpu.dma_semaphore, #tpu.memory_space<semaphore_mem>>)
    %dma_start3A_863 = arith.constant 256 : i32
    %dma_start3A_864 = arith.constant 0 : i32
    %dma_start3A_865 = tpu.memref_slice %arg8[%dma_start3A_863, %dma_start3A_864] : memref<512x32xf32, #tpu.memory_space<vmem>> -> memref<128x32xf32, #tpu.memory_space<vmem>>
    %dma_start3A_866 = arith.constant 256 : i32
    %dma_start3A_867 = tpu.memref_slice %arg6[%dma_start3A_866] : memref<512xi32, #tpu.memory_space<vmem>> -> memref<128xi32, #tpu.memory_space<vmem>>
    %dma_start3A_868 = arith.constant 0 : i32
    %dma_start3A_869 = arith.constant 0 : i32
    %dma_start3A_870 = tpu.memref_slice %arg3[%dma_start3A_868, %dma_start3A_869] : memref<100001x32xf32, #tpu.memory_space<hbm>> -> memref<100001x32xf32, #tpu.memory_space<hbm>>
    tpu.enqueue_indirect_dma source(%dma_start3A_870 : memref<100001x32xf32, #tpu.memory_space<hbm>>) target(%dma_start3A_865 : memref<128x32xf32, #tpu.memory_space<vmem>>) offsets(%dma_start3A_867 : memref<128xi32, #tpu.memory_space<vmem>>) semaphore(%arg13 : memref<!tpu.dma_semaphore, #tpu.memory_space<semaphore_mem>>)
    %dma_start3A_871 = arith.constant 384 : i32
    %dma_start3A_872 = arith.constant 0 : i32
    %dma_start3A_873 = tpu.memref_slice %arg8[%dma_start3A_871, %dma_start3A_872] : memref<512x32xf32, #tpu.memory_space<vmem>> -> memref<128x32xf32, #tpu.memory_space<vmem>>
    %dma_start3A_874 = arith.constant 384 : i32
    %dma_start3A_875 = tpu.memref_slice %arg6[%dma_start3A_874] : memref<512xi32, #tpu.memory_space<vmem>> -> memref<128xi32, #tpu.memory_space<vmem>>
    %dma_start3A_876 = arith.constant 0 : i32
    %dma_start3A_877 = arith.constant 0 : i32
    %dma_start3A_878 = tpu.memref_slice %arg3[%dma_start3A_876, %dma_start3A_877] : memref<100001x32xf32, #tpu.memory_space<hbm>> -> memref<100001x32xf32, #tpu.memory_space<hbm>>
    tpu.enqueue_indirect_dma source(%dma_start3A_878 : memref<100001x32xf32, #tpu.memory_space<hbm>>) target(%dma_start3A_873 : memref<128x32xf32, #tpu.memory_space<vmem>>) offsets(%dma_start3A_875 : memref<128xi32, #tpu.memory_space<vmem>>) semaphore(%arg13 : memref<!tpu.dma_semaphore, #tpu.memory_space<semaphore_mem>>)
    %scan3A_879 = arith.constant 0 : i32
    %scan3A_880 = arith.constant 0 : i32
    %scan3A_881 = arith.constant 32 : i32
    %scan3A_882 = arith.addi %scan3A_880, %scan3A_881 : i32
    %scan3A_883 = arith.constant 1 : i32
    scf.for %scan3A_1067 = %scan3A_880 to %scan3A_882 step %scan3A_883  : i32 {
      %mul3A_1068 = arith.constant 16 : i32
      %mul3A_1069 = arith.muli %scan3A_1067, %mul3A_1068 : i32
      %add3A_1070 = vector.broadcast %mul3A_1069 : i32 to vector<16xi32>
      %add3A_1071 = arith.addi %iota3A, %add3A_1070 : vector<16xi32>
      %jit3A = arith.constant 8 : i32
      %div3A = arith.divsi %scan3A_1067, %jit3A : i32
      %sign3A = arith.constant 0 : i32
      %sign3A_1072 = arith.cmpi sgt, %scan3A_1067, %sign3A : i32
      %sign3A_1073 = arith.extui %sign3A_1072 : i1 to i32
      %sign3A_1074 = arith.constant 0 : i32
      %sign3A_1075 = arith.cmpi slt, %scan3A_1067, %sign3A_1074 : i32
      %sign3A_1076 = arith.extui %sign3A_1075 : i1 to i32
      %sign3A_1077 = arith.subi %sign3A_1073, %sign3A_1076 : i32
      %sign3A_1078 = arith.constant 0 : i32
      %sign3A_1079 = arith.cmpi sgt, %jit3A, %sign3A_1078 : i32
      %sign3A_1080 = arith.extui %sign3A_1079 : i1 to i32
      %sign3A_1081 = arith.constant 0 : i32
      %sign3A_1082 = arith.cmpi slt, %jit3A, %sign3A_1081 : i32
      %sign3A_1083 = arith.extui %sign3A_1082 : i1 to i32
      %sign3A_1084 = arith.subi %sign3A_1080, %sign3A_1083 : i32
      %ne3A = arith.cmpi ne, %sign3A_1077, %sign3A_1084 : i32
      %rem3A = arith.remsi %scan3A_1067, %jit3A : i32
      %ne3A_1085 = arith.constant 0 : i32
      %ne3A_1086 = arith.cmpi ne, %rem3A, %ne3A_1085 : i32
      %and3A_1087 = arith.andi %ne3A, %ne3A_1086 : i1
      %sub3A = arith.constant 1 : i32
      %sub3A_1088 = arith.subi %div3A, %sub3A : i32
      %select_n3A = arith.select %and3A_1087, %sub3A_1088, %div3A : i32
      %mul3A_1089 = arith.constant 1024 : i32
      %mul3A_1090 = arith.muli %select_n3A, %mul3A_1089 : i32
      %jit3A_1091 = arith.constant 8 : i32
      %eq3A = arith.constant 0 : i32
      %eq3A_1092 = arith.cmpi eq, %jit3A_1091, %eq3A : i32
      %jit3A_1093 = arith.constant 1 : i32
      %select_n3A_1094 = arith.select %eq3A_1092, %jit3A_1093, %jit3A_1091 : i32
      %rem3A_1095 = arith.remsi %scan3A_1067, %select_n3A_1094 : i32
      %ne3A_1096 = arith.constant 0 : i32
      %ne3A_1097 = arith.cmpi ne, %rem3A_1095, %ne3A_1096 : i32
      %lt3A = arith.constant 0 : i32
      %lt3A_1098 = arith.cmpi slt, %rem3A_1095, %lt3A : i32
      %lt3A_1099 = arith.constant 0 : i32
      %lt3A_1100 = arith.cmpi slt, %select_n3A_1094, %lt3A_1099 : i32
      %ne3A_1101 = arith.xori %lt3A_1098, %lt3A_1100 : i1
      %and3A_1102 = arith.andi %ne3A_1101, %ne3A_1097 : i1
      %add3A_1103 = arith.addi %rem3A_1095, %select_n3A_1094 : i32
      %select_n3A_1104 = arith.select %and3A_1102, %add3A_1103, %rem3A_1095 : i32
      %mul3A_1105 = arith.constant 16 : i32
      %mul3A_1106 = arith.muli %select_n3A_1104, %mul3A_1105 : i32
      %add3A_1107 = arith.addi %mul3A_1090, %mul3A_1106 : i32
      %broadcast_in_dim3A = vector.broadcast %add3A_1107 : i32 to vector<16xi32>
      %gather3A = tpu.vector_load_idx %arg9[%add3A_1071, %add3A_107] : memref<512x32xf32, #tpu.memory_space<vmem>>[vector<16xi32>, vector<16xi32>], vector<16xf32>,
      %gather3A_1108 = tpu.vector_load_idx %arg9[%add3A_1071, %add3A_110] : memref<512x32xf32, #tpu.memory_space<vmem>>[vector<16xi32>, vector<16xi32>], vector<16xf32>,
      %gather3A_1109 = tpu.vector_load_idx %arg9[%add3A_1071, %add3A_113] : memref<512x32xf32, #tpu.memory_space<vmem>>[vector<16xi32>, vector<16xi32>], vector<16xf32>,
      %gather3A_1110 = tpu.vector_load_idx %arg9[%add3A_1071, %add3A_116] : memref<512x32xf32, #tpu.memory_space<vmem>>[vector<16xi32>, vector<16xi32>], vector<16xf32>,
      %gather3A_1111 = tpu.vector_load_idx %arg9[%add3A_1071, %add3A_119] : memref<512x32xf32, #tpu.memory_space<vmem>>[vector<16xi32>, vector<16xi32>], vector<16xf32>,
      %gather3A_1112 = tpu.vector_load_idx %arg9[%add3A_1071, %add3A_122] : memref<512x32xf32, #tpu.memory_space<vmem>>[vector<16xi32>, vector<16xi32>], vector<16xf32>,
      %gather3A_1113 = tpu.vector_load_idx %arg9[%add3A_1071, %add3A_125] : memref<512x32xf32, #tpu.memory_space<vmem>>[vector<16xi32>, vector<16xi32>], vector<16xf32>,
      %gather3A_1114 = tpu.vector_load_idx %arg9[%add3A_1071, %add3A_128] : memref<512x32xf32, #tpu.memory_space<vmem>>[vector<16xi32>, vector<16xi32>], vector<16xf32>,
      %gather3A_1115 = tpu.vector_load_idx %arg9[%add3A_1071, %add3A_131] : memref<512x32xf32, #tpu.memory_space<vmem>>[vector<16xi32>, vector<16xi32>], vector<16xf32>,
      %gather3A_1116 = tpu.vector_load_idx %arg9[%add3A_1071, %add3A_134] : memref<512x32xf32, #tpu.memory_space<vmem>>[vector<16xi32>, vector<16xi32>], vector<16xf32>,
      %gather3A_1117 = tpu.vector_load_idx %arg9[%add3A_1071, %add3A_137] : memref<512x32xf32, #tpu.memory_space<vmem>>[vector<16xi32>, vector<16xi32>], vector<16xf32>,
      %gather3A_1118 = tpu.vector_load_idx %arg9[%add3A_1071, %add3A_140] : memref<512x32xf32, #tpu.memory_space<vmem>>[vector<16xi32>, vector<16xi32>], vector<16xf32>,
      %gather3A_1119 = tpu.vector_load_idx %arg9[%add3A_1071, %add3A_143] : memref<512x32xf32, #tpu.memory_space<vmem>>[vector<16xi32>, vector<16xi32>], vector<16xf32>,
      %gather3A_1120 = tpu.vector_load_idx %arg9[%add3A_1071, %add3A_146] : memref<512x32xf32, #tpu.memory_space<vmem>>[vector<16xi32>, vector<16xi32>], vector<16xf32>,
      %gather3A_1121 = tpu.vector_load_idx %arg9[%add3A_1071, %add3A_149] : memref<512x32xf32, #tpu.memory_space<vmem>>[vector<16xi32>, vector<16xi32>], vector<16xf32>,
      %gather3A_1122 = tpu.vector_load_idx %arg9[%add3A_1071, %add3A_152] : memref<512x32xf32, #tpu.memory_space<vmem>>[vector<16xi32>, vector<16xi32>], vector<16xf32>,
      %add3A_1123 = arith.addi %add3A_213, %broadcast_in_dim3A : vector<16xi32>
      %add3A_1124 = arith.addi %add3A_227, %broadcast_in_dim3A : vector<16xi32>
      %add3A_1125 = arith.addi %add3A_241, %broadcast_in_dim3A : vector<16xi32>
      %add3A_1126 = arith.addi %add3A_255, %broadcast_in_dim3A : vector<16xi32>
      %add3A_1127 = arith.addi %add3A_269, %broadcast_in_dim3A : vector<16xi32>
      %add3A_1128 = arith.addi %add3A_283, %broadcast_in_dim3A : vector<16xi32>
      %add3A_1129 = arith.addi %add3A_297, %broadcast_in_dim3A : vector<16xi32>
      %add3A_1130 = arith.addi %add3A_311, %broadcast_in_dim3A : vector<16xi32>
      %add3A_1131 = arith.addi %add3A_325, %broadcast_in_dim3A : vector<16xi32>
      %add3A_1132 = arith.addi %add3A_339, %broadcast_in_dim3A : vector<16xi32>
      %add3A_1133 = arith.addi %add3A_353, %broadcast_in_dim3A : vector<16xi32>
      %add3A_1134 = arith.addi %add3A_367, %broadcast_in_dim3A : vector<16xi32>
      %add3A_1135 = arith.addi %add3A_381, %broadcast_in_dim3A : vector<16xi32>
      %add3A_1136 = arith.addi %add3A_395, %broadcast_in_dim3A : vector<16xi32>
      %add3A_1137 = arith.addi %add3A_409, %broadcast_in_dim3A : vector<16xi32>
      %add3A_1138 = arith.addi %add3A_423, %broadcast_in_dim3A : vector<16xi32>
      tpu.vector_store_idx %arg11[%add3A_1123], %gather3A : memref<16384xf32, #tpu.memory_space<vmem>>[vector<16xi32>], vector<16xf32>,
      tpu.vector_store_idx %arg11[%add3A_1124], %gather3A_1108 : memref<16384xf32, #tpu.memory_space<vmem>>[vector<16xi32>], vector<16xf32>,
      tpu.vector_store_idx %arg11[%add3A_1125], %gather3A_1109 : memref<16384xf32, #tpu.memory_space<vmem>>[vector<16xi32>], vector<16xf32>,
      tpu.vector_store_idx %arg11[%add3A_1126], %gather3A_1110 : memref<16384xf32, #tpu.memory_space<vmem>>[vector<16xi32>], vector<16xf32>,
      tpu.vector_store_idx %arg11[%add3A_1127], %gather3A_1111 : memref<16384xf32, #tpu.memory_space<vmem>>[vector<16xi32>], vector<16xf32>,
      tpu.vector_store_idx %arg11[%add3A_1128], %gather3A_1112 : memref<16384xf32, #tpu.memory_space<vmem>>[vector<16xi32>], vector<16xf32>,
      tpu.vector_store_idx %arg11[%add3A_1129], %gather3A_1113 : memref<16384xf32, #tpu.memory_space<vmem>>[vector<16xi32>], vector<16xf32>,
      tpu.vector_store_idx %arg11[%add3A_1130], %gather3A_1114 : memref<16384xf32, #tpu.memory_space<vmem>>[vector<16xi32>], vector<16xf32>,
      tpu.vector_store_idx %arg11[%add3A_1131], %gather3A_1115 : memref<16384xf32, #tpu.memory_space<vmem>>[vector<16xi32>], vector<16xf32>,
      tpu.vector_store_idx %arg11[%add3A_1132], %gather3A_1116 : memref<16384xf32, #tpu.memory_space<vmem>>[vector<16xi32>], vector<16xf32>,
      tpu.vector_store_idx %arg11[%add3A_1133], %gather3A_1117 : memref<16384xf32, #tpu.memory_space<vmem>>[vector<16xi32>], vector<16xf32>,
      tpu.vector_store_idx %arg11[%add3A_1134], %gather3A_1118 : memref<16384xf32, #tpu.memory_space<vmem>>[vector<16xi32>], vector<16xf32>,
      tpu.vector_store_idx %arg11[%add3A_1135], %gather3A_1119 : memref<16384xf32, #tpu.memory_space<vmem>>[vector<16xi32>], vector<16xf32>,
      tpu.vector_store_idx %arg11[%add3A_1136], %gather3A_1120 : memref<16384xf32, #tpu.memory_space<vmem>>[vector<16xi32>], vector<16xf32>,
      tpu.vector_store_idx %arg11[%add3A_1137], %gather3A_1121 : memref<16384xf32, #tpu.memory_space<vmem>>[vector<16xi32>], vector<16xf32>,
      tpu.vector_store_idx %arg11[%add3A_1138], %gather3A_1122 : memref<16384xf32, #tpu.memory_space<vmem>>[vector<16xi32>], vector<16xf32>,
      %gather3A_1139 = tpu.vector_load_idx %arg9[%add3A_1071, %add3A_155] : memref<512x32xf32, #tpu.memory_space<vmem>>[vector<16xi32>, vector<16xi32>], vector<16xf32>,
      %gather3A_1140 = tpu.vector_load_idx %arg9[%add3A_1071, %add3A_158] : memref<512x32xf32, #tpu.memory_space<vmem>>[vector<16xi32>, vector<16xi32>], vector<16xf32>,
      %gather3A_1141 = tpu.vector_load_idx %arg9[%add3A_1071, %add3A_161] : memref<512x32xf32, #tpu.memory_space<vmem>>[vector<16xi32>, vector<16xi32>], vector<16xf32>,
      %gather3A_1142 = tpu.vector_load_idx %arg9[%add3A_1071, %add3A_164] : memref<512x32xf32, #tpu.memory_space<vmem>>[vector<16xi32>, vector<16xi32>], vector<16xf32>,
      %gather3A_1143 = tpu.vector_load_idx %arg9[%add3A_1071, %add3A_167] : memref<512x32xf32, #tpu.memory_space<vmem>>[vector<16xi32>, vector<16xi32>], vector<16xf32>,
      %gather3A_1144 = tpu.vector_load_idx %arg9[%add3A_1071, %add3A_170] : memref<512x32xf32, #tpu.memory_space<vmem>>[vector<16xi32>, vector<16xi32>], vector<16xf32>,
      %gather3A_1145 = tpu.vector_load_idx %arg9[%add3A_1071, %add3A_173] : memref<512x32xf32, #tpu.memory_space<vmem>>[vector<16xi32>, vector<16xi32>], vector<16xf32>,
      %gather3A_1146 = tpu.vector_load_idx %arg9[%add3A_1071, %add3A_176] : memref<512x32xf32, #tpu.memory_space<vmem>>[vector<16xi32>, vector<16xi32>], vector<16xf32>,
      %gather3A_1147 = tpu.vector_load_idx %arg9[%add3A_1071, %add3A_179] : memref<512x32xf32, #tpu.memory_space<vmem>>[vector<16xi32>, vector<16xi32>], vector<16xf32>,
      %gather3A_1148 = tpu.vector_load_idx %arg9[%add3A_1071, %add3A_182] : memref<512x32xf32, #tpu.memory_space<vmem>>[vector<16xi32>, vector<16xi32>], vector<16xf32>,
      %gather3A_1149 = tpu.vector_load_idx %arg9[%add3A_1071, %add3A_185] : memref<512x32xf32, #tpu.memory_space<vmem>>[vector<16xi32>, vector<16xi32>], vector<16xf32>,
      %gather3A_1150 = tpu.vector_load_idx %arg9[%add3A_1071, %add3A_188] : memref<512x32xf32, #tpu.memory_space<vmem>>[vector<16xi32>, vector<16xi32>], vector<16xf32>,
      %gather3A_1151 = tpu.vector_load_idx %arg9[%add3A_1071, %add3A_191] : memref<512x32xf32, #tpu.memory_space<vmem>>[vector<16xi32>, vector<16xi32>], vector<16xf32>,
      %gather3A_1152 = tpu.vector_load_idx %arg9[%add3A_1071, %add3A_194] : memref<512x32xf32, #tpu.memory_space<vmem>>[vector<16xi32>, vector<16xi32>], vector<16xf32>,
      %gather3A_1153 = tpu.vector_load_idx %arg9[%add3A_1071, %add3A_197] : memref<512x32xf32, #tpu.memory_space<vmem>>[vector<16xi32>, vector<16xi32>], vector<16xf32>,
      %gather3A_1154 = tpu.vector_load_idx %arg9[%add3A_1071, %add3A_200] : memref<512x32xf32, #tpu.memory_space<vmem>>[vector<16xi32>, vector<16xi32>], vector<16xf32>,
      %add3A_1155 = arith.addi %add3A_437, %broadcast_in_dim3A : vector<16xi32>
      %add3A_1156 = arith.addi %add3A_451, %broadcast_in_dim3A : vector<16xi32>
      %add3A_1157 = arith.addi %add3A_465, %broadcast_in_dim3A : vector<16xi32>
      %add3A_1158 = arith.addi %add3A_479, %broadcast_in_dim3A : vector<16xi32>
      %add3A_1159 = arith.addi %add3A_493, %broadcast_in_dim3A : vector<16xi32>
      %add3A_1160 = arith.addi %add3A_507, %broadcast_in_dim3A : vector<16xi32>
      %add3A_1161 = arith.addi %add3A_521, %broadcast_in_dim3A : vector<16xi32>
      %add3A_1162 = arith.addi %add3A_535, %broadcast_in_dim3A : vector<16xi32>
      %add3A_1163 = arith.addi %add3A_549, %broadcast_in_dim3A : vector<16xi32>
      %add3A_1164 = arith.addi %add3A_563, %broadcast_in_dim3A : vector<16xi32>
      %add3A_1165 = arith.addi %add3A_577, %broadcast_in_dim3A : vector<16xi32>
      %add3A_1166 = arith.addi %add3A_591, %broadcast_in_dim3A : vector<16xi32>
      %add3A_1167 = arith.addi %add3A_605, %broadcast_in_dim3A : vector<16xi32>
      %add3A_1168 = arith.addi %add3A_619, %broadcast_in_dim3A : vector<16xi32>
      %add3A_1169 = arith.addi %add3A_633, %broadcast_in_dim3A : vector<16xi32>
      %add3A_1170 = arith.addi %add3A_647, %broadcast_in_dim3A : vector<16xi32>
      tpu.vector_store_idx %arg11[%add3A_1155], %gather3A_1139 : memref<16384xf32, #tpu.memory_space<vmem>>[vector<16xi32>], vector<16xf32>,
      tpu.vector_store_idx %arg11[%add3A_1156], %gather3A_1140 : memref<16384xf32, #tpu.memory_space<vmem>>[vector<16xi32>], vector<16xf32>,
      tpu.vector_store_idx %arg11[%add3A_1157], %gather3A_1141 : memref<16384xf32, #tpu.memory_space<vmem>>[vector<16xi32>], vector<16xf32>,
      tpu.vector_store_idx %arg11[%add3A_1158], %gather3A_1142 : memref<16384xf32, #tpu.memory_space<vmem>>[vector<16xi32>], vector<16xf32>,
      tpu.vector_store_idx %arg11[%add3A_1159], %gather3A_1143 : memref<16384xf32, #tpu.memory_space<vmem>>[vector<16xi32>], vector<16xf32>,
      tpu.vector_store_idx %arg11[%add3A_1160], %gather3A_1144 : memref<16384xf32, #tpu.memory_space<vmem>>[vector<16xi32>], vector<16xf32>,
      tpu.vector_store_idx %arg11[%add3A_1161], %gather3A_1145 : memref<16384xf32, #tpu.memory_space<vmem>>[vector<16xi32>], vector<16xf32>,
      tpu.vector_store_idx %arg11[%add3A_1162], %gather3A_1146 : memref<16384xf32, #tpu.memory_space<vmem>>[vector<16xi32>], vector<16xf32>,
      tpu.vector_store_idx %arg11[%add3A_1163], %gather3A_1147 : memref<16384xf32, #tpu.memory_space<vmem>>[vector<16xi32>], vector<16xf32>,
      tpu.vector_store_idx %arg11[%add3A_1164], %gather3A_1148 : memref<16384xf32, #tpu.memory_space<vmem>>[vector<16xi32>], vector<16xf32>,
      tpu.vector_store_idx %arg11[%add3A_1165], %gather3A_1149 : memref<16384xf32, #tpu.memory_space<vmem>>[vector<16xi32>], vector<16xf32>,
      tpu.vector_store_idx %arg11[%add3A_1166], %gather3A_1150 : memref<16384xf32, #tpu.memory_space<vmem>>[vector<16xi32>], vector<16xf32>,
      tpu.vector_store_idx %arg11[%add3A_1167], %gather3A_1151 : memref<16384xf32, #tpu.memory_space<vmem>>[vector<16xi32>], vector<16xf32>,
      tpu.vector_store_idx %arg11[%add3A_1168], %gather3A_1152 : memref<16384xf32, #tpu.memory_space<vmem>>[vector<16xi32>], vector<16xf32>,
      tpu.vector_store_idx %arg11[%add3A_1169], %gather3A_1153 : memref<16384xf32, #tpu.memory_space<vmem>>[vector<16xi32>], vector<16xf32>,
      tpu.vector_store_idx %arg11[%add3A_1170], %gather3A_1154 : memref<16384xf32, #tpu.memory_space<vmem>>[vector<16xi32>], vector<16xf32>,
    }
    %scan3A_884 = arith.constant 32 : i32
    %mul3A_885 = arith.constant 1024 : i32
    %mul3A_886 = arith.muli %mul3A_2, %mul3A_885 : i32
    %dma_start3A_887 = arith.constant 1 : i32
    %dma_start3A_888 = arith.constant 0 : i32
    %dma_start3A_889 = arith.constant 0 : i32
    %dma_start3A_890 = tpu.memref_slice %arg11[%dma_start3A_889] : memref<16384xf32, #tpu.memory_space<vmem>> -> memref<4096xf32, #tpu.memory_space<vmem>>
    %dma_start3A_891 = tpu.memref_slice %arg4[%dma_start3A_887, %dma_start3A_888, %mul3A_886] : memref<50x4x131072xf32, #tpu.memory_space<hbm>> -> memref<1x1x4096xf32, #tpu.memory_space<hbm>>
    %dma_start3A_892 = tpu.memref_squeeze %dma_start3A_891 : memref<1x1x4096xf32, #tpu.memory_space<hbm>> -> memref<4096xf32, #tpu.memory_space<hbm>>
    %dma_start3A_893 = tpu.memref_slice %arg4[%dma_start3A_887, %dma_start3A_888, %mul3A_886] : memref<50x4x131072xf32, #tpu.memory_space<hbm>> -> memref<1x1x4096xf32, #tpu.memory_space<hbm>>
    %dma_start3A_894 = tpu.memref_squeeze %dma_start3A_893 : memref<1x1x4096xf32, #tpu.memory_space<hbm>> -> memref<4096xf32, #tpu.memory_space<hbm>>
    %dma_start3A_895 = arith.constant 0 : i32
    %dma_start3A_896 = tpu.memref_slice %arg11[%dma_start3A_895] : memref<16384xf32, #tpu.memory_space<vmem>> -> memref<4096xf32, #tpu.memory_space<vmem>>
    tpu.enqueue_dma source(%dma_start3A_896 : memref<4096xf32, #tpu.memory_space<vmem>>) target(%dma_start3A_894 : memref<4096xf32, #tpu.memory_space<hbm>>) target_semaphore(%arg16 : memref<!tpu.dma_semaphore, #tpu.memory_space<semaphore_mem>>)
    %mul3A_897 = arith.constant 1024 : i32
    %mul3A_898 = arith.muli %mul3A_2, %mul3A_897 : i32
    %dma_start3A_899 = arith.constant 1 : i32
    %dma_start3A_900 = arith.constant 1 : i32
    %dma_start3A_901 = arith.constant 4096 : i32
    %dma_start3A_902 = tpu.memref_slice %arg11[%dma_start3A_901] : memref<16384xf32, #tpu.memory_space<vmem>> -> memref<4096xf32, #tpu.memory_space<vmem>>
    %dma_start3A_903 = tpu.memref_slice %arg4[%dma_start3A_899, %dma_start3A_900, %mul3A_898] : memref<50x4x131072xf32, #tpu.memory_space<hbm>> -> memref<1x1x4096xf32, #tpu.memory_space<hbm>>
    %dma_start3A_904 = tpu.memref_squeeze %dma_start3A_903 : memref<1x1x4096xf32, #tpu.memory_space<hbm>> -> memref<4096xf32, #tpu.memory_space<hbm>>
    %dma_start3A_905 = tpu.memref_slice %arg4[%dma_start3A_899, %dma_start3A_900, %mul3A_898] : memref<50x4x131072xf32, #tpu.memory_space<hbm>> -> memref<1x1x4096xf32, #tpu.memory_space<hbm>>
    %dma_start3A_906 = tpu.memref_squeeze %dma_start3A_905 : memref<1x1x4096xf32, #tpu.memory_space<hbm>> -> memref<4096xf32, #tpu.memory_space<hbm>>
    %dma_start3A_907 = arith.constant 4096 : i32
    %dma_start3A_908 = tpu.memref_slice %arg11[%dma_start3A_907] : memref<16384xf32, #tpu.memory_space<vmem>> -> memref<4096xf32, #tpu.memory_space<vmem>>
    tpu.enqueue_dma source(%dma_start3A_908 : memref<4096xf32, #tpu.memory_space<vmem>>) target(%dma_start3A_906 : memref<4096xf32, #tpu.memory_space<hbm>>) target_semaphore(%arg16 : memref<!tpu.dma_semaphore, #tpu.memory_space<semaphore_mem>>)
    %mul3A_909 = arith.constant 1024 : i32
    %mul3A_910 = arith.muli %mul3A_2, %mul3A_909 : i32
    %dma_start3A_911 = arith.constant 1 : i32
    %dma_start3A_912 = arith.constant 2 : i32
    %dma_start3A_913 = arith.constant 8192 : i32
    %dma_start3A_914 = tpu.memref_slice %arg11[%dma_start3A_913] : memref<16384xf32, #tpu.memory_space<vmem>> -> memref<4096xf32, #tpu.memory_space<vmem>>
    %dma_start3A_915 = tpu.memref_slice %arg4[%dma_start3A_911, %dma_start3A_912, %mul3A_910] : memref<50x4x131072xf32, #tpu.memory_space<hbm>> -> memref<1x1x4096xf32, #tpu.memory_space<hbm>>
    %dma_start3A_916 = tpu.memref_squeeze %dma_start3A_915 : memref<1x1x4096xf32, #tpu.memory_space<hbm>> -> memref<4096xf32, #tpu.memory_space<hbm>>
    %dma_start3A_917 = tpu.memref_slice %arg4[%dma_start3A_911, %dma_start3A_912, %mul3A_910] : memref<50x4x131072xf32, #tpu.memory_space<hbm>> -> memref<1x1x4096xf32, #tpu.memory_space<hbm>>
    %dma_start3A_918 = tpu.memref_squeeze %dma_start3A_917 : memref<1x1x4096xf32, #tpu.memory_space<hbm>> -> memref<4096xf32, #tpu.memory_space<hbm>>
    %dma_start3A_919 = arith.constant 8192 : i32
    %dma_start3A_920 = tpu.memref_slice %arg11[%dma_start3A_919] : memref<16384xf32, #tpu.memory_space<vmem>> -> memref<4096xf32, #tpu.memory_space<vmem>>
    tpu.enqueue_dma source(%dma_start3A_920 : memref<4096xf32, #tpu.memory_space<vmem>>) target(%dma_start3A_918 : memref<4096xf32, #tpu.memory_space<hbm>>) target_semaphore(%arg16 : memref<!tpu.dma_semaphore, #tpu.memory_space<semaphore_mem>>)
    %mul3A_921 = arith.constant 1024 : i32
    %mul3A_922 = arith.muli %mul3A_2, %mul3A_921 : i32
    %dma_start3A_923 = arith.constant 1 : i32
    %dma_start3A_924 = arith.constant 3 : i32
    %dma_start3A_925 = arith.constant 12288 : i32
    %dma_start3A_926 = tpu.memref_slice %arg11[%dma_start3A_925] : memref<16384xf32, #tpu.memory_space<vmem>> -> memref<4096xf32, #tpu.memory_space<vmem>>
    %dma_start3A_927 = tpu.memref_slice %arg4[%dma_start3A_923, %dma_start3A_924, %mul3A_922] : memref<50x4x131072xf32, #tpu.memory_space<hbm>> -> memref<1x1x4096xf32, #tpu.memory_space<hbm>>
    %dma_start3A_928 = tpu.memref_squeeze %dma_start3A_927 : memref<1x1x4096xf32, #tpu.memory_space<hbm>> -> memref<4096xf32, #tpu.memory_space<hbm>>
    %dma_start3A_929 = tpu.memref_slice %arg4[%dma_start3A_923, %dma_start3A_924, %mul3A_922] : memref<50x4x131072xf32, #tpu.memory_space<hbm>> -> memref<1x1x4096xf32, #tpu.memory_space<hbm>>
    %dma_start3A_930 = tpu.memref_squeeze %dma_start3A_929 : memref<1x1x4096xf32, #tpu.memory_space<hbm>> -> memref<4096xf32, #tpu.memory_space<hbm>>
    %dma_start3A_931 = arith.constant 12288 : i32
    %dma_start3A_932 = tpu.memref_slice %arg11[%dma_start3A_931] : memref<16384xf32, #tpu.memory_space<vmem>> -> memref<4096xf32, #tpu.memory_space<vmem>>
    tpu.enqueue_dma source(%dma_start3A_932 : memref<4096xf32, #tpu.memory_space<vmem>>) target(%dma_start3A_930 : memref<4096xf32, #tpu.memory_space<hbm>>) target_semaphore(%arg16 : memref<!tpu.dma_semaphore, #tpu.memory_space<semaphore_mem>>)
    %scan3A_933 = arith.constant 0 : i32
    %scan3A_934 = arith.constant 1 : i32
    %scan3A_935 = arith.constant 24 : i32
    %scan3A_936 = arith.addi %scan3A_934, %scan3A_935 : i32
    %scan3A_937 = arith.constant 1 : i32
    scf.for %scan3A_1067 = %scan3A_934 to %scan3A_936 step %scan3A_937  : i32 {
      %mul3A_1068 = arith.constant 2 : i32
      %mul3A_1069 = arith.muli %mul3A_1068, %scan3A_1067 : i32
      %add3A_1070 = arith.constant 1 : i32
      %add3A_1071 = arith.addi %mul3A_1069, %add3A_1070 : i32
      %scan3A_1072 = arith.constant 0 : i32
      %scan3A_1073 = arith.constant 0 : i32
      %scan3A_1074 = arith.constant 32 : i32
      %scan3A_1075 = arith.addi %scan3A_1073, %scan3A_1074 : i32
      %scan3A_1076 = arith.constant 1 : i32
      scf.for %scan3A_1406 = %scan3A_1073 to %scan3A_1075 step %scan3A_1076  : i32 {
        %mul3A_1407 = arith.constant 800 : i32
        %mul3A_1408 = arith.muli %scan3A_1406, %mul3A_1407 : i32
        %add3A_1409 = arith.addi %add3A_1071, %mul3A_1408 : i32
        %add3A_1410 = vector.broadcast %add3A_1409 : i32 to vector<16xi32>
        %add3A_1411 = arith.addi %mul3A_9, %add3A_1410 : vector<16xi32>
        %gather3A = tpu.vector_load_idx %arg5[%add3A_1411] : memref<25600xi32, #tpu.memory_space<vmem>>[vector<16xi32>], vector<16xi32>,
        %max3A = arith.constant 0 : i32
        %max3A_1412 = vector.broadcast %max3A : i32 to vector<16xi32>
        %max3A_1413 = arith.maxsi %gather3A, %max3A_1412 : vector<16xi32>
        %min3A_1414 = arith.constant 100000 : i32
        %min3A_1415 = vector.broadcast %min3A_1414 : i32 to vector<16xi32>
        %min3A_1416 = arith.minsi %max3A_1413, %min3A_1415 : vector<16xi32>
        %mul3A_1417 = arith.constant 16 : i32
        %mul3A_1418 = arith.muli %scan3A_1406, %mul3A_1417 : i32
        %swap3A = arith.index_cast %mul3A_1418 : i32 to index
        %swap3A_1419 = tpu.vector_load %arg7[%swap3A] {strides = array<i32>} : memref<512xi32, #tpu.memory_space<vmem>>, vector<16xi32>,
        tpu.vector_store %arg7[%swap3A], %min3A_1416 {strides = array<i32>} : memref<512xi32, #tpu.memory_space<vmem>>, vector<16xi32>,
      }
      %scan3A_1077 = arith.constant 32 : i32
      %dma_wait3A_1078 = arith.constant 0 : i32
      %dma_wait3A_1079 = arith.constant 0 : i32
      %dma_wait3A_1080 = tpu.memref_slice %arg8[%dma_wait3A_1078, %dma_wait3A_1079] : memref<512x32xf32, #tpu.memory_space<vmem>> -> memref<128x32xf32, #tpu.memory_space<vmem>>
      %dma_wait3A_1081 = arith.constant 0 : i32
      %dma_wait3A_1082 = tpu.memref_slice %arg6[%dma_wait3A_1081] : memref<512xi32, #tpu.memory_space<vmem>> -> memref<128xi32, #tpu.memory_space<vmem>>
      %dma_wait3A_1083 = arith.constant 0 : i32
      %dma_wait3A_1084 = arith.constant 0 : i32
      %dma_wait3A_1085 = tpu.memref_slice %arg3[%dma_wait3A_1083, %dma_wait3A_1084] : memref<100001x32xf32, #tpu.memory_space<hbm>> -> memref<100001x32xf32, #tpu.memory_space<hbm>>
      tpu.wait_indirect_dma semaphore(%arg13 : memref<!tpu.dma_semaphore, #tpu.memory_space<semaphore_mem>>) src(%dma_wait3A_1085 : memref<100001x32xf32, #tpu.memory_space<hbm>>) dst(%dma_wait3A_1080 : memref<128x32xf32, #tpu.memory_space<vmem>>)
      %dma_wait3A_1086 = arith.constant 128 : i32
      %dma_wait3A_1087 = arith.constant 0 : i32
      %dma_wait3A_1088 = tpu.memref_slice %arg8[%dma_wait3A_1086, %dma_wait3A_1087] : memref<512x32xf32, #tpu.memory_space<vmem>> -> memref<128x32xf32, #tpu.memory_space<vmem>>
      %dma_wait3A_1089 = arith.constant 128 : i32
      %dma_wait3A_1090 = tpu.memref_slice %arg6[%dma_wait3A_1089] : memref<512xi32, #tpu.memory_space<vmem>> -> memref<128xi32, #tpu.memory_space<vmem>>
      %dma_wait3A_1091 = arith.constant 0 : i32
      %dma_wait3A_1092 = arith.constant 0 : i32
      %dma_wait3A_1093 = tpu.memref_slice %arg3[%dma_wait3A_1091, %dma_wait3A_1092] : memref<100001x32xf32, #tpu.memory_space<hbm>> -> memref<100001x32xf32, #tpu.memory_space<hbm>>
      tpu.wait_indirect_dma semaphore(%arg13 : memref<!tpu.dma_semaphore, #tpu.memory_space<semaphore_mem>>) src(%dma_wait3A_1093 : memref<100001x32xf32, #tpu.memory_space<hbm>>) dst(%dma_wait3A_1088 : memref<128x32xf32, #tpu.memory_space<vmem>>)
      %dma_wait3A_1094 = arith.constant 256 : i32
      %dma_wait3A_1095 = arith.constant 0 : i32
      %dma_wait3A_1096 = tpu.memref_slice %arg8[%dma_wait3A_1094, %dma_wait3A_1095] : memref<512x32xf32, #tpu.memory_space<vmem>> -> memref<128x32xf32, #tpu.memory_space<vmem>>
      %dma_wait3A_1097 = arith.constant 256 : i32
      %dma_wait3A_1098 = tpu.memref_slice %arg6[%dma_wait3A_1097] : memref<512xi32, #tpu.memory_space<vmem>> -> memref<128xi32, #tpu.memory_space<vmem>>
      %dma_wait3A_1099 = arith.constant 0 : i32
      %dma_wait3A_1100 = arith.constant 0 : i32
      %dma_wait3A_1101 = tpu.memref_slice %arg3[%dma_wait3A_1099, %dma_wait3A_1100] : memref<100001x32xf32, #tpu.memory_space<hbm>> -> memref<100001x32xf32, #tpu.memory_space<hbm>>
      tpu.wait_indirect_dma semaphore(%arg13 : memref<!tpu.dma_semaphore, #tpu.memory_space<semaphore_mem>>) src(%dma_wait3A_1101 : memref<100001x32xf32, #tpu.memory_space<hbm>>) dst(%dma_wait3A_1096 : memref<128x32xf32, #tpu.memory_space<vmem>>)
      %dma_wait3A_1102 = arith.constant 384 : i32
      %dma_wait3A_1103 = arith.constant 0 : i32
      %dma_wait3A_1104 = tpu.memref_slice %arg8[%dma_wait3A_1102, %dma_wait3A_1103] : memref<512x32xf32, #tpu.memory_space<vmem>> -> memref<128x32xf32, #tpu.memory_space<vmem>>
      %dma_wait3A_1105 = arith.constant 384 : i32
      %dma_wait3A_1106 = tpu.memref_slice %arg6[%dma_wait3A_1105] : memref<512xi32, #tpu.memory_space<vmem>> -> memref<128xi32, #tpu.memory_space<vmem>>
      %dma_wait3A_1107 = arith.constant 0 : i32
      %dma_wait3A_1108 = arith.constant 0 : i32
      %dma_wait3A_1109 = tpu.memref_slice %arg3[%dma_wait3A_1107, %dma_wait3A_1108] : memref<100001x32xf32, #tpu.memory_space<hbm>> -> memref<100001x32xf32, #tpu.memory_space<hbm>>
      tpu.wait_indirect_dma semaphore(%arg13 : memref<!tpu.dma_semaphore, #tpu.memory_space<semaphore_mem>>) src(%dma_wait3A_1109 : memref<100001x32xf32, #tpu.memory_space<hbm>>) dst(%dma_wait3A_1104 : memref<128x32xf32, #tpu.memory_space<vmem>>)
      %dma_start3A_1110 = arith.constant 0 : i32
      %dma_start3A_1111 = arith.constant 0 : i32
      %dma_start3A_1112 = tpu.memref_slice %arg9[%dma_start3A_1110, %dma_start3A_1111] : memref<512x32xf32, #tpu.memory_space<vmem>> -> memref<128x32xf32, #tpu.memory_space<vmem>>
      %dma_start3A_1113 = arith.constant 0 : i32
      %dma_start3A_1114 = tpu.memref_slice %arg7[%dma_start3A_1113] : memref<512xi32, #tpu.memory_space<vmem>> -> memref<128xi32, #tpu.memory_space<vmem>>
      %dma_start3A_1115 = arith.constant 0 : i32
      %dma_start3A_1116 = arith.constant 0 : i32
      %dma_start3A_1117 = tpu.memref_slice %arg3[%dma_start3A_1115, %dma_start3A_1116] : memref<100001x32xf32, #tpu.memory_space<hbm>> -> memref<100001x32xf32, #tpu.memory_space<hbm>>
      tpu.enqueue_indirect_dma source(%dma_start3A_1117 : memref<100001x32xf32, #tpu.memory_space<hbm>>) target(%dma_start3A_1112 : memref<128x32xf32, #tpu.memory_space<vmem>>) offsets(%dma_start3A_1114 : memref<128xi32, #tpu.memory_space<vmem>>) semaphore(%arg14 : memref<!tpu.dma_semaphore, #tpu.memory_space<semaphore_mem>>)
      %dma_start3A_1118 = arith.constant 128 : i32
      %dma_start3A_1119 = arith.constant 0 : i32
      %dma_start3A_1120 = tpu.memref_slice %arg9[%dma_start3A_1118, %dma_start3A_1119] : memref<512x32xf32, #tpu.memory_space<vmem>> -> memref<128x32xf32, #tpu.memory_space<vmem>>
      %dma_start3A_1121 = arith.constant 128 : i32
      %dma_start3A_1122 = tpu.memref_slice %arg7[%dma_start3A_1121] : memref<512xi32, #tpu.memory_space<vmem>> -> memref<128xi32, #tpu.memory_space<vmem>>
      %dma_start3A_1123 = arith.constant 0 : i32
      %dma_start3A_1124 = arith.constant 0 : i32
      %dma_start3A_1125 = tpu.memref_slice %arg3[%dma_start3A_1123, %dma_start3A_1124] : memref<100001x32xf32, #tpu.memory_space<hbm>> -> memref<100001x32xf32, #tpu.memory_space<hbm>>
      tpu.enqueue_indirect_dma source(%dma_start3A_1125 : memref<100001x32xf32, #tpu.memory_space<hbm>>) target(%dma_start3A_1120 : memref<128x32xf32, #tpu.memory_space<vmem>>) offsets(%dma_start3A_1122 : memref<128xi32, #tpu.memory_space<vmem>>) semaphore(%arg14 : memref<!tpu.dma_semaphore, #tpu.memory_space<semaphore_mem>>)
      %dma_start3A_1126 = arith.constant 256 : i32
      %dma_start3A_1127 = arith.constant 0 : i32
      %dma_start3A_1128 = tpu.memref_slice %arg9[%dma_start3A_1126, %dma_start3A_1127] : memref<512x32xf32, #tpu.memory_space<vmem>> -> memref<128x32xf32, #tpu.memory_space<vmem>>
      %dma_start3A_1129 = arith.constant 256 : i32
      %dma_start3A_1130 = tpu.memref_slice %arg7[%dma_start3A_1129] : memref<512xi32, #tpu.memory_space<vmem>> -> memref<128xi32, #tpu.memory_space<vmem>>
      %dma_start3A_1131 = arith.constant 0 : i32
      %dma_start3A_1132 = arith.constant 0 : i32
      %dma_start3A_1133 = tpu.memref_slice %arg3[%dma_start3A_1131, %dma_start3A_1132] : memref<100001x32xf32, #tpu.memory_space<hbm>> -> memref<100001x32xf32, #tpu.memory_space<hbm>>
      tpu.enqueue_indirect_dma source(%dma_start3A_1133 : memref<100001x32xf32, #tpu.memory_space<hbm>>) target(%dma_start3A_1128 : memref<128x32xf32, #tpu.memory_space<vmem>>) offsets(%dma_start3A_1130 : memref<128xi32, #tpu.memory_space<vmem>>) semaphore(%arg14 : memref<!tpu.dma_semaphore, #tpu.memory_space<semaphore_mem>>)
      %dma_start3A_1134 = arith.constant 384 : i32
      %dma_start3A_1135 = arith.constant 0 : i32
      %dma_start3A_1136 = tpu.memref_slice %arg9[%dma_start3A_1134, %dma_start3A_1135] : memref<512x32xf32, #tpu.memory_space<vmem>> -> memref<128x32xf32, #tpu.memory_space<vmem>>
      %dma_start3A_1137 = arith.constant 384 : i32
      %dma_start3A_1138 = tpu.memref_slice %arg7[%dma_start3A_1137] : memref<512xi32, #tpu.memory_space<vmem>> -> memref<128xi32, #tpu.memory_space<vmem>>
      %dma_start3A_1139 = arith.constant 0 : i32
      %dma_start3A_1140 = arith.constant 0 : i32
      %dma_start3A_1141 = tpu.memref_slice %arg3[%dma_start3A_1139, %dma_start3A_1140] : memref<100001x32xf32, #tpu.memory_space<hbm>> -> memref<100001x32xf32, #tpu.memory_space<hbm>>
      tpu.enqueue_indirect_dma source(%dma_start3A_1141 : memref<100001x32xf32, #tpu.memory_space<hbm>>) target(%dma_start3A_1136 : memref<128x32xf32, #tpu.memory_space<vmem>>) offsets(%dma_start3A_1138 : memref<128xi32, #tpu.memory_space<vmem>>) semaphore(%arg14 : memref<!tpu.dma_semaphore, #tpu.memory_space<semaphore_mem>>)
      %sub3A = arith.constant 2 : i32
      %sub3A_1142 = arith.subi %mul3A_1069, %sub3A : i32
      %mul3A_1143 = arith.constant 1024 : i32
      %mul3A_1144 = arith.muli %mul3A_2, %mul3A_1143 : i32
      %dma_wait3A_1145 = arith.constant 0 : i32
      %dma_wait3A_1146 = arith.constant 0 : i32
      %dma_wait3A_1147 = tpu.memref_slice %arg10[%dma_wait3A_1146] : memref<16384xf32, #tpu.memory_space<vmem>> -> memref<4096xf32, #tpu.memory_space<vmem>>
      %dma_wait3A_1148 = tpu.memref_slice %arg4[%sub3A_1142, %dma_wait3A_1145, %mul3A_1144] : memref<50x4x131072xf32, #tpu.memory_space<hbm>> -> memref<1x1x4096xf32, #tpu.memory_space<hbm>>
      %dma_wait3A_1149 = tpu.memref_squeeze %dma_wait3A_1148 : memref<1x1x4096xf32, #tpu.memory_space<hbm>> -> memref<4096xf32, #tpu.memory_space<hbm>>
      %dma_wait3A_1150 = tpu.memref_slice %arg4[%sub3A_1142, %dma_wait3A_1145, %mul3A_1144] : memref<50x4x131072xf32, #tpu.memory_space<hbm>> -> memref<1x1x4096xf32, #tpu.memory_space<hbm>>
      %dma_wait3A_1151 = tpu.memref_squeeze %dma_wait3A_1150 : memref<1x1x4096xf32, #tpu.memory_space<hbm>> -> memref<4096xf32, #tpu.memory_space<hbm>>
      %dma_wait3A_1152 = arith.constant 0 : i32
      %dma_wait3A_1153 = tpu.memref_slice %arg10[%dma_wait3A_1152] : memref<16384xf32, #tpu.memory_space<vmem>> -> memref<4096xf32, #tpu.memory_space<vmem>>
      tpu.wait_dma2 semaphore(%arg15 : memref<!tpu.dma_semaphore, #tpu.memory_space<semaphore_mem>>) src(%dma_wait3A_1153 : memref<4096xf32, #tpu.memory_space<vmem>>) dst(%dma_wait3A_1151 : memref<4096xf32, #tpu.memory_space<hbm>>)
      %mul3A_1154 = arith.constant 1024 : i32
      %mul3A_1155 = arith.muli %mul3A_2, %mul3A_1154 : i32
      %dma_wait3A_1156 = arith.constant 1 : i32
      %dma_wait3A_1157 = arith.constant 4096 : i32
      %dma_wait3A_1158 = tpu.memref_slice %arg10[%dma_wait3A_1157] : memref<16384xf32, #tpu.memory_space<vmem>> -> memref<4096xf32, #tpu.memory_space<vmem>>
      %dma_wait3A_1159 = tpu.memref_slice %arg4[%sub3A_1142, %dma_wait3A_1156, %mul3A_1155] : memref<50x4x131072xf32, #tpu.memory_space<hbm>> -> memref<1x1x4096xf32, #tpu.memory_space<hbm>>
      %dma_wait3A_1160 = tpu.memref_squeeze %dma_wait3A_1159 : memref<1x1x4096xf32, #tpu.memory_space<hbm>> -> memref<4096xf32, #tpu.memory_space<hbm>>
      %dma_wait3A_1161 = tpu.memref_slice %arg4[%sub3A_1142, %dma_wait3A_1156, %mul3A_1155] : memref<50x4x131072xf32, #tpu.memory_space<hbm>> -> memref<1x1x4096xf32, #tpu.memory_space<hbm>>
      %dma_wait3A_1162 = tpu.memref_squeeze %dma_wait3A_1161 : memref<1x1x4096xf32, #tpu.memory_space<hbm>> -> memref<4096xf32, #tpu.memory_space<hbm>>
      %dma_wait3A_1163 = arith.constant 4096 : i32
      %dma_wait3A_1164 = tpu.memref_slice %arg10[%dma_wait3A_1163] : memref<16384xf32, #tpu.memory_space<vmem>> -> memref<4096xf32, #tpu.memory_space<vmem>>
      tpu.wait_dma2 semaphore(%arg15 : memref<!tpu.dma_semaphore, #tpu.memory_space<semaphore_mem>>) src(%dma_wait3A_1164 : memref<4096xf32, #tpu.memory_space<vmem>>) dst(%dma_wait3A_1162 : memref<4096xf32, #tpu.memory_space<hbm>>)
      %mul3A_1165 = arith.constant 1024 : i32
      %mul3A_1166 = arith.muli %mul3A_2, %mul3A_1165 : i32
      %dma_wait3A_1167 = arith.constant 2 : i32
      %dma_wait3A_1168 = arith.constant 8192 : i32
      %dma_wait3A_1169 = tpu.memref_slice %arg10[%dma_wait3A_1168] : memref<16384xf32, #tpu.memory_space<vmem>> -> memref<4096xf32, #tpu.memory_space<vmem>>
      %dma_wait3A_1170 = tpu.memref_slice %arg4[%sub3A_1142, %dma_wait3A_1167, %mul3A_1166] : memref<50x4x131072xf32, #tpu.memory_space<hbm>> -> memref<1x1x4096xf32, #tpu.memory_space<hbm>>
      %dma_wait3A_1171 = tpu.memref_squeeze %dma_wait3A_1170 : memref<1x1x4096xf32, #tpu.memory_space<hbm>> -> memref<4096xf32, #tpu.memory_space<hbm>>
      %dma_wait3A_1172 = tpu.memref_slice %arg4[%sub3A_1142, %dma_wait3A_1167, %mul3A_1166] : memref<50x4x131072xf32, #tpu.memory_space<hbm>> -> memref<1x1x4096xf32, #tpu.memory_space<hbm>>
      %dma_wait3A_1173 = tpu.memref_squeeze %dma_wait3A_1172 : memref<1x1x4096xf32, #tpu.memory_space<hbm>> -> memref<4096xf32, #tpu.memory_space<hbm>>
      %dma_wait3A_1174 = arith.constant 8192 : i32
      %dma_wait3A_1175 = tpu.memref_slice %arg10[%dma_wait3A_1174] : memref<16384xf32, #tpu.memory_space<vmem>> -> memref<4096xf32, #tpu.memory_space<vmem>>
      tpu.wait_dma2 semaphore(%arg15 : memref<!tpu.dma_semaphore, #tpu.memory_space<semaphore_mem>>) src(%dma_wait3A_1175 : memref<4096xf32, #tpu.memory_space<vmem>>) dst(%dma_wait3A_1173 : memref<4096xf32, #tpu.memory_space<hbm>>)
      %mul3A_1176 = arith.constant 1024 : i32
      %mul3A_1177 = arith.muli %mul3A_2, %mul3A_1176 : i32
      %dma_wait3A_1178 = arith.constant 3 : i32
      %dma_wait3A_1179 = arith.constant 12288 : i32
      %dma_wait3A_1180 = tpu.memref_slice %arg10[%dma_wait3A_1179] : memref<16384xf32, #tpu.memory_space<vmem>> -> memref<4096xf32, #tpu.memory_space<vmem>>
      %dma_wait3A_1181 = tpu.memref_slice %arg4[%sub3A_1142, %dma_wait3A_1178, %mul3A_1177] : memref<50x4x131072xf32, #tpu.memory_space<hbm>> -> memref<1x1x4096xf32, #tpu.memory_space<hbm>>
      %dma_wait3A_1182 = tpu.memref_squeeze %dma_wait3A_1181 : memref<1x1x4096xf32, #tpu.memory_space<hbm>> -> memref<4096xf32, #tpu.memory_space<hbm>>
      %dma_wait3A_1183 = tpu.memref_slice %arg4[%sub3A_1142, %dma_wait3A_1178, %mul3A_1177] : memref<50x4x131072xf32, #tpu.memory_space<hbm>> -> memref<1x1x4096xf32, #tpu.memory_space<hbm>>
      %dma_wait3A_1184 = tpu.memref_squeeze %dma_wait3A_1183 : memref<1x1x4096xf32, #tpu.memory_space<hbm>> -> memref<4096xf32, #tpu.memory_space<hbm>>
      %dma_wait3A_1185 = arith.constant 12288 : i32
      %dma_wait3A_1186 = tpu.memref_slice %arg10[%dma_wait3A_1185] : memref<16384xf32, #tpu.memory_space<vmem>> -> memref<4096xf32, #tpu.memory_space<vmem>>
      tpu.wait_dma2 semaphore(%arg15 : memref<!tpu.dma_semaphore, #tpu.memory_space<semaphore_mem>>) src(%dma_wait3A_1186 : memref<4096xf32, #tpu.memory_space<vmem>>) dst(%dma_wait3A_1184 : memref<4096xf32, #tpu.memory_space<hbm>>)
      %scan3A_1187 = arith.constant 0 : i32
      %scan3A_1188 = arith.constant 0 : i32
      %scan3A_1189 = arith.constant 32 : i32
      %scan3A_1190 = arith.addi %scan3A_1188, %scan3A_1189 : i32
      %scan3A_1191 = arith.constant 1 : i32
      scf.for %scan3A_1406 = %scan3A_1188 to %scan3A_1190 step %scan3A_1191  : i32 {
        %mul3A_1407 = arith.constant 16 : i32
        %mul3A_1408 = arith.muli %scan3A_1406, %mul3A_1407 : i32
        %add3A_1409 = vector.broadcast %mul3A_1408 : i32 to vector<16xi32>
        %add3A_1410 = arith.addi %iota3A, %add3A_1409 : vector<16xi32>
        %jit3A = arith.constant 8 : i32
        %div3A = arith.divsi %scan3A_1406, %jit3A : i32
        %sign3A = arith.constant 0 : i32
        %sign3A_1411 = arith.cmpi sgt, %scan3A_1406, %sign3A : i32
        %sign3A_1412 = arith.extui %sign3A_1411 : i1 to i32
        %sign3A_1413 = arith.constant 0 : i32
        %sign3A_1414 = arith.cmpi slt, %scan3A_1406, %sign3A_1413 : i32
        %sign3A_1415 = arith.extui %sign3A_1414 : i1 to i32
        %sign3A_1416 = arith.subi %sign3A_1412, %sign3A_1415 : i32
        %sign3A_1417 = arith.constant 0 : i32
        %sign3A_1418 = arith.cmpi sgt, %jit3A, %sign3A_1417 : i32
        %sign3A_1419 = arith.extui %sign3A_1418 : i1 to i32
        %sign3A_1420 = arith.constant 0 : i32
        %sign3A_1421 = arith.cmpi slt, %jit3A, %sign3A_1420 : i32
        %sign3A_1422 = arith.extui %sign3A_1421 : i1 to i32
        %sign3A_1423 = arith.subi %sign3A_1419, %sign3A_1422 : i32
        %ne3A = arith.cmpi ne, %sign3A_1416, %sign3A_1423 : i32
        %rem3A = arith.remsi %scan3A_1406, %jit3A : i32
        %ne3A_1424 = arith.constant 0 : i32
        %ne3A_1425 = arith.cmpi ne, %rem3A, %ne3A_1424 : i32
        %and3A_1426 = arith.andi %ne3A, %ne3A_1425 : i1
        %sub3A_1427 = arith.constant 1 : i32
        %sub3A_1428 = arith.subi %div3A, %sub3A_1427 : i32
        %select_n3A = arith.select %and3A_1426, %sub3A_1428, %div3A : i32
        %mul3A_1429 = arith.constant 1024 : i32
        %mul3A_1430 = arith.muli %select_n3A, %mul3A_1429 : i32
        %jit3A_1431 = arith.constant 8 : i32
        %eq3A = arith.constant 0 : i32
        %eq3A_1432 = arith.cmpi eq, %jit3A_1431, %eq3A : i32
        %jit3A_1433 = arith.constant 1 : i32
        %select_n3A_1434 = arith.select %eq3A_1432, %jit3A_1433, %jit3A_1431 : i32
        %rem3A_1435 = arith.remsi %scan3A_1406, %select_n3A_1434 : i32
        %ne3A_1436 = arith.constant 0 : i32
        %ne3A_1437 = arith.cmpi ne, %rem3A_1435, %ne3A_1436 : i32
        %lt3A = arith.constant 0 : i32
        %lt3A_1438 = arith.cmpi slt, %rem3A_1435, %lt3A : i32
        %lt3A_1439 = arith.constant 0 : i32
        %lt3A_1440 = arith.cmpi slt, %select_n3A_1434, %lt3A_1439 : i32
        %ne3A_1441 = arith.xori %lt3A_1438, %lt3A_1440 : i1
        %and3A_1442 = arith.andi %ne3A_1441, %ne3A_1437 : i1
        %add3A_1443 = arith.addi %rem3A_1435, %select_n3A_1434 : i32
        %select_n3A_1444 = arith.select %and3A_1442, %add3A_1443, %rem3A_1435 : i32
        %mul3A_1445 = arith.constant 16 : i32
        %mul3A_1446 = arith.muli %select_n3A_1444, %mul3A_1445 : i32
        %add3A_1447 = arith.addi %mul3A_1430, %mul3A_1446 : i32
        %broadcast_in_dim3A = vector.broadcast %add3A_1447 : i32 to vector<16xi32>
        %gather3A = tpu.vector_load_idx %arg8[%add3A_1410, %add3A_107] : memref<512x32xf32, #tpu.memory_space<vmem>>[vector<16xi32>, vector<16xi32>], vector<16xf32>,
        %gather3A_1448 = tpu.vector_load_idx %arg8[%add3A_1410, %add3A_110] : memref<512x32xf32, #tpu.memory_space<vmem>>[vector<16xi32>, vector<16xi32>], vector<16xf32>,
        %gather3A_1449 = tpu.vector_load_idx %arg8[%add3A_1410, %add3A_113] : memref<512x32xf32, #tpu.memory_space<vmem>>[vector<16xi32>, vector<16xi32>], vector<16xf32>,
        %gather3A_1450 = tpu.vector_load_idx %arg8[%add3A_1410, %add3A_116] : memref<512x32xf32, #tpu.memory_space<vmem>>[vector<16xi32>, vector<16xi32>], vector<16xf32>,
        %gather3A_1451 = tpu.vector_load_idx %arg8[%add3A_1410, %add3A_119] : memref<512x32xf32, #tpu.memory_space<vmem>>[vector<16xi32>, vector<16xi32>], vector<16xf32>,
        %gather3A_1452 = tpu.vector_load_idx %arg8[%add3A_1410, %add3A_122] : memref<512x32xf32, #tpu.memory_space<vmem>>[vector<16xi32>, vector<16xi32>], vector<16xf32>,
        %gather3A_1453 = tpu.vector_load_idx %arg8[%add3A_1410, %add3A_125] : memref<512x32xf32, #tpu.memory_space<vmem>>[vector<16xi32>, vector<16xi32>], vector<16xf32>,
        %gather3A_1454 = tpu.vector_load_idx %arg8[%add3A_1410, %add3A_128] : memref<512x32xf32, #tpu.memory_space<vmem>>[vector<16xi32>, vector<16xi32>], vector<16xf32>,
        %gather3A_1455 = tpu.vector_load_idx %arg8[%add3A_1410, %add3A_131] : memref<512x32xf32, #tpu.memory_space<vmem>>[vector<16xi32>, vector<16xi32>], vector<16xf32>,
        %gather3A_1456 = tpu.vector_load_idx %arg8[%add3A_1410, %add3A_134] : memref<512x32xf32, #tpu.memory_space<vmem>>[vector<16xi32>, vector<16xi32>], vector<16xf32>,
        %gather3A_1457 = tpu.vector_load_idx %arg8[%add3A_1410, %add3A_137] : memref<512x32xf32, #tpu.memory_space<vmem>>[vector<16xi32>, vector<16xi32>], vector<16xf32>,
        %gather3A_1458 = tpu.vector_load_idx %arg8[%add3A_1410, %add3A_140] : memref<512x32xf32, #tpu.memory_space<vmem>>[vector<16xi32>, vector<16xi32>], vector<16xf32>,
        %gather3A_1459 = tpu.vector_load_idx %arg8[%add3A_1410, %add3A_143] : memref<512x32xf32, #tpu.memory_space<vmem>>[vector<16xi32>, vector<16xi32>], vector<16xf32>,
        %gather3A_1460 = tpu.vector_load_idx %arg8[%add3A_1410, %add3A_146] : memref<512x32xf32, #tpu.memory_space<vmem>>[vector<16xi32>, vector<16xi32>], vector<16xf32>,
        %gather3A_1461 = tpu.vector_load_idx %arg8[%add3A_1410, %add3A_149] : memref<512x32xf32, #tpu.memory_space<vmem>>[vector<16xi32>, vector<16xi32>], vector<16xf32>,
        %gather3A_1462 = tpu.vector_load_idx %arg8[%add3A_1410, %add3A_152] : memref<512x32xf32, #tpu.memory_space<vmem>>[vector<16xi32>, vector<16xi32>], vector<16xf32>,
        %add3A_1463 = arith.addi %add3A_213, %broadcast_in_dim3A : vector<16xi32>
        %add3A_1464 = arith.addi %add3A_227, %broadcast_in_dim3A : vector<16xi32>
        %add3A_1465 = arith.addi %add3A_241, %broadcast_in_dim3A : vector<16xi32>
        %add3A_1466 = arith.addi %add3A_255, %broadcast_in_dim3A : vector<16xi32>
        %add3A_1467 = arith.addi %add3A_269, %broadcast_in_dim3A : vector<16xi32>
        %add3A_1468 = arith.addi %add3A_283, %broadcast_in_dim3A : vector<16xi32>
        %add3A_1469 = arith.addi %add3A_297, %broadcast_in_dim3A : vector<16xi32>
        %add3A_1470 = arith.addi %add3A_311, %broadcast_in_dim3A : vector<16xi32>
        %add3A_1471 = arith.addi %add3A_325, %broadcast_in_dim3A : vector<16xi32>
        %add3A_1472 = arith.addi %add3A_339, %broadcast_in_dim3A : vector<16xi32>
        %add3A_1473 = arith.addi %add3A_353, %broadcast_in_dim3A : vector<16xi32>
        %add3A_1474 = arith.addi %add3A_367, %broadcast_in_dim3A : vector<16xi32>
        %add3A_1475 = arith.addi %add3A_381, %broadcast_in_dim3A : vector<16xi32>
        %add3A_1476 = arith.addi %add3A_395, %broadcast_in_dim3A : vector<16xi32>
        %add3A_1477 = arith.addi %add3A_409, %broadcast_in_dim3A : vector<16xi32>
        %add3A_1478 = arith.addi %add3A_423, %broadcast_in_dim3A : vector<16xi32>
        tpu.vector_store_idx %arg10[%add3A_1463], %gather3A : memref<16384xf32, #tpu.memory_space<vmem>>[vector<16xi32>], vector<16xf32>,
        tpu.vector_store_idx %arg10[%add3A_1464], %gather3A_1448 : memref<16384xf32, #tpu.memory_space<vmem>>[vector<16xi32>], vector<16xf32>,
        tpu.vector_store_idx %arg10[%add3A_1465], %gather3A_1449 : memref<16384xf32, #tpu.memory_space<vmem>>[vector<16xi32>], vector<16xf32>,
        tpu.vector_store_idx %arg10[%add3A_1466], %gather3A_1450 : memref<16384xf32, #tpu.memory_space<vmem>>[vector<16xi32>], vector<16xf32>,
        tpu.vector_store_idx %arg10[%add3A_1467], %gather3A_1451 : memref<16384xf32, #tpu.memory_space<vmem>>[vector<16xi32>], vector<16xf32>,
        tpu.vector_store_idx %arg10[%add3A_1468], %gather3A_1452 : memref<16384xf32, #tpu.memory_space<vmem>>[vector<16xi32>], vector<16xf32>,
        tpu.vector_store_idx %arg10[%add3A_1469], %gather3A_1453 : memref<16384xf32, #tpu.memory_space<vmem>>[vector<16xi32>], vector<16xf32>,
        tpu.vector_store_idx %arg10[%add3A_1470], %gather3A_1454 : memref<16384xf32, #tpu.memory_space<vmem>>[vector<16xi32>], vector<16xf32>,
        tpu.vector_store_idx %arg10[%add3A_1471], %gather3A_1455 : memref<16384xf32, #tpu.memory_space<vmem>>[vector<16xi32>], vector<16xf32>,
        tpu.vector_store_idx %arg10[%add3A_1472], %gather3A_1456 : memref<16384xf32, #tpu.memory_space<vmem>>[vector<16xi32>], vector<16xf32>,
        tpu.vector_store_idx %arg10[%add3A_1473], %gather3A_1457 : memref<16384xf32, #tpu.memory_space<vmem>>[vector<16xi32>], vector<16xf32>,
        tpu.vector_store_idx %arg10[%add3A_1474], %gather3A_1458 : memref<16384xf32, #tpu.memory_space<vmem>>[vector<16xi32>], vector<16xf32>,
        tpu.vector_store_idx %arg10[%add3A_1475], %gather3A_1459 : memref<16384xf32, #tpu.memory_space<vmem>>[vector<16xi32>], vector<16xf32>,
        tpu.vector_store_idx %arg10[%add3A_1476], %gather3A_1460 : memref<16384xf32, #tpu.memory_space<vmem>>[vector<16xi32>], vector<16xf32>,
        tpu.vector_store_idx %arg10[%add3A_1477], %gather3A_1461 : memref<16384xf32, #tpu.memory_space<vmem>>[vector<16xi32>], vector<16xf32>,
        tpu.vector_store_idx %arg10[%add3A_1478], %gather3A_1462 : memref<16384xf32, #tpu.memory_space<vmem>>[vector<16xi32>], vector<16xf32>,
        %gather3A_1479 = tpu.vector_load_idx %arg8[%add3A_1410, %add3A_155] : memref<512x32xf32, #tpu.memory_space<vmem>>[vector<16xi32>, vector<16xi32>], vector<16xf32>,
        %gather3A_1480 = tpu.vector_load_idx %arg8[%add3A_1410, %add3A_158] : memref<512x32xf32, #tpu.memory_space<vmem>>[vector<16xi32>, vector<16xi32>], vector<16xf32>,
        %gather3A_1481 = tpu.vector_load_idx %arg8[%add3A_1410, %add3A_161] : memref<512x32xf32, #tpu.memory_space<vmem>>[vector<16xi32>, vector<16xi32>], vector<16xf32>,
        %gather3A_1482 = tpu.vector_load_idx %arg8[%add3A_1410, %add3A_164] : memref<512x32xf32, #tpu.memory_space<vmem>>[vector<16xi32>, vector<16xi32>], vector<16xf32>,
        %gather3A_1483 = tpu.vector_load_idx %arg8[%add3A_1410, %add3A_167] : memref<512x32xf32, #tpu.memory_space<vmem>>[vector<16xi32>, vector<16xi32>], vector<16xf32>,
        %gather3A_1484 = tpu.vector_load_idx %arg8[%add3A_1410, %add3A_170] : memref<512x32xf32, #tpu.memory_space<vmem>>[vector<16xi32>, vector<16xi32>], vector<16xf32>,
        %gather3A_1485 = tpu.vector_load_idx %arg8[%add3A_1410, %add3A_173] : memref<512x32xf32, #tpu.memory_space<vmem>>[vector<16xi32>, vector<16xi32>], vector<16xf32>,
        %gather3A_1486 = tpu.vector_load_idx %arg8[%add3A_1410, %add3A_176] : memref<512x32xf32, #tpu.memory_space<vmem>>[vector<16xi32>, vector<16xi32>], vector<16xf32>,
        %gather3A_1487 = tpu.vector_load_idx %arg8[%add3A_1410, %add3A_179] : memref<512x32xf32, #tpu.memory_space<vmem>>[vector<16xi32>, vector<16xi32>], vector<16xf32>,
        %gather3A_1488 = tpu.vector_load_idx %arg8[%add3A_1410, %add3A_182] : memref<512x32xf32, #tpu.memory_space<vmem>>[vector<16xi32>, vector<16xi32>], vector<16xf32>,
        %gather3A_1489 = tpu.vector_load_idx %arg8[%add3A_1410, %add3A_185] : memref<512x32xf32, #tpu.memory_space<vmem>>[vector<16xi32>, vector<16xi32>], vector<16xf32>,
        %gather3A_1490 = tpu.vector_load_idx %arg8[%add3A_1410, %add3A_188] : memref<512x32xf32, #tpu.memory_space<vmem>>[vector<16xi32>, vector<16xi32>], vector<16xf32>,
        %gather3A_1491 = tpu.vector_load_idx %arg8[%add3A_1410, %add3A_191] : memref<512x32xf32, #tpu.memory_space<vmem>>[vector<16xi32>, vector<16xi32>], vector<16xf32>,
        %gather3A_1492 = tpu.vector_load_idx %arg8[%add3A_1410, %add3A_194] : memref<512x32xf32, #tpu.memory_space<vmem>>[vector<16xi32>, vector<16xi32>], vector<16xf32>,
        %gather3A_1493 = tpu.vector_load_idx %arg8[%add3A_1410, %add3A_197] : memref<512x32xf32, #tpu.memory_space<vmem>>[vector<16xi32>, vector<16xi32>], vector<16xf32>,
        %gather3A_1494 = tpu.vector_load_idx %arg8[%add3A_1410, %add3A_200] : memref<512x32xf32, #tpu.memory_space<vmem>>[vector<16xi32>, vector<16xi32>], vector<16xf32>,
        %add3A_1495 = arith.addi %add3A_437, %broadcast_in_dim3A : vector<16xi32>
        %add3A_1496 = arith.addi %add3A_451, %broadcast_in_dim3A : vector<16xi32>
        %add3A_1497 = arith.addi %add3A_465, %broadcast_in_dim3A : vector<16xi32>
        %add3A_1498 = arith.addi %add3A_479, %broadcast_in_dim3A : vector<16xi32>
        %add3A_1499 = arith.addi %add3A_493, %broadcast_in_dim3A : vector<16xi32>
        %add3A_1500 = arith.addi %add3A_507, %broadcast_in_dim3A : vector<16xi32>
        %add3A_1501 = arith.addi %add3A_521, %broadcast_in_dim3A : vector<16xi32>
        %add3A_1502 = arith.addi %add3A_535, %broadcast_in_dim3A : vector<16xi32>
        %add3A_1503 = arith.addi %add3A_549, %broadcast_in_dim3A : vector<16xi32>
        %add3A_1504 = arith.addi %add3A_563, %broadcast_in_dim3A : vector<16xi32>
        %add3A_1505 = arith.addi %add3A_577, %broadcast_in_dim3A : vector<16xi32>
        %add3A_1506 = arith.addi %add3A_591, %broadcast_in_dim3A : vector<16xi32>
        %add3A_1507 = arith.addi %add3A_605, %broadcast_in_dim3A : vector<16xi32>
        %add3A_1508 = arith.addi %add3A_619, %broadcast_in_dim3A : vector<16xi32>
        %add3A_1509 = arith.addi %add3A_633, %broadcast_in_dim3A : vector<16xi32>
        %add3A_1510 = arith.addi %add3A_647, %broadcast_in_dim3A : vector<16xi32>
        tpu.vector_store_idx %arg10[%add3A_1495], %gather3A_1479 : memref<16384xf32, #tpu.memory_space<vmem>>[vector<16xi32>], vector<16xf32>,
        tpu.vector_store_idx %arg10[%add3A_1496], %gather3A_1480 : memref<16384xf32, #tpu.memory_space<vmem>>[vector<16xi32>], vector<16xf32>,
        tpu.vector_store_idx %arg10[%add3A_1497], %gather3A_1481 : memref<16384xf32, #tpu.memory_space<vmem>>[vector<16xi32>], vector<16xf32>,
        tpu.vector_store_idx %arg10[%add3A_1498], %gather3A_1482 : memref<16384xf32, #tpu.memory_space<vmem>>[vector<16xi32>], vector<16xf32>,
        tpu.vector_store_idx %arg10[%add3A_1499], %gather3A_1483 : memref<16384xf32, #tpu.memory_space<vmem>>[vector<16xi32>], vector<16xf32>,
        tpu.vector_store_idx %arg10[%add3A_1500], %gather3A_1484 : memref<16384xf32, #tpu.memory_space<vmem>>[vector<16xi32>], vector<16xf32>,
        tpu.vector_store_idx %arg10[%add3A_1501], %gather3A_1485 : memref<16384xf32, #tpu.memory_space<vmem>>[vector<16xi32>], vector<16xf32>,
        tpu.vector_store_idx %arg10[%add3A_1502], %gather3A_1486 : memref<16384xf32, #tpu.memory_space<vmem>>[vector<16xi32>], vector<16xf32>,
        tpu.vector_store_idx %arg10[%add3A_1503], %gather3A_1487 : memref<16384xf32, #tpu.memory_space<vmem>>[vector<16xi32>], vector<16xf32>,
        tpu.vector_store_idx %arg10[%add3A_1504], %gather3A_1488 : memref<16384xf32, #tpu.memory_space<vmem>>[vector<16xi32>], vector<16xf32>,
        tpu.vector_store_idx %arg10[%add3A_1505], %gather3A_1489 : memref<16384xf32, #tpu.memory_space<vmem>>[vector<16xi32>], vector<16xf32>,
        tpu.vector_store_idx %arg10[%add3A_1506], %gather3A_1490 : memref<16384xf32, #tpu.memory_space<vmem>>[vector<16xi32>], vector<16xf32>,
        tpu.vector_store_idx %arg10[%add3A_1507], %gather3A_1491 : memref<16384xf32, #tpu.memory_space<vmem>>[vector<16xi32>], vector<16xf32>,
        tpu.vector_store_idx %arg10[%add3A_1508], %gather3A_1492 : memref<16384xf32, #tpu.memory_space<vmem>>[vector<16xi32>], vector<16xf32>,
        tpu.vector_store_idx %arg10[%add3A_1509], %gather3A_1493 : memref<16384xf32, #tpu.memory_space<vmem>>[vector<16xi32>], vector<16xf32>,
        tpu.vector_store_idx %arg10[%add3A_1510], %gather3A_1494 : memref<16384xf32, #tpu.memory_space<vmem>>[vector<16xi32>], vector<16xf32>,
      }
      %scan3A_1192 = arith.constant 32 : i32
      %mul3A_1193 = arith.constant 1024 : i32
      %mul3A_1194 = arith.muli %mul3A_2, %mul3A_1193 : i32
      %dma_start3A_1195 = arith.constant 0 : i32
      %dma_start3A_1196 = arith.constant 0 : i32
      %dma_start3A_1197 = tpu.memref_slice %arg10[%dma_start3A_1196] : memref<16384xf32, #tpu.memory_space<vmem>> -> memref<4096xf32, #tpu.memory_space<vmem>>
      %dma_start3A_1198 = tpu.memref_slice %arg4[%mul3A_1069, %dma_start3A_1195, %mul3A_1194] : memref<50x4x131072xf32, #tpu.memory_space<hbm>> -> memref<1x1x4096xf32, #tpu.memory_space<hbm>>
      %dma_start3A_1199 = tpu.memref_squeeze %dma_start3A_1198 : memref<1x1x4096xf32, #tpu.memory_space<hbm>> -> memref<4096xf32, #tpu.memory_space<hbm>>
      %dma_start3A_1200 = tpu.memref_slice %arg4[%mul3A_1069, %dma_start3A_1195, %mul3A_1194] : memref<50x4x131072xf32, #tpu.memory_space<hbm>> -> memref<1x1x4096xf32, #tpu.memory_space<hbm>>
      %dma_start3A_1201 = tpu.memref_squeeze %dma_start3A_1200 : memref<1x1x4096xf32, #tpu.memory_space<hbm>> -> memref<4096xf32, #tpu.memory_space<hbm>>
      %dma_start3A_1202 = arith.constant 0 : i32
      %dma_start3A_1203 = tpu.memref_slice %arg10[%dma_start3A_1202] : memref<16384xf32, #tpu.memory_space<vmem>> -> memref<4096xf32, #tpu.memory_space<vmem>>
      tpu.enqueue_dma source(%dma_start3A_1203 : memref<4096xf32, #tpu.memory_space<vmem>>) target(%dma_start3A_1201 : memref<4096xf32, #tpu.memory_space<hbm>>) target_semaphore(%arg15 : memref<!tpu.dma_semaphore, #tpu.memory_space<semaphore_mem>>)
      %mul3A_1204 = arith.constant 1024 : i32
      %mul3A_1205 = arith.muli %mul3A_2, %mul3A_1204 : i32
      %dma_start3A_1206 = arith.constant 1 : i32
      %dma_start3A_1207 = arith.constant 4096 : i32
      %dma_start3A_1208 = tpu.memref_slice %arg10[%dma_start3A_1207] : memref<16384xf32, #tpu.memory_space<vmem>> -> memref<4096xf32, #tpu.memory_space<vmem>>
      %dma_start3A_1209 = tpu.memref_slice %arg4[%mul3A_1069, %dma_start3A_1206, %mul3A_1205] : memref<50x4x131072xf32, #tpu.memory_space<hbm>> -> memref<1x1x4096xf32, #tpu.memory_space<hbm>>
      %dma_start3A_1210 = tpu.memref_squeeze %dma_start3A_1209 : memref<1x1x4096xf32, #tpu.memory_space<hbm>> -> memref<4096xf32, #tpu.memory_space<hbm>>
      %dma_start3A_1211 = tpu.memref_slice %arg4[%mul3A_1069, %dma_start3A_1206, %mul3A_1205] : memref<50x4x131072xf32, #tpu.memory_space<hbm>> -> memref<1x1x4096xf32, #tpu.memory_space<hbm>>
      %dma_start3A_1212 = tpu.memref_squeeze %dma_start3A_1211 : memref<1x1x4096xf32, #tpu.memory_space<hbm>> -> memref<4096xf32, #tpu.memory_space<hbm>>
      %dma_start3A_1213 = arith.constant 4096 : i32
      %dma_start3A_1214 = tpu.memref_slice %arg10[%dma_start3A_1213] : memref<16384xf32, #tpu.memory_space<vmem>> -> memref<4096xf32, #tpu.memory_space<vmem>>
      tpu.enqueue_dma source(%dma_start3A_1214 : memref<4096xf32, #tpu.memory_space<vmem>>) target(%dma_start3A_1212 : memref<4096xf32, #tpu.memory_space<hbm>>) target_semaphore(%arg15 : memref<!tpu.dma_semaphore, #tpu.memory_space<semaphore_mem>>)
      %mul3A_1215 = arith.constant 1024 : i32
      %mul3A_1216 = arith.muli %mul3A_2, %mul3A_1215 : i32
      %dma_start3A_1217 = arith.constant 2 : i32
      %dma_start3A_1218 = arith.constant 8192 : i32
      %dma_start3A_1219 = tpu.memref_slice %arg10[%dma_start3A_1218] : memref<16384xf32, #tpu.memory_space<vmem>> -> memref<4096xf32, #tpu.memory_space<vmem>>
      %dma_start3A_1220 = tpu.memref_slice %arg4[%mul3A_1069, %dma_start3A_1217, %mul3A_1216] : memref<50x4x131072xf32, #tpu.memory_space<hbm>> -> memref<1x1x4096xf32, #tpu.memory_space<hbm>>
      %dma_start3A_1221 = tpu.memref_squeeze %dma_start3A_1220 : memref<1x1x4096xf32, #tpu.memory_space<hbm>> -> memref<4096xf32, #tpu.memory_space<hbm>>
      %dma_start3A_1222 = tpu.memref_slice %arg4[%mul3A_1069, %dma_start3A_1217, %mul3A_1216] : memref<50x4x131072xf32, #tpu.memory_space<hbm>> -> memref<1x1x4096xf32, #tpu.memory_space<hbm>>
      %dma_start3A_1223 = tpu.memref_squeeze %dma_start3A_1222 : memref<1x1x4096xf32, #tpu.memory_space<hbm>> -> memref<4096xf32, #tpu.memory_space<hbm>>
      %dma_start3A_1224 = arith.constant 8192 : i32
      %dma_start3A_1225 = tpu.memref_slice %arg10[%dma_start3A_1224] : memref<16384xf32, #tpu.memory_space<vmem>> -> memref<4096xf32, #tpu.memory_space<vmem>>
      tpu.enqueue_dma source(%dma_start3A_1225 : memref<4096xf32, #tpu.memory_space<vmem>>) target(%dma_start3A_1223 : memref<4096xf32, #tpu.memory_space<hbm>>) target_semaphore(%arg15 : memref<!tpu.dma_semaphore, #tpu.memory_space<semaphore_mem>>)
      %mul3A_1226 = arith.constant 1024 : i32
      %mul3A_1227 = arith.muli %mul3A_2, %mul3A_1226 : i32
      %dma_start3A_1228 = arith.constant 3 : i32
      %dma_start3A_1229 = arith.constant 12288 : i32
      %dma_start3A_1230 = tpu.memref_slice %arg10[%dma_start3A_1229] : memref<16384xf32, #tpu.memory_space<vmem>> -> memref<4096xf32, #tpu.memory_space<vmem>>
      %dma_start3A_1231 = tpu.memref_slice %arg4[%mul3A_1069, %dma_start3A_1228, %mul3A_1227] : memref<50x4x131072xf32, #tpu.memory_space<hbm>> -> memref<1x1x4096xf32, #tpu.memory_space<hbm>>
      %dma_start3A_1232 = tpu.memref_squeeze %dma_start3A_1231 : memref<1x1x4096xf32, #tpu.memory_space<hbm>> -> memref<4096xf32, #tpu.memory_space<hbm>>
      %dma_start3A_1233 = tpu.memref_slice %arg4[%mul3A_1069, %dma_start3A_1228, %mul3A_1227] : memref<50x4x131072xf32, #tpu.memory_space<hbm>> -> memref<1x1x4096xf32, #tpu.memory_space<hbm>>
      %dma_start3A_1234 = tpu.memref_squeeze %dma_start3A_1233 : memref<1x1x4096xf32, #tpu.memory_space<hbm>> -> memref<4096xf32, #tpu.memory_space<hbm>>
      %dma_start3A_1235 = arith.constant 12288 : i32
      %dma_start3A_1236 = tpu.memref_slice %arg10[%dma_start3A_1235] : memref<16384xf32, #tpu.memory_space<vmem>> -> memref<4096xf32, #tpu.memory_space<vmem>>
      tpu.enqueue_dma source(%dma_start3A_1236 : memref<4096xf32, #tpu.memory_space<vmem>>) target(%dma_start3A_1234 : memref<4096xf32, #tpu.memory_space<hbm>>) target_semaphore(%arg15 : memref<!tpu.dma_semaphore, #tpu.memory_space<semaphore_mem>>)
      %add3A_1237 = arith.constant 2 : i32
      %add3A_1238 = arith.addi %mul3A_1069, %add3A_1237 : i32
      %min3A = arith.constant 49 : i32
      %min3A_1239 = arith.minsi %add3A_1238, %min3A : i32
      %scan3A_1240 = arith.constant 0 : i32
      %scan3A_1241 = arith.constant 0 : i32
      %scan3A_1242 = arith.constant 32 : i32
      %scan3A_1243 = arith.addi %scan3A_1241, %scan3A_1242 : i32
      %scan3A_1244 = arith.constant 1 : i32
      scf.for %scan3A_1406 = %scan3A_1241 to %scan3A_1243 step %scan3A_1244  : i32 {
        %mul3A_1407 = arith.constant 800 : i32
        %mul3A_1408 = arith.muli %scan3A_1406, %mul3A_1407 : i32
        %add3A_1409 = arith.addi %min3A_1239, %mul3A_1408 : i32
        %add3A_1410 = vector.broadcast %add3A_1409 : i32 to vector<16xi32>
        %add3A_1411 = arith.addi %mul3A_9, %add3A_1410 : vector<16xi32>
        %gather3A = tpu.vector_load_idx %arg5[%add3A_1411] : memref<25600xi32, #tpu.memory_space<vmem>>[vector<16xi32>], vector<16xi32>,
        %max3A = arith.constant 0 : i32
        %max3A_1412 = vector.broadcast %max3A : i32 to vector<16xi32>
        %max3A_1413 = arith.maxsi %gather3A, %max3A_1412 : vector<16xi32>
        %min3A_1414 = arith.constant 100000 : i32
        %min3A_1415 = vector.broadcast %min3A_1414 : i32 to vector<16xi32>
        %min3A_1416 = arith.minsi %max3A_1413, %min3A_1415 : vector<16xi32>
        %mul3A_1417 = arith.constant 16 : i32
        %mul3A_1418 = arith.muli %scan3A_1406, %mul3A_1417 : i32
        %swap3A = arith.index_cast %mul3A_1418 : i32 to index
        %swap3A_1419 = tpu.vector_load %arg6[%swap3A] {strides = array<i32>} : memref<512xi32, #tpu.memory_space<vmem>>, vector<16xi32>,
        tpu.vector_store %arg6[%swap3A], %min3A_1416 {strides = array<i32>} : memref<512xi32, #tpu.memory_space<vmem>>, vector<16xi32>,
      }
      %scan3A_1245 = arith.constant 32 : i32
      %dma_wait3A_1246 = arith.constant 0 : i32
      %dma_wait3A_1247 = arith.constant 0 : i32
      %dma_wait3A_1248 = tpu.memref_slice %arg9[%dma_wait3A_1246, %dma_wait3A_1247] : memref<512x32xf32, #tpu.memory_space<vmem>> -> memref<128x32xf32, #tpu.memory_space<vmem>>
      %dma_wait3A_1249 = arith.constant 0 : i32
      %dma_wait3A_1250 = tpu.memref_slice %arg7[%dma_wait3A_1249] : memref<512xi32, #tpu.memory_space<vmem>> -> memref<128xi32, #tpu.memory_space<vmem>>
      %dma_wait3A_1251 = arith.constant 0 : i32
      %dma_wait3A_1252 = arith.constant 0 : i32
      %dma_wait3A_1253 = tpu.memref_slice %arg3[%dma_wait3A_1251, %dma_wait3A_1252] : memref<100001x32xf32, #tpu.memory_space<hbm>> -> memref<100001x32xf32, #tpu.memory_space<hbm>>
      tpu.wait_indirect_dma semaphore(%arg14 : memref<!tpu.dma_semaphore, #tpu.memory_space<semaphore_mem>>) src(%dma_wait3A_1253 : memref<100001x32xf32, #tpu.memory_space<hbm>>) dst(%dma_wait3A_1248 : memref<128x32xf32, #tpu.memory_space<vmem>>)
      %dma_wait3A_1254 = arith.constant 128 : i32
      %dma_wait3A_1255 = arith.constant 0 : i32
      %dma_wait3A_1256 = tpu.memref_slice %arg9[%dma_wait3A_1254, %dma_wait3A_1255] : memref<512x32xf32, #tpu.memory_space<vmem>> -> memref<128x32xf32, #tpu.memory_space<vmem>>
      %dma_wait3A_1257 = arith.constant 128 : i32
      %dma_wait3A_1258 = tpu.memref_slice %arg7[%dma_wait3A_1257] : memref<512xi32, #tpu.memory_space<vmem>> -> memref<128xi32, #tpu.memory_space<vmem>>
      %dma_wait3A_1259 = arith.constant 0 : i32
      %dma_wait3A_1260 = arith.constant 0 : i32
      %dma_wait3A_1261 = tpu.memref_slice %arg3[%dma_wait3A_1259, %dma_wait3A_1260] : memref<100001x32xf32, #tpu.memory_space<hbm>> -> memref<100001x32xf32, #tpu.memory_space<hbm>>
      tpu.wait_indirect_dma semaphore(%arg14 : memref<!tpu.dma_semaphore, #tpu.memory_space<semaphore_mem>>) src(%dma_wait3A_1261 : memref<100001x32xf32, #tpu.memory_space<hbm>>) dst(%dma_wait3A_1256 : memref<128x32xf32, #tpu.memory_space<vmem>>)
      %dma_wait3A_1262 = arith.constant 256 : i32
      %dma_wait3A_1263 = arith.constant 0 : i32
      %dma_wait3A_1264 = tpu.memref_slice %arg9[%dma_wait3A_1262, %dma_wait3A_1263] : memref<512x32xf32, #tpu.memory_space<vmem>> -> memref<128x32xf32, #tpu.memory_space<vmem>>
      %dma_wait3A_1265 = arith.constant 256 : i32
      %dma_wait3A_1266 = tpu.memref_slice %arg7[%dma_wait3A_1265] : memref<512xi32, #tpu.memory_space<vmem>> -> memref<128xi32, #tpu.memory_space<vmem>>
      %dma_wait3A_1267 = arith.constant 0 : i32
      %dma_wait3A_1268 = arith.constant 0 : i32
      %dma_wait3A_1269 = tpu.memref_slice %arg3[%dma_wait3A_1267, %dma_wait3A_1268] : memref<100001x32xf32, #tpu.memory_space<hbm>> -> memref<100001x32xf32, #tpu.memory_space<hbm>>
      tpu.wait_indirect_dma semaphore(%arg14 : memref<!tpu.dma_semaphore, #tpu.memory_space<semaphore_mem>>) src(%dma_wait3A_1269 : memref<100001x32xf32, #tpu.memory_space<hbm>>) dst(%dma_wait3A_1264 : memref<128x32xf32, #tpu.memory_space<vmem>>)
      %dma_wait3A_1270 = arith.constant 384 : i32
      %dma_wait3A_1271 = arith.constant 0 : i32
      %dma_wait3A_1272 = tpu.memref_slice %arg9[%dma_wait3A_1270, %dma_wait3A_1271] : memref<512x32xf32, #tpu.memory_space<vmem>> -> memref<128x32xf32, #tpu.memory_space<vmem>>
      %dma_wait3A_1273 = arith.constant 384 : i32
      %dma_wait3A_1274 = tpu.memref_slice %arg7[%dma_wait3A_1273] : memref<512xi32, #tpu.memory_space<vmem>> -> memref<128xi32, #tpu.memory_space<vmem>>
      %dma_wait3A_1275 = arith.constant 0 : i32
      %dma_wait3A_1276 = arith.constant 0 : i32
      %dma_wait3A_1277 = tpu.memref_slice %arg3[%dma_wait3A_1275, %dma_wait3A_1276] : memref<100001x32xf32, #tpu.memory_space<hbm>> -> memref<100001x32xf32, #tpu.memory_space<hbm>>
      tpu.wait_indirect_dma semaphore(%arg14 : memref<!tpu.dma_semaphore, #tpu.memory_space<semaphore_mem>>) src(%dma_wait3A_1277 : memref<100001x32xf32, #tpu.memory_space<hbm>>) dst(%dma_wait3A_1272 : memref<128x32xf32, #tpu.memory_space<vmem>>)
      %dma_start3A_1278 = arith.constant 0 : i32
      %dma_start3A_1279 = arith.constant 0 : i32
      %dma_start3A_1280 = tpu.memref_slice %arg8[%dma_start3A_1278, %dma_start3A_1279] : memref<512x32xf32, #tpu.memory_space<vmem>> -> memref<128x32xf32, #tpu.memory_space<vmem>>
      %dma_start3A_1281 = arith.constant 0 : i32
      %dma_start3A_1282 = tpu.memref_slice %arg6[%dma_start3A_1281] : memref<512xi32, #tpu.memory_space<vmem>> -> memref<128xi32, #tpu.memory_space<vmem>>
      %dma_start3A_1283 = arith.constant 0 : i32
      %dma_start3A_1284 = arith.constant 0 : i32
      %dma_start3A_1285 = tpu.memref_slice %arg3[%dma_start3A_1283, %dma_start3A_1284] : memref<100001x32xf32, #tpu.memory_space<hbm>> -> memref<100001x32xf32, #tpu.memory_space<hbm>>
      tpu.enqueue_indirect_dma source(%dma_start3A_1285 : memref<100001x32xf32, #tpu.memory_space<hbm>>) target(%dma_start3A_1280 : memref<128x32xf32, #tpu.memory_space<vmem>>) offsets(%dma_start3A_1282 : memref<128xi32, #tpu.memory_space<vmem>>) semaphore(%arg13 : memref<!tpu.dma_semaphore, #tpu.memory_space<semaphore_mem>>)
      %dma_start3A_1286 = arith.constant 128 : i32
      %dma_start3A_1287 = arith.constant 0 : i32
      %dma_start3A_1288 = tpu.memref_slice %arg8[%dma_start3A_1286, %dma_start3A_1287] : memref<512x32xf32, #tpu.memory_space<vmem>> -> memref<128x32xf32, #tpu.memory_space<vmem>>
      %dma_start3A_1289 = arith.constant 128 : i32
      %dma_start3A_1290 = tpu.memref_slice %arg6[%dma_start3A_1289] : memref<512xi32, #tpu.memory_space<vmem>> -> memref<128xi32, #tpu.memory_space<vmem>>
      %dma_start3A_1291 = arith.constant 0 : i32
      %dma_start3A_1292 = arith.constant 0 : i32
      %dma_start3A_1293 = tpu.memref_slice %arg3[%dma_start3A_1291, %dma_start3A_1292] : memref<100001x32xf32, #tpu.memory_space<hbm>> -> memref<100001x32xf32, #tpu.memory_space<hbm>>
      tpu.enqueue_indirect_dma source(%dma_start3A_1293 : memref<100001x32xf32, #tpu.memory_space<hbm>>) target(%dma_start3A_1288 : memref<128x32xf32, #tpu.memory_space<vmem>>) offsets(%dma_start3A_1290 : memref<128xi32, #tpu.memory_space<vmem>>) semaphore(%arg13 : memref<!tpu.dma_semaphore, #tpu.memory_space<semaphore_mem>>)
      %dma_start3A_1294 = arith.constant 256 : i32
      %dma_start3A_1295 = arith.constant 0 : i32
      %dma_start3A_1296 = tpu.memref_slice %arg8[%dma_start3A_1294, %dma_start3A_1295] : memref<512x32xf32, #tpu.memory_space<vmem>> -> memref<128x32xf32, #tpu.memory_space<vmem>>
      %dma_start3A_1297 = arith.constant 256 : i32
      %dma_start3A_1298 = tpu.memref_slice %arg6[%dma_start3A_1297] : memref<512xi32, #tpu.memory_space<vmem>> -> memref<128xi32, #tpu.memory_space<vmem>>
      %dma_start3A_1299 = arith.constant 0 : i32
      %dma_start3A_1300 = arith.constant 0 : i32
      %dma_start3A_1301 = tpu.memref_slice %arg3[%dma_start3A_1299, %dma_start3A_1300] : memref<100001x32xf32, #tpu.memory_space<hbm>> -> memref<100001x32xf32, #tpu.memory_space<hbm>>
      tpu.enqueue_indirect_dma source(%dma_start3A_1301 : memref<100001x32xf32, #tpu.memory_space<hbm>>) target(%dma_start3A_1296 : memref<128x32xf32, #tpu.memory_space<vmem>>) offsets(%dma_start3A_1298 : memref<128xi32, #tpu.memory_space<vmem>>) semaphore(%arg13 : memref<!tpu.dma_semaphore, #tpu.memory_space<semaphore_mem>>)
      %dma_start3A_1302 = arith.constant 384 : i32
      %dma_start3A_1303 = arith.constant 0 : i32
      %dma_start3A_1304 = tpu.memref_slice %arg8[%dma_start3A_1302, %dma_start3A_1303] : memref<512x32xf32, #tpu.memory_space<vmem>> -> memref<128x32xf32, #tpu.memory_space<vmem>>
      %dma_start3A_1305 = arith.constant 384 : i32
      %dma_start3A_1306 = tpu.memref_slice %arg6[%dma_start3A_1305] : memref<512xi32, #tpu.memory_space<vmem>> -> memref<128xi32, #tpu.memory_space<vmem>>
      %dma_start3A_1307 = arith.constant 0 : i32
      %dma_start3A_1308 = arith.constant 0 : i32
      %dma_start3A_1309 = tpu.memref_slice %arg3[%dma_start3A_1307, %dma_start3A_1308] : memref<100001x32xf32, #tpu.memory_space<hbm>> -> memref<100001x32xf32, #tpu.memory_space<hbm>>
      tpu.enqueue_indirect_dma source(%dma_start3A_1309 : memref<100001x32xf32, #tpu.memory_space<hbm>>) target(%dma_start3A_1304 : memref<128x32xf32, #tpu.memory_space<vmem>>) offsets(%dma_start3A_1306 : memref<128xi32, #tpu.memory_space<vmem>>) semaphore(%arg13 : memref<!tpu.dma_semaphore, #tpu.memory_space<semaphore_mem>>)
      %sub3A_1310 = arith.constant 2 : i32
      %sub3A_1311 = arith.subi %add3A_1071, %sub3A_1310 : i32
      %mul3A_1312 = arith.constant 1024 : i32
      %mul3A_1313 = arith.muli %mul3A_2, %mul3A_1312 : i32
      %dma_wait3A_1314 = arith.constant 0 : i32
      %dma_wait3A_1315 = arith.constant 0 : i32
      %dma_wait3A_1316 = tpu.memref_slice %arg11[%dma_wait3A_1315] : memref<16384xf32, #tpu.memory_space<vmem>> -> memref<4096xf32, #tpu.memory_space<vmem>>
      %dma_wait3A_1317 = tpu.memref_slice %arg4[%sub3A_1311, %dma_wait3A_1314, %mul3A_1313] : memref<50x4x131072xf32, #tpu.memory_space<hbm>> -> memref<1x1x4096xf32, #tpu.memory_space<hbm>>
      %dma_wait3A_1318 = tpu.memref_squeeze %dma_wait3A_1317 : memref<1x1x4096xf32, #tpu.memory_space<hbm>> -> memref<4096xf32, #tpu.memory_space<hbm>>
      %dma_wait3A_1319 = tpu.memref_slice %arg4[%sub3A_1311, %dma_wait3A_1314, %mul3A_1313] : memref<50x4x131072xf32, #tpu.memory_space<hbm>> -> memref<1x1x4096xf32, #tpu.memory_space<hbm>>
      %dma_wait3A_1320 = tpu.memref_squeeze %dma_wait3A_1319 : memref<1x1x4096xf32, #tpu.memory_space<hbm>> -> memref<4096xf32, #tpu.memory_space<hbm>>
      %dma_wait3A_1321 = arith.constant 0 : i32
      %dma_wait3A_1322 = tpu.memref_slice %arg11[%dma_wait3A_1321] : memref<16384xf32, #tpu.memory_space<vmem>> -> memref<4096xf32, #tpu.memory_space<vmem>>
      tpu.wait_dma2 semaphore(%arg16 : memref<!tpu.dma_semaphore, #tpu.memory_space<semaphore_mem>>) src(%dma_wait3A_1322 : memref<4096xf32, #tpu.memory_space<vmem>>) dst(%dma_wait3A_1320 : memref<4096xf32, #tpu.memory_space<hbm>>)
      %mul3A_1323 = arith.constant 1024 : i32
      %mul3A_1324 = arith.muli %mul3A_2, %mul3A_1323 : i32
      %dma_wait3A_1325 = arith.constant 1 : i32
      %dma_wait3A_1326 = arith.constant 4096 : i32
      %dma_wait3A_1327 = tpu.memref_slice %arg11[%dma_wait3A_1326] : memref<16384xf32, #tpu.memory_space<vmem>> -> memref<4096xf32, #tpu.memory_space<vmem>>
      %dma_wait3A_1328 = tpu.memref_slice %arg4[%sub3A_1311, %dma_wait3A_1325, %mul3A_1324] : memref<50x4x131072xf32, #tpu.memory_space<hbm>> -> memref<1x1x4096xf32, #tpu.memory_space<hbm>>
      %dma_wait3A_1329 = tpu.memref_squeeze %dma_wait3A_1328 : memref<1x1x4096xf32, #tpu.memory_space<hbm>> -> memref<4096xf32, #tpu.memory_space<hbm>>
      %dma_wait3A_1330 = tpu.memref_slice %arg4[%sub3A_1311, %dma_wait3A_1325, %mul3A_1324] : memref<50x4x131072xf32, #tpu.memory_space<hbm>> -> memref<1x1x4096xf32, #tpu.memory_space<hbm>>
      %dma_wait3A_1331 = tpu.memref_squeeze %dma_wait3A_1330 : memref<1x1x4096xf32, #tpu.memory_space<hbm>> -> memref<4096xf32, #tpu.memory_space<hbm>>
      %dma_wait3A_1332 = arith.constant 4096 : i32
      %dma_wait3A_1333 = tpu.memref_slice %arg11[%dma_wait3A_1332] : memref<16384xf32, #tpu.memory_space<vmem>> -> memref<4096xf32, #tpu.memory_space<vmem>>
      tpu.wait_dma2 semaphore(%arg16 : memref<!tpu.dma_semaphore, #tpu.memory_space<semaphore_mem>>) src(%dma_wait3A_1333 : memref<4096xf32, #tpu.memory_space<vmem>>) dst(%dma_wait3A_1331 : memref<4096xf32, #tpu.memory_space<hbm>>)
      %mul3A_1334 = arith.constant 1024 : i32
      %mul3A_1335 = arith.muli %mul3A_2, %mul3A_1334 : i32
      %dma_wait3A_1336 = arith.constant 2 : i32
      %dma_wait3A_1337 = arith.constant 8192 : i32
      %dma_wait3A_1338 = tpu.memref_slice %arg11[%dma_wait3A_1337] : memref<16384xf32, #tpu.memory_space<vmem>> -> memref<4096xf32, #tpu.memory_space<vmem>>
      %dma_wait3A_1339 = tpu.memref_slice %arg4[%sub3A_1311, %dma_wait3A_1336, %mul3A_1335] : memref<50x4x131072xf32, #tpu.memory_space<hbm>> -> memref<1x1x4096xf32, #tpu.memory_space<hbm>>
      %dma_wait3A_1340 = tpu.memref_squeeze %dma_wait3A_1339 : memref<1x1x4096xf32, #tpu.memory_space<hbm>> -> memref<4096xf32, #tpu.memory_space<hbm>>
      %dma_wait3A_1341 = tpu.memref_slice %arg4[%sub3A_1311, %dma_wait3A_1336, %mul3A_1335] : memref<50x4x131072xf32, #tpu.memory_space<hbm>> -> memref<1x1x4096xf32, #tpu.memory_space<hbm>>
      %dma_wait3A_1342 = tpu.memref_squeeze %dma_wait3A_1341 : memref<1x1x4096xf32, #tpu.memory_space<hbm>> -> memref<4096xf32, #tpu.memory_space<hbm>>
      %dma_wait3A_1343 = arith.constant 8192 : i32
      %dma_wait3A_1344 = tpu.memref_slice %arg11[%dma_wait3A_1343] : memref<16384xf32, #tpu.memory_space<vmem>> -> memref<4096xf32, #tpu.memory_space<vmem>>
      tpu.wait_dma2 semaphore(%arg16 : memref<!tpu.dma_semaphore, #tpu.memory_space<semaphore_mem>>) src(%dma_wait3A_1344 : memref<4096xf32, #tpu.memory_space<vmem>>) dst(%dma_wait3A_1342 : memref<4096xf32, #tpu.memory_space<hbm>>)
      %mul3A_1345 = arith.constant 1024 : i32
      %mul3A_1346 = arith.muli %mul3A_2, %mul3A_1345 : i32
      %dma_wait3A_1347 = arith.constant 3 : i32
      %dma_wait3A_1348 = arith.constant 12288 : i32
      %dma_wait3A_1349 = tpu.memref_slice %arg11[%dma_wait3A_1348] : memref<16384xf32, #tpu.memory_space<vmem>> -> memref<4096xf32, #tpu.memory_space<vmem>>
      %dma_wait3A_1350 = tpu.memref_slice %arg4[%sub3A_1311, %dma_wait3A_1347, %mul3A_1346] : memref<50x4x131072xf32, #tpu.memory_space<hbm>> -> memref<1x1x4096xf32, #tpu.memory_space<hbm>>
      %dma_wait3A_1351 = tpu.memref_squeeze %dma_wait3A_1350 : memref<1x1x4096xf32, #tpu.memory_space<hbm>> -> memref<4096xf32, #tpu.memory_space<hbm>>
      %dma_wait3A_1352 = tpu.memref_slice %arg4[%sub3A_1311, %dma_wait3A_1347, %mul3A_1346] : memref<50x4x131072xf32, #tpu.memory_space<hbm>> -> memref<1x1x4096xf32, #tpu.memory_space<hbm>>
      %dma_wait3A_1353 = tpu.memref_squeeze %dma_wait3A_1352 : memref<1x1x4096xf32, #tpu.memory_space<hbm>> -> memref<4096xf32, #tpu.memory_space<hbm>>
      %dma_wait3A_1354 = arith.constant 12288 : i32
      %dma_wait3A_1355 = tpu.memref_slice %arg11[%dma_wait3A_1354] : memref<16384xf32, #tpu.memory_space<vmem>> -> memref<4096xf32, #tpu.memory_space<vmem>>
      tpu.wait_dma2 semaphore(%arg16 : memref<!tpu.dma_semaphore, #tpu.memory_space<semaphore_mem>>) src(%dma_wait3A_1355 : memref<4096xf32, #tpu.memory_space<vmem>>) dst(%dma_wait3A_1353 : memref<4096xf32, #tpu.memory_space<hbm>>)
      %scan3A_1356 = arith.constant 0 : i32
      %scan3A_1357 = arith.constant 0 : i32
      %scan3A_1358 = arith.constant 32 : i32
      %scan3A_1359 = arith.addi %scan3A_1357, %scan3A_1358 : i32
      %scan3A_1360 = arith.constant 1 : i32
      scf.for %scan3A_1406 = %scan3A_1357 to %scan3A_1359 step %scan3A_1360  : i32 {
        %mul3A_1407 = arith.constant 16 : i32
        %mul3A_1408 = arith.muli %scan3A_1406, %mul3A_1407 : i32
        %add3A_1409 = vector.broadcast %mul3A_1408 : i32 to vector<16xi32>
        %add3A_1410 = arith.addi %iota3A, %add3A_1409 : vector<16xi32>
        %jit3A = arith.constant 8 : i32
        %div3A = arith.divsi %scan3A_1406, %jit3A : i32
        %sign3A = arith.constant 0 : i32
        %sign3A_1411 = arith.cmpi sgt, %scan3A_1406, %sign3A : i32
        %sign3A_1412 = arith.extui %sign3A_1411 : i1 to i32
        %sign3A_1413 = arith.constant 0 : i32
        %sign3A_1414 = arith.cmpi slt, %scan3A_1406, %sign3A_1413 : i32
        %sign3A_1415 = arith.extui %sign3A_1414 : i1 to i32
        %sign3A_1416 = arith.subi %sign3A_1412, %sign3A_1415 : i32
        %sign3A_1417 = arith.constant 0 : i32
        %sign3A_1418 = arith.cmpi sgt, %jit3A, %sign3A_1417 : i32
        %sign3A_1419 = arith.extui %sign3A_1418 : i1 to i32
        %sign3A_1420 = arith.constant 0 : i32
        %sign3A_1421 = arith.cmpi slt, %jit3A, %sign3A_1420 : i32
        %sign3A_1422 = arith.extui %sign3A_1421 : i1 to i32
        %sign3A_1423 = arith.subi %sign3A_1419, %sign3A_1422 : i32
        %ne3A = arith.cmpi ne, %sign3A_1416, %sign3A_1423 : i32
        %rem3A = arith.remsi %scan3A_1406, %jit3A : i32
        %ne3A_1424 = arith.constant 0 : i32
        %ne3A_1425 = arith.cmpi ne, %rem3A, %ne3A_1424 : i32
        %and3A_1426 = arith.andi %ne3A, %ne3A_1425 : i1
        %sub3A_1427 = arith.constant 1 : i32
        %sub3A_1428 = arith.subi %div3A, %sub3A_1427 : i32
        %select_n3A = arith.select %and3A_1426, %sub3A_1428, %div3A : i32
        %mul3A_1429 = arith.constant 1024 : i32
        %mul3A_1430 = arith.muli %select_n3A, %mul3A_1429 : i32
        %jit3A_1431 = arith.constant 8 : i32
        %eq3A = arith.constant 0 : i32
        %eq3A_1432 = arith.cmpi eq, %jit3A_1431, %eq3A : i32
        %jit3A_1433 = arith.constant 1 : i32
        %select_n3A_1434 = arith.select %eq3A_1432, %jit3A_1433, %jit3A_1431 : i32
        %rem3A_1435 = arith.remsi %scan3A_1406, %select_n3A_1434 : i32
        %ne3A_1436 = arith.constant 0 : i32
        %ne3A_1437 = arith.cmpi ne, %rem3A_1435, %ne3A_1436 : i32
        %lt3A = arith.constant 0 : i32
        %lt3A_1438 = arith.cmpi slt, %rem3A_1435, %lt3A : i32
        %lt3A_1439 = arith.constant 0 : i32
        %lt3A_1440 = arith.cmpi slt, %select_n3A_1434, %lt3A_1439 : i32
        %ne3A_1441 = arith.xori %lt3A_1438, %lt3A_1440 : i1
        %and3A_1442 = arith.andi %ne3A_1441, %ne3A_1437 : i1
        %add3A_1443 = arith.addi %rem3A_1435, %select_n3A_1434 : i32
        %select_n3A_1444 = arith.select %and3A_1442, %add3A_1443, %rem3A_1435 : i32
        %mul3A_1445 = arith.constant 16 : i32
        %mul3A_1446 = arith.muli %select_n3A_1444, %mul3A_1445 : i32
        %add3A_1447 = arith.addi %mul3A_1430, %mul3A_1446 : i32
        %broadcast_in_dim3A = vector.broadcast %add3A_1447 : i32 to vector<16xi32>
        %gather3A = tpu.vector_load_idx %arg9[%add3A_1410, %add3A_107] : memref<512x32xf32, #tpu.memory_space<vmem>>[vector<16xi32>, vector<16xi32>], vector<16xf32>,
        %gather3A_1448 = tpu.vector_load_idx %arg9[%add3A_1410, %add3A_110] : memref<512x32xf32, #tpu.memory_space<vmem>>[vector<16xi32>, vector<16xi32>], vector<16xf32>,
        %gather3A_1449 = tpu.vector_load_idx %arg9[%add3A_1410, %add3A_113] : memref<512x32xf32, #tpu.memory_space<vmem>>[vector<16xi32>, vector<16xi32>], vector<16xf32>,
        %gather3A_1450 = tpu.vector_load_idx %arg9[%add3A_1410, %add3A_116] : memref<512x32xf32, #tpu.memory_space<vmem>>[vector<16xi32>, vector<16xi32>], vector<16xf32>,
        %gather3A_1451 = tpu.vector_load_idx %arg9[%add3A_1410, %add3A_119] : memref<512x32xf32, #tpu.memory_space<vmem>>[vector<16xi32>, vector<16xi32>], vector<16xf32>,
        %gather3A_1452 = tpu.vector_load_idx %arg9[%add3A_1410, %add3A_122] : memref<512x32xf32, #tpu.memory_space<vmem>>[vector<16xi32>, vector<16xi32>], vector<16xf32>,
        %gather3A_1453 = tpu.vector_load_idx %arg9[%add3A_1410, %add3A_125] : memref<512x32xf32, #tpu.memory_space<vmem>>[vector<16xi32>, vector<16xi32>], vector<16xf32>,
        %gather3A_1454 = tpu.vector_load_idx %arg9[%add3A_1410, %add3A_128] : memref<512x32xf32, #tpu.memory_space<vmem>>[vector<16xi32>, vector<16xi32>], vector<16xf32>,
        %gather3A_1455 = tpu.vector_load_idx %arg9[%add3A_1410, %add3A_131] : memref<512x32xf32, #tpu.memory_space<vmem>>[vector<16xi32>, vector<16xi32>], vector<16xf32>,
        %gather3A_1456 = tpu.vector_load_idx %arg9[%add3A_1410, %add3A_134] : memref<512x32xf32, #tpu.memory_space<vmem>>[vector<16xi32>, vector<16xi32>], vector<16xf32>,
        %gather3A_1457 = tpu.vector_load_idx %arg9[%add3A_1410, %add3A_137] : memref<512x32xf32, #tpu.memory_space<vmem>>[vector<16xi32>, vector<16xi32>], vector<16xf32>,
        %gather3A_1458 = tpu.vector_load_idx %arg9[%add3A_1410, %add3A_140] : memref<512x32xf32, #tpu.memory_space<vmem>>[vector<16xi32>, vector<16xi32>], vector<16xf32>,
        %gather3A_1459 = tpu.vector_load_idx %arg9[%add3A_1410, %add3A_143] : memref<512x32xf32, #tpu.memory_space<vmem>>[vector<16xi32>, vector<16xi32>], vector<16xf32>,
        %gather3A_1460 = tpu.vector_load_idx %arg9[%add3A_1410, %add3A_146] : memref<512x32xf32, #tpu.memory_space<vmem>>[vector<16xi32>, vector<16xi32>], vector<16xf32>,
        %gather3A_1461 = tpu.vector_load_idx %arg9[%add3A_1410, %add3A_149] : memref<512x32xf32, #tpu.memory_space<vmem>>[vector<16xi32>, vector<16xi32>], vector<16xf32>,
        %gather3A_1462 = tpu.vector_load_idx %arg9[%add3A_1410, %add3A_152] : memref<512x32xf32, #tpu.memory_space<vmem>>[vector<16xi32>, vector<16xi32>], vector<16xf32>,
        %add3A_1463 = arith.addi %add3A_213, %broadcast_in_dim3A : vector<16xi32>
        %add3A_1464 = arith.addi %add3A_227, %broadcast_in_dim3A : vector<16xi32>
        %add3A_1465 = arith.addi %add3A_241, %broadcast_in_dim3A : vector<16xi32>
        %add3A_1466 = arith.addi %add3A_255, %broadcast_in_dim3A : vector<16xi32>
        %add3A_1467 = arith.addi %add3A_269, %broadcast_in_dim3A : vector<16xi32>
        %add3A_1468 = arith.addi %add3A_283, %broadcast_in_dim3A : vector<16xi32>
        %add3A_1469 = arith.addi %add3A_297, %broadcast_in_dim3A : vector<16xi32>
        %add3A_1470 = arith.addi %add3A_311, %broadcast_in_dim3A : vector<16xi32>
        %add3A_1471 = arith.addi %add3A_325, %broadcast_in_dim3A : vector<16xi32>
        %add3A_1472 = arith.addi %add3A_339, %broadcast_in_dim3A : vector<16xi32>
        %add3A_1473 = arith.addi %add3A_353, %broadcast_in_dim3A : vector<16xi32>
        %add3A_1474 = arith.addi %add3A_367, %broadcast_in_dim3A : vector<16xi32>
        %add3A_1475 = arith.addi %add3A_381, %broadcast_in_dim3A : vector<16xi32>
        %add3A_1476 = arith.addi %add3A_395, %broadcast_in_dim3A : vector<16xi32>
        %add3A_1477 = arith.addi %add3A_409, %broadcast_in_dim3A : vector<16xi32>
        %add3A_1478 = arith.addi %add3A_423, %broadcast_in_dim3A : vector<16xi32>
        tpu.vector_store_idx %arg11[%add3A_1463], %gather3A : memref<16384xf32, #tpu.memory_space<vmem>>[vector<16xi32>], vector<16xf32>,
        tpu.vector_store_idx %arg11[%add3A_1464], %gather3A_1448 : memref<16384xf32, #tpu.memory_space<vmem>>[vector<16xi32>], vector<16xf32>,
        tpu.vector_store_idx %arg11[%add3A_1465], %gather3A_1449 : memref<16384xf32, #tpu.memory_space<vmem>>[vector<16xi32>], vector<16xf32>,
        tpu.vector_store_idx %arg11[%add3A_1466], %gather3A_1450 : memref<16384xf32, #tpu.memory_space<vmem>>[vector<16xi32>], vector<16xf32>,
        tpu.vector_store_idx %arg11[%add3A_1467], %gather3A_1451 : memref<16384xf32, #tpu.memory_space<vmem>>[vector<16xi32>], vector<16xf32>,
        tpu.vector_store_idx %arg11[%add3A_1468], %gather3A_1452 : memref<16384xf32, #tpu.memory_space<vmem>>[vector<16xi32>], vector<16xf32>,
        tpu.vector_store_idx %arg11[%add3A_1469], %gather3A_1453 : memref<16384xf32, #tpu.memory_space<vmem>>[vector<16xi32>], vector<16xf32>,
        tpu.vector_store_idx %arg11[%add3A_1470], %gather3A_1454 : memref<16384xf32, #tpu.memory_space<vmem>>[vector<16xi32>], vector<16xf32>,
        tpu.vector_store_idx %arg11[%add3A_1471], %gather3A_1455 : memref<16384xf32, #tpu.memory_space<vmem>>[vector<16xi32>], vector<16xf32>,
        tpu.vector_store_idx %arg11[%add3A_1472], %gather3A_1456 : memref<16384xf32, #tpu.memory_space<vmem>>[vector<16xi32>], vector<16xf32>,
        tpu.vector_store_idx %arg11[%add3A_1473], %gather3A_1457 : memref<16384xf32, #tpu.memory_space<vmem>>[vector<16xi32>], vector<16xf32>,
        tpu.vector_store_idx %arg11[%add3A_1474], %gather3A_1458 : memref<16384xf32, #tpu.memory_space<vmem>>[vector<16xi32>], vector<16xf32>,
        tpu.vector_store_idx %arg11[%add3A_1475], %gather3A_1459 : memref<16384xf32, #tpu.memory_space<vmem>>[vector<16xi32>], vector<16xf32>,
        tpu.vector_store_idx %arg11[%add3A_1476], %gather3A_1460 : memref<16384xf32, #tpu.memory_space<vmem>>[vector<16xi32>], vector<16xf32>,
        tpu.vector_store_idx %arg11[%add3A_1477], %gather3A_1461 : memref<16384xf32, #tpu.memory_space<vmem>>[vector<16xi32>], vector<16xf32>,
        tpu.vector_store_idx %arg11[%add3A_1478], %gather3A_1462 : memref<16384xf32, #tpu.memory_space<vmem>>[vector<16xi32>], vector<16xf32>,
        %gather3A_1479 = tpu.vector_load_idx %arg9[%add3A_1410, %add3A_155] : memref<512x32xf32, #tpu.memory_space<vmem>>[vector<16xi32>, vector<16xi32>], vector<16xf32>,
        %gather3A_1480 = tpu.vector_load_idx %arg9[%add3A_1410, %add3A_158] : memref<512x32xf32, #tpu.memory_space<vmem>>[vector<16xi32>, vector<16xi32>], vector<16xf32>,
        %gather3A_1481 = tpu.vector_load_idx %arg9[%add3A_1410, %add3A_161] : memref<512x32xf32, #tpu.memory_space<vmem>>[vector<16xi32>, vector<16xi32>], vector<16xf32>,
        %gather3A_1482 = tpu.vector_load_idx %arg9[%add3A_1410, %add3A_164] : memref<512x32xf32, #tpu.memory_space<vmem>>[vector<16xi32>, vector<16xi32>], vector<16xf32>,
        %gather3A_1483 = tpu.vector_load_idx %arg9[%add3A_1410, %add3A_167] : memref<512x32xf32, #tpu.memory_space<vmem>>[vector<16xi32>, vector<16xi32>], vector<16xf32>,
        %gather3A_1484 = tpu.vector_load_idx %arg9[%add3A_1410, %add3A_170] : memref<512x32xf32, #tpu.memory_space<vmem>>[vector<16xi32>, vector<16xi32>], vector<16xf32>,
        %gather3A_1485 = tpu.vector_load_idx %arg9[%add3A_1410, %add3A_173] : memref<512x32xf32, #tpu.memory_space<vmem>>[vector<16xi32>, vector<16xi32>], vector<16xf32>,
        %gather3A_1486 = tpu.vector_load_idx %arg9[%add3A_1410, %add3A_176] : memref<512x32xf32, #tpu.memory_space<vmem>>[vector<16xi32>, vector<16xi32>], vector<16xf32>,
        %gather3A_1487 = tpu.vector_load_idx %arg9[%add3A_1410, %add3A_179] : memref<512x32xf32, #tpu.memory_space<vmem>>[vector<16xi32>, vector<16xi32>], vector<16xf32>,
        %gather3A_1488 = tpu.vector_load_idx %arg9[%add3A_1410, %add3A_182] : memref<512x32xf32, #tpu.memory_space<vmem>>[vector<16xi32>, vector<16xi32>], vector<16xf32>,
        %gather3A_1489 = tpu.vector_load_idx %arg9[%add3A_1410, %add3A_185] : memref<512x32xf32, #tpu.memory_space<vmem>>[vector<16xi32>, vector<16xi32>], vector<16xf32>,
        %gather3A_1490 = tpu.vector_load_idx %arg9[%add3A_1410, %add3A_188] : memref<512x32xf32, #tpu.memory_space<vmem>>[vector<16xi32>, vector<16xi32>], vector<16xf32>,
        %gather3A_1491 = tpu.vector_load_idx %arg9[%add3A_1410, %add3A_191] : memref<512x32xf32, #tpu.memory_space<vmem>>[vector<16xi32>, vector<16xi32>], vector<16xf32>,
        %gather3A_1492 = tpu.vector_load_idx %arg9[%add3A_1410, %add3A_194] : memref<512x32xf32, #tpu.memory_space<vmem>>[vector<16xi32>, vector<16xi32>], vector<16xf32>,
        %gather3A_1493 = tpu.vector_load_idx %arg9[%add3A_1410, %add3A_197] : memref<512x32xf32, #tpu.memory_space<vmem>>[vector<16xi32>, vector<16xi32>], vector<16xf32>,
        %gather3A_1494 = tpu.vector_load_idx %arg9[%add3A_1410, %add3A_200] : memref<512x32xf32, #tpu.memory_space<vmem>>[vector<16xi32>, vector<16xi32>], vector<16xf32>,
        %add3A_1495 = arith.addi %add3A_437, %broadcast_in_dim3A : vector<16xi32>
        %add3A_1496 = arith.addi %add3A_451, %broadcast_in_dim3A : vector<16xi32>
        %add3A_1497 = arith.addi %add3A_465, %broadcast_in_dim3A : vector<16xi32>
        %add3A_1498 = arith.addi %add3A_479, %broadcast_in_dim3A : vector<16xi32>
        %add3A_1499 = arith.addi %add3A_493, %broadcast_in_dim3A : vector<16xi32>
        %add3A_1500 = arith.addi %add3A_507, %broadcast_in_dim3A : vector<16xi32>
        %add3A_1501 = arith.addi %add3A_521, %broadcast_in_dim3A : vector<16xi32>
        %add3A_1502 = arith.addi %add3A_535, %broadcast_in_dim3A : vector<16xi32>
        %add3A_1503 = arith.addi %add3A_549, %broadcast_in_dim3A : vector<16xi32>
        %add3A_1504 = arith.addi %add3A_563, %broadcast_in_dim3A : vector<16xi32>
        %add3A_1505 = arith.addi %add3A_577, %broadcast_in_dim3A : vector<16xi32>
        %add3A_1506 = arith.addi %add3A_591, %broadcast_in_dim3A : vector<16xi32>
        %add3A_1507 = arith.addi %add3A_605, %broadcast_in_dim3A : vector<16xi32>
        %add3A_1508 = arith.addi %add3A_619, %broadcast_in_dim3A : vector<16xi32>
        %add3A_1509 = arith.addi %add3A_633, %broadcast_in_dim3A : vector<16xi32>
        %add3A_1510 = arith.addi %add3A_647, %broadcast_in_dim3A : vector<16xi32>
        tpu.vector_store_idx %arg11[%add3A_1495], %gather3A_1479 : memref<16384xf32, #tpu.memory_space<vmem>>[vector<16xi32>], vector<16xf32>,
        tpu.vector_store_idx %arg11[%add3A_1496], %gather3A_1480 : memref<16384xf32, #tpu.memory_space<vmem>>[vector<16xi32>], vector<16xf32>,
        tpu.vector_store_idx %arg11[%add3A_1497], %gather3A_1481 : memref<16384xf32, #tpu.memory_space<vmem>>[vector<16xi32>], vector<16xf32>,
        tpu.vector_store_idx %arg11[%add3A_1498], %gather3A_1482 : memref<16384xf32, #tpu.memory_space<vmem>>[vector<16xi32>], vector<16xf32>,
        tpu.vector_store_idx %arg11[%add3A_1499], %gather3A_1483 : memref<16384xf32, #tpu.memory_space<vmem>>[vector<16xi32>], vector<16xf32>,
        tpu.vector_store_idx %arg11[%add3A_1500], %gather3A_1484 : memref<16384xf32, #tpu.memory_space<vmem>>[vector<16xi32>], vector<16xf32>,
        tpu.vector_store_idx %arg11[%add3A_1501], %gather3A_1485 : memref<16384xf32, #tpu.memory_space<vmem>>[vector<16xi32>], vector<16xf32>,
        tpu.vector_store_idx %arg11[%add3A_1502], %gather3A_1486 : memref<16384xf32, #tpu.memory_space<vmem>>[vector<16xi32>], vector<16xf32>,
        tpu.vector_store_idx %arg11[%add3A_1503], %gather3A_1487 : memref<16384xf32, #tpu.memory_space<vmem>>[vector<16xi32>], vector<16xf32>,
        tpu.vector_store_idx %arg11[%add3A_1504], %gather3A_1488 : memref<16384xf32, #tpu.memory_space<vmem>>[vector<16xi32>], vector<16xf32>,
        tpu.vector_store_idx %arg11[%add3A_1505], %gather3A_1489 : memref<16384xf32, #tpu.memory_space<vmem>>[vector<16xi32>], vector<16xf32>,
        tpu.vector_store_idx %arg11[%add3A_1506], %gather3A_1490 : memref<16384xf32, #tpu.memory_space<vmem>>[vector<16xi32>], vector<16xf32>,
        tpu.vector_store_idx %arg11[%add3A_1507], %gather3A_1491 : memref<16384xf32, #tpu.memory_space<vmem>>[vector<16xi32>], vector<16xf32>,
        tpu.vector_store_idx %arg11[%add3A_1508], %gather3A_1492 : memref<16384xf32, #tpu.memory_space<vmem>>[vector<16xi32>], vector<16xf32>,
        tpu.vector_store_idx %arg11[%add3A_1509], %gather3A_1493 : memref<16384xf32, #tpu.memory_space<vmem>>[vector<16xi32>], vector<16xf32>,
        tpu.vector_store_idx %arg11[%add3A_1510], %gather3A_1494 : memref<16384xf32, #tpu.memory_space<vmem>>[vector<16xi32>], vector<16xf32>,
      }
      %scan3A_1361 = arith.constant 32 : i32
      %mul3A_1362 = arith.constant 1024 : i32
      %mul3A_1363 = arith.muli %mul3A_2, %mul3A_1362 : i32
      %dma_start3A_1364 = arith.constant 0 : i32
      %dma_start3A_1365 = arith.constant 0 : i32
      %dma_start3A_1366 = tpu.memref_slice %arg11[%dma_start3A_1365] : memref<16384xf32, #tpu.memory_space<vmem>> -> memref<4096xf32, #tpu.memory_space<vmem>>
      %dma_start3A_1367 = tpu.memref_slice %arg4[%add3A_1071, %dma_start3A_1364, %mul3A_1363] : memref<50x4x131072xf32, #tpu.memory_space<hbm>> -> memref<1x1x4096xf32, #tpu.memory_space<hbm>>
      %dma_start3A_1368 = tpu.memref_squeeze %dma_start3A_1367 : memref<1x1x4096xf32, #tpu.memory_space<hbm>> -> memref<4096xf32, #tpu.memory_space<hbm>>
      %dma_start3A_1369 = tpu.memref_slice %arg4[%add3A_1071, %dma_start3A_1364, %mul3A_1363] : memref<50x4x131072xf32, #tpu.memory_space<hbm>> -> memref<1x1x4096xf32, #tpu.memory_space<hbm>>
      %dma_start3A_1370 = tpu.memref_squeeze %dma_start3A_1369 : memref<1x1x4096xf32, #tpu.memory_space<hbm>> -> memref<4096xf32, #tpu.memory_space<hbm>>
      %dma_start3A_1371 = arith.constant 0 : i32
      %dma_start3A_1372 = tpu.memref_slice %arg11[%dma_start3A_1371] : memref<16384xf32, #tpu.memory_space<vmem>> -> memref<4096xf32, #tpu.memory_space<vmem>>
      tpu.enqueue_dma source(%dma_start3A_1372 : memref<4096xf32, #tpu.memory_space<vmem>>) target(%dma_start3A_1370 : memref<4096xf32, #tpu.memory_space<hbm>>) target_semaphore(%arg16 : memref<!tpu.dma_semaphore, #tpu.memory_space<semaphore_mem>>)
      %mul3A_1373 = arith.constant 1024 : i32
      %mul3A_1374 = arith.muli %mul3A_2, %mul3A_1373 : i32
      %dma_start3A_1375 = arith.constant 1 : i32
      %dma_start3A_1376 = arith.constant 4096 : i32
      %dma_start3A_1377 = tpu.memref_slice %arg11[%dma_start3A_1376] : memref<16384xf32, #tpu.memory_space<vmem>> -> memref<4096xf32, #tpu.memory_space<vmem>>
      %dma_start3A_1378 = tpu.memref_slice %arg4[%add3A_1071, %dma_start3A_1375, %mul3A_1374] : memref<50x4x131072xf32, #tpu.memory_space<hbm>> -> memref<1x1x4096xf32, #tpu.memory_space<hbm>>
      %dma_start3A_1379 = tpu.memref_squeeze %dma_start3A_1378 : memref<1x1x4096xf32, #tpu.memory_space<hbm>> -> memref<4096xf32, #tpu.memory_space<hbm>>
      %dma_start3A_1380 = tpu.memref_slice %arg4[%add3A_1071, %dma_start3A_1375, %mul3A_1374] : memref<50x4x131072xf32, #tpu.memory_space<hbm>> -> memref<1x1x4096xf32, #tpu.memory_space<hbm>>
      %dma_start3A_1381 = tpu.memref_squeeze %dma_start3A_1380 : memref<1x1x4096xf32, #tpu.memory_space<hbm>> -> memref<4096xf32, #tpu.memory_space<hbm>>
      %dma_start3A_1382 = arith.constant 4096 : i32
      %dma_start3A_1383 = tpu.memref_slice %arg11[%dma_start3A_1382] : memref<16384xf32, #tpu.memory_space<vmem>> -> memref<4096xf32, #tpu.memory_space<vmem>>
      tpu.enqueue_dma source(%dma_start3A_1383 : memref<4096xf32, #tpu.memory_space<vmem>>) target(%dma_start3A_1381 : memref<4096xf32, #tpu.memory_space<hbm>>) target_semaphore(%arg16 : memref<!tpu.dma_semaphore, #tpu.memory_space<semaphore_mem>>)
      %mul3A_1384 = arith.constant 1024 : i32
      %mul3A_1385 = arith.muli %mul3A_2, %mul3A_1384 : i32
      %dma_start3A_1386 = arith.constant 2 : i32
      %dma_start3A_1387 = arith.constant 8192 : i32
      %dma_start3A_1388 = tpu.memref_slice %arg11[%dma_start3A_1387] : memref<16384xf32, #tpu.memory_space<vmem>> -> memref<4096xf32, #tpu.memory_space<vmem>>
      %dma_start3A_1389 = tpu.memref_slice %arg4[%add3A_1071, %dma_start3A_1386, %mul3A_1385] : memref<50x4x131072xf32, #tpu.memory_space<hbm>> -> memref<1x1x4096xf32, #tpu.memory_space<hbm>>
      %dma_start3A_1390 = tpu.memref_squeeze %dma_start3A_1389 : memref<1x1x4096xf32, #tpu.memory_space<hbm>> -> memref<4096xf32, #tpu.memory_space<hbm>>
      %dma_start3A_1391 = tpu.memref_slice %arg4[%add3A_1071, %dma_start3A_1386, %mul3A_1385] : memref<50x4x131072xf32, #tpu.memory_space<hbm>> -> memref<1x1x4096xf32, #tpu.memory_space<hbm>>
      %dma_start3A_1392 = tpu.memref_squeeze %dma_start3A_1391 : memref<1x1x4096xf32, #tpu.memory_space<hbm>> -> memref<4096xf32, #tpu.memory_space<hbm>>
      %dma_start3A_1393 = arith.constant 8192 : i32
      %dma_start3A_1394 = tpu.memref_slice %arg11[%dma_start3A_1393] : memref<16384xf32, #tpu.memory_space<vmem>> -> memref<4096xf32, #tpu.memory_space<vmem>>
      tpu.enqueue_dma source(%dma_start3A_1394 : memref<4096xf32, #tpu.memory_space<vmem>>) target(%dma_start3A_1392 : memref<4096xf32, #tpu.memory_space<hbm>>) target_semaphore(%arg16 : memref<!tpu.dma_semaphore, #tpu.memory_space<semaphore_mem>>)
      %mul3A_1395 = arith.constant 1024 : i32
      %mul3A_1396 = arith.muli %mul3A_2, %mul3A_1395 : i32
      %dma_start3A_1397 = arith.constant 3 : i32
      %dma_start3A_1398 = arith.constant 12288 : i32
      %dma_start3A_1399 = tpu.memref_slice %arg11[%dma_start3A_1398] : memref<16384xf32, #tpu.memory_space<vmem>> -> memref<4096xf32, #tpu.memory_space<vmem>>
      %dma_start3A_1400 = tpu.memref_slice %arg4[%add3A_1071, %dma_start3A_1397, %mul3A_1396] : memref<50x4x131072xf32, #tpu.memory_space<hbm>> -> memref<1x1x4096xf32, #tpu.memory_space<hbm>>
      %dma_start3A_1401 = tpu.memref_squeeze %dma_start3A_1400 : memref<1x1x4096xf32, #tpu.memory_space<hbm>> -> memref<4096xf32, #tpu.memory_space<hbm>>
      %dma_start3A_1402 = tpu.memref_slice %arg4[%add3A_1071, %dma_start3A_1397, %mul3A_1396] : memref<50x4x131072xf32, #tpu.memory_space<hbm>> -> memref<1x1x4096xf32, #tpu.memory_space<hbm>>
      %dma_start3A_1403 = tpu.memref_squeeze %dma_start3A_1402 : memref<1x1x4096xf32, #tpu.memory_space<hbm>> -> memref<4096xf32, #tpu.memory_space<hbm>>
      %dma_start3A_1404 = arith.constant 12288 : i32
      %dma_start3A_1405 = tpu.memref_slice %arg11[%dma_start3A_1404] : memref<16384xf32, #tpu.memory_space<vmem>> -> memref<4096xf32, #tpu.memory_space<vmem>>
      tpu.enqueue_dma source(%dma_start3A_1405 : memref<4096xf32, #tpu.memory_space<vmem>>) target(%dma_start3A_1403 : memref<4096xf32, #tpu.memory_space<hbm>>) target_semaphore(%arg16 : memref<!tpu.dma_semaphore, #tpu.memory_space<semaphore_mem>>)
    }
    %scan3A_938 = arith.constant 24 : i32
    %dma_wait3A_939 = arith.constant 0 : i32
    %dma_wait3A_940 = arith.constant 0 : i32
    %dma_wait3A_941 = tpu.memref_slice %arg8[%dma_wait3A_939, %dma_wait3A_940] : memref<512x32xf32, #tpu.memory_space<vmem>> -> memref<128x32xf32, #tpu.memory_space<vmem>>
    %dma_wait3A_942 = arith.constant 0 : i32
    %dma_wait3A_943 = tpu.memref_slice %arg6[%dma_wait3A_942] : memref<512xi32, #tpu.memory_space<vmem>> -> memref<128xi32, #tpu.memory_space<vmem>>
    %dma_wait3A_944 = arith.constant 0 : i32
    %dma_wait3A_945 = arith.constant 0 : i32
    %dma_wait3A_946 = tpu.memref_slice %arg3[%dma_wait3A_944, %dma_wait3A_945] : memref<100001x32xf32, #tpu.memory_space<hbm>> -> memref<100001x32xf32, #tpu.memory_space<hbm>>
    tpu.wait_indirect_dma semaphore(%arg13 : memref<!tpu.dma_semaphore, #tpu.memory_space<semaphore_mem>>) src(%dma_wait3A_946 : memref<100001x32xf32, #tpu.memory_space<hbm>>) dst(%dma_wait3A_941 : memref<128x32xf32, #tpu.memory_space<vmem>>)
    %dma_wait3A_947 = arith.constant 128 : i32
    %dma_wait3A_948 = arith.constant 0 : i32
    %dma_wait3A_949 = tpu.memref_slice %arg8[%dma_wait3A_947, %dma_wait3A_948] : memref<512x32xf32, #tpu.memory_space<vmem>> -> memref<128x32xf32, #tpu.memory_space<vmem>>
    %dma_wait3A_950 = arith.constant 128 : i32
    %dma_wait3A_951 = tpu.memref_slice %arg6[%dma_wait3A_950] : memref<512xi32, #tpu.memory_space<vmem>> -> memref<128xi32, #tpu.memory_space<vmem>>
    %dma_wait3A_952 = arith.constant 0 : i32
    %dma_wait3A_953 = arith.constant 0 : i32
    %dma_wait3A_954 = tpu.memref_slice %arg3[%dma_wait3A_952, %dma_wait3A_953] : memref<100001x32xf32, #tpu.memory_space<hbm>> -> memref<100001x32xf32, #tpu.memory_space<hbm>>
    tpu.wait_indirect_dma semaphore(%arg13 : memref<!tpu.dma_semaphore, #tpu.memory_space<semaphore_mem>>) src(%dma_wait3A_954 : memref<100001x32xf32, #tpu.memory_space<hbm>>) dst(%dma_wait3A_949 : memref<128x32xf32, #tpu.memory_space<vmem>>)
    %dma_wait3A_955 = arith.constant 256 : i32
    %dma_wait3A_956 = arith.constant 0 : i32
    %dma_wait3A_957 = tpu.memref_slice %arg8[%dma_wait3A_955, %dma_wait3A_956] : memref<512x32xf32, #tpu.memory_space<vmem>> -> memref<128x32xf32, #tpu.memory_space<vmem>>
    %dma_wait3A_958 = arith.constant 256 : i32
    %dma_wait3A_959 = tpu.memref_slice %arg6[%dma_wait3A_958] : memref<512xi32, #tpu.memory_space<vmem>> -> memref<128xi32, #tpu.memory_space<vmem>>
    %dma_wait3A_960 = arith.constant 0 : i32
    %dma_wait3A_961 = arith.constant 0 : i32
    %dma_wait3A_962 = tpu.memref_slice %arg3[%dma_wait3A_960, %dma_wait3A_961] : memref<100001x32xf32, #tpu.memory_space<hbm>> -> memref<100001x32xf32, #tpu.memory_space<hbm>>
    tpu.wait_indirect_dma semaphore(%arg13 : memref<!tpu.dma_semaphore, #tpu.memory_space<semaphore_mem>>) src(%dma_wait3A_962 : memref<100001x32xf32, #tpu.memory_space<hbm>>) dst(%dma_wait3A_957 : memref<128x32xf32, #tpu.memory_space<vmem>>)
    %dma_wait3A_963 = arith.constant 384 : i32
    %dma_wait3A_964 = arith.constant 0 : i32
    %dma_wait3A_965 = tpu.memref_slice %arg8[%dma_wait3A_963, %dma_wait3A_964] : memref<512x32xf32, #tpu.memory_space<vmem>> -> memref<128x32xf32, #tpu.memory_space<vmem>>
    %dma_wait3A_966 = arith.constant 384 : i32
    %dma_wait3A_967 = tpu.memref_slice %arg6[%dma_wait3A_966] : memref<512xi32, #tpu.memory_space<vmem>> -> memref<128xi32, #tpu.memory_space<vmem>>
    %dma_wait3A_968 = arith.constant 0 : i32
    %dma_wait3A_969 = arith.constant 0 : i32
    %dma_wait3A_970 = tpu.memref_slice %arg3[%dma_wait3A_968, %dma_wait3A_969] : memref<100001x32xf32, #tpu.memory_space<hbm>> -> memref<100001x32xf32, #tpu.memory_space<hbm>>
    tpu.wait_indirect_dma semaphore(%arg13 : memref<!tpu.dma_semaphore, #tpu.memory_space<semaphore_mem>>) src(%dma_wait3A_970 : memref<100001x32xf32, #tpu.memory_space<hbm>>) dst(%dma_wait3A_965 : memref<128x32xf32, #tpu.memory_space<vmem>>)
    %mul3A_971 = arith.constant 1024 : i32
    %mul3A_972 = arith.muli %mul3A_2, %mul3A_971 : i32
    %dma_wait3A_973 = arith.constant 48 : i32
    %dma_wait3A_974 = arith.constant 0 : i32
    %dma_wait3A_975 = arith.constant 0 : i32
    %dma_wait3A_976 = tpu.memref_slice %arg10[%dma_wait3A_975] : memref<16384xf32, #tpu.memory_space<vmem>> -> memref<4096xf32, #tpu.memory_space<vmem>>
    %dma_wait3A_977 = tpu.memref_slice %arg4[%dma_wait3A_973, %dma_wait3A_974, %mul3A_972] : memref<50x4x131072xf32, #tpu.memory_space<hbm>> -> memref<1x1x4096xf32, #tpu.memory_space<hbm>>
    %dma_wait3A_978 = tpu.memref_squeeze %dma_wait3A_977 : memref<1x1x4096xf32, #tpu.memory_space<hbm>> -> memref<4096xf32, #tpu.memory_space<hbm>>
    %dma_wait3A_979 = tpu.memref_slice %arg4[%dma_wait3A_973, %dma_wait3A_974, %mul3A_972] : memref<50x4x131072xf32, #tpu.memory_space<hbm>> -> memref<1x1x4096xf32, #tpu.memory_space<hbm>>
    %dma_wait3A_980 = tpu.memref_squeeze %dma_wait3A_979 : memref<1x1x4096xf32, #tpu.memory_space<hbm>> -> memref<4096xf32, #tpu.memory_space<hbm>>
    %dma_wait3A_981 = arith.constant 0 : i32
    %dma_wait3A_982 = tpu.memref_slice %arg10[%dma_wait3A_981] : memref<16384xf32, #tpu.memory_space<vmem>> -> memref<4096xf32, #tpu.memory_space<vmem>>
    tpu.wait_dma2 semaphore(%arg15 : memref<!tpu.dma_semaphore, #tpu.memory_space<semaphore_mem>>) src(%dma_wait3A_982 : memref<4096xf32, #tpu.memory_space<vmem>>) dst(%dma_wait3A_980 : memref<4096xf32, #tpu.memory_space<hbm>>)
    %mul3A_983 = arith.constant 1024 : i32
    %mul3A_984 = arith.muli %mul3A_2, %mul3A_983 : i32
    %dma_wait3A_985 = arith.constant 48 : i32
    %dma_wait3A_986 = arith.constant 1 : i32
    %dma_wait3A_987 = arith.constant 4096 : i32
    %dma_wait3A_988 = tpu.memref_slice %arg10[%dma_wait3A_987] : memref<16384xf32, #tpu.memory_space<vmem>> -> memref<4096xf32, #tpu.memory_space<vmem>>
    %dma_wait3A_989 = tpu.memref_slice %arg4[%dma_wait3A_985, %dma_wait3A_986, %mul3A_984] : memref<50x4x131072xf32, #tpu.memory_space<hbm>> -> memref<1x1x4096xf32, #tpu.memory_space<hbm>>
    %dma_wait3A_990 = tpu.memref_squeeze %dma_wait3A_989 : memref<1x1x4096xf32, #tpu.memory_space<hbm>> -> memref<4096xf32, #tpu.memory_space<hbm>>
    %dma_wait3A_991 = tpu.memref_slice %arg4[%dma_wait3A_985, %dma_wait3A_986, %mul3A_984] : memref<50x4x131072xf32, #tpu.memory_space<hbm>> -> memref<1x1x4096xf32, #tpu.memory_space<hbm>>
    %dma_wait3A_992 = tpu.memref_squeeze %dma_wait3A_991 : memref<1x1x4096xf32, #tpu.memory_space<hbm>> -> memref<4096xf32, #tpu.memory_space<hbm>>
    %dma_wait3A_993 = arith.constant 4096 : i32
    %dma_wait3A_994 = tpu.memref_slice %arg10[%dma_wait3A_993] : memref<16384xf32, #tpu.memory_space<vmem>> -> memref<4096xf32, #tpu.memory_space<vmem>>
    tpu.wait_dma2 semaphore(%arg15 : memref<!tpu.dma_semaphore, #tpu.memory_space<semaphore_mem>>) src(%dma_wait3A_994 : memref<4096xf32, #tpu.memory_space<vmem>>) dst(%dma_wait3A_992 : memref<4096xf32, #tpu.memory_space<hbm>>)
    %mul3A_995 = arith.constant 1024 : i32
    %mul3A_996 = arith.muli %mul3A_2, %mul3A_995 : i32
    %dma_wait3A_997 = arith.constant 48 : i32
    %dma_wait3A_998 = arith.constant 2 : i32
    %dma_wait3A_999 = arith.constant 8192 : i32
    %dma_wait3A_1000 = tpu.memref_slice %arg10[%dma_wait3A_999] : memref<16384xf32, #tpu.memory_space<vmem>> -> memref<4096xf32, #tpu.memory_space<vmem>>
    %dma_wait3A_1001 = tpu.memref_slice %arg4[%dma_wait3A_997, %dma_wait3A_998, %mul3A_996] : memref<50x4x131072xf32, #tpu.memory_space<hbm>> -> memref<1x1x4096xf32, #tpu.memory_space<hbm>>
    %dma_wait3A_1002 = tpu.memref_squeeze %dma_wait3A_1001 : memref<1x1x4096xf32, #tpu.memory_space<hbm>> -> memref<4096xf32, #tpu.memory_space<hbm>>
    %dma_wait3A_1003 = tpu.memref_slice %arg4[%dma_wait3A_997, %dma_wait3A_998, %mul3A_996] : memref<50x4x131072xf32, #tpu.memory_space<hbm>> -> memref<1x1x4096xf32, #tpu.memory_space<hbm>>
    %dma_wait3A_1004 = tpu.memref_squeeze %dma_wait3A_1003 : memref<1x1x4096xf32, #tpu.memory_space<hbm>> -> memref<4096xf32, #tpu.memory_space<hbm>>
    %dma_wait3A_1005 = arith.constant 8192 : i32
    %dma_wait3A_1006 = tpu.memref_slice %arg10[%dma_wait3A_1005] : memref<16384xf32, #tpu.memory_space<vmem>> -> memref<4096xf32, #tpu.memory_space<vmem>>
    tpu.wait_dma2 semaphore(%arg15 : memref<!tpu.dma_semaphore, #tpu.memory_space<semaphore_mem>>) src(%dma_wait3A_1006 : memref<4096xf32, #tpu.memory_space<vmem>>) dst(%dma_wait3A_1004 : memref<4096xf32, #tpu.memory_space<hbm>>)
    %mul3A_1007 = arith.constant 1024 : i32
    %mul3A_1008 = arith.muli %mul3A_2, %mul3A_1007 : i32
    %dma_wait3A_1009 = arith.constant 48 : i32
    %dma_wait3A_1010 = arith.constant 3 : i32
    %dma_wait3A_1011 = arith.constant 12288 : i32
    %dma_wait3A_1012 = tpu.memref_slice %arg10[%dma_wait3A_1011] : memref<16384xf32, #tpu.memory_space<vmem>> -> memref<4096xf32, #tpu.memory_space<vmem>>
    %dma_wait3A_1013 = tpu.memref_slice %arg4[%dma_wait3A_1009, %dma_wait3A_1010, %mul3A_1008] : memref<50x4x131072xf32, #tpu.memory_space<hbm>> -> memref<1x1x4096xf32, #tpu.memory_space<hbm>>
    %dma_wait3A_1014 = tpu.memref_squeeze %dma_wait3A_1013 : memref<1x1x4096xf32, #tpu.memory_space<hbm>> -> memref<4096xf32, #tpu.memory_space<hbm>>
    %dma_wait3A_1015 = tpu.memref_slice %arg4[%dma_wait3A_1009, %dma_wait3A_1010, %mul3A_1008] : memref<50x4x131072xf32, #tpu.memory_space<hbm>> -> memref<1x1x4096xf32, #tpu.memory_space<hbm>>
    %dma_wait3A_1016 = tpu.memref_squeeze %dma_wait3A_1015 : memref<1x1x4096xf32, #tpu.memory_space<hbm>> -> memref<4096xf32, #tpu.memory_space<hbm>>
    %dma_wait3A_1017 = arith.constant 12288 : i32
    %dma_wait3A_1018 = tpu.memref_slice %arg10[%dma_wait3A_1017] : memref<16384xf32, #tpu.memory_space<vmem>> -> memref<4096xf32, #tpu.memory_space<vmem>>
    tpu.wait_dma2 semaphore(%arg15 : memref<!tpu.dma_semaphore, #tpu.memory_space<semaphore_mem>>) src(%dma_wait3A_1018 : memref<4096xf32, #tpu.memory_space<vmem>>) dst(%dma_wait3A_1016 : memref<4096xf32, #tpu.memory_space<hbm>>)
    %mul3A_1019 = arith.constant 1024 : i32
    %mul3A_1020 = arith.muli %mul3A_2, %mul3A_1019 : i32
    %dma_wait3A_1021 = arith.constant 49 : i32
    %dma_wait3A_1022 = arith.constant 0 : i32
    %dma_wait3A_1023 = arith.constant 0 : i32
    %dma_wait3A_1024 = tpu.memref_slice %arg11[%dma_wait3A_1023] : memref<16384xf32, #tpu.memory_space<vmem>> -> memref<4096xf32, #tpu.memory_space<vmem>>
    %dma_wait3A_1025 = tpu.memref_slice %arg4[%dma_wait3A_1021, %dma_wait3A_1022, %mul3A_1020] : memref<50x4x131072xf32, #tpu.memory_space<hbm>> -> memref<1x1x4096xf32, #tpu.memory_space<hbm>>
    %dma_wait3A_1026 = tpu.memref_squeeze %dma_wait3A_1025 : memref<1x1x4096xf32, #tpu.memory_space<hbm>> -> memref<4096xf32, #tpu.memory_space<hbm>>
    %dma_wait3A_1027 = tpu.memref_slice %arg4[%dma_wait3A_1021, %dma_wait3A_1022, %mul3A_1020] : memref<50x4x131072xf32, #tpu.memory_space<hbm>> -> memref<1x1x4096xf32, #tpu.memory_space<hbm>>
    %dma_wait3A_1028 = tpu.memref_squeeze %dma_wait3A_1027 : memref<1x1x4096xf32, #tpu.memory_space<hbm>> -> memref<4096xf32, #tpu.memory_space<hbm>>
    %dma_wait3A_1029 = arith.constant 0 : i32
    %dma_wait3A_1030 = tpu.memref_slice %arg11[%dma_wait3A_1029] : memref<16384xf32, #tpu.memory_space<vmem>> -> memref<4096xf32, #tpu.memory_space<vmem>>
    tpu.wait_dma2 semaphore(%arg16 : memref<!tpu.dma_semaphore, #tpu.memory_space<semaphore_mem>>) src(%dma_wait3A_1030 : memref<4096xf32, #tpu.memory_space<vmem>>) dst(%dma_wait3A_1028 : memref<4096xf32, #tpu.memory_space<hbm>>)
    %mul3A_1031 = arith.constant 1024 : i32
    %mul3A_1032 = arith.muli %mul3A_2, %mul3A_1031 : i32
    %dma_wait3A_1033 = arith.constant 49 : i32
    %dma_wait3A_1034 = arith.constant 1 : i32
    %dma_wait3A_1035 = arith.constant 4096 : i32
    %dma_wait3A_1036 = tpu.memref_slice %arg11[%dma_wait3A_1035] : memref<16384xf32, #tpu.memory_space<vmem>> -> memref<4096xf32, #tpu.memory_space<vmem>>
    %dma_wait3A_1037 = tpu.memref_slice %arg4[%dma_wait3A_1033, %dma_wait3A_1034, %mul3A_1032] : memref<50x4x131072xf32, #tpu.memory_space<hbm>> -> memref<1x1x4096xf32, #tpu.memory_space<hbm>>
    %dma_wait3A_1038 = tpu.memref_squeeze %dma_wait3A_1037 : memref<1x1x4096xf32, #tpu.memory_space<hbm>> -> memref<4096xf32, #tpu.memory_space<hbm>>
    %dma_wait3A_1039 = tpu.memref_slice %arg4[%dma_wait3A_1033, %dma_wait3A_1034, %mul3A_1032] : memref<50x4x131072xf32, #tpu.memory_space<hbm>> -> memref<1x1x4096xf32, #tpu.memory_space<hbm>>
    %dma_wait3A_1040 = tpu.memref_squeeze %dma_wait3A_1039 : memref<1x1x4096xf32, #tpu.memory_space<hbm>> -> memref<4096xf32, #tpu.memory_space<hbm>>
    %dma_wait3A_1041 = arith.constant 4096 : i32
    %dma_wait3A_1042 = tpu.memref_slice %arg11[%dma_wait3A_1041] : memref<16384xf32, #tpu.memory_space<vmem>> -> memref<4096xf32, #tpu.memory_space<vmem>>
    tpu.wait_dma2 semaphore(%arg16 : memref<!tpu.dma_semaphore, #tpu.memory_space<semaphore_mem>>) src(%dma_wait3A_1042 : memref<4096xf32, #tpu.memory_space<vmem>>) dst(%dma_wait3A_1040 : memref<4096xf32, #tpu.memory_space<hbm>>)
    %mul3A_1043 = arith.constant 1024 : i32
    %mul3A_1044 = arith.muli %mul3A_2, %mul3A_1043 : i32
    %dma_wait3A_1045 = arith.constant 49 : i32
    %dma_wait3A_1046 = arith.constant 2 : i32
    %dma_wait3A_1047 = arith.constant 8192 : i32
    %dma_wait3A_1048 = tpu.memref_slice %arg11[%dma_wait3A_1047] : memref<16384xf32, #tpu.memory_space<vmem>> -> memref<4096xf32, #tpu.memory_space<vmem>>
    %dma_wait3A_1049 = tpu.memref_slice %arg4[%dma_wait3A_1045, %dma_wait3A_1046, %mul3A_1044] : memref<50x4x131072xf32, #tpu.memory_space<hbm>> -> memref<1x1x4096xf32, #tpu.memory_space<hbm>>
    %dma_wait3A_1050 = tpu.memref_squeeze %dma_wait3A_1049 : memref<1x1x4096xf32, #tpu.memory_space<hbm>> -> memref<4096xf32, #tpu.memory_space<hbm>>
    %dma_wait3A_1051 = tpu.memref_slice %arg4[%dma_wait3A_1045, %dma_wait3A_1046, %mul3A_1044] : memref<50x4x131072xf32, #tpu.memory_space<hbm>> -> memref<1x1x4096xf32, #tpu.memory_space<hbm>>
    %dma_wait3A_1052 = tpu.memref_squeeze %dma_wait3A_1051 : memref<1x1x4096xf32, #tpu.memory_space<hbm>> -> memref<4096xf32, #tpu.memory_space<hbm>>
    %dma_wait3A_1053 = arith.constant 8192 : i32
    %dma_wait3A_1054 = tpu.memref_slice %arg11[%dma_wait3A_1053] : memref<16384xf32, #tpu.memory_space<vmem>> -> memref<4096xf32, #tpu.memory_space<vmem>>
    tpu.wait_dma2 semaphore(%arg16 : memref<!tpu.dma_semaphore, #tpu.memory_space<semaphore_mem>>) src(%dma_wait3A_1054 : memref<4096xf32, #tpu.memory_space<vmem>>) dst(%dma_wait3A_1052 : memref<4096xf32, #tpu.memory_space<hbm>>)
    %mul3A_1055 = arith.constant 1024 : i32
    %mul3A_1056 = arith.muli %mul3A_2, %mul3A_1055 : i32
    %dma_wait3A_1057 = arith.constant 49 : i32
    %dma_wait3A_1058 = arith.constant 3 : i32
    %dma_wait3A_1059 = arith.constant 12288 : i32
    %dma_wait3A_1060 = tpu.memref_slice %arg11[%dma_wait3A_1059] : memref<16384xf32, #tpu.memory_space<vmem>> -> memref<4096xf32, #tpu.memory_space<vmem>>
    %dma_wait3A_1061 = tpu.memref_slice %arg4[%dma_wait3A_1057, %dma_wait3A_1058, %mul3A_1056] : memref<50x4x131072xf32, #tpu.memory_space<hbm>> -> memref<1x1x4096xf32, #tpu.memory_space<hbm>>
    %dma_wait3A_1062 = tpu.memref_squeeze %dma_wait3A_1061 : memref<1x1x4096xf32, #tpu.memory_space<hbm>> -> memref<4096xf32, #tpu.memory_space<hbm>>
    %dma_wait3A_1063 = tpu.memref_slice %arg4[%dma_wait3A_1057, %dma_wait3A_1058, %mul3A_1056] : memref<50x4x131072xf32, #tpu.memory_space<hbm>> -> memref<1x1x4096xf32, #tpu.memory_space<hbm>>
    %dma_wait3A_1064 = tpu.memref_squeeze %dma_wait3A_1063 : memref<1x1x4096xf32, #tpu.memory_space<hbm>> -> memref<4096xf32, #tpu.memory_space<hbm>>
    %dma_wait3A_1065 = arith.constant 12288 : i32
    %dma_wait3A_1066 = tpu.memref_slice %arg11[%dma_wait3A_1065] : memref<16384xf32, #tpu.memory_space<vmem>> -> memref<4096xf32, #tpu.memory_space<vmem>>
    tpu.wait_dma2 semaphore(%arg16 : memref<!tpu.dma_semaphore, #tpu.memory_space<semaphore_mem>>) src(%dma_wait3A_1066 : memref<4096xf32, #tpu.memory_space<vmem>>) dst(%dma_wait3A_1064 : memref<4096xf32, #tpu.memory_space<hbm>>)
    return
  }
}

</mosaic_0001>

<sc_bundles>
// kernel: kernel.3.cloned.1.call-start
scs
__scs_entry_jumppad:
0x0: {  	(pc) =	sbr.rel $0x88, $3  }
0x1: {  	(tag) =	ssettag $0x0;
	lr =	simm.s32 $0x1  }
0x2: {  	[smem:$0x3F9F] =	sst lr;
	_ =	strace $0xD0000000  }
0x3: {  	_ = 	snop  }
0x4: {  	_ = 	snop  }
0x5: {  	_ = 	snop  }
0x6: {  	_ = 	snop  }
0x7: {  	_ = 	snop  }
__scs_overlays_trampoline_lowered:
0x8: {  	[smem:$0x3FAE] =	sst s0  }
0x9: {  	[smem:$0x3FAF] =	sst s1  }
0xa: {  	[smem:$0x3FB0] =	sst s2  }
0xb: {  	[smem:$0x3FB1] =	sst s3  }
0xc: {  	[smem:$0x3FB2] =	sst s4  }
0xd: {  	[smem:$0x3FB3] =	sst s5  }
0xe: {  	[smem:$0x3FB4] =	sst s6  }
0xf: {  	[smem:$0x3FB5] =	sst s7  }
0x10: {  	[smem:$0x3FB6] =	sst s8  }
0x11: {  	[smem:$0x3FB7] =	sst s9;
	s0 =	simm.s32 @!p0 $0x0  }
0x12: {  	s1 =	sld [smem:$0x3F9D];
	s0 =	simm.s32 @p0 $0x1  }
0x13: {  	[smem:$0x3FB8] =	sst s0;
	s0 =	simm.s32 @!p1 $0x0  }
0x14: {  	s2 =	sld [smem:$0x3F9C];
	s0 =	simm.s32 @p1 $0x1  }
0x15: {  	[smem:$0x3FB9] =	sst s0;
	s0 =	simm.s32 @!p2 $0x0  }
0x16: {  	s3 =	sld [smem:$0x3FDB];
	s0 =	simm.s32 @p2 $0x1  }
0x17: {  	s4 =	simm.s32 $0x1BF5;
	[smem:$0x3FBB] =	sst s0  }
0x18: {  	s0 =	sld [smem:$0x3F9E];
	_ =	swait.ge [sflag:s4], $0x0  }
0x19: {  	s7 =	sld [smem:$0x3F9F]  }
0x1a: {  	s8 =	sadd.s32 $0xFFFFE003, lr  }
0x1b: {  	s9 =	sadd.s32 $0xFFFFFEF7, lr;
	s5 =	simm.s32 $0xFFFFFFFF;
	p2 =	slt.u32 s8, $0xFFFFF086  }
0x1c: {  	p1 =	slt.u32 s9, $0xF7A;
	s5 =	simm.s32 @!p2 $0x0  }
0x1d: {  	s5 =	simm.s32 @p1 $0x1;
	p0 =	seq.s32 s7, s2  }
0x1e: {  	s7 =	smul.u32 @!p0 $0xF7A, s2;
	p2 =	seq.s32 @!p0 s5, $0x0  }
0x1f: {  	s9 =	smul.u32 $0xF7A, s1;
	s8 =	simm.s32 @!p0 $0x1BF5;
	p2 =	por !p2, p0  }
0x20: {  	[sflag:s8] =	ssyncset.s32 @!p0 $0xFFFFF086;
	s6 =	sadd.s32 @!p0 s3, s7;
	s7 =	simm.s32 @!p0 $0x108  }
0x21: {  	s3 =	sadd.s32 s3, s9;
	s6 =	sadd.s32 @!p0 $0x88, s6;
	s7 =	simm.s32 @p2 $0x1082  }
0x22: {  	[simem:s7], [sflag:s8] =	dma.local @!p0 [hbm:s6], $0xF7A  }
0x23: {  	s9 =	sor.u32 $0xD0000000, s2;
	s6 =	simm.s32 $0x108;
	_ =	swait.ge @!p0 [sflag:s8], $0x0  }
0x24: {  	s3 =	sadd.s32 $0x88, s3;
	s6 =	simm.s32 @!p1 $0x1082;
	[sflag:s4] =	ssyncset.s32 $0xFFFFF086  }
0x25: {  	[simem:s6], [sflag:s4] =	dma.local [hbm:s3], $0xF7A  }
0x26: {  	[smem:$0x3F9F] =	sst s1;
	(tag) =	ssettag s2;
	_ =	strace s9  }
0x27: {  	s1 =	sld [smem:$0x3FAF]  }
0x28: {  	s2 =	sld [smem:$0x3FB0]  }
0x29: {  	s4 =	sld [smem:$0x3FB2]  }
0x2a: {  	p0 =	seq.s32 s5, $0x0;
	s5 =	sld [smem:$0x3FB3]  }
0x2b: {  	s6 =	sld [smem:$0x3FB4]  }
0x2c: {  	s7 =	sld [smem:$0x3FB5]  }
0x2d: {  	s3 =	simm.s32 $0x108;
	s8 =	sld [smem:$0x3FB6]  }
0x2e: {  	s3 =	simm.s32 @!p0 $0x1082;
	s9 =	sld [smem:$0x3FB7]  }
0x2f: {  	lr =	sadd.s32 s0, s3;
	s0 =	sld [smem:$0x3FAE]  }
0x30: {  	s3 =	sld [smem:$0x3FB1]  }
0x31: {  	[smem:$0x3FBA] =	sst s10  }
0x32: {  	s10 =	sld [smem:$0x3FB8];
	_ =	sdelay $0x3  }
0x33: {  	p0 =	seq.s32 s10, $0x1;
	s10 =	sld [smem:$0x3FBA];
	_ =	sdelay $0x3  }
0x34: {  	[smem:$0x3FBA] =	sst s10  }
0x35: {  	s10 =	sld [smem:$0x3FB9];
	_ =	sdelay $0x3  }
0x36: {  	p1 =	seq.s32 s10, $0x1;
	s10 =	sld [smem:$0x3FBA];
	_ =	sdelay $0x3  }
0x37: {  	[smem:$0x3FBA] =	sst s10  }
0x38: {  	s10 =	sld [smem:$0x3FBB]  }
0x39: {  	_ = 	snop;
	(pc) =	sbr.ind lr, $3  }
0x3a: {  	_ = 	snop  }
0x3b: {  	_ = 	snop  }
0x3c: {  	p2 =	seq.s32 s10, $0x1;
	s10 =	sld [smem:$0x3FBA]  }
0x3d: {  	_ =	shalt  }
0x3e: {  	_ =	shalt  }
0x3f: {  	_ =	shalt  }
0x40: {  	_ =	shalt  }
0x41: {  	_ =	shalt  }
0x42: {  	_ =	shalt  }
0x43: {  	_ =	shalt  }
0x44: {  	_ =	shalt  }
0x45: {  	_ =	shalt  }
0x46: {  	_ =	shalt  }
0x47: {  	_ =	shalt  }
0x48: {  	_ =	shalt  }
0x49: {  	_ =	shalt  }
0x4a: {  	_ =	shalt  }
0x4b: {  	_ =	shalt  }
0x4c: {  	_ =	shalt  }
0x4d: {  	_ =	shalt  }
0x4e: {  	_ =	shalt  }
0x4f: {  	_ =	shalt  }
0x50: {  	_ =	shalt  }
0x51: {  	_ =	shalt  }
0x52: {  	_ =	shalt  }
0x53: {  	_ =	shalt  }
0x54: {  	_ =	shalt  }
0x55: {  	_ =	shalt  }
0x56: {  	_ =	shalt  }
0x57: {  	_ =	shalt  }
0x58: {  	_ =	shalt  }
0x59: {  	_ =	shalt  }
0x5a: {  	_ =	shalt  }
0x5b: {  	_ =	shalt  }
0x5c: {  	_ =	shalt  }
0x5d: {  	_ =	shalt  }
0x5e: {  	_ =	shalt  }
0x5f: {  	_ =	shalt  }
0x60: {  	_ =	shalt  }
0x61: {  	_ =	shalt  }
0x62: {  	_ =	shalt  }
0x63: {  	_ =	shalt  }
0x64: {  	_ =	shalt  }
0x65: {  	_ =	shalt  }
0x66: {  	_ =	shalt  }
0x67: {  	_ =	shalt  }
0x68: {  	_ =	shalt  }
0x69: {  	_ =	shalt  }
0x6a: {  	_ =	shalt  }
0x6b: {  	_ =	shalt  }
0x6c: {  	_ =	shalt  }
0x6d: {  	_ =	shalt  }
0x6e: {  	_ =	shalt  }
0x6f: {  	_ =	shalt  }
0x70: {  	_ =	shalt  }
0x71: {  	_ =	shalt  }
0x72: {  	_ =	shalt  }
0x73: {  	_ =	shalt  }
0x74: {  	_ =	shalt  }
0x75: {  	_ =	shalt  }
0x76: {  	_ =	shalt  }
0x77: {  	_ =	shalt  }
0x78: {  	_ =	shalt  }
0x79: {  	_ =	shalt  }
0x7a: {  	_ =	shalt  }
0x7b: {  	_ =	shalt  }
0x7c: {  	_ =	shalt  }
0x7d: {  	_ =	shalt  }
0x7e: {  	_ =	shalt  }
0x7f: {  	_ =	shalt  }
0x80: {  	_ =	shalt  }
0x81: {  	_ =	shalt  }
0x82: {  	_ =	shalt  }
0x83: {  	_ =	shalt  }
0x84: {  	_ =	shalt  }
0x85: {  	_ =	shalt  }
0x86: {  	_ =	shalt  }
0x87: {  	_ =	shalt  }
.Lfunc_end0:
.L_simem_size_0:
called_computation_lowered:
.L_overlay_start_0:
0x88: {  	s2 =	sld [smem:$0x3FD9]  }
0x89: {  	s3 =	sld [smem:$0x3FFE];
	_ =	sdelay $0x1  }
0x8a: {  	s1 =	srdreg.scid  }
0x8b: {  	s0 =	sand.u32 $0x1, s1  }
0x8c: {  	s17 =	sshll.u32 s0, $0xA;
	s2 =	sadd.s32 s3, s2  }
0x8d: {  	s2 =	sadd.s32 s2, s17  }
0x8e: {  	[smem:$0x3FC6] =	sst s2  }
0x8f: {  	_ = 	snop  }
0x90: {  	s2 =	sld [smem:$0x3FD0];
	(tm) =	ssettm $0x1  }
0x91: {  	s18 =	sld [smem:$0x3FFB];
	_ =	sdelay $0x3  }
0x92: {  	_ =	strace s18  }
0x93: {  	s3 =	sld [smem:$0x3FFC];
	_ =	sdelay $0x3  }
0x94: {  	_ =	strace s3  }
0x95: {  	s3 =	sld [smem:$0x3FFD];
	_ =	sdelay $0x3  }
0x96: {  	_ =	strace s3  }
0x97: {  	_ =	strace $0x8FFFFFFF  }
0x98: {  	s19 =	sld [smem:$0x3FDB];
	_ =	sdelay $0x1  }
0x99: {  	s4 =	simm.s32 $_scs_section_size  }
0x9a: {  	s5 =	simm.s32 $_size__tile_overlayer_lowered;
	s6 =	simm.s32 $_tile_overlayer_lowered  }
0x9b: {  	s22 =	simm.s32 $0x1BFF;
	s21 =	sshll.u32 s6, $0x1;
	s3 =	sadd.s32 s4, s19  }
0x9c: {  	s7 =	simm.s32 $0x0;
	s20 =	sshll.u32 s5, $0x1;
	s5 =	sadd.s32 s21, s3  }
0x9d: {  	[timem:s7], [sflag:s22] =	dma.local [hbm:s5], s20  }
0x9e: {  	_ =	swait.ge [sflag:s22], s20  }
0x9f: {  	s4 =	ssub.s32 $0x0, s20;
	[sflag:s22] =	ssyncset.done $0x0  }
0xa0: {  	[sflag:s22] =	ssyncadd.s32 s4;
	_ =	sdelay $0x1  }
0xa1: {  	s23 =	simm.s32 $0x1B8B  }
0xa2: {  	_ =	swait.ge [sflag:s23], $0x1  }
0xa3: {  	[sflag:s23] =	ssyncset.done $0x0  }
0xa4: {  	s25 =	simm.s32 $0x1B8E;
	s24 =	sld [smem:$0x3FFE];
	[sflag:s23] =	ssyncadd.s32 $0xFFFFFFFF  }
0xa5: {  	s26 =	simm.s32 $execute0_lowered;
	[smem:$0x3FD2] =	sst s25  }
0xa6: {  	s5 =	sshll.u32 s26, $0x1;
	_ =	strace $0x80000046;
	[dreg:$0x1] =	wrdreg $0xFFFFFFFF  }
0xa7: {  	s28 =	simm.s32 $_size_execute0_lowered;
	s3 =	sadd.s32 s3, s5;
	[dreg:$0x0] =	wrdreg $0x0  }
0xa8: {  	s5 =	sshll.u32 s28, $0x1;
	[dreg:$0x2] =	wrdreg s3  }
0xa9: {  	[dreg:$0x3] =	wrdreg s5  }
0xaa: {  	[dreg:$0x4] =	wrdreg $0xC0  }
0xab: {  	_ =	task [dreg:s7], $0x5FFFF  }
0xac: {  	[dreg:$0x1] =	wrdreg $0xFFFFFFFF  }
0xad: {  	[dreg:$0x0] =	wrdreg $0x60  }
0xae: {  	[dreg:$0x2] =	wrdreg s24  }
0xaf: {  	[dreg:$0x3] =	wrdreg s2  }
0xb0: {  	[dreg:$0x4] =	wrdreg $0x9  }
0xb1: {  	_ =	task.clear_ibuf [dreg:s7], $0x5FFFF;
	_ =	strace $0x90000046  }
0xb2: {  	s29 =	simm.s32 $0x9;
	_ =	strace $0x80000048  }
0xb3: {  	_ =	swait.ge [sflag:s29], $0x1  }
0xb4: {  	[sflag:s29] =	ssyncadd.s32 $0xFFFFFFFF  }
0xb5: {  	_ =	strace $0x90000048  }
0xb6: {  	_ =	sfence  }
0xb7: {  	s30 =	sld [smem:$0x0];
	_ =	sdelay $0x2  }
0xb8: {  	s31 =	sshll.u32 s1, $0xD;
	s1 =	sshrl.u32 s1, $0x2  }
0xb9: {  	s3 =	sand.u32 $0x4000, s31;
	s1 =	sadd.s32 s1, s30  }
0xba: {  	s0 =	sor.u32 s3, s0;
	s1 =	sshll.u32 s1, $0x11  }
0xbb: {  	s0 =	sor.u32 s1, s0  }
0xbc: {  	s0 =	sadd.s32 $0x8F2B, s0  }
0xbd: {  	[sflag:s0] =	ssyncadd.remote.s32 $0x1  }
0xbe: {  	_ =	sfence.sel $0xFFFF  }
0xbf: {  	[dreg:$0x0] =	wrdreg $0xFFFFFFFF;
	(pc) =	sbr.abs _section_cstart, $3  }
0xc0: {  	[dreg:$0x1] =	wrdreg $0xFFFFFFFF  }
0xc1: {  	_ =	task.clear_ibuf [dreg:s7], $0x2FFFF;
	_ =	strace $0x9FFFFFFF  }
0xc2: {  	(tm) =	ssettm $0x7FFFFFFF  }
0xc3: {  	_ =	shalt  }
tec
execute0_lowered:
.L_overlay_start_1:
0x0: {  	(tag) =	ssettag $0x1  }
0x1: {  	v0 =	vimm.s32 $0xFEDCBA9;
	v25 =	vlaneseq.u32  }
0x2: {  	v1 =	vimm.s32 $0x87654321;
	v2 =	vimm.s32 $0x10FEDCBA;
	v3 =	vimm.s32 $0x98765432  }
0x3: {  	v4 =	vimm.s32 $0x210FEDCB;
	v5 =	vimm.s32 $0xA9876543;
	v6 =	vimm.s32 $0x3210FEDC  }
0x4: {  	v7 =	vimm.s32 $0xBA987654;
	v56 =	vimm.s32 $0x43210FED;
	v57 =	vimm.s32 $0xCBA98765  }
0x5: {  	v58 =	vimm.s32 $0x543210FE;
	v12 =	vimm.s32 $0xDCBA9876;
	v13 =	vimm.s32 $0x6543210F  }
0x6: {  	v14 =	vimm.s32 $0xEDCBA987;
	v15 =	vimm.s32 $0xFEDCBA98;
	v17 =	vimm.s32 $0x76543210  }
0x7: {  	vm15 =	vcmask $0x300;
	vm14 =	vcmask $0x704;
	vm13 =	vcmask $0xB08  }
0x8: {  	vm12 =	vcmask $0xF0C;
	vm11 =	vcmask $0x1310;
	vm10 =	vcmask $0x1714  }
0x9: {  	vm9 =	vcmask $0x1B18;
	vm8 =	vcmask $0x1F1C;
	vm7 =	vcmask $0x2320  }
0xa: {  	vm5 =	vcmask $0x2724;
	vm6 =	vcmask $0x2B28;
	vm4 =	vcmask $0x2F2C  }
0xb: {  	vm3 =	vcmask $0x3330;
	vm2 =	vcmask $0x3734;
	vm1 =	vcmask $0x3B38  }
0xc: {  	v39 =	vimm.s32 $0xF;
	v41 =	vimm.s32 $0x8F;
	v42 =	vimm.s32 $0x10F  }
0xd: {  	v46 =	vimm.s32 $0x18F;
	v48 =	vimm.s32 $0x20F;
	v49 =	vimm.s32 $0x28F  }
0xe: {  	v53 =	vimm.s32 $0x30F;
	v54 =	vimm.s32 $0x38F;
	v61 =	vimm.s32 $0x108F  }
0xf: {  	v0 =	vunpack.c.l.s4.s8 v0;
	v1 =	vunpack.c.l.s4.s8 v1;
	v2 =	vunpack.c.l.s4.s8 v2  }
0x10: {  	v3 =	vunpack.c.l.s4.s8 v3;
	v4 =	vunpack.c.l.s4.s8 v4;
	v5 =	vunpack.c.l.s4.s8 v5  }
0x11: {  	v6 =	vunpack.c.l.s4.s8 v6;
	v7 =	vunpack.c.l.s4.s8 v7;
	v8 =	vand.u32 $0x3, v25  }
0x12: {  	v12 =	vunpack.c.l.s4.s8 v12;
	v13 =	vunpack.c.l.s4.s8 v13;
	v14 =	vunpack.c.l.s4.s8 v14  }
0x13: {  	v15 =	vunpack.c.l.s4.s8 v15;
	v17 =	vunpack.c.l.s4.s8 v17;
	v20 =	vmul.u32 $0x2, v8  }
0x14: {  	v0 =	vunpack.c.0.s8.s32 v0;
	v1 =	vunpack.c.0.s8.s32 v1;
	v2 =	vunpack.c.0.s8.s32 v2  }
0x15: {  	v3 =	vunpack.c.0.s8.s32 v3;
	v4 =	vunpack.c.0.s8.s32 v4;
	v5 =	vunpack.c.0.s8.s32 v5  }
0x16: {  	v6 =	vunpack.c.0.s8.s32 v6;
	v7 =	vunpack.c.0.s8.s32 v7;
	v13 =	vunpack.c.0.s8.s32 v13  }
0x17: {  	v14 =	vunpack.c.0.s8.s32 v14;
	v9 =	vcombine.low v1, v0;
	v10 =	vcombine.low v3, v2  }
0x18: {  	v12 =	vunpack.c.0.s8.s32 v12;
	v11 =	vcombine.low v5, v4;
	v55 =	vcombine.low v7, v6  }
0x19: {  	v59 =	vunpack.c.0.s8.s32 v15;
	v19 =	vcombine.low v14, v13;
	v0 =	vcombine.low v0, v1  }
0x1a: {  	v15 =	vunpack.c.0.s8.s32 v17;
	v32 =	vcombine.low v2, v3;
	v33 =	vcombine.low v4, v5  }
0x1b: {  	v8 =	vand.u32 $0xF, v59;
	v34 =	vcombine.low v6, v7;
	v38 =	vcombine.low v13, v14  }
0x1c: {  	v2 =	vsel vm15, $0x180, v42;
	v4 =	vimm.s32 $0x118F;
	v13 =	vimm.s32 $0x1C1B1A19  }
0x1d: {  	v42 =	vimm.s32 $0x18171615;
	v24 =	vcombine.low v8, v15;
	v2 =	vsel vm14, $0x201, v2  }
0x1e: {  	v3 =	vunpack.c.0.s8.s32 v13;
	v13 =	vimm.s32 $0x208F;
	v26 =	vand.u32 $0xF, v9  }
0x1f: {  	v27 =	vand.u32 $0xF, v10;
	v45 =	vand.u32 $0xF, v11;
	v9 =	vunpack.c.l.s4.s8 v56  }
0x20: {  	v10 =	vunpack.c.l.s4.s8 v57;
	v11 =	vunpack.c.l.s4.s8 v58;
	v23 =	vand.u32 $0xF, v19  }
0x21: {  	v19 =	vand.u32 $0xF, v32;
	v40 =	vand.u32 $0xF, v33;
	v57 =	vand.u32 $0xF, v34  }
0x22: {  	v31 =	vand.u32 $0xF, v38;
	v2 =	vsel vm13, $0x282, v2;
	v56 =	vimm.s32 $0x100F  }
0x23: {  	v32 =	vimm.s32 $0x101F1E1D;
	v33 =	vimm.s32 $0x338F;
	v2 =	vsel vm12, $0x303, v2  }
0x24: {  	v9 =	vunpack.c.0.s8.s32 v9;
	v10 =	vunpack.c.0.s8.s32 v10;
	v11 =	vunpack.c.0.s8.s32 v11  }
0x25: {  	v34 =	vsel vm15, $0x2000, v33;
	v33 =	vimm.s32 $0x218F;
	v2 =	vsel vm11, $0x384, v2  }
0x26: {  	v2 =	vsel vm10, $0x1005, v2;
	v16 =	vcombine.low v10, v9;
	v18 =	vcombine.low v12, v11  }
0x27: {  	v35 =	vcombine.low v9, v10;
	v36 =	vcombine.low v11, v12;
	v2 =	vsel vm9, $0x1086, v2  }
0x28: {  	v9 =	vimm.s32 $0x128F;
	v47 =	vand.u32 $0xF, v16;
	v16 =	vimm.s32 $0x138F  }
0x29: {  	v10 =	vimm.s32 $0x130F;
	v2 =	vsel vm8, $0x1107, v2;
	v63 =	vsel vm15, $0x0, v16  }
0x2a: {  	v62 =	vand.u32 $0xF, v18;
	v18 =	vand.u32 $0xF, v0;
	v1 =	vsel vm14, $0x81, v63  }
0x2b: {  	v37 =	vand.u32 $0xF, v35;
	v2 =	vsel vm7, $0x1188, v2;
	v8 =	vsel vm13, $0x102, v1  }
0x2c: {  	v51 =	vand.u32 $0xF, v36;
	v2 =	vsel vm5, $0x1209, v2;
	v0 =	vsel vm12, $0x183, v8  }
0x2d: {  	v35 =	vimm.s32 $0x14131211;
	v2 =	vsel vm6, $0x128A, v2;
	v0 =	vsel vm11, $0x204, v0  }
0x2e: {  	v63 =	vimm.s32 $0x110F;
	v1 =	vsel vm15, $0x100, v41;
	v0 =	vsel vm10, $0x285, v0  }
0x2f: {  	v2 =	vsel vm4, $0x130B, v2;
	v1 =	vsel vm14, $0x181, v1;
	v0 =	vsel vm9, $0x306, v0  }
0x30: {  	v2 =	vsel vm3, $0x138C, v2;
	v8 =	vimm.s32 $0x120F;
	v0 =	vsel vm8, $0x387, v0  }
0x31: {  	v1 =	vsel vm13, $0x202, v1;
	v44 =	vsel vm2, $0xD, v2;
	v0 =	vsel vm7, $0x1008, v0  }
0x32: {  	v2 =	vsel vm15, $0x300, v49;
	v49 =	vimm.s32 $0x1E1D1C1B;
	v0 =	vsel vm5, $0x1089, v0  }
0x33: {  	v1 =	vsel vm12, $0x283, v1;
	v29 =	vsel vm1, $0x8E, v44;
	v0 =	vsel vm6, $0x110A, v0  }
0x34: {  	v2 =	vsel vm14, $0x381, v2;
	v44 =	vimm.s32 $0x11101F1E;
	v0 =	vsel vm4, $0x118B, v0  }
0x35: {  	v1 =	vsel vm11, $0x304, v1;
	v2 =	vsel vm13, $0x1002, v2;
	v0 =	vsel vm3, $0x120C, v0  }
0x36: {  	v1 =	vsel vm10, $0x385, v1;
	v2 =	vsel vm12, $0x1083, v2;
	v0 =	vsel vm2, $0x128D, v0  }
0x37: {  	v1 =	vsel vm9, $0x1006, v1;
	v17 =	vsel vm1, $0x130E, v0;
	v0 =	vsel vm15, $0x80, v39  }
0x38: {  	v2 =	vsel vm11, $0x1104, v2;
	v1 =	vsel vm8, $0x1087, v1;
	v0 =	vsel vm14, $0x101, v0  }
0x39: {  	v2 =	vsel vm10, $0x1185, v2;
	v1 =	vsel vm7, $0x1108, v1;
	v0 =	vsel vm13, $0x182, v0  }
0x3a: {  	v2 =	vsel vm9, $0x1206, v2;
	v1 =	vsel vm5, $0x1189, v1;
	v0 =	vsel vm12, $0x203, v0  }
0x3b: {  	v2 =	vsel vm8, $0x1287, v2;
	v1 =	vsel vm6, $0x120A, v1;
	v0 =	vsel vm11, $0x284, v0  }
0x3c: {  	v2 =	vsel vm7, $0x1308, v2;
	v1 =	vsel vm4, $0x128B, v1;
	v0 =	vsel vm10, $0x305, v0  }
0x3d: {  	v2 =	vsel vm5, $0x1389, v2;
	v1 =	vsel vm3, $0x130C, v1;
	v0 =	vsel vm9, $0x386, v0  }
0x3e: {  	v2 =	vsel vm6, $0xA, v2;
	v43 =	vsel vm2, $0x138D, v1;
	v0 =	vsel vm8, $0x1007, v0  }
0x3f: {  	v1 =	vsel vm15, $0x280, v48;
	v2 =	vsel vm4, $0x8B, v2;
	v0 =	vsel vm7, $0x1088, v0  }
0x40: {  	v48 =	vimm.s32 $0x19181716;
	v28 =	vsel vm1, $0xE, v43;
	v0 =	vsel vm5, $0x1109, v0  }
0x41: {  	v1 =	vsel vm14, $0x301, v1;
	v2 =	vsel vm3, $0x10C, v2;
	v0 =	vsel vm6, $0x118A, v0  }
0x42: {  	v43 =	vimm.s32 $0x1D1C1B1A;
	v1 =	vsel vm13, $0x382, v1;
	v0 =	vsel vm4, $0x120B, v0  }
0x43: {  	v52 =	vsel vm2, $0x18D, v2;
	v2 =	vsel vm15, $0x1080, v56;
	v0 =	vsel vm3, $0x128C, v0  }
0x44: {  	v1 =	vsel vm12, $0x1003, v1;
	v15 =	vsel vm1, $0x20E, v52;
	v0 =	vsel vm2, $0x130D, v0  }
0x45: {  	v2 =	vsel vm14, $0x1101, v2;
	v36 =	vsel vm1, $0x138E, v0;
	v0 =	vsel vm15, $0x200, v46  }
0x46: {  	v1 =	vsel vm11, $0x1084, v1;
	v2 =	vsel vm13, $0x1182, v2;
	v0 =	vsel vm14, $0x281, v0  }
0x47: {  	v1 =	vsel vm10, $0x1105, v1;
	v2 =	vsel vm12, $0x1203, v2;
	v0 =	vsel vm13, $0x302, v0  }
0x48: {  	v1 =	vsel vm9, $0x1186, v1;
	v2 =	vsel vm11, $0x1284, v2;
	v0 =	vsel vm12, $0x383, v0  }
0x49: {  	v1 =	vsel vm8, $0x1207, v1;
	v2 =	vsel vm10, $0x1305, v2;
	v0 =	vsel vm11, $0x1004, v0  }
0x4a: {  	v1 =	vsel vm7, $0x1288, v1;
	v2 =	vsel vm9, $0x1386, v2;
	v0 =	vsel vm10, $0x1085, v0  }
0x4b: {  	v1 =	vsel vm5, $0x1309, v1;
	v2 =	vsel vm8, $0x7, v2;
	v0 =	vsel vm9, $0x1106, v0  }
0x4c: {  	v1 =	vsel vm6, $0x138A, v1;
	v2 =	vsel vm7, $0x88, v2;
	v0 =	vsel vm8, $0x1187, v0  }
0x4d: {  	v1 =	vsel vm4, $0xB, v1;
	v2 =	vsel vm5, $0x109, v2;
	v0 =	vsel vm7, $0x1208, v0  }
0x4e: {  	v1 =	vsel vm3, $0x8C, v1;
	v2 =	vsel vm6, $0x18A, v2;
	v0 =	vsel vm5, $0x1289, v0  }
0x4f: {  	v50 =	vsel vm2, $0x10D, v1;
	v1 =	vsel vm15, $0x1000, v54;
	v0 =	vsel vm6, $0x130A, v0  }
0x50: {  	v2 =	vsel vm4, $0x20B, v2;
	v46 =	vimm.s32 $0x15141312;
	v0 =	vsel vm4, $0x138B, v0  }
0x51: {  	v54 =	vimm.s32 $0x1A191817;
	v14 =	vsel vm1, $0x18E, v50;
	v0 =	vsel vm3, $0xC, v0  }
0x52: {  	v1 =	vsel vm14, $0x1081, v1;
	v2 =	vsel vm3, $0x28C, v2;
	v0 =	vsel vm2, $0x8D, v0  }
0x53: {  	v50 =	vimm.s32 $0x1211101F;
	v30 =	vsel vm1, $0x10E, v0;
	v0 =	vsel vm15, $0x380, v53  }
0x54: {  	v56 =	vunpack.c.0.s8.s32 v54;
	v1 =	vsel vm13, $0x1102, v1;
	v0 =	vsel vm14, $0x1001, v0  }
0x55: {  	v59 =	vsel vm2, $0x30D, v2;
	v2 =	vsel vm15, $0x1200, v4;
	v0 =	vsel vm13, $0x1082, v0  }
0x56: {  	v4 =	vunpack.c.0.s8.s32 v32;
	v1 =	vsel vm12, $0x1183, v1;
	v0 =	vsel vm12, $0x1103, v0  }
0x57: {  	v52 =	vunpack.c.0.s8.s32 v50;
	v1 =	vsel vm11, $0x1204, v1;
	v0 =	vsel vm11, $0x1184, v0  }
0x58: {  	v32 =	vimm.s32 $0x210F;
	v1 =	vsel vm10, $0x1285, v1;
	v0 =	vsel vm10, $0x1205, v0  }
0x59: {  	v50 =	vimm.s32 $0x300F;
	v1 =	vsel vm9, $0x1306, v1;
	v0 =	vsel vm9, $0x1286, v0  }
0x5a: {  	v60 =	vsel vm1, $0x38E, v59;
	v1 =	vsel vm8, $0x1387, v1;
	v0 =	vsel vm8, $0x1307, v0  }
0x5b: {  	v2 =	vsel vm14, $0x1281, v2;
	v1 =	vsel vm7, $0x8, v1;
	v0 =	vsel vm7, $0x1388, v0  }
0x5c: {  	v59 =	vimm.s32 $0x13121110;
	v1 =	vsel vm5, $0x89, v1;
	v0 =	vsel vm5, $0x9, v0  }
0x5d: {  	[tilespmem:$0x1FC00] =	vst v56;
	v56 =	vimm.s32 $0x318F;
	v1 =	vsel vm6, $0x10A, v1;
	v0 =	vsel vm6, $0x8A, v0  }
0x5e: {  	v2 =	vsel vm13, $0x1302, v2;
	v1 =	vsel vm4, $0x18B, v1;
	v0 =	vsel vm4, $0x10B, v0  }
0x5f: {  	v2 =	vsel vm12, $0x1383, v2;
	v1 =	vsel vm3, $0x20C, v1;
	v0 =	vsel vm3, $0x18C, v0  }
0x60: {  	v2 =	vsel vm11, $0x4, v2;
	v58 =	vsel vm2, $0x28D, v1;
	v0 =	vsel vm2, $0x20D, v0  }
0x61: {  	[tilespmem:$0x1FB90] =	vst v60;
	v2 =	vsel vm10, $0x85, v2;
	v16 =	vsel vm1, $0x28E, v0;
	v0 =	vsel vm1, $0x30E, v58  }
0x62: {  	v60 =	vunpack.c.0.s8.s32 v59;
	v2 =	vsel vm9, $0x106, v2;
	[tilespmem:$0x1FB80] =	vst v0;
	v0 =	vsel vm15, $0x1100, v61  }
0x63: {  	v2 =	vsel vm8, $0x187, v2;
	v1 =	vsel vm15, $0x1180, v63;
	v0 =	vsel vm14, $0x1181, v0  }
0x64: {  	v2 =	vsel vm7, $0x208, v2;
	v1 =	vsel vm14, $0x1201, v1;
	v0 =	vsel vm13, $0x1202, v0  }
0x65: {  	v2 =	vsel vm5, $0x289, v2;
	v1 =	vsel vm13, $0x1282, v1;
	v0 =	vsel vm12, $0x1283, v0  }
0x66: {  	v2 =	vsel vm6, $0x30A, v2;
	v1 =	vsel vm12, $0x1303, v1;
	v0 =	vsel vm11, $0x1304, v0  }
0x67: {  	v2 =	vsel vm4, $0x38B, v2;
	v1 =	vsel vm11, $0x1384, v1;
	v0 =	vsel vm10, $0x1385, v0  }
0x68: {  	v63 =	vimm.s32 $0x1B1A1918;
	v1 =	vsel vm10, $0x5, v1;
	v0 =	vsel vm9, $0x6, v0  }
0x69: {  	v2 =	vsel vm3, $0x100C, v2;
	v1 =	vsel vm9, $0x86, v1;
	v0 =	vsel vm8, $0x87, v0  }
0x6a: {  	v53 =	vimm.s32 $0x16151413;
	v1 =	vsel vm8, $0x107, v1;
	v0 =	vsel vm7, $0x108, v0  }
0x6b: {  	v6 =	vsel vm2, $0x108D, v2;
	v1 =	vsel vm7, $0x188, v1;
	v0 =	vsel vm5, $0x189, v0  }
0x6c: {  	v2 =	vsel vm15, $0x1380, v10;
	v1 =	vsel vm5, $0x209, v1;
	v0 =	vsel vm6, $0x20A, v0  }
0x6d: {  	v2 =	vsel vm14, $0x1, v2;
	v1 =	vsel vm6, $0x28A, v1;
	v0 =	vsel vm4, $0x28B, v0  }
0x6e: {  	v2 =	vsel vm13, $0x82, v2;
	v1 =	vsel vm4, $0x30B, v1;
	v0 =	vsel vm3, $0x30C, v0  }
0x6f: {  	v2 =	vsel vm12, $0x103, v2;
	v1 =	vsel vm3, $0x38C, v1;
	v0 =	vsel vm2, $0x38D, v0  }
0x70: {  	v2 =	vsel vm11, $0x184, v2;
	v5 =	vsel vm2, $0x100D, v1;
	v0 =	vsel vm1, $0x100E, v0  }
0x71: {  	v10 =	vunpack.c.0.s8.s32 v48;
	v2 =	vsel vm10, $0x205, v2;
	[tilespmem:$0x1FBA0] =	vst v0;
	v0 =	vsel vm1, $0x108E, v5  }
0x72: {  	v7 =	vsel vm1, $0x110E, v6;
	v2 =	vsel vm9, $0x286, v2;
	[tilespmem:$0x1FBB0] =	vst v0;
	v0 =	vsel vm15, $0x1280, v8  }
0x73: {  	v6 =	vunpack.c.0.s8.s32 v42;
	v2 =	vsel vm8, $0x307, v2;
	v0 =	vsel vm14, $0x1301, v0  }
0x74: {  	v42 =	vimm.s32 $0x230F;
	v2 =	vsel vm7, $0x388, v2;
	v0 =	vsel vm13, $0x1382, v0  }
0x75: {  	[tilespmem:$0x1FBC0] =	vst v7;
	v7 =	vunpack.c.0.s8.s32 v43;
	v2 =	vsel vm5, $0x1009, v2;
	v0 =	vsel vm12, $0x3, v0  }
0x76: {  	v2 =	vsel vm6, $0x108A, v2;
	v1 =	vsel vm15, $0x1300, v9;
	v0 =	vsel vm11, $0x84, v0  }
0x77: {  	v2 =	vsel vm4, $0x110B, v2;
	v1 =	vsel vm14, $0x1381, v1;
	v0 =	vsel vm10, $0x105, v0  }
0x78: {  	v9 =	vunpack.c.0.s8.s32 v46;
	v1 =	vsel vm13, $0x2, v1;
	v0 =	vsel vm9, $0x186, v0  }
0x79: {  	v2 =	vsel vm3, $0x118C, v2;
	v1 =	vsel vm12, $0x83, v1;
	v0 =	vsel vm8, $0x207, v0  }
0x7a: {  	v12 =	vsel vm2, $0x120D, v2;
	v1 =	vsel vm11, $0x104, v1;
	v0 =	vsel vm7, $0x288, v0  }
0x7b: {  	v58 =	vimm.s32 $0x1F1E1D1C;
	v1 =	vsel vm10, $0x185, v1;
	v0 =	vsel vm5, $0x309, v0  }
0x7c: {  	v2 =	vsel vm15, $0x2180, v32;
	v1 =	vsel vm9, $0x206, v1;
	v0 =	vsel vm6, $0x38A, v0  }
0x7d: {  	v2 =	vsel vm14, $0x2201, v2;
	v1 =	vsel vm8, $0x287, v1;
	v0 =	vsel vm4, $0x100B, v0  }
0x7e: {  	v2 =	vsel vm13, $0x2282, v2;
	v1 =	vsel vm7, $0x308, v1;
	v0 =	vsel vm3, $0x108C, v0  }
0x7f: {  	v2 =	vsel vm12, $0x2303, v2;
	v1 =	vsel vm5, $0x389, v1;
	v0 =	vsel vm2, $0x110D, v0  }
0x80: {  	v1 =	vsel vm6, $0x100A, v1;
	v38 =	vsel vm1, $0x118E, v0;
	v0 =	vsel vm14, $0x2081, v34  }
0x81: {  	v2 =	vsel vm11, $0x2384, v2;
	v1 =	vsel vm4, $0x108B, v1;
	v0 =	vsel vm13, $0x2102, v0  }
0x82: {  	v2 =	vsel vm10, $0x3005, v2;
	v1 =	vsel vm3, $0x110C, v1;
	v0 =	vsel vm12, $0x2183, v0  }
0x83: {  	v11 =	vsel vm2, $0x118D, v1;
	v1 =	vunpack.c.0.s8.s32 v49;
	v0 =	vsel vm11, $0x2204, v0  }
0x84: {  	v41 =	vsel vm1, $0x128E, v12;
	v2 =	vsel vm9, $0x3086, v2;
	v0 =	vsel vm10, $0x2285, v0  }
0x85: {  	v2 =	vsel vm8, $0x3107, v2;
	[tilespmem:$0x1FBD0] =	vst v1;
	v1 =	vunpack.c.0.s8.s32 v53;
	v0 =	vsel vm9, $0x2306, v0  }
0x86: {  	v61 =	vimm.s32 $0x17161514;
	v2 =	vsel vm7, $0x3188, v2;
	v0 =	vsel vm8, $0x2387, v0  }
0x87: {  	v2 =	vsel vm5, $0x3209, v2;
	[tilespmem:$0x1FBF0] =	vst v1;
	v1 =	vunpack.c.0.s8.s32 v58;
	v0 =	vsel vm7, $0x3008, v0  }
0x88: {  	v12 =	vimm.s32 $0x200F;
	v2 =	vsel vm6, $0x328A, v2;
	v0 =	vsel vm5, $0x3089, v0  }
0x89: {  	v2 =	vsel vm4, $0x330B, v2;
	[tilespmem:$0x1FC10] =	vst v1;
	v1 =	vunpack.c.0.s8.s32 v61;
	v0 =	vsel vm6, $0x310A, v0  }
0x8a: {  	v49 =	vimm.s32 $0x238F;
	v39 =	vsel vm1, $0x120E, v11;
	v0 =	vsel vm4, $0x318B, v0  }
0x8b: {  	v11 =	vunpack.c.0.s8.s32 v63;
	[tilespmem:$0x1FC30] =	vst v1;
	v1 =	vsel vm15, $0x2100, v13;
	v0 =	vsel vm3, $0x320C, v0  }
0x8c: {  	v2 =	vsel vm3, $0x338C, v2;
	v1 =	vsel vm14, $0x2181, v1;
	v0 =	vsel vm2, $0x328D, v0  }
0x8d: {  	[tilespmem:$0x1FC40] =	vst v11;
	v1 =	vsel vm13, $0x2202, v1;
	v11 =	vsel vm1, $0x330E, v0;
	v0 =	vsel vm15, $0x2080, v12  }
0x8e: {  	v2 =	vsel vm2, $0x200D, v2;
	v1 =	vsel vm12, $0x2283, v1;
	v0 =	vsel vm14, $0x2101, v0  }
0x8f: {  	v46 =	vsel vm1, $0x208E, v2;
	v1 =	vsel vm11, $0x2304, v1;
	v0 =	vsel vm13, $0x2182, v0  }
0x90: {  	v5 =	vunpack.c.0.s8.s32 v35;
	v1 =	vsel vm10, $0x2385, v1;
	v0 =	vsel vm12, $0x2203, v0  }
0x91: {  	v35 =	vimm.s32 $0x228F;
	v1 =	vsel vm9, $0x3006, v1;
	v0 =	vsel vm11, $0x2284, v0  }
0x92: {  	v8 =	vunpack.c.0.s8.s32 v44;
	v1 =	vsel vm8, $0x3087, v1;
	v0 =	vsel vm10, $0x2305, v0  }
0x93: {  	v2 =	vsel vm15, $0x2300, v35;
	v1 =	vsel vm7, $0x3108, v1;
	v0 =	vsel vm9, $0x2386, v0  }
0x94: {  	v2 =	vsel vm14, $0x2381, v2;
	v1 =	vsel vm5, $0x3189, v1;
	v0 =	vsel vm8, $0x3007, v0  }
0x95: {  	v2 =	vsel vm13, $0x3002, v2;
	v1 =	vsel vm6, $0x320A, v1;
	v0 =	vsel vm7, $0x3088, v0  }
0x96: {  	v2 =	vsel vm12, $0x3083, v2;
	v1 =	vsel vm4, $0x328B, v1;
	v0 =	vsel vm5, $0x3109, v0  }
0x97: {  	v2 =	vsel vm11, $0x3104, v2;
	v1 =	vsel vm3, $0x330C, v1;
	v0 =	vsel vm6, $0x318A, v0  }
0x98: {  	v34 =	vimm.s32 $0x220F;
	v1 =	vsel vm2, $0x338D, v1;
	v0 =	vsel vm4, $0x320B, v0  }
0x99: {  	v13 =	vsel vm1, $0x200E, v1;
	v1 =	vsel vm15, $0x2280, v34;
	v0 =	vsel vm3, $0x328C, v0  }
0x9a: {  	v2 =	vsel vm10, $0x3185, v2;
	v1 =	vsel vm14, $0x2301, v1;
	v0 =	vsel vm2, $0x330D, v0  }
0x9b: {  	v1 =	vsel vm13, $0x2382, v1;
	v12 =	vsel vm1, $0x338E, v0;
	v0 =	vsel vm15, $0x2200, v33  }
0x9c: {  	v2 =	vsel vm9, $0x3206, v2;
	v1 =	vsel vm12, $0x3003, v1;
	v0 =	vsel vm14, $0x2281, v0  }
0x9d: {  	v2 =	vsel vm8, $0x3287, v2;
	v1 =	vsel vm11, $0x3084, v1;
	v0 =	vsel vm13, $0x2302, v0  }
0x9e: {  	v2 =	vsel vm7, $0x3308, v2;
	v1 =	vsel vm10, $0x3105, v1;
	v0 =	vsel vm12, $0x2383, v0  }
0x9f: {  	v2 =	vsel vm5, $0x3389, v2;
	v1 =	vsel vm9, $0x3186, v1;
	v0 =	vsel vm11, $0x3004, v0  }
0xa0: {  	v2 =	vsel vm6, $0x200A, v2;
	v1 =	vsel vm8, $0x3207, v1;
	v0 =	vsel vm10, $0x3085, v0  }
0xa1: {  	v2 =	vsel vm4, $0x208B, v2;
	v1 =	vsel vm7, $0x3288, v1;
	v0 =	vsel vm9, $0x3106, v0  }
0xa2: {  	v2 =	vsel vm3, $0x210C, v2;
	v1 =	vsel vm5, $0x3309, v1;
	v0 =	vsel vm8, $0x3187, v0  }
0xa3: {  	v2 =	vsel vm2, $0x218D, v2;
	v1 =	vsel vm6, $0x338A, v1;
	v0 =	vsel vm7, $0x3208, v0  }
0xa4: {  	v43 =	vsel vm1, $0x220E, v2;
	v1 =	vsel vm4, $0x200B, v1;
	v0 =	vsel vm5, $0x3289, v0  }
0xa5: {  	v2 =	vsel vm15, $0x3080, v50;
	v1 =	vsel vm3, $0x208C, v1;
	v0 =	vsel vm6, $0x330A, v0  }
0xa6: {  	v2 =	vsel vm14, $0x3101, v2;
	v1 =	vsel vm2, $0x210D, v1;
	v0 =	vsel vm4, $0x338B, v0  }
0xa7: {  	v48 =	vsel vm1, $0x218E, v1;
	v1 =	vsel vm15, $0x3000, v49;
	v0 =	vsel vm3, $0x200C, v0  }
0xa8: {  	v2 =	vsel vm13, $0x3182, v2;
	v1 =	vsel vm14, $0x3081, v1;
	v0 =	vsel vm2, $0x208D, v0  }
0xa9: {  	v1 =	vsel vm13, $0x3102, v1;
	v44 =	vsel vm1, $0x210E, v0;
	v0 =	vsel vm15, $0x2380, v42  }
0xaa: {  	v2 =	vsel vm12, $0x3203, v2;
	v1 =	vsel vm12, $0x3183, v1;
	v0 =	vsel vm14, $0x3001, v0  }
0xab: {  	v2 =	vsel vm11, $0x3284, v2;
	v1 =	vsel vm11, $0x3204, v1;
	v0 =	vsel vm13, $0x3082, v0  }
0xac: {  	v2 =	vsel vm10, $0x3305, v2;
	v1 =	vsel vm10, $0x3285, v1;
	v0 =	vsel vm12, $0x3103, v0  }
0xad: {  	v2 =	vsel vm9, $0x3386, v2;
	v1 =	vsel vm9, $0x3306, v1;
	v0 =	vsel vm11, $0x3184, v0  }
0xae: {  	v2 =	vsel vm8, $0x2007, v2;
	v1 =	vsel vm8, $0x3387, v1;
	v0 =	vsel vm10, $0x3205, v0  }
0xaf: {  	v2 =	vsel vm7, $0x2088, v2;
	v1 =	vsel vm7, $0x2008, v1;
	v0 =	vsel vm9, $0x3286, v0  }
0xb0: {  	v2 =	vsel vm5, $0x2109, v2;
	v1 =	vsel vm5, $0x2089, v1;
	v0 =	vsel vm8, $0x3307, v0  }
0xb1: {  	v2 =	vsel vm6, $0x218A, v2;
	v1 =	vsel vm6, $0x210A, v1;
	v0 =	vsel vm7, $0x3388, v0  }
0xb2: {  	v2 =	vsel vm4, $0x220B, v2;
	v1 =	vsel vm4, $0x218B, v1;
	v0 =	vsel vm5, $0x2009, v0  }
0xb3: {  	v2 =	vsel vm3, $0x228C, v2;
	v1 =	vsel vm3, $0x220C, v1;
	v0 =	vsel vm6, $0x208A, v0  }
0xb4: {  	v2 =	vsel vm2, $0x230D, v2;
	v1 =	vsel vm2, $0x228D, v1;
	v0 =	vsel vm4, $0x210B, v0  }
0xb5: {  	s0 =	srdreg.scid;
	s2 =	stileid.u32;
	[tilespmem:$0x1FBE0] =	vst v52;
	v42 =	vsel vm1, $0x238E, v2;
	v2 =	vsel vm15, $0x3200, v56;
	v0 =	vsel vm3, $0x218C, v0  }
0xb6: {  	s0 =	sand.u32 $0x1, s0;
	s3 =	sshll.u32 s2, $0x1;
	[tilespmem:$0x1FC20] =	vst v60;
	v52 =	vsel vm1, $0x230E, v1;
	v2 =	vsel vm14, $0x3281, v2;
	v0 =	vsel vm2, $0x220D, v0  }
0xb7: {  	s1 =	rddreg [dreg:$0x0];
	s5 =	sor.u32 s0, s3;
	s3 =	simm.s32 $0x0;
	[tilespmem:$0x1FC60] =	vst v52;
	v2 =	vsel vm13, $0x3302, v2;
	v0 =	vsel vm1, $0x228E, v0  }
0xb8: {  	[smem:$0x7FF] =	sst s3;
	v2 =	vsel vm12, $0x3383, v2;
	[tilespmem:$0x1FC50] =	vst v0  }
0xb9: {  	s2 =	rddreg [dreg:$0x1];
	v2 =	vsel vm11, $0x2004, v2;
	_ =	strace $0x80000047;
	[tilespmem:$0x1FC70] =	vst v3  }
0xba: {  	v2 =	vsel vm10, $0x2085, v2;
	[tilespmem:$0x1FC80] =	vst v4  }
0xbb: {  	v2 =	vsel vm9, $0x2106, v2;
	[tilespmem:$0x1FC90] =	vst v5  }
0xbc: {  	v2 =	vsel vm8, $0x2187, v2;
	[tilespmem:$0x1FCA0] =	vst v6  }
0xbd: {  	v2 =	vsel vm7, $0x2208, v2;
	[tilespmem:$0x1FCB0] =	vst v7  }
0xbe: {  	v2 =	vsel vm5, $0x2289, v2;
	[tilespmem:$0x1FCC0] =	vst v8  }
0xbf: {  	vm0 =	vcmask $0x1F10;
	v2 =	vsel vm6, $0x230A, v2;
	[tilespmem:$0x1FCD0] =	vst v9  }
0xc0: {  	v61 =	vsel vm0, v4, v3;
	v2 =	vsel vm4, $0x238B, v2;
	[tilespmem:$0x1FCE0] =	vst v10  }
0xc1: {  	v33 =	vsel vm0, v6, v5;
	v2 =	vsel vm3, $0x300C, v2;
	[tilespmem:$0x1FCF0] =	vst v61  }
0xc2: {  	v60 =	vimm.s32 $0x330F;
	v50 =	vsel vm0, v8, v7;
	v2 =	vsel vm2, $0x308D, v2;
	[tilespmem:$0x1FD00] =	vst v33  }
0xc3: {  	v35 =	vsel vm1, $0x310E, v2;
	v2 =	vsel vm15, $0x3380, v60;
	v60 =	vsel vm0, v10, v9;
	[tilespmem:$0x1FD10] =	vst v50  }
0xc4: {  	[tilespmem:$0x1FD20] =	vst v60  }
0xc5: {  	[tilespmem:$0x1FD30] =	vst v20  }
0xc6: {  	[tilespmem:$0x1FD40] =	vst v47  }
0xc7: {  	[tilespmem:$0x1FD50] =	vst v24  }
0xc8: {  	[tilespmem:$0x1FD60] =	vst v18  }
0xc9: {  	[tilespmem:$0x1FD70] =	vst v19  }
0xca: {  	[tilespmem:$0x1FD80] =	vst v40  }
0xcb: {  	[tilespmem:$0x1FD90] =	vst v57  }
0xcc: {  	[tilespmem:$0x1FDA0] =	vst v37  }
0xcd: {  	v54 =	vimm.s32 $0x310F;
	[tilespmem:$0x1FDB0] =	vst v51  }
0xce: {  	v1 =	vsel vm15, $0x3180, v54;
	[tilespmem:$0x1FDC0] =	vst v17  }
0xcf: {  	v1 =	vsel vm14, $0x3201, v1;
	[tilespmem:$0x1FDD0] =	vst v36  }
0xd0: {  	v1 =	vsel vm13, $0x3282, v1;
	[tilespmem:$0x1FDE0] =	vst v28  }
0xd1: {  	v1 =	vsel vm12, $0x3303, v1;
	[tilespmem:$0x1FDF0] =	vst v29  }
0xd2: {  	v1 =	vsel vm11, $0x3384, v1;
	[tilespmem:$0x1FE00] =	vst v30  }
0xd3: {  	v53 =	vimm.s32 $0x308F;
	v1 =	vsel vm10, $0x2005, v1;
	[tilespmem:$0x1FE10] =	vst v14  }
0xd4: {  	v1 =	vsel vm9, $0x2086, v1;
	v0 =	vsel vm15, $0x3100, v53;
	[tilespmem:$0x1FE20] =	vst v15  }
0xd5: {  	v1 =	vsel vm8, $0x2107, v1;
	v0 =	vsel vm14, $0x3181, v0;
	[tilespmem:$0x1FE30] =	vst v16  }
0xd6: {  	v1 =	vsel vm7, $0x2188, v1;
	[tilespmem:$0x1FE40] =	vst v38;
	v0 =	vsel vm13, $0x3202, v0  }
0xd7: {  	v1 =	vsel vm5, $0x2209, v1;
	[tilespmem:$0x1FE50] =	vst v39;
	v0 =	vsel vm12, $0x3283, v0  }
0xd8: {  	v1 =	vsel vm6, $0x228A, v1;
	[tilespmem:$0x1FE60] =	vst v41;
	v0 =	vsel vm11, $0x3304, v0  }
0xd9: {  	v22 =	vmul.u32 $0x20, v25;
	v1 =	vsel vm4, $0x230B, v1;
	[tilespmem:$0x1FE70] =	vst v11;
	v0 =	vsel vm10, $0x3385, v0  }
0xda: {  	v55 =	vand.u32 $0xF, v55;
	v1 =	vsel vm3, $0x238C, v1;
	[tilespmem:$0x1FE80] =	vst v12;
	v0 =	vsel vm9, $0x2006, v0  }
0xdb: {  	v59 =	vimm.s32 $0x328F;
	v1 =	vsel vm2, $0x300D, v1;
	[tilespmem:$0x1FE90] =	vst v13;
	v0 =	vsel vm8, $0x2087, v0  }
0xdc: {  	v63 =	vsel vm1, $0x308E, v1;
	v1 =	vsel vm15, $0x3300, v59;
	[tilespmem:$0x1FEA0] =	vst v46;
	v0 =	vsel vm7, $0x2108, v0  }
0xdd: {  	v32 =	vmul.u32 $0x32, v25;
	v1 =	vsel vm14, $0x3381, v1;
	[tilespmem:$0x1FEB0] =	vst v44;
	v0 =	vsel vm5, $0x2189, v0  }
0xde: {  	v58 =	vimm.s32 $0x320F;
	v1 =	vsel vm13, $0x2002, v1;
	[tilespmem:$0x1FEC0] =	vst v48;
	v0 =	vsel vm6, $0x220A, v0  }
0xdf: {  	v52 =	vor.u32 $0x10, v25;
	v1 =	vsel vm12, $0x2083, v1;
	[tilespmem:$0x1FED0] =	vst v43;
	v0 =	vsel vm4, $0x228B, v0  }
0xe0: {  	v56 =	vcombine.low v33, v61;
	v1 =	vsel vm11, $0x2104, v1;
	[tilespmem:$0x1FEE0] =	vst v42;
	v0 =	vsel vm3, $0x230C, v0  }
0xe1: {  	v1 =	vsel vm10, $0x2185, v1;
	v2 =	vsel vm14, $0x2001, v2;
	[tilespmem:$0x1FF00] =	vst v63;
	v0 =	vsel vm2, $0x238D, v0  }
0xe2: {  	s28 =	simm.s32 $0x6580;
	s4 =	smul.u32 $0xC80, s5;
	v2 =	vsel vm13, $0x2082, v2;
	[tilespmem:$0x1FF10] =	vst v35;
	v21 =	vsel vm1, $0x300E, v0;
	v0 =	vsel vm15, $0x3280, v58  }
0xe3: {  	s29 =	simm.s32 $0x9800;
	s15 =	simm.s32 $0xE800;
	v1 =	vsel vm9, $0x2206, v1;
	[tilespmem:$0x1FF50] =	vst v32;
	v2 =	vsel vm12, $0x2103, v2;
	v0 =	vsel vm14, $0x3301, v0  }
0xe4: {  	s8 =	sadd.s32 $0x4000, s2;
	s9 =	sadd.s32 $0x8000, s2;
	s6 =	sadd.s32 s4, s1;
	v1 =	vsel vm8, $0x2287, v1;
	[tilespmem:$0x1FF60] =	vst v22;
	v2 =	vsel vm11, $0x2184, v2;
	v0 =	vsel vm13, $0x3382, v0  }
0xe5: {  	s30 =	simm.s32 $0x2;
	s20 =	sshll.u32 s5, $0x9;
	s6 =	sadd.s32 $0x1400, s6;
	v1 =	vsel vm7, $0x2308, v1;
	[tilespmem:$0x1FF70] =	vst v52;
	v2 =	vsel vm10, $0x2205, v2;
	v0 =	vsel vm12, $0x2003, v0  }
0xe6: {  	s10 =	sadd.s32 $0xC000, s2;
	s22 =	sadd.s32 s20, s8;
	v1 =	vsel vm5, $0x2389, v1;
	[dreg:$0x3] =	wrdreg s6;
	[tilespmem:$0x1FF80] =	vst v56;
	v2 =	vsel vm9, $0x2286, v2;
	v0 =	vsel vm11, $0x2084, v0  }
0xe7: {  	s21 =	sadd.s32 s2, s20;
	s23 =	sadd.s32 s20, s9;
	v1 =	vsel vm6, $0x300A, v1;
	[dreg:$0x5] =	wrdreg s22;
	[tilespmem:$0x1FFA0] =	vst v31;
	v2 =	vsel vm8, $0x2307, v2;
	v0 =	vsel vm10, $0x2105, v0  }
0xe8: {  	s4 =	sadd.s32 $0x1A400, s1;
	s1 =	sadd.s32 s20, s10;
	v1 =	vsel vm4, $0x308B, v1;
	[dreg:$0x6] =	wrdreg s23;
	[tilespmem:$0x1FFB0] =	vst v23;
	v2 =	vsel vm7, $0x2388, v2;
	v0 =	vsel vm9, $0x2186, v0  }
0xe9: {  	s19 =	simm.s32 $0x12800;
	s24 =	sadd.s32 $0x10000, s21;
	v1 =	vsel vm3, $0x310C, v1;
	[dreg:$0x7] =	wrdreg s1;
	[tilespmem:$0x1FFC0] =	vst v55;
	v2 =	vsel vm5, $0x3009, v2;
	v0 =	vsel vm8, $0x2207, v0  }
0xea: {  	s11 =	simm.s32 $0x4;
	s25 =	sadd.s32 $0x14000, s21;
	[dreg:$0x8] =	wrdreg s24;
	v1 =	vsel vm2, $0x318D, v1;
	[tilespmem:$0x1FFD0] =	vst v62;
	v2 =	vsel vm6, $0x308A, v2;
	v0 =	vsel vm7, $0x2288, v0  }
0xeb: {  	s0 =	ssub.s32 $0x2, s0;
	s26 =	sadd.s32 $0x18000, s21;
	[dreg:$0x9] =	wrdreg s25;
	v61 =	vcombine.low v60, v50;
	[tilespmem:$0x1FFE0] =	vst v45;
	v2 =	vsel vm4, $0x310B, v2;
	v0 =	vsel vm5, $0x2309, v0  }
0xec: {  	s12 =	simm.s32 $0x5;
	s7 =	sshrl.u32 s0, $0x1;
	[dreg:$0xa] =	wrdreg s26;
	[tilespmem:$0x1FFF0] =	vst v27;
	v49 =	vsel vm1, $0x320E, v1;
	v2 =	vsel vm3, $0x318C, v2;
	v0 =	vsel vm6, $0x238A, v0  }
0xed: {  	s0 =	ssub.s32 s0, s7;
	s31 =	sadd.s32 $0x1C000, s21;
	[dreg:$0x4] =	wrdreg s21;
	[tilespmem:$0x1FF30] =	vst v49;
	v2 =	vsel vm2, $0x320D, v2;
	v0 =	vsel vm4, $0x300B, v0  }
0xee: {  	s7 =	simm.s32 $0x3;
	s0 =	smax.u32 s0, $0x1;
	[dreg:$0xb] =	wrdreg s31;
	[tilespmem:$0x1FF90] =	vst v61;
	v54 =	vsel vm1, $0x328E, v2;
	v0 =	vsel vm3, $0x308C, v0  }
0xef: {  	s20 =	simm.s32 $0x80;
	s6 =	sshll.u32 s5, $0xC;
	[dreg:$0xc] =	wrdreg s0;
	[tilespmem:$0x1FF40] =	vst v54;
	v0 =	vsel vm2, $0x310D, v0  }
0xf0: {  	s21 =	simm.s32 $0x6400;
	s22 =	simm.s32 $0x6800;
	s25 =	simm.s32 $0x6500;
	[tilespmem:$0x1FEF0] =	vst v21;
	v34 =	vsel vm1, $0x318E, v0  }
0xf1: {  	s26 =	simm.s32 $0x8800;
	s1 =	simm.s32 $0xA800;
	s5 =	simm.s32 $0x0;
	[tilespmem:$0x1FF20] =	vst v34  }
.LBB2_1:
0xf2: {  	v0 =	vadd.s32 s3, v32  }
0xf3: {  	[dreg:$0xd] =	wrdreg s5;
	v0 =	vand.u32 $0xFFF8, v0  }
0xf4: {  	s0 =	rddreg [dreg:$0x3];
	s23 =	simm.s32 $0x1;
	v0 =	vor.u32 v20, v0  }
0xf5: {  	[tilespmem:s3], [sflag:$0x1] =	stream.linear.gather [hbm4b:s0+s3], $0x6400, $0x38;
	[tilespmem:$0x16800] =	vst v63  }
0xf6: {  	_ =	swait.ge [sflag:s23], $0x6400  }
0xf7: {  	[sflag:s23] =	ssyncset.done $0x0  }
0xf8: {  	[sflag:s23] =	ssyncadd.s32 $0xFFFF9C00  }
0xf9: {  	v0 =	vld.idx.msk [tilespmem:v0+s3+$0x0], $0xffff  }
0xfa: {  	s24 =	simm.s32 $0x320  }
0xfb: {  	v1 =	vadd.s32 s24, v32  }
0xfc: {  	v1 =	vand.u32 $0xFFF8, v1  }
0xfd: {  	v1 =	vor.u32 v20, v1  }
0xfe: {  	vm1 =	vgt.s32 v0, $0x0  }
0xff: {  	v0 =	vnsel vm1, $0x0, v0  }
0x100: {  	v0 =	vmin.u32 v0, $0x186A0  }
0x101: {  	[tilespmem:s21+$0x0] =	vst v0  }
0x102: {  	v0 =	vld.idx.msk [tilespmem:v1+s3+$0x0], $0xffff  }
0x103: {  	s31 =	simm.s32 $0x640  }
0x104: {  	s5 =	simm.s32 $0x960;
	s0 =	simm.s32 $0x6400;
	v1 =	vadd.s32 s31, v32  }
.LBB2_2:
0x105: {  	p0 =	sne.s32 s5, $0x60E0;
	v1 =	vand.u32 $0xFFF8, v1  }
0x106: {  	v1 =	vor.u32 v20, v1  }
0x107: {  	vm1 =	vgt.s32 v0, $0x0  }
0x108: {  	v0 =	vnsel vm1, $0x0, v0  }
0x109: {  	s0 =	sadd.s32 $0x10, s0;
	v0 =	vmin.u32 v0, $0x186A0  }
.Ltmp0:
0x10a: {  	[tilespmem:s0+$0x0] =	vst v0;
	(pc) =	sbr.rel @p0 .LBB2_2-.Ltmp0, $2  }
0x10b: {  	v0 =	vld.idx.msk [tilespmem:v1+s3+$0x0], $0xffff;
	_ =	sdelay $0x2  }
0x10c: {  	v1 =	vadd.s32 s5, v32;
	s5 =	sadd.s32 $0x320, s5  }
0x10d: {  	v1 =	vand.u32 $0xFFF8, v1  }
0x10e: {  	v1 =	vor.u32 v20, v1  }
0x10f: {  	vm1 =	vgt.s32 v0, $0x0  }
0x110: {  	v0 =	vnsel vm1, $0x0, v0  }
0x111: {  	s0 =	sadd.s32 $0x10, s0;
	v0 =	vmin.u32 v0, $0x186A0  }
0x112: {  	[tilespmem:s0+$0x0] =	vst v0  }
0x113: {  	v0 =	vld.idx.msk [tilespmem:v1+s3+$0x0], $0xffff;
	_ =	sdelay $0x4  }
0x114: {  	vm1 =	vgt.s32 v0, $0x0  }
0x115: {  	v0 =	vnsel vm1, $0x0, v0  }
0x116: {  	s0 =	sadd.s32 $0x10, s0;
	v0 =	vmin.u32 v0, $0x186A0  }
0x117: {  	[tilespmem:s0+$0x0] =	vst v0  }
0x118: {  	[tilespmem:s22], [sflag:$0x2] =	stream.indirect.gather [hbm4b:s4+s20], $0x20, s21, s20, $0xb8;
	[tilespmem:$0x16800] =	vst v63  }
0x119: {  	s23 =	simm.s32 $0x1;
	s5 =	simm.s32 $0x6480;
	s13 =	simm.s32 $0x7800  }
0x11a: {  	v0 =	vadd.s32 s23, v32;
	[tilespmem:s13], [sflag:$0x2] =	stream.indirect.gather [hbm4b:s4+s20], $0x20, s5, s20, $0xb8;
	[tilespmem:$0x16800] =	vst v63  }
0x11b: {  	_ = 	snop  }
0x11c: {  	[tilespmem:s26], [sflag:$0x2] =	stream.indirect.gather [hbm4b:s4+s20], $0x20, s25, s20, $0xb8;
	[tilespmem:$0x16800] =	vst v63  }
0x11d: {  	_ = 	snop  }
0x11e: {  	[tilespmem:s29], [sflag:$0x2] =	stream.indirect.gather [hbm4b:s4+s20], $0x20, s28, s20, $0xb8;
	[tilespmem:$0x16800] =	vst v63  }
0x11f: {  	v0 =	vld.idx.msk [tilespmem:v0+s3+$0x0], $0xffff;
	_ =	sdelay $0x2  }
0x120: {  	s24 =	simm.s32 $0x321  }
0x121: {  	v1 =	vadd.s32 s24, v32  }
0x122: {  	vm1 =	vgt.s32 v0, $0x0  }
0x123: {  	v0 =	vnsel vm1, $0x0, v0  }
0x124: {  	s0 =	simm.s32 $0x6600;
	v0 =	vmin.u32 v0, $0x186A0  }
0x125: {  	[tilespmem:s0+$0x0] =	vst v0  }
0x126: {  	v1 =	vld.idx.msk [tilespmem:v1+s3+$0x0], $0xffff;
	_ =	sdelay $0x2  }
0x127: {  	s31 =	simm.s32 $0x641  }
0x128: {  	v50 =	vmov v49;
	s5 =	simm.s32 $0x961;
	v0 =	vadd.s32 s31, v32  }
.LBB2_4:
0x129: {  	p0 =	sne.s32 s5, $0x60E1;
	vm1 =	vgt.s32 v1, $0x0  }
0x12a: {  	v1 =	vnsel vm1, $0x0, v1  }
0x12b: {  	s0 =	sadd.s32 $0x10, s0;
	v1 =	vmin.u32 v1, $0x186A0  }
0x12c: {  	[tilespmem:s0+$0x0] =	vst v1  }
0x12d: {  	v1 =	vld.idx.msk [tilespmem:v0+s3+$0x0], $0xffff  }
.Ltmp1:
0x12e: {  	(pc) =	sbr.rel @p0 .LBB2_4-.Ltmp1, $2  }
0x12f: {  	_ =	sdelay $0x2  }
0x130: {  	v0 =	vadd.s32 s5, v32;
	s5 =	sadd.s32 $0x320, s5  }
0x131: {  	vm1 =	vgt.s32 v1, $0x0  }
0x132: {  	v1 =	vnsel vm1, $0x0, v1  }
0x133: {  	s0 =	sadd.s32 $0x10, s0;
	v1 =	vmin.u32 v1, $0x186A0  }
0x134: {  	[tilespmem:s0+$0x0] =	vst v1  }
0x135: {  	v0 =	vld.idx.msk [tilespmem:v0+s3+$0x0], $0xffff;
	_ =	sdelay $0x4  }
0x136: {  	vm1 =	vgt.s32 v0, $0x0  }
0x137: {  	v0 =	vnsel vm1, $0x0, v0  }
0x138: {  	s0 =	sadd.s32 $0x10, s0;
	v0 =	vmin.u32 v0, $0x186A0  }
0x139: {  	[tilespmem:s0+$0x0] =	vst v0  }
0x13a: {  	_ =	swait.ge [sflag:s30], $0x1000  }
0x13b: {  	[sflag:s30] =	ssyncset.done $0x0  }
0x13c: {  	[sflag:s30] =	ssyncadd.s32 $0xFFFFF000  }
0x13d: {  	_ =	swait.ge [sflag:s30], $0x1000  }
0x13e: {  	[sflag:s30] =	ssyncset.done $0x0  }
0x13f: {  	[sflag:s30] =	ssyncadd.s32 $0xFFFFF000  }
0x140: {  	_ =	swait.ge [sflag:s30], $0x1000  }
0x141: {  	[sflag:s30] =	ssyncset.done $0x0  }
0x142: {  	[sflag:s30] =	ssyncadd.s32 $0xFFFFF000  }
0x143: {  	_ =	swait.ge [sflag:s30], $0x1000  }
0x144: {  	s13 =	simm.s32 $0x0;
	[sflag:s30] =	ssyncset.done $0x0  }
0x145: {  	s5 =	simm.s32 $0x6600;
	v0 =	vmov s13;
	[sflag:s30] =	ssyncadd.s32 $0xFFFFF000  }
0x146: {  	v0 =	vshll.u32 v0, $0x5;
	[tilespmem:s1], [sflag:$0x3] =	stream.indirect.gather [hbm4b:s4+s20], $0x20, s5, s20, $0xb8;
	[tilespmem:$0x16800] =	vst v63  }
0x147: {  	s14 =	simm.s32 $0x6680;
	s16 =	simm.s32 $0x6700;
	v3 =	vor.u32 v22, v0;
	s5 =	simm.s32 $0xB800  }
0x148: {  	v0 =	vor.u32 v55, v3;
	[tilespmem:s5], [sflag:$0x3] =	stream.indirect.gather [hbm4b:s4+s20], $0x20, s14, s20, $0xb8;
	[tilespmem:$0x16800] =	vst v63  }
0x149: {  	s17 =	simm.s32 $0xC800;
	s24 =	sand.u32 $0xC00, s13;
	s31 =	sand.u32 $0x70, s13;
	v1 =	vor.u32 v26, v3  }
0x14a: {  	v2 =	vor.u32 v31, v3;
	[tilespmem:s17], [sflag:$0x3] =	stream.indirect.gather [hbm4b:s4+s20], $0x20, s16, s20, $0xb8;
	[tilespmem:$0x16800] =	vst v63  }
0x14b: {  	s18 =	simm.s32 $0x6780;
	s23 =	simm.s32 $0xD800;
	v4 =	vor.u32 v57, v3;
	s14 =	sor.u32 s31, s24  }
0x14c: {  	v5 =	vor.u32 v24, v3;
	v39 =	vor.u32 s14, v17;
	v17 =	vld [tilespmem:$0x1FE10];
	[tilespmem:s23], [sflag:$0x3] =	stream.indirect.gather [hbm4b:s4+s20], $0x20, s18, s20, $0xb8  }
0x14d: {  	v6 =	vor.u32 v45, v3;
	v0 =	vld.idx.msk [tilespmem:v0+s22+$0x0], $0xffff  }
0x14e: {  	v7 =	vor.u32 v40, v3;
	v1 =	vld.idx.msk [tilespmem:v1+s22+$0x0], $0xffff  }
0x14f: {  	v8 =	vor.u32 v37, v3;
	v45 =	vld.idx.msk [tilespmem:v2+s22+$0x0], $0xffff  }
0x150: {  	v9 =	vor.u32 v19, v3;
	v46 =	vld.idx.msk [tilespmem:v4+s22+$0x0], $0xffff  }
0x151: {  	v10 =	vor.u32 v18, v3;
	v5 =	vld.idx.msk [tilespmem:v5+s22+$0x0], $0xffff  }
0x152: {  	v11 =	vor.u32 v25, v3;
	v6 =	vld.idx.msk [tilespmem:v6+s22+$0x0], $0xffff  }
0x153: {  	v12 =	vor.u32 v27, v3;
	v7 =	vld.idx.msk [tilespmem:v7+s22+$0x0], $0xffff  }
0x154: {  	v13 =	vor.u32 v51, v3;
	v48 =	vld.idx.msk [tilespmem:v8+s22+$0x0], $0xffff  }
0x155: {  	v14 =	vor.u32 v23, v3;
	v9 =	vld.idx.msk [tilespmem:v9+s22+$0x0], $0xffff  }
0x156: {  	v15 =	vor.u32 v47, v3;
	v10 =	vld.idx.msk [tilespmem:v10+s22+$0x0], $0xffff  }
0x157: {  	v38 =	vor.u32 v62, v3;
	v11 =	vld.idx.msk [tilespmem:v11+s22+$0x0], $0xffff  }
0x158: {  	v41 =	vor.u32 s14, v36;
	v12 =	vld.idx.msk [tilespmem:v12+s22+$0x0], $0xffff  }
0x159: {  	v42 =	vor.u32 s14, v28;
	v4 =	vld.idx.msk [tilespmem:v13+s22+$0x0], $0xffff  }
0x15a: {  	v43 =	vor.u32 s14, v29;
	v14 =	vld.idx.msk [tilespmem:v14+s22+$0x0], $0xffff  }
0x15b: {  	v44 =	vor.u32 s14, v30;
	v15 =	vld.idx.msk [tilespmem:v15+s22+$0x0], $0xffff  }
0x15c: {  	v38 =	vld.idx.msk [tilespmem:v38+s22+$0x0], $0xffff;
	[tilespmem:v39+s15+$0x0] =	vst.idx.msk $0xffff, v11  }
0x15d: {  	[tilespmem:v41+s15+$0x0] =	vst.idx.msk $0xffff, v1  }
0x15e: {  	[tilespmem:v42+s15+$0x0] =	vst.idx.msk $0xffff, v12  }
0x15f: {  	v28 =	vld [tilespmem:$0x1FE20];
	v11 =	vor.u32 s14, v17;
	[tilespmem:v43+s15+$0x0] =	vst.idx.msk $0xffff, v6  }
0x160: {  	[tilespmem:v44+s15+$0x0] =	vst.idx.msk $0xffff, v0;
	v0 =	vld [tilespmem:$0x1FBA0];
	_ =	sdelay $0x1  }
0x161: {  	v24 =	vld [tilespmem:$0x1FE30]  }
0x162: {  	v8 =	vld [tilespmem:$0x1FC00]  }
0x163: {  	v1 =	vor.u32 s14, v28;
	[tilespmem:v11+s15+$0x0] =	vst.idx.msk $0xffff, v15;
	v15 =	vld [tilespmem:$0x1FBE0]  }
0x164: {  	v36 =	vmov v0;
	v11 =	vor.u32 s14, v0;
	v0 =	vld [tilespmem:$0x1FBD0];
	_ =	sdelay $0x1  }
0x165: {  	v16 =	vld [tilespmem:$0x1FBF0]  }
0x166: {  	v20 =	vld [tilespmem:$0x1FC40]  }
0x167: {  	[tilespmem:v1+s15+$0x0] =	vst.idx.msk $0xffff, v38;
	v1 =	vld [tilespmem:$0x1FCA0]  }
0x168: {  	v12 =	vor.u32 s14, v24;
	v33 =	vsel vm0, v15, v0;
	v55 =	vsel vm0, v0, v8;
	v0 =	vld [tilespmem:$0x1FC70]  }
0x169: {  	v29 =	vld [tilespmem:$0x1FB80]  }
0x16a: {  	v53 =	vld [tilespmem:$0x1FBB0]  }
0x16b: {  	v18 =	vld [tilespmem:$0x1FC20]  }
0x16c: {  	v43 =	vld [tilespmem:$0x1FB90]  }
0x16d: {  	[tilespmem:v12+s15+$0x0] =	vst.idx.msk $0xffff, v14;
	v14 =	vsel vm0, v0, v1;
	v0 =	vld [tilespmem:$0x1FC80]  }
0x16e: {  	v6 =	vor.u32 s14, v29;
	v1 =	vld [tilespmem:$0x1FC90]  }
0x16f: {  	v37 =	vmov v57;
	v57 =	vld [tilespmem:$0x1FBC0]  }
0x170: {  	v58 =	vld [tilespmem:$0x1FE40]  }
0x171: {  	v59 =	vld [tilespmem:$0x1FE50]  }
0x172: {  	v2 =	vld [tilespmem:$0x1FC30];
	v61 =	vor.u32 s14, v43  }
0x173: {  	[tilespmem:v6+s15+$0x0] =	vst.idx.msk $0xffff, v5;
	v6 =	vsel vm0, v1, v0;
	v0 =	vld [tilespmem:$0x1FCB0]  }
0x174: {  	v1 =	vld [tilespmem:$0x1FCE0]  }
0x175: {  	v51 =	vor.u32 s14, v53;
	v44 =	vmov v17;
	v17 =	vld [tilespmem:$0x1FC10]  }
0x176: {  	v12 =	vor.u32 s14, v57  }
0x177: {  	v60 =	vld [tilespmem:$0x1FE60];
	v5 =	vor.u32 s14, v58;
	[tilespmem:v61+s15+$0x0] =	vst.idx.msk $0xffff, v10  }
0x178: {  	v10 =	vor.u32 s14, v59;
	[tilespmem:v11+s15+$0x0] =	vst.idx.msk $0xffff, v9;
	v11 =	vld [tilespmem:$0x1FCC0]  }
0x179: {  	v31 =	vsel vm0, v8, v16;
	v0 =	vsel vm0, v0, v1;
	v1 =	vsel vm0, v16, v15;
	v16 =	vld [tilespmem:$0x1FCD0]  }
0x17a: {  	v13 =	vsel vm0, v20, v2;
	v8 =	vsel vm0, v18, v17;
	[tilespmem:v51+s15+$0x0] =	vst.idx.msk $0xffff, v7  }
0x17b: {  	[tilespmem:v12+s15+$0x0] =	vst.idx.msk $0xffff, v46;
	v46 =	vcombine.low v8, v13  }
0x17c: {  	v9 =	vor.u32 s14, v60;
	[tilespmem:v5+s15+$0x0] =	vst.idx.msk $0xffff, v48  }
0x17d: {  	[tilespmem:v10+s15+$0x0] =	vst.idx.msk $0xffff, v4;
	v4 =	vor.u32 v46, v3  }
0x17e: {  	v23 =	vcombine.low v1, v55;
	v11 =	vsel vm0, v16, v11  }
0x17f: {  	v15 =	vcombine.low v11, v0  }
0x180: {  	v49 =	vld [tilespmem:$0x1FEE0];
	v12 =	vor.u32 v23, v3  }
0x181: {  	[tilespmem:v9+s15+$0x0] =	vst.idx.msk $0xffff, v45;
	v9 =	vld [tilespmem:$0x1FCF0];
	v48 =	vmov v15;
	v5 =	vor.u32 v15, v3;
	v15 =	vcombine.low v33, v31  }
0x182: {  	v4 =	vld.idx.msk [tilespmem:v4+s22+$0x0], $0xffff  }
0x183: {  	v41 =	vmovc v24;
	v7 =	vor.u32 v52, v3;
	v24 =	vcombine.low v6, v14;
	v45 =	vmov v15;
	v15 =	vld [tilespmem:$0x1FD00]  }
0x184: {  	v27 =	vld [tilespmem:$0x1FF90]  }
0x185: {  	v10 =	vor.u32 v24, v3;
	v12 =	vld.idx.msk [tilespmem:v12+s22+$0x0], $0xffff  }
0x186: {  	v61 =	vld [tilespmem:$0x1FE90]  }
0x187: {  	v16 =	vld [tilespmem:$0x1FD10]  }
0x188: {  	v40 =	vmov v19;
	[tilespmem:$0x1FB00] =	vst v4;
	v19 =	vcombine.low v9, v15;
	v9 =	vld.idx.msk [tilespmem:v7+s22+$0x0], $0xffff  }
0x189: {  	v7 =	vsel vm0, v17, v20;
	v20 =	vcombine.low v0, v11;
	v0 =	vsel vm0, v2, v18;
	v2 =	vld.idx.msk [tilespmem:v5+s22+$0x0], $0xffff  }
0x18a: {  	[tilespmem:$0x1FAC0] =	vst v12;
	v15 =	vor.u32 v45, v3;
	v5 =	vld.idx.msk [tilespmem:v10+s22+$0x0], $0xffff  }
0x18b: {  	v17 =	vld [tilespmem:$0x1FD20];
	v18 =	vcombine.low v13, v8;
	[tilespmem:$0x1FB20] =	vst v19  }
0x18c: {  	v51 =	vld [tilespmem:$0x1FC60];
	v8 =	vcombine.low v31, v33;
	[tilespmem:$0x1FB30] =	vst v20  }
0x18d: {  	v33 =	vld [tilespmem:$0x1FE70];
	[tilespmem:$0x1FB50] =	vst v18  }
0x18e: {  	v47 =	vmov v24;
	v31 =	vld [tilespmem:$0x1FED0];
	v24 =	vcombine.low v7, v0;
	[tilespmem:$0x1FB70] =	vst v8  }
0x18f: {  	[tilespmem:$0x1FAF0] =	vst v5;
	v5 =	vld.idx.msk [tilespmem:v15+s22+$0x0], $0xffff  }
0x190: {  	v0 =	vmov v43;
	v43 =	vld [tilespmem:$0x1FEC0];
	[tilespmem:$0x1FB60] =	vst v24;
	v30 =	vcombine.low v16, v17;
	v17 =	vcombine.low v55, v1  }
0x191: {  	v1 =	vmov v23;
	v23 =	vcombine.low v14, v6;
	[tilespmem:$0x1FAD0] =	vst v2;
	v2 =	vor.u32 v56, v3;
	v16 =	vld [tilespmem:$0x1FE80]  }
0x192: {  	v11 =	vor.u32 v19, v3;
	v55 =	vld [tilespmem:$0x1FC50];
	[tilespmem:$0x1FAE0] =	vst v2  }
0x193: {  	v42 =	vmov v17;
	v13 =	vor.u32 v30, v3;
	v4 =	vor.u32 v17, v3;
	v17 =	vld [tilespmem:$0x1FEA0];
	[tilespmem:$0x1FB40] =	vst v23  }
0x194: {  	s0 =	simm.s32 $0x80;
	v10 =	vor.u32 v20, v3;
	v12 =	vor.u32 v24, v3;
	v2 =	vmov v29;
	v29 =	vld [tilespmem:$0x1FEB0];
	[tilespmem:$0x1FB10] =	vst v5  }
.LBB2_6:
0x195: {  	v6 =	vld [tilespmem:$0x1FAE0];
	_ =	sdelay $0x1  }
0x196: {  	v14 =	vor.u32 v27, v3  }
0x197: {  	v13 =	vld.idx.msk [tilespmem:v13+s22+$0x0], $0xffff  }
0x198: {  	v11 =	vld.idx.msk [tilespmem:v11+s22+$0x0], $0xffff;
	v15 =	vor.u32 v8, v3  }
0x199: {  	v12 =	vld.idx.msk [tilespmem:v12+s22+$0x0], $0xffff;
	v5 =	vor.u32 v18, v3  }
0x19a: {  	v4 =	vld.idx.msk [tilespmem:v4+s22+$0x0], $0xffff;
	v3 =	vor.u32 v23, v3  }
0x19b: {  	v7 =	vor.u32 s14, v33;
	v14 =	vld.idx.msk [tilespmem:v14+s22+$0x0], $0xffff  }
0x19c: {  	v8 =	vor.u32 s14, v16;
	v6 =	vld.idx.msk [tilespmem:v6+s22+$0x0], $0xffff  }
0x19d: {  	v39 =	vmov v16;
	v16 =	vor.u32 s14, v61;
	v15 =	vld.idx.msk [tilespmem:v15+s22+$0x0], $0xffff  }
0x19e: {  	v38 =	vmov v17;
	v17 =	vor.u32 s14, v17;
	v5 =	vld.idx.msk [tilespmem:v5+s22+$0x0], $0xffff  }
0x19f: {  	v18 =	vld.idx.msk [tilespmem:v3+s22+$0x0], $0xffff;
	v3 =	vor.u32 s14, v29  }
0x1a0: {  	v10 =	vld.idx.msk [tilespmem:v10+s22+$0x0], $0xffff;
	[tilespmem:v7+s15+$0x0] =	vst.idx.msk $0xffff, v9;
	v7 =	vor.u32 s14, v43  }
0x1a1: {  	[tilespmem:v8+s15+$0x0] =	vst.idx.msk $0xffff, v6;
	v6 =	vor.u32 s14, v31  }
0x1a2: {  	v8 =	vor.u32 s14, v55;
	[tilespmem:v16+s15+$0x0] =	vst.idx.msk $0xffff, v14  }
0x1a3: {  	v14 =	vor.u32 s14, v51;
	[tilespmem:v17+s15+$0x0] =	vst.idx.msk $0xffff, v15  }
0x1a4: {  	[tilespmem:v3+s15+$0x0] =	vst.idx.msk $0xffff, v5;
	v5 =	vor.u32 s14, v49  }
0x1a5: {  	[tilespmem:v7+s15+$0x0] =	vst.idx.msk $0xffff, v18;
	v7 =	vor.u32 s14, v21  }
0x1a6: {  	v19 =	vld [tilespmem:$0x1FB10];
	[tilespmem:v6+s15+$0x0] =	vst.idx.msk $0xffff, v10;
	v6 =	vor.u32 s14, v63  }
0x1a7: {  	v20 =	vld [tilespmem:$0x1FB00];
	[tilespmem:v8+s15+$0x0] =	vst.idx.msk $0xffff, v4;
	v4 =	vor.u32 s14, v35  }
0x1a8: {  	s13 =	sadd.s32 $0x10, s13;
	[tilespmem:v14+s15+$0x0] =	vst.idx.msk $0xffff, v12  }
0x1a9: {  	v9 =	vmov s13;
	[tilespmem:v5+s15+$0x0] =	vst.idx.msk $0xffff, v11  }
0x1aa: {  	v9 =	vshll.u32 v9, $0x5;
	[tilespmem:v7+s15+$0x0] =	vst.idx.msk $0xffff, v13  }
0x1ab: {  	v3 =	vor.u32 v22, v9;
	[tilespmem:v6+s15+$0x0] =	vst.idx.msk $0xffff, v19  }
0x1ac: {  	v9 =	vld [tilespmem:$0x1FFE0];
	[tilespmem:v4+s15+$0x0] =	vst.idx.msk $0xffff, v20;
	v20 =	vor.u32 v56, v3  }
0x1ad: {  	v12 =	vor.u32 s14, v34;
	[tilespmem:$0x1FAE0] =	vst v20;
	v20 =	vld [tilespmem:$0x1FAF0]  }
0x1ae: {  	v24 =	vld [tilespmem:$0x1FE00]  }
0x1af: {  	v8 =	vld [tilespmem:$0x1FFB0]  }
0x1b0: {  	v22 =	vld [tilespmem:$0x1FDF0]  }
0x1b1: {  	v10 =	vor.u32 v9, v3;
	v9 =	vld [tilespmem:$0x1FFC0]  }
0x1b2: {  	v5 =	vor.u32 s14, v50;
	[tilespmem:v12+s15+$0x0] =	vst.idx.msk $0xffff, v20;
	v12 =	vld [tilespmem:$0x1FAD0]  }
0x1b3: {  	v13 =	vld [tilespmem:$0x1FD40]  }
0x1b4: {  	v17 =	vor.u32 v8, v3;
	v8 =	vld [tilespmem:$0x1FD60]  }
0x1b5: {  	v4 =	vld [tilespmem:$0x1FFA0]  }
0x1b6: {  	v6 =	vld [tilespmem:$0x1FD50]  }
0x1b7: {  	v7 =	vor.u32 s14, v54;
	[tilespmem:v5+s15+$0x0] =	vst.idx.msk $0xffff, v12;
	v5 =	vld [tilespmem:$0x1FAC0]  }
0x1b8: {  	v19 =	vld [tilespmem:$0x1FD80];
	v16 =	vor.u32 v9, v3  }
0x1b9: {  	v15 =	vor.u32 v26, v3;
	v9 =	vld [tilespmem:$0x1FFF0]  }
0x1ba: {  	v14 =	vor.u32 v8, v3;
	v8 =	vld [tilespmem:$0x1FDA0];
	v4 =	vor.u32 v4, v3  }
0x1bb: {  	v11 =	vor.u32 v37, v3;
	v20 =	vld [tilespmem:$0x1FDD0]  }
0x1bc: {  	v6 =	vor.u32 v6, v3;
	v12 =	vld [tilespmem:$0x1FDB0];
	[tilespmem:v7+s15+$0x0] =	vst.idx.msk $0xffff, v5  }
0x1bd: {  	v19 =	vor.u32 v19, v3;
	v5 =	vld.idx.msk [tilespmem:v16+s22+$0x0], $0xffff  }
0x1be: {  	v18 =	vor.u32 v40, v3;
	v7 =	vld.idx.msk [tilespmem:v15+s22+$0x0], $0xffff  }
0x1bf: {  	v4 =	vld.idx.msk [tilespmem:v4+s22+$0x0], $0xffff  }
0x1c0: {  	v21 =	vor.u32 v25, v3;
	v11 =	vld.idx.msk [tilespmem:v11+s22+$0x0], $0xffff  }
0x1c1: {  	v6 =	vld.idx.msk [tilespmem:v6+s22+$0x0], $0xffff  }
0x1c2: {  	v15 =	vld.idx.msk [tilespmem:v19+s22+$0x0], $0xffff  }
0x1c3: {  	v8 =	vor.u32 v8, v3;
	v16 =	vld.idx.msk [tilespmem:v18+s22+$0x0], $0xffff  }
0x1c4: {  	v19 =	vld [tilespmem:$0x1FDC0]  }
0x1c5: {  	v9 =	vor.u32 v9, v3;
	v18 =	vld.idx.msk [tilespmem:v21+s22+$0x0], $0xffff  }
0x1c6: {  	s5 =	smov.u32 s0;
	v21 =	vld [tilespmem:$0x1FDE0]  }
0x1c7: {  	s5 =	sand.u32 $0xC00, s5;
	s31 =	sand.u32 $0x70, s13;
	v13 =	vor.u32 v13, v3;
	v10 =	vld.idx.msk [tilespmem:v10+s22+$0x0], $0xffff  }
0x1c8: {  	v23 =	vor.u32 v62, v3;
	s14 =	sor.u32 s31, s5;
	v8 =	vld.idx.msk [tilespmem:v8+s22+$0x0], $0xffff  }
0x1c9: {  	v12 =	vor.u32 v12, v3;
	v14 =	vld.idx.msk [tilespmem:v14+s22+$0x0], $0xffff;
	v19 =	vor.u32 s14, v19  }
0x1ca: {  	v20 =	vor.u32 s14, v20;
	v9 =	vld.idx.msk [tilespmem:v9+s22+$0x0], $0xffff  }
0x1cb: {  	v17 =	vld.idx.msk [tilespmem:v17+s22+$0x0], $0xffff;
	v21 =	vor.u32 s14, v21  }
0x1cc: {  	v22 =	vor.u32 s14, v22;
	v13 =	vld.idx.msk [tilespmem:v13+s22+$0x0], $0xffff  }
0x1cd: {  	v24 =	vor.u32 s14, v24;
	v23 =	vld.idx.msk [tilespmem:v23+s22+$0x0], $0xffff  }
0x1ce: {  	v12 =	vld.idx.msk [tilespmem:v12+s22+$0x0], $0xffff;
	[tilespmem:v19+s15+$0x0] =	vst.idx.msk $0xffff, v18;
	v18 =	vor.u32 s14, v44  }
0x1cf: {  	[tilespmem:v20+s15+$0x0] =	vst.idx.msk $0xffff, v7;
	v7 =	vor.u32 s14, v28  }
0x1d0: {  	[tilespmem:v21+s15+$0x0] =	vst.idx.msk $0xffff, v9;
	v9 =	vor.u32 s14, v41  }
0x1d1: {  	[tilespmem:v22+s15+$0x0] =	vst.idx.msk $0xffff, v10;
	v10 =	vor.u32 s14, v2  }
0x1d2: {  	[tilespmem:v24+s15+$0x0] =	vst.idx.msk $0xffff, v5;
	v5 =	vor.u32 s14, v0  }
0x1d3: {  	[tilespmem:v18+s15+$0x0] =	vst.idx.msk $0xffff, v13;
	v13 =	vor.u32 s14, v36  }
0x1d4: {  	[tilespmem:v7+s15+$0x0] =	vst.idx.msk $0xffff, v23;
	v7 =	vor.u32 s14, v53  }
0x1d5: {  	[tilespmem:v9+s15+$0x0] =	vst.idx.msk $0xffff, v17;
	v9 =	vor.u32 s14, v57  }
0x1d6: {  	[tilespmem:v10+s15+$0x0] =	vst.idx.msk $0xffff, v6  }
0x1d7: {  	v6 =	vor.u32 s14, v58;
	[tilespmem:v5+s15+$0x0] =	vst.idx.msk $0xffff, v14  }
0x1d8: {  	v5 =	vor.u32 s14, v59;
	[tilespmem:v13+s15+$0x0] =	vst.idx.msk $0xffff, v16  }
0x1d9: {  	v10 =	vor.u32 s14, v60;
	[tilespmem:v7+s15+$0x0] =	vst.idx.msk $0xffff, v15  }
0x1da: {  	[tilespmem:v9+s15+$0x0] =	vst.idx.msk $0xffff, v11;
	v11 =	vor.u32 v1, v3;
	_ =	sdelay $0x1  }
0x1db: {  	[tilespmem:v6+s15+$0x0] =	vst.idx.msk $0xffff, v8  }
0x1dc: {  	[tilespmem:v5+s15+$0x0] =	vst.idx.msk $0xffff, v12  }
0x1dd: {  	[tilespmem:v10+s15+$0x0] =	vst.idx.msk $0xffff, v4  }
0x1de: {  	v6 =	vor.u32 v48, v3;
	v4 =	vld.idx.msk [tilespmem:v11+s22+$0x0], $0xffff;
	_ =	sdelay $0x3  }
0x1df: {  	v7 =	vor.u32 v52, v3  }
0x1e0: {  	v5 =	vor.u32 v47, v3;
	[tilespmem:$0x1FAC0] =	vst v4;
	v4 =	vld.idx.msk [tilespmem:v6+s22+$0x0], $0xffff  }
0x1e1: {  	v8 =	vor.u32 v46, v3;
	_ =	sdelay $0x2  }
0x1e2: {  	v9 =	vld.idx.msk [tilespmem:v7+s22+$0x0], $0xffff  }
0x1e3: {  	[tilespmem:$0x1FAD0] =	vst v4;
	v4 =	vld.idx.msk [tilespmem:v5+s22+$0x0], $0xffff  }
0x1e4: {  	v7 =	vor.u32 v45, v3;
	v5 =	vld.idx.msk [tilespmem:v8+s22+$0x0], $0xffff;
	_ =	sdelay $0x1  }
0x1e5: {  	v19 =	vld [tilespmem:$0x1FB20]  }
0x1e6: {  	v20 =	vld [tilespmem:$0x1FB30]  }
0x1e7: {  	v24 =	vld [tilespmem:$0x1FB60]  }
0x1e8: {  	p0 =	sne.s32 s0, $0xF80;
	[tilespmem:$0x1FB00] =	vst v5;
	v5 =	vld.idx.msk [tilespmem:v7+s22+$0x0], $0xffff  }
.Ltmp2:
0x1e9: {  	v21 =	vld [tilespmem:$0x1FEF0];
	(pc) =	sbr.rel @p0 .LBB2_6-.Ltmp2, $4  }
0x1ea: {  	v22 =	vld [tilespmem:$0x1FF60]  }
0x1eb: {  	v18 =	vld [tilespmem:$0x1FB50]  }
0x1ec: {  	v23 =	vld [tilespmem:$0x1FB40];
	v17 =	vmovc v38;
	v16 =	vmov v39;
	v13 =	vor.u32 v30, v3;
	v12 =	vor.u32 v24, v3;
	[tilespmem:$0x1FAF0] =	vst v4  }
0x1ed: {  	s0 =	sadd.s32 $0x80, s0;
	v10 =	vor.u32 v20, v3;
	v11 =	vor.u32 v19, v3;
	v8 =	vld [tilespmem:$0x1FB70];
	v4 =	vor.u32 v42, v3;
	[tilespmem:$0x1FB10] =	vst v5  }
0x1ee: {  	_ = 	snop  }
0x1ef: {  	[tilespmem:$0x1FAB0] =	vst v1;
	v1 =	vld [tilespmem:$0x1FAE0];
	_ =	sdelay $0x2  }
0x1f0: {  	v5 =	vld.idx.msk [tilespmem:v13+s22+$0x0], $0xffff  }
0x1f1: {  	v6 =	vor.u32 v27, v3;
	v7 =	vld.idx.msk [tilespmem:v11+s22+$0x0], $0xffff  }
0x1f2: {  	[tilespmem:$0x1FA80] =	vst v46;
	v46 =	vld.idx.msk [tilespmem:v12+s22+$0x0], $0xffff;
	v8 =	vor.u32 v8, v3  }
0x1f3: {  	[tilespmem:$0x1FA90] =	vst v47;
	v4 =	vld.idx.msk [tilespmem:v4+s22+$0x0], $0xffff;
	v47 =	vor.u32 v18, v3  }
0x1f4: {  	v10 =	vld.idx.msk [tilespmem:v10+s22+$0x0], $0xffff;
	v14 =	vor.u32 s14, v33;
	v3 =	vor.u32 v23, v3  }
0x1f5: {  	[tilespmem:$0x1FAA0] =	vst v48;
	v15 =	vor.u32 s14, v16;
	v48 =	vld.idx.msk [tilespmem:v1+s22+$0x0], $0xffff  }
0x1f6: {  	v16 =	vor.u32 s14, v61;
	v6 =	vld.idx.msk [tilespmem:v6+s22+$0x0], $0xffff  }
0x1f7: {  	v17 =	vor.u32 s14, v17;
	v8 =	vld.idx.msk [tilespmem:v8+s22+$0x0], $0xffff  }
0x1f8: {  	v18 =	vor.u32 s14, v29;
	v12 =	vld.idx.msk [tilespmem:v47+s22+$0x0], $0xffff  }
0x1f9: {  	v52 =	vor.u32 s14, v43;
	v3 =	vld.idx.msk [tilespmem:v3+s22+$0x0], $0xffff;
	[tilespmem:v14+s15+$0x0] =	vst.idx.msk $0xffff, v9  }
0x1fa: {  	v56 =	vor.u32 s14, v31;
	[tilespmem:v15+s15+$0x0] =	vst.idx.msk $0xffff, v48  }
0x1fb: {  	[tilespmem:v16+s15+$0x0] =	vst.idx.msk $0xffff, v6;
	v6 =	vor.u32 s14, v55  }
0x1fc: {  	v60 =	vor.u32 s14, v51;
	[tilespmem:v17+s15+$0x0] =	vst.idx.msk $0xffff, v8  }
0x1fd: {  	v61 =	vor.u32 s14, v49;
	[tilespmem:v18+s15+$0x0] =	vst.idx.msk $0xffff, v12  }
0x1fe: {  	[tilespmem:v52+s15+$0x0] =	vst.idx.msk $0xffff, v3;
	v3 =	vor.u32 s14, v21  }
0x1ff: {  	v63 =	vor.u32 s14, v63;
	v1 =	vld [tilespmem:$0x1FB10];
	[tilespmem:v56+s15+$0x0] =	vst.idx.msk $0xffff, v10  }
0x200: {  	[tilespmem:v6+s15+$0x0] =	vst.idx.msk $0xffff, v4  }
0x201: {  	[tilespmem:v60+s15+$0x0] =	vst.idx.msk $0xffff, v46  }
0x202: {  	[tilespmem:v61+s15+$0x0] =	vst.idx.msk $0xffff, v7  }
0x203: {  	[tilespmem:v3+s15+$0x0] =	vst.idx.msk $0xffff, v5  }
0x204: {  	v4 =	vor.u32 s14, v35;
	[tilespmem:v63+s15+$0x0] =	vst.idx.msk $0xffff, v1;
	v1 =	vld [tilespmem:$0x1FB00];
	_ =	sdelay $0x4  }
0x205: {  	v6 =	vor.u32 s14, v34;
	[tilespmem:v4+s15+$0x0] =	vst.idx.msk $0xffff, v1;
	v1 =	vld [tilespmem:$0x1FAF0];
	_ =	sdelay $0x4  }
0x206: {  	v7 =	vor.u32 s14, v50;
	[tilespmem:v6+s15+$0x0] =	vst.idx.msk $0xffff, v1;
	v1 =	vld [tilespmem:$0x1FAD0];
	_ =	sdelay $0x4  }
0x207: {  	v3 =	vor.u32 s14, v54;
	[tilespmem:v7+s15+$0x0] =	vst.idx.msk $0xffff, v1;
	v1 =	vld [tilespmem:$0x1FAC0];
	_ =	sdelay $0x4  }
0x208: {  	s0 =	rddreg [dreg:$0x4];
	[tilespmem:v3+s15+$0x0] =	vst.idx.msk $0xffff, v1  }
0x209: {  	[hbm4b:s0+s3] =	stream.linear.scatter [tilespmem:s15], [sflag:$0x4], $0x1000, $0x38;
	[tilespmem:$0x16800] =	vst v63  }
0x20a: {  	s5 =	rddreg [dreg:$0x5];
	s13 =	simm.s32 $0xF800;
	s14 =	simm.s32 $0x2  }
0x20b: {  	v3 =	vadd.s32 s14, v32;
	[hbm4b:s5+s3] =	stream.linear.scatter [tilespmem:s13], [sflag:$0x4], $0x1000, $0x38;
	[tilespmem:$0x16800] =	vst v63  }
0x20c: {  	s16 =	rddreg [dreg:$0x6];
	s17 =	simm.s32 $0x10800  }
0x20d: {  	[hbm4b:s16+s3] =	stream.linear.scatter [tilespmem:s17], [sflag:$0x4], $0x1000, $0x38;
	[tilespmem:$0x16800] =	vst v63  }
0x20e: {  	s18 =	rddreg [dreg:$0x7];
	s23 =	simm.s32 $0x11800  }
0x20f: {  	[hbm4b:s18+s3] =	stream.linear.scatter [tilespmem:s23], [sflag:$0x4], $0x1000, $0x38;
	[tilespmem:$0x16800] =	vst v63  }
0x210: {  	v3 =	vld.idx.msk [tilespmem:v3+s3+$0x0], $0xffff  }
0x211: {  	v24 =	vld [tilespmem:$0x1FFE0]  }
0x212: {  	v20 =	vld [tilespmem:$0x1FDC0]  }
0x213: {  	v28 =	vld [tilespmem:$0x1FFA0];
	s24 =	simm.s32 $0x322  }
0x214: {  	v41 =	vld [tilespmem:$0x1FDB0];
	v4 =	vadd.s32 s24, v32  }
0x215: {  	v19 =	vld [tilespmem:$0x1FDA0];
	vm1 =	vgt.s32 v3, $0x0  }
0x216: {  	v36 =	vld [tilespmem:$0x1FD80];
	v3 =	vnsel vm1, $0x0, v3  }
0x217: {  	[tilespmem:$0x1FA50] =	vst v30;
	v2 =	vld [tilespmem:$0x1FD60];
	s0 =	simm.s32 $0x6400;
	v3 =	vmin.u32 v3, $0x186A0  }
0x218: {  	v30 =	vld [tilespmem:$0x1FD50];
	[tilespmem:s0+$0x0] =	vst v3  }
0x219: {  	v4 =	vld.idx.msk [tilespmem:v4+s3+$0x0], $0xffff  }
0x21a: {  	v57 =	vld [tilespmem:$0x1FFB0]  }
0x21b: {  	v53 =	vld [tilespmem:$0x1FD40]  }
0x21c: {  	v0 =	vld [tilespmem:$0x1FFC0];
	[tilespmem:$0x1FA60] =	vst v42;
	s31 =	simm.s32 $0x642  }
0x21d: {  	v44 =	vld [tilespmem:$0x1FFF0];
	[tilespmem:$0x1FA70] =	vst v45;
	s5 =	simm.s32 $0x962;
	v3 =	vadd.s32 s31, v32  }
.LBB2_8:
0x21e: {  	p0 =	sne.s32 s5, $0x60E2;
	vm1 =	vgt.s32 v4, $0x0  }
0x21f: {  	v4 =	vnsel vm1, $0x0, v4  }
0x220: {  	s0 =	sadd.s32 $0x10, s0;
	v4 =	vmin.u32 v4, $0x186A0  }
0x221: {  	[tilespmem:s0+$0x0] =	vst v4  }
0x222: {  	v4 =	vld.idx.msk [tilespmem:v3+s3+$0x0], $0xffff  }
.Ltmp3:
0x223: {  	(pc) =	sbr.rel @p0 .LBB2_8-.Ltmp3, $2  }
0x224: {  	_ =	sdelay $0x2  }
0x225: {  	v3 =	vadd.s32 s5, v32;
	s5 =	sadd.s32 $0x320, s5  }
0x226: {  	vm1 =	vgt.s32 v4, $0x0  }
0x227: {  	v4 =	vnsel vm1, $0x0, v4  }
0x228: {  	s0 =	sadd.s32 $0x10, s0;
	v4 =	vmin.u32 v4, $0x186A0  }
0x229: {  	[tilespmem:s0+$0x0] =	vst v4  }
0x22a: {  	v3 =	vld.idx.msk [tilespmem:v3+s3+$0x0], $0xffff;
	_ =	sdelay $0x4  }
0x22b: {  	vm1 =	vgt.s32 v3, $0x0  }
0x22c: {  	v3 =	vnsel vm1, $0x0, v3  }
0x22d: {  	s0 =	sadd.s32 $0x10, s0;
	v3 =	vmin.u32 v3, $0x186A0  }
0x22e: {  	[tilespmem:s0+$0x0] =	vst v3  }
0x22f: {  	_ =	swait.ge [sflag:s7], $0x1000  }
0x230: {  	[sflag:s7] =	ssyncset.done $0x0  }
0x231: {  	[sflag:s7] =	ssyncadd.s32 $0xFFFFF000  }
0x232: {  	_ =	swait.ge [sflag:s7], $0x1000  }
0x233: {  	[sflag:s7] =	ssyncset.done $0x0  }
0x234: {  	[sflag:s7] =	ssyncadd.s32 $0xFFFFF000  }
0x235: {  	s13 =	simm.s32 $0x0;
	_ =	swait.ge [sflag:s7], $0x1000  }
0x236: {  	v3 =	vmov s13;
	[sflag:s7] =	ssyncset.done $0x0  }
0x237: {  	v3 =	vshll.u32 v3, $0x5;
	[sflag:s7] =	ssyncadd.s32 $0xFFFFF000  }
0x238: {  	v3 =	vor.u32 v22, v3;
	_ =	swait.ge [sflag:s7], $0x1000  }
0x239: {  	v7 =	vor.u32 v0, v3;
	v0 =	vld [tilespmem:$0x1FDD0]  }
0x23a: {  	v16 =	vor.u32 v41, v3;
	v41 =	vld [tilespmem:$0x1FE20]  }
0x23b: {  	v13 =	vor.u32 v2, v3;
	v2 =	vld [tilespmem:$0x1FE30]  }
0x23c: {  	v1 =	vld [tilespmem:$0x1FB90]  }
0x23d: {  	[sflag:s7] =	ssyncset.done $0x0;
	v51 =	vld [tilespmem:$0x1FF70]  }
0x23e: {  	v48 =	vld [tilespmem:$0x1FAB0];
	[sflag:s7] =	ssyncadd.s32 $0xFFFFF000  }
0x23f: {  	v47 =	vld [tilespmem:$0x1FAA0];
	[tilespmem:s22], [sflag:$0x2] =	stream.indirect.gather [hbm4b:s4+s20], $0x20, s21, s20, $0xb8  }
0x240: {  	s23 =	simm.s32 $0x6480;
	s5 =	simm.s32 $0x7800;
	v46 =	vld [tilespmem:$0x1FA90]  }
0x241: {  	v4 =	vor.u32 v26, v3;
	v45 =	vld [tilespmem:$0x1FA80];
	[tilespmem:s5], [sflag:$0x2] =	stream.indirect.gather [hbm4b:s4+s20], $0x20, s23, s20, $0xb8  }
0x242: {  	s24 =	sand.u32 $0xC00, s13;
	s31 =	sand.u32 $0x70, s13;
	v5 =	vor.u32 v28, v3;
	v15 =	vor.u32 v44, v3;
	v44 =	vld [tilespmem:$0x1FA70]  }
0x243: {  	v6 =	vor.u32 v57, v3;
	v50 =	vld [tilespmem:$0x1FF80];
	[tilespmem:s26], [sflag:$0x2] =	stream.indirect.gather [hbm4b:s4+s20], $0x20, s25, s20, $0xb8  }
0x244: {  	s14 =	sor.u32 s31, s24;
	v42 =	vld [tilespmem:$0x1FA50]  }
0x245: {  	v21 =	vor.u32 s14, v0;
	v0 =	vld [tilespmem:$0x1FDE0];
	[tilespmem:s29], [sflag:$0x2] =	stream.indirect.gather [hbm4b:s4+s20], $0x20, s28, s20, $0xb8  }
0x246: {  	v8 =	vor.u32 v62, v3;
	v4 =	vld.idx.msk [tilespmem:v4+s1+$0x0], $0xffff  }
0x247: {  	v9 =	vor.u32 v30, v3;
	v5 =	vld.idx.msk [tilespmem:v5+s1+$0x0], $0xffff  }
0x248: {  	v10 =	vor.u32 v24, v3;
	v6 =	vld.idx.msk [tilespmem:v6+s1+$0x0], $0xffff  }
0x249: {  	v11 =	vor.u32 v36, v3;
	v7 =	vld.idx.msk [tilespmem:v7+s1+$0x0], $0xffff  }
0x24a: {  	v63 =	vor.u32 s14, v0;
	v0 =	vld [tilespmem:$0x1FDF0]  }
0x24b: {  	v12 =	vor.u32 v40, v3;
	v8 =	vld.idx.msk [tilespmem:v8+s1+$0x0], $0xffff  }
0x24c: {  	v9 =	vld.idx.msk [tilespmem:v9+s1+$0x0], $0xffff  }
0x24d: {  	v14 =	vor.u32 v25, v3;
	v10 =	vld.idx.msk [tilespmem:v10+s1+$0x0], $0xffff  }
0x24e: {  	v11 =	vld.idx.msk [tilespmem:v11+s1+$0x0], $0xffff  }
0x24f: {  	v23 =	vor.u32 s14, v0;
	v0 =	vld [tilespmem:$0x1FE00]  }
0x250: {  	v12 =	vld.idx.msk [tilespmem:v12+s1+$0x0], $0xffff  }
0x251: {  	v17 =	vor.u32 v37, v3;
	v13 =	vld.idx.msk [tilespmem:v13+s1+$0x0], $0xffff  }
0x252: {  	v18 =	vor.u32 v19, v3;
	v14 =	vld.idx.msk [tilespmem:v14+s1+$0x0], $0xffff  }
0x253: {  	v61 =	vor.u32 v53, v3;
	v15 =	vld.idx.msk [tilespmem:v15+s1+$0x0], $0xffff  }
0x254: {  	v20 =	vor.u32 s14, v20;
	v24 =	vor.u32 s14, v0;
	v0 =	vld [tilespmem:$0x1FE10]  }
0x255: {  	v16 =	vld.idx.msk [tilespmem:v16+s1+$0x0], $0xffff  }
0x256: {  	v17 =	vld.idx.msk [tilespmem:v17+s1+$0x0], $0xffff  }
0x257: {  	v18 =	vld.idx.msk [tilespmem:v18+s1+$0x0], $0xffff  }
0x258: {  	v19 =	vld.idx.msk [tilespmem:v61+s1+$0x0], $0xffff  }
0x259: {  	[tilespmem:v20+s19+$0x0] =	vst.idx.msk $0xffff, v14;
	v40 =	vmov v0;
	v14 =	vor.u32 s14, v0;
	v0 =	vld [tilespmem:$0x1FB80]  }
0x25a: {  	v43 =	vld [tilespmem:$0x1FB20];
	[tilespmem:v21+s19+$0x0] =	vst.idx.msk $0xffff, v4;
	v4 =	vor.u32 s14, v41  }
0x25b: {  	v52 =	vld [tilespmem:$0x1FA60];
	[tilespmem:v63+s19+$0x0] =	vst.idx.msk $0xffff, v15;
	v15 =	vor.u32 s14, v2  }
0x25c: {  	v49 =	vld [tilespmem:$0x1FB30];
	[tilespmem:v23+s19+$0x0] =	vst.idx.msk $0xffff, v10  }
0x25d: {  	v56 =	vld [tilespmem:$0x1FEF0];
	[tilespmem:v24+s19+$0x0] =	vst.idx.msk $0xffff, v7  }
0x25e: {  	v10 =	vor.u32 s14, v0;
	[tilespmem:v14+s19+$0x0] =	vst.idx.msk $0xffff, v19;
	v14 =	vld [tilespmem:$0x1FBA0]  }
0x25f: {  	[tilespmem:v4+s19+$0x0] =	vst.idx.msk $0xffff, v8;
	v4 =	vld [tilespmem:$0x1FBB0]  }
0x260: {  	[tilespmem:v15+s19+$0x0] =	vst.idx.msk $0xffff, v6;
	v6 =	vld [tilespmem:$0x1FBC0]  }
0x261: {  	v28 =	vld [tilespmem:$0x1FF00]  }
0x262: {  	v29 =	vld [tilespmem:$0x1FF10];
	v7 =	vor.u32 s14, v1  }
0x263: {  	v14 =	vor.u32 s14, v14;
	[tilespmem:v10+s19+$0x0] =	vst.idx.msk $0xffff, v9;
	v9 =	vld [tilespmem:$0x1FE60]  }
0x264: {  	v31 =	vld [tilespmem:$0x1FF20];
	v4 =	vor.u32 s14, v4  }
0x265: {  	v30 =	vld [tilespmem:$0x1FF30];
	v6 =	vor.u32 s14, v6  }
0x266: {  	v32 =	vld [tilespmem:$0x1FF40];
	v8 =	vor.u32 s14, v58  }
0x267: {  	v27 =	vld [tilespmem:$0x1FF90];
	[tilespmem:v7+s19+$0x0] =	vst.idx.msk $0xffff, v13;
	v7 =	vor.u32 s14, v59  }
0x268: {  	v55 =	vld [tilespmem:$0x1FB40];
	[tilespmem:v14+s19+$0x0] =	vst.idx.msk $0xffff, v12;
	v9 =	vor.u32 s14, v9  }
0x269: {  	v57 =	vld [tilespmem:$0x1FB50];
	[tilespmem:v4+s19+$0x0] =	vst.idx.msk $0xffff, v11;
	v4 =	vor.u32 v51, v3  }
0x26a: {  	v60 =	vld [tilespmem:$0x1FEE0];
	[tilespmem:v6+s19+$0x0] =	vst.idx.msk $0xffff, v17;
	v6 =	vor.u32 v48, v3  }
0x26b: {  	v54 =	vmov v53;
	v53 =	vmov v62;
	v62 =	vld [tilespmem:$0x1FC60];
	[tilespmem:v8+s19+$0x0] =	vst.idx.msk $0xffff, v18  }
0x26c: {  	v33 =	vld [tilespmem:$0x1FED0];
	[tilespmem:v7+s19+$0x0] =	vst.idx.msk $0xffff, v16  }
0x26d: {  	v36 =	vld [tilespmem:$0x1FEB0];
	[tilespmem:v9+s19+$0x0] =	vst.idx.msk $0xffff, v5  }
0x26e: {  	v9 =	vld.idx.msk [tilespmem:v4+s1+$0x0], $0xffff  }
0x26f: {  	v8 =	vor.u32 v47, v3;
	v4 =	vld.idx.msk [tilespmem:v6+s1+$0x0], $0xffff  }
0x270: {  	v37 =	vld [tilespmem:$0x1FE90]  }
0x271: {  	v34 =	vld [tilespmem:$0x1FE70]  }
0x272: {  	v61 =	vld [tilespmem:$0x1FC50];
	v7 =	vor.u32 v46, v3  }
0x273: {  	v58 =	vld [tilespmem:$0x1FB60];
	v5 =	vor.u32 v45, v3  }
0x274: {  	v14 =	vor.u32 v44, v3;
	[tilespmem:$0x1FA30] =	vst v4;
	v4 =	vld.idx.msk [tilespmem:v8+s1+$0x0], $0xffff  }
0x275: {  	v63 =	vld [tilespmem:$0x1FEC0]  }
0x276: {  	v59 =	vld [tilespmem:$0x1FB70]  }
0x277: {  	v35 =	vor.u32 v50, v3;
	v6 =	vld.idx.msk [tilespmem:v7+s1+$0x0], $0xffff  }
0x278: {  	v10 =	vor.u32 v49, v3;
	v13 =	vor.u32 v42, v3;
	v12 =	vor.u32 v58, v3;
	v7 =	vld.idx.msk [tilespmem:v5+s1+$0x0], $0xffff  }
0x279: {  	s0 =	simm.s32 $0x80;
	v11 =	vor.u32 v43, v3;
	v5 =	vor.u32 v52, v3;
	v8 =	vld.idx.msk [tilespmem:v14+s1+$0x0], $0xffff;
	[tilespmem:$0x1FA40] =	vst v4  }
.LBB2_10:
0x27a: {  	_ =	sdelay $0x2  }
0x27b: {  	v13 =	vld.idx.msk [tilespmem:v13+s1+$0x0], $0xffff;
	v14 =	vor.u32 v27, v3  }
0x27c: {  	v11 =	vld.idx.msk [tilespmem:v11+s1+$0x0], $0xffff;
	v15 =	vor.u32 v59, v3  }
0x27d: {  	v12 =	vld.idx.msk [tilespmem:v12+s1+$0x0], $0xffff;
	v16 =	vor.u32 v57, v3  }
0x27e: {  	v5 =	vld.idx.msk [tilespmem:v5+s1+$0x0], $0xffff;
	v3 =	vor.u32 v55, v3  }
0x27f: {  	v4 =	vld.idx.msk [tilespmem:v35+s1+$0x0], $0xffff;
	v17 =	vor.u32 s14, v34  }
0x280: {  	v18 =	vor.u32 s14, v39;
	v14 =	vld.idx.msk [tilespmem:v14+s1+$0x0], $0xffff  }
0x281: {  	v19 =	vor.u32 s14, v37;
	v15 =	vld.idx.msk [tilespmem:v15+s1+$0x0], $0xffff  }
0x282: {  	v20 =	vor.u32 s14, v38;
	v16 =	vld.idx.msk [tilespmem:v16+s1+$0x0], $0xffff  }
0x283: {  	v21 =	vld.idx.msk [tilespmem:v3+s1+$0x0], $0xffff;
	v3 =	vor.u32 s14, v36  }
0x284: {  	v10 =	vld.idx.msk [tilespmem:v10+s1+$0x0], $0xffff;
	[tilespmem:v17+s19+$0x0] =	vst.idx.msk $0xffff, v9;
	v9 =	vor.u32 s14, v63  }
0x285: {  	[tilespmem:v18+s19+$0x0] =	vst.idx.msk $0xffff, v4;
	v4 =	vor.u32 s14, v33  }
0x286: {  	[tilespmem:v19+s19+$0x0] =	vst.idx.msk $0xffff, v14;
	v14 =	vor.u32 s14, v61  }
0x287: {  	[tilespmem:v20+s19+$0x0] =	vst.idx.msk $0xffff, v15;
	v15 =	vor.u32 s14, v62  }
0x288: {  	[tilespmem:v3+s19+$0x0] =	vst.idx.msk $0xffff, v16;
	v16 =	vor.u32 s14, v60  }
0x289: {  	[tilespmem:v9+s19+$0x0] =	vst.idx.msk $0xffff, v21;
	v9 =	vor.u32 s14, v56  }
0x28a: {  	[tilespmem:v4+s19+$0x0] =	vst.idx.msk $0xffff, v10;
	v4 =	vor.u32 s14, v28  }
0x28b: {  	[tilespmem:v14+s19+$0x0] =	vst.idx.msk $0xffff, v5  }
0x28c: {  	[tilespmem:v15+s19+$0x0] =	vst.idx.msk $0xffff, v12  }
0x28d: {  	[tilespmem:v16+s19+$0x0] =	vst.idx.msk $0xffff, v11  }
0x28e: {  	v3 =	vld [tilespmem:$0x1FF60];
	[tilespmem:v9+s19+$0x0] =	vst.idx.msk $0xffff, v13  }
0x28f: {  	[tilespmem:v4+s19+$0x0] =	vst.idx.msk $0xffff, v8;
	v4 =	vld [tilespmem:$0x1FD80]  }
0x290: {  	s13 =	sadd.s32 $0x10, s13  }
0x291: {  	v22 =	vmov s13  }
0x292: {  	v17 =	vshll.u32 v22, $0x5  }
0x293: {  	v3 =	vor.u32 v3, v17  }
0x294: {  	v8 =	vor.u32 v4, v3;
	v4 =	vld [tilespmem:$0x1FFA0];
	_ =	sdelay $0x2  }
0x295: {  	v5 =	vor.u32 s14, v29  }
0x296: {  	v12 =	vor.u32 s14, v31  }
0x297: {  	v11 =	vor.u32 s14, v30;
	v24 =	vor.u32 v4, v3;
	v4 =	vld [tilespmem:$0x1FA40];
	_ =	sdelay $0x2  }
0x298: {  	[tilespmem:v5+s19+$0x0] =	vst.idx.msk $0xffff, v7  }
0x299: {  	[tilespmem:v12+s19+$0x0] =	vst.idx.msk $0xffff, v6  }
0x29a: {  	v9 =	vor.u32 s14, v32;
	[tilespmem:v11+s19+$0x0] =	vst.idx.msk $0xffff, v4;
	v4 =	vld [tilespmem:$0x1FA30];
	_ =	sdelay $0x3  }
0x29b: {  	v35 =	vld [tilespmem:$0x1FFB0]  }
0x29c: {  	[tilespmem:v9+s19+$0x0] =	vst.idx.msk $0xffff, v4;
	v4 =	vld [tilespmem:$0x1FDB0];
	_ =	sdelay $0x2  }
0x29d: {  	v23 =	vld [tilespmem:$0x1FFC0]  }
0x29e: {  	v20 =	vor.u32 v35, v3;
	v35 =	vld [tilespmem:$0x1FD70]  }
0x29f: {  	v11 =	vor.u32 v4, v3;
	v4 =	vld [tilespmem:$0x1FDC0]  }
0x2a0: {  	v22 =	vld [tilespmem:$0x1FDA0]  }
0x2a1: {  	s5 =	smov.u32 s0;
	v10 =	vld [tilespmem:$0x1FFE0]  }
0x2a2: {  	s5 =	sand.u32 $0xC00, s5;
	s31 =	sand.u32 $0x70, s13;
	v18 =	vor.u32 v26, v3;
	v19 =	vor.u32 v23, v3;
	v23 =	vld [tilespmem:$0x1FD50]  }
0x2a3: {  	s14 =	sor.u32 s31, s5;
	v21 =	vor.u32 v35, v3;
	v7 =	vld.idx.msk [tilespmem:v20+s1+$0x0], $0xffff  }
0x2a4: {  	v20 =	vor.u32 s14, v4;
	v4 =	vld [tilespmem:$0x1FDD0]  }
0x2a5: {  	v15 =	vld [tilespmem:$0x1FD60]  }
0x2a6: {  	v13 =	vld [tilespmem:$0x1FFF0]  }
0x2a7: {  	v14 =	vor.u32 v53, v3;
	v5 =	vld.idx.msk [tilespmem:v18+s1+$0x0], $0xffff  }
0x2a8: {  	v23 =	vor.u32 v23, v3;
	v18 =	vld.idx.msk [tilespmem:v21+s1+$0x0], $0xffff  }
0x2a9: {  	v21 =	vor.u32 s14, v4;
	v4 =	vld [tilespmem:$0x1FDE0]  }
0x2aa: {  	v35 =	vld [tilespmem:$0x1FD90]  }
0x2ab: {  	v10 =	vor.u32 v10, v3;
	v6 =	vld.idx.msk [tilespmem:v24+s1+$0x0], $0xffff  }
0x2ac: {  	v12 =	vld.idx.msk [tilespmem:v14+s1+$0x0], $0xffff  }
0x2ad: {  	v15 =	vor.u32 v15, v3;
	v14 =	vld.idx.msk [tilespmem:v23+s1+$0x0], $0xffff  }
0x2ae: {  	v23 =	vor.u32 s14, v4;
	v4 =	vld [tilespmem:$0x1FDF0]  }
0x2af: {  	v17 =	vor.u32 v25, v3;
	v9 =	vld.idx.msk [tilespmem:v19+s1+$0x0], $0xffff  }
0x2b0: {  	v13 =	vor.u32 v13, v3;
	v10 =	vld.idx.msk [tilespmem:v10+s1+$0x0], $0xffff  }
0x2b1: {  	v16 =	vor.u32 v35, v3;
	v8 =	vld.idx.msk [tilespmem:v8+s1+$0x0], $0xffff  }
0x2b2: {  	v22 =	vor.u32 v22, v3;
	v15 =	vld.idx.msk [tilespmem:v15+s1+$0x0], $0xffff  }
0x2b3: {  	v19 =	vor.u32 v54, v3;
	v24 =	vor.u32 s14, v4;
	v4 =	vld [tilespmem:$0x1FE00]  }
0x2b4: {  	v17 =	vld.idx.msk [tilespmem:v17+s1+$0x0], $0xffff  }
0x2b5: {  	v13 =	vld.idx.msk [tilespmem:v13+s1+$0x0], $0xffff  }
0x2b6: {  	v16 =	vld.idx.msk [tilespmem:v16+s1+$0x0], $0xffff  }
0x2b7: {  	v22 =	vld.idx.msk [tilespmem:v22+s1+$0x0], $0xffff  }
0x2b8: {  	v19 =	vld.idx.msk [tilespmem:v19+s1+$0x0], $0xffff;
	v4 =	vor.u32 s14, v4  }
0x2b9: {  	v11 =	vld.idx.msk [tilespmem:v11+s1+$0x0], $0xffff;
	[tilespmem:v20+s19+$0x0] =	vst.idx.msk $0xffff, v17  }
0x2ba: {  	[tilespmem:v21+s19+$0x0] =	vst.idx.msk $0xffff, v5  }
0x2bb: {  	[tilespmem:v23+s19+$0x0] =	vst.idx.msk $0xffff, v13  }
0x2bc: {  	[tilespmem:v24+s19+$0x0] =	vst.idx.msk $0xffff, v10  }
0x2bd: {  	v20 =	vor.u32 s14, v40;
	[tilespmem:v4+s19+$0x0] =	vst.idx.msk $0xffff, v9;
	v9 =	vld [tilespmem:$0x1FBA0]  }
0x2be: {  	v5 =	vor.u32 s14, v41  }
0x2bf: {  	v13 =	vor.u32 s14, v2  }
0x2c0: {  	v10 =	vor.u32 s14, v0  }
0x2c1: {  	v4 =	vor.u32 s14, v1  }
0x2c2: {  	[tilespmem:v20+s19+$0x0] =	vst.idx.msk $0xffff, v19;
	v9 =	vor.u32 s14, v9  }
0x2c3: {  	[tilespmem:v5+s19+$0x0] =	vst.idx.msk $0xffff, v12;
	v5 =	vld [tilespmem:$0x1FBB0]  }
0x2c4: {  	[tilespmem:v13+s19+$0x0] =	vst.idx.msk $0xffff, v7;
	v7 =	vld [tilespmem:$0x1FBC0]  }
0x2c5: {  	[tilespmem:v10+s19+$0x0] =	vst.idx.msk $0xffff, v14;
	v10 =	vld [tilespmem:$0x1FE40]  }
0x2c6: {  	[tilespmem:v4+s19+$0x0] =	vst.idx.msk $0xffff, v15;
	v4 =	vld [tilespmem:$0x1FE50]  }
0x2c7: {  	[tilespmem:v9+s19+$0x0] =	vst.idx.msk $0xffff, v18;
	v9 =	vld [tilespmem:$0x1FE60]  }
0x2c8: {  	v5 =	vor.u32 s14, v5  }
0x2c9: {  	v7 =	vor.u32 s14, v7  }
0x2ca: {  	v10 =	vor.u32 s14, v10  }
0x2cb: {  	v4 =	vor.u32 s14, v4  }
0x2cc: {  	v9 =	vor.u32 s14, v9  }
0x2cd: {  	[tilespmem:v5+s19+$0x0] =	vst.idx.msk $0xffff, v8;
	v5 =	vor.u32 v51, v3  }
0x2ce: {  	[tilespmem:v7+s19+$0x0] =	vst.idx.msk $0xffff, v16;
	v7 =	vor.u32 v48, v3  }
0x2cf: {  	[tilespmem:v10+s19+$0x0] =	vst.idx.msk $0xffff, v22  }
0x2d0: {  	[tilespmem:v4+s19+$0x0] =	vst.idx.msk $0xffff, v11  }
0x2d1: {  	[tilespmem:v9+s19+$0x0] =	vst.idx.msk $0xffff, v6  }
0x2d2: {  	v9 =	vld.idx.msk [tilespmem:v5+s1+$0x0], $0xffff  }
0x2d3: {  	v8 =	vor.u32 v47, v3;
	v5 =	vld.idx.msk [tilespmem:v7+s1+$0x0], $0xffff;
	_ =	sdelay $0x2  }
0x2d4: {  	v4 =	vor.u32 v46, v3  }
0x2d5: {  	v10 =	vor.u32 v45, v3  }
0x2d6: {  	p0 =	sne.s32 s0, $0xF80;
	v14 =	vor.u32 v44, v3;
	[tilespmem:$0x1FA30] =	vst v5;
	v5 =	vld.idx.msk [tilespmem:v8+s1+$0x0], $0xffff  }
.Ltmp4:
0x2d7: {  	_ = 	snop;
	(pc) =	sbr.rel @p0 .LBB2_10-.Ltmp4, $4  }
0x2d8: {  	_ = 	snop  }
0x2d9: {  	v35 =	vor.u32 v50, v3;
	v6 =	vld.idx.msk [tilespmem:v4+s1+$0x0], $0xffff  }
0x2da: {  	v12 =	vor.u32 v58, v3;
	v13 =	vor.u32 v42, v3;
	v11 =	vor.u32 v43, v3;
	v7 =	vld.idx.msk [tilespmem:v10+s1+$0x0], $0xffff  }
0x2db: {  	s0 =	sadd.s32 $0x80, s0;
	v10 =	vor.u32 v49, v3;
	v8 =	vld.idx.msk [tilespmem:v14+s1+$0x0], $0xffff;
	[tilespmem:$0x1FA40] =	vst v5;
	v5 =	vor.u32 v52, v3  }
0x2dc: {  	_ =	sdelay $0x3  }
0x2dd: {  	v4 =	vld.idx.msk [tilespmem:v13+s1+$0x0], $0xffff;
	v13 =	vor.u32 v27, v3  }
0x2de: {  	v11 =	vld.idx.msk [tilespmem:v11+s1+$0x0], $0xffff;
	v21 =	vor.u32 v59, v3  }
0x2df: {  	v12 =	vld.idx.msk [tilespmem:v12+s1+$0x0], $0xffff;
	v20 =	vor.u32 v57, v3  }
0x2e0: {  	v5 =	vld.idx.msk [tilespmem:v5+s1+$0x0], $0xffff  }
0x2e1: {  	v47 =	vor.u32 v55, v3;
	v51 =	vld.idx.msk [tilespmem:v35+s1+$0x0], $0xffff;
	v27 =	vor.u32 s14, v34  }
0x2e2: {  	v42 =	vor.u32 s14, v39;
	v13 =	vld.idx.msk [tilespmem:v13+s1+$0x0], $0xffff  }
0x2e3: {  	v43 =	vor.u32 s14, v37;
	v49 =	vld.idx.msk [tilespmem:v21+s1+$0x0], $0xffff  }
0x2e4: {  	v22 =	vld.idx.msk [tilespmem:v20+s1+$0x0], $0xffff;
	v20 =	vor.u32 s14, v38  }
0x2e5: {  	v10 =	vld.idx.msk [tilespmem:v10+s1+$0x0], $0xffff;
	v21 =	vor.u32 s14, v36  }
0x2e6: {  	v55 =	vor.u32 s14, v63;
	v3 =	vld.idx.msk [tilespmem:v47+s1+$0x0], $0xffff;
	[tilespmem:v27+s19+$0x0] =	vst.idx.msk $0xffff, v9  }
0x2e7: {  	v27 =	vor.u32 s14, v33;
	[tilespmem:v42+s19+$0x0] =	vst.idx.msk $0xffff, v51  }
0x2e8: {  	[tilespmem:v43+s19+$0x0] =	vst.idx.msk $0xffff, v13;
	v13 =	vor.u32 s14, v61  }
0x2e9: {  	v1 =	vor.u32 s14, v62;
	[tilespmem:v20+s19+$0x0] =	vst.idx.msk $0xffff, v49  }
0x2ea: {  	v50 =	vld [tilespmem:$0x1FDA0];
	v0 =	vor.u32 s14, v60;
	[tilespmem:v21+s19+$0x0] =	vst.idx.msk $0xffff, v22  }
0x2eb: {  	v16 =	vld [tilespmem:$0x1FD90];
	v56 =	vor.u32 s14, v56;
	[tilespmem:v55+s19+$0x0] =	vst.idx.msk $0xffff, v3  }
0x2ec: {  	v14 =	vld [tilespmem:$0x1FD80];
	v57 =	vor.u32 s14, v28;
	[tilespmem:v27+s19+$0x0] =	vst.idx.msk $0xffff, v10  }
0x2ed: {  	v19 =	vld [tilespmem:$0x1FD70];
	v58 =	vor.u32 s14, v29;
	[tilespmem:v13+s19+$0x0] =	vst.idx.msk $0xffff, v5  }
0x2ee: {  	v18 =	vld [tilespmem:$0x1FD60];
	v59 =	vor.u32 s14, v31;
	[tilespmem:v1+s19+$0x0] =	vst.idx.msk $0xffff, v12  }
0x2ef: {  	v60 =	vor.u32 s14, v30;
	v62 =	vld [tilespmem:$0x1FA40];
	[tilespmem:v0+s19+$0x0] =	vst.idx.msk $0xffff, v11  }
0x2f0: {  	v63 =	vld [tilespmem:$0x1FA30];
	v61 =	vor.u32 s14, v32;
	[tilespmem:v56+s19+$0x0] =	vst.idx.msk $0xffff, v4  }
0x2f1: {  	v17 =	vld [tilespmem:$0x1FD50];
	[tilespmem:v57+s19+$0x0] =	vst.idx.msk $0xffff, v8  }
0x2f2: {  	v15 =	vld [tilespmem:$0x1FFB0];
	[tilespmem:v58+s19+$0x0] =	vst.idx.msk $0xffff, v7  }
0x2f3: {  	v45 =	vld [tilespmem:$0x1FFE0];
	[tilespmem:v59+s19+$0x0] =	vst.idx.msk $0xffff, v6  }
0x2f4: {  	s0 =	rddreg [dreg:$0x8];
	v37 =	vld [tilespmem:$0x1FBB0];
	[tilespmem:v60+s19+$0x0] =	vst.idx.msk $0xffff, v62  }
0x2f5: {  	s17 =	rddreg [dreg:$0x9];
	v34 =	vld [tilespmem:$0x1FBC0];
	[tilespmem:v61+s19+$0x0] =	vst.idx.msk $0xffff, v63  }
0x2f6: {  	v39 =	vld [tilespmem:$0x1FE50];
	[hbm4b:s0+s3] =	stream.linear.scatter [tilespmem:s19], [sflag:$0x5], $0x1000, $0x38  }
0x2f7: {  	s5 =	simm.s32 $0x13800;
	s18 =	rddreg [dreg:$0xa];
	v41 =	vld [tilespmem:$0x1FE60]  }
0x2f8: {  	v38 =	vld [tilespmem:$0x1FE40];
	[hbm4b:s17+s3] =	stream.linear.scatter [tilespmem:s5], [sflag:$0x5], $0x1000, $0x38  }
0x2f9: {  	s23 =	simm.s32 $0x14800;
	s24 =	rddreg [dreg:$0xb];
	s31 =	simm.s32 $0x15800;
	v43 =	vld [tilespmem:$0x1FBA0]  }
0x2fa: {  	v22 =	vld [tilespmem:$0x1FF60];
	[hbm4b:s18+s3] =	stream.linear.scatter [tilespmem:s23], [sflag:$0x5], $0x1000, $0x38  }
0x2fb: {  	s13 =	simm.s32 $0x1;
	s16 =	simm.s32 $0x2;
	s14 =	simm.s32 $0x3;
	v55 =	vld [tilespmem:$0x1FFC0]  }
0x2fc: {  	v24 =	vmov v53;
	v23 =	vmov v54;
	v27 =	vld [tilespmem:$0x1FFF0];
	[hbm4b:s24+s3] =	stream.linear.scatter [tilespmem:s31], [sflag:$0x5], $0x1000, $0x38  }
.LBB2_12:
0x2fd: {  	v0 =	vld [tilespmem:$0x1FF50];
	_ =	sdelay $0x1  }
0x2fe: {  	v2 =	vld [tilespmem:$0x1FF70]  }
0x2ff: {  	v1 =	vld [tilespmem:$0x1FF80]  }
0x300: {  	v56 =	vld [tilespmem:$0x1FDB0]  }
0x301: {  	v57 =	vld [tilespmem:$0x1FFA0];
	v3 =	vadd.s32 s14, v0  }
0x302: {  	v58 =	vld [tilespmem:$0x1FDC0]  }
0x303: {  	v59 =	vld [tilespmem:$0x1FDD0]  }
0x304: {  	v60 =	vld [tilespmem:$0x1FDE0]  }
0x305: {  	v61 =	vld [tilespmem:$0x1FDF0]  }
0x306: {  	v4 =	vld.idx.msk [tilespmem:v3+s3+$0x0], $0xffff  }
0x307: {  	v62 =	vld [tilespmem:$0x1FE00]  }
0x308: {  	p0 =	slt.s32 s16, $0x2F;
	s0 =	smov.u32 s16;
	s17 =	sshllo.u32 s13, $0x1;
	v63 =	vld [tilespmem:$0x1FE10]  }
0x309: {  	s23 =	sadd.s32 $0x320, s14;
	s5 =	simm.s32 $0x0;
	v31 =	vmovc v23;
	v32 =	vmov v24;
	v49 =	vmov v15;
	v28 =	vmov v17;
	v33 =	vld [tilespmem:$0x1FE20];
	s0 =	simm.s32 @!p0 $0x2F  }
0x30a: {  	s31 =	simm.s32 $0x80;
	v51 =	vmovc v18;
	v52 =	vmovc v19;
	v53 =	vmov v14;
	v54 =	vmov v16;
	v35 =	vld [tilespmem:$0x1FE30];
	s18 =	sadd.s32 $0x2, s0;
	s0 =	simm.s32 $0x40;
	v3 =	vadd.s32 s23, v0  }
.LBB2_13:
0x30b: {  	p0 =	sne.s32 s31, $0x7C0;
	vm1 =	vgt.s32 v4, $0x0  }
0x30c: {  	v4 =	vnsel vm1, $0x0, v4  }
0x30d: {  	s24 =	sshra.s32 s5, $0x2;
	s5 =	smov.u32 s0;
	s0 =	smov.u32 s31;
	v4 =	vmin.u32 v4, $0x186A0  }
0x30e: {  	[tilespmem:s24+$0x6600] =	vst v4  }
0x30f: {  	v4 =	vld.idx.msk [tilespmem:v3+s3+$0x0], $0xffff  }
.Ltmp5:
0x310: {  	(pc) =	sbr.rel @p0 .LBB2_13-.Ltmp5, $3  }
0x311: {  	_ =	sdelay $0x1  }
0x312: {  	s23 =	sadd.s32 $0x320, s23  }
0x313: {  	s31 =	sadd.s32 $0x40, s31;
	v3 =	vadd.s32 s23, v0  }
0x314: {  	vm1 =	vgt.s32 v4, $0x0  }
0x315: {  	v4 =	vnsel vm1, $0x0, v4  }
0x316: {  	s5 =	sshra.s32 s5, $0x2;
	v4 =	vmin.u32 v4, $0x186A0  }
0x317: {  	[tilespmem:s5+$0x6600] =	vst v4  }
0x318: {  	v3 =	vld.idx.msk [tilespmem:v3+s3+$0x0], $0xffff;
	_ =	sdelay $0x4  }
0x319: {  	vm1 =	vgt.s32 v3, $0x0  }
0x31a: {  	v3 =	vnsel vm1, $0x0, v3  }
0x31b: {  	s0 =	sshra.s32 s0, $0x2;
	v3 =	vmin.u32 v3, $0x186A0  }
0x31c: {  	[tilespmem:s0+$0x6600] =	vst v3  }
0x31d: {  	_ =	swait.ge [sflag:s30], $0x1000  }
0x31e: {  	[sflag:s30] =	ssyncset.done $0x0  }
0x31f: {  	[sflag:s30] =	ssyncadd.s32 $0xFFFFF000  }
0x320: {  	_ =	swait.ge [sflag:s30], $0x1000  }
0x321: {  	[sflag:s30] =	ssyncset.done $0x0  }
0x322: {  	[sflag:s30] =	ssyncadd.s32 $0xFFFFF000  }
0x323: {  	_ =	swait.ge [sflag:s30], $0x1000  }
0x324: {  	[sflag:s30] =	ssyncset.done $0x0  }
0x325: {  	[sflag:s30] =	ssyncadd.s32 $0xFFFFF000  }
0x326: {  	_ =	swait.ge [sflag:s30], $0x1000  }
0x327: {  	[sflag:s30] =	ssyncset.done $0x0  }
0x328: {  	s5 =	simm.s32 $0x6600;
	[sflag:s30] =	ssyncadd.s32 $0xFFFFF000  }
0x329: {  	[tilespmem:s1], [sflag:$0x3] =	stream.indirect.gather [hbm4b:s4+s20], $0x20, s5, s20, $0xb8;
	[tilespmem:$0x16800] =	vst v63  }
0x32a: {  	s23 =	simm.s32 $0x6680;
	s24 =	simm.s32 $0xB800  }
0x32b: {  	[tilespmem:s24], [sflag:$0x3] =	stream.indirect.gather [hbm4b:s4+s20], $0x20, s23, s20, $0xb8;
	[tilespmem:$0x16800] =	vst v63  }
0x32c: {  	s23 =	simm.s32 $0x6700;
	s24 =	simm.s32 $0xC800  }
0x32d: {  	[tilespmem:s24], [sflag:$0x3] =	stream.indirect.gather [hbm4b:s4+s20], $0x20, s23, s20, $0xb8;
	[tilespmem:$0x16800] =	vst v63  }
0x32e: {  	s23 =	simm.s32 $0x6780;
	s24 =	simm.s32 $0xD800  }
0x32f: {  	[tilespmem:s24], [sflag:$0x3] =	stream.indirect.gather [hbm4b:s4+s20], $0x20, s23, s20, $0xb8;
	[tilespmem:$0x16800] =	vst v63  }
0x330: {  	_ =	swait.ge [sflag:s11], $0x1000  }
0x331: {  	[sflag:s11] =	ssyncset.done $0x0  }
0x332: {  	[sflag:s11] =	ssyncadd.s32 $0xFFFFF000  }
0x333: {  	s31 =	simm.s32 $0x0;
	_ =	swait.ge [sflag:s11], $0x1000  }
0x334: {  	v3 =	vmov s31;
	[sflag:s11] =	ssyncset.done $0x0  }
0x335: {  	v3 =	vshll.u32 v3, $0x5;
	[sflag:s11] =	ssyncadd.s32 $0xFFFFF000  }
0x336: {  	v3 =	vor.u32 v22, v3;
	_ =	swait.ge [sflag:s11], $0x1000  }
0x337: {  	v4 =	vor.u32 v26, v3;
	[sflag:s11] =	ssyncset.done $0x0  }
0x338: {  	v5 =	vor.u32 v57, v3;
	[sflag:s11] =	ssyncadd.s32 $0xFFFFF000  }
0x339: {  	v6 =	vor.u32 v49, v3;
	_ =	swait.ge [sflag:s11], $0x1000  }
0x33a: {  	v7 =	vor.u32 v55, v3;
	[sflag:s11] =	ssyncset.done $0x0;
	v40 =	vld [tilespmem:$0x1FB80]  }
0x33b: {  	v8 =	vor.u32 v32, v3;
	v36 =	vld [tilespmem:$0x1FB90];
	[sflag:s11] =	ssyncadd.s32 $0xFFFFF000  }
0x33c: {  	v9 =	vor.u32 v28, v3;
	v4 =	vld.idx.msk [tilespmem:v4+s22+$0x0], $0xffff  }
0x33d: {  	v10 =	vor.u32 v45, v3;
	v5 =	vld.idx.msk [tilespmem:v5+s22+$0x0], $0xffff  }
0x33e: {  	v11 =	vor.u32 v53, v3;
	v6 =	vld.idx.msk [tilespmem:v6+s22+$0x0], $0xffff  }
0x33f: {  	v12 =	vor.u32 v52, v3;
	v7 =	vld.idx.msk [tilespmem:v7+s22+$0x0], $0xffff  }
0x340: {  	v13 =	vor.u32 v51, v3;
	v8 =	vld.idx.msk [tilespmem:v8+s22+$0x0], $0xffff  }
0x341: {  	v14 =	vor.u32 v25, v3;
	v9 =	vld.idx.msk [tilespmem:v9+s22+$0x0], $0xffff  }
0x342: {  	v15 =	vor.u32 v27, v3;
	v10 =	vld.idx.msk [tilespmem:v10+s22+$0x0], $0xffff  }
0x343: {  	v16 =	vor.u32 v56, v3;
	v11 =	vld.idx.msk [tilespmem:v11+s22+$0x0], $0xffff  }
0x344: {  	v17 =	vor.u32 v54, v3;
	s23 =	sand.u32 $0xC00, s31;
	s24 =	sand.u32 $0x70, s31;
	v12 =	vld.idx.msk [tilespmem:v12+s22+$0x0], $0xffff  }
0x345: {  	v18 =	vor.u32 v50, v3;
	s0 =	sor.u32 s24, s23;
	v13 =	vld.idx.msk [tilespmem:v13+s22+$0x0], $0xffff  }
0x346: {  	v19 =	vor.u32 v31, v3;
	v20 =	vor.u32 s0, v58;
	v14 =	vld.idx.msk [tilespmem:v14+s22+$0x0], $0xffff  }
0x347: {  	v21 =	vor.u32 s0, v59;
	v15 =	vld.idx.msk [tilespmem:v15+s22+$0x0], $0xffff  }
0x348: {  	v48 =	vor.u32 s0, v60;
	v16 =	vld.idx.msk [tilespmem:v16+s22+$0x0], $0xffff  }
0x349: {  	v23 =	vor.u32 s0, v61;
	v17 =	vld.idx.msk [tilespmem:v17+s22+$0x0], $0xffff  }
0x34a: {  	v24 =	vor.u32 s0, v62;
	v18 =	vld.idx.msk [tilespmem:v18+s22+$0x0], $0xffff  }
0x34b: {  	v19 =	vld.idx.msk [tilespmem:v19+s22+$0x0], $0xffff;
	[tilespmem:v20+s15+$0x0] =	vst.idx.msk $0xffff, v14;
	v14 =	vor.u32 s0, v63  }
0x34c: {  	[tilespmem:v21+s15+$0x0] =	vst.idx.msk $0xffff, v4;
	v4 =	vor.u32 s0, v33  }
0x34d: {  	[tilespmem:v48+s15+$0x0] =	vst.idx.msk $0xffff, v15;
	v15 =	vor.u32 s0, v35  }
0x34e: {  	[tilespmem:v23+s15+$0x0] =	vst.idx.msk $0xffff, v10;
	v10 =	vor.u32 s0, v40  }
0x34f: {  	[tilespmem:v24+s15+$0x0] =	vst.idx.msk $0xffff, v7;
	v7 =	vor.u32 s0, v36  }
0x350: {  	[tilespmem:v14+s15+$0x0] =	vst.idx.msk $0xffff, v19;
	v14 =	vor.u32 s0, v43  }
0x351: {  	[tilespmem:v4+s15+$0x0] =	vst.idx.msk $0xffff, v8;
	v4 =	vor.u32 s0, v37  }
0x352: {  	v0 =	vld [tilespmem:$0x1FAB0];
	[tilespmem:v15+s15+$0x0] =	vst.idx.msk $0xffff, v6;
	v6 =	vor.u32 s0, v34  }
0x353: {  	[tilespmem:v10+s15+$0x0] =	vst.idx.msk $0xffff, v9  }
0x354: {  	[tilespmem:v7+s15+$0x0] =	vst.idx.msk $0xffff, v13  }
0x355: {  	[tilespmem:v14+s15+$0x0] =	vst.idx.msk $0xffff, v12  }
0x356: {  	[tilespmem:v4+s15+$0x0] =	vst.idx.msk $0xffff, v11  }
0x357: {  	v8 =	vor.u32 s0, v38;
	[tilespmem:v6+s15+$0x0] =	vst.idx.msk $0xffff, v17;
	v6 =	vor.u32 v0, v3;
	v0 =	vld [tilespmem:$0x1FAA0];
	_ =	sdelay $0x4  }
0x358: {  	v7 =	vor.u32 s0, v39;
	[tilespmem:v8+s15+$0x0] =	vst.idx.msk $0xffff, v18;
	v8 =	vor.u32 v0, v3;
	v0 =	vld [tilespmem:$0x1FA90];
	_ =	sdelay $0x4  }
0x359: {  	v9 =	vor.u32 s0, v41;
	[tilespmem:v7+s15+$0x0] =	vst.idx.msk $0xffff, v16;
	v7 =	vor.u32 v0, v3;
	v0 =	vld [tilespmem:$0x1FA80];
	_ =	sdelay $0x4  }
0x35a: {  	[tilespmem:v9+s15+$0x0] =	vst.idx.msk $0xffff, v5;
	v9 =	vor.u32 v0, v3;
	v0 =	vld [tilespmem:$0x1FA70];
	_ =	sdelay $0x1  }
0x35b: {  	v44 =	vld [tilespmem:$0x1FB60]  }
0x35c: {  	v47 =	vld [tilespmem:$0x1FA60]  }
0x35d: {  	v46 =	vld [tilespmem:$0x1FB30];
	v4 =	vor.u32 v2, v3  }
0x35e: {  	v16 =	vor.u32 v0, v3;
	v0 =	vld [tilespmem:$0x1FA50]  }
0x35f: {  	v29 =	vmov v45;
	v45 =	vld [tilespmem:$0x1FB40]  }
0x360: {  	v42 =	vmov v41;
	v48 =	vld [tilespmem:$0x1FB50]  }
0x361: {  	v41 =	vmovc v39;
	v39 =	vmovc v38;
	v38 =	vmov v34;
	v34 =	vmov v37;
	v37 =	vmov v43;
	v43 =	vld [tilespmem:$0x1FB70]  }
0x362: {  	v10 =	vld.idx.msk [tilespmem:v4+s22+$0x0], $0xffff  }
0x363: {  	v15 =	vor.u32 v0, v3;
	v0 =	vld [tilespmem:$0x1FB20]  }
0x364: {  	v4 =	vld.idx.msk [tilespmem:v6+s22+$0x0], $0xffff  }
0x365: {  	v5 =	vld.idx.msk [tilespmem:v8+s22+$0x0], $0xffff  }
0x366: {  	v7 =	vld.idx.msk [tilespmem:v7+s22+$0x0], $0xffff  }
0x367: {  	v30 =	vmov v55;
	v13 =	vor.u32 v47, v3;
	v8 =	vld.idx.msk [tilespmem:v9+s22+$0x0], $0xffff  }
0x368: {  	v55 =	vmovc v50;
	v14 =	vor.u32 v44, v3;
	v9 =	vld.idx.msk [tilespmem:v16+s22+$0x0], $0xffff;
	v16 =	vmov v28;
	v12 =	vor.u32 v0, v3  }
0x369: {  	s5 =	simm.s32 $0x80;
	v11 =	vor.u32 v46, v3;
	v6 =	vor.u32 v1, v3;
	v28 =	vmovc v27;
	v50 =	vmovc v16;
	v0 =	vmov v1;
	v1 =	vld [tilespmem:$0x1FF90]  }
.LBB2_15:
0x36a: {  	_ =	sdelay $0x1  }
0x36b: {  	v15 =	vld.idx.msk [tilespmem:v15+s22+$0x0], $0xffff  }
0x36c: {  	v12 =	vld.idx.msk [tilespmem:v12+s22+$0x0], $0xffff  }
0x36d: {  	v14 =	vld.idx.msk [tilespmem:v14+s22+$0x0], $0xffff  }
0x36e: {  	v13 =	vld.idx.msk [tilespmem:v13+s22+$0x0], $0xffff  }
0x36f: {  	v11 =	vld.idx.msk [tilespmem:v11+s22+$0x0], $0xffff  }
0x370: {  	v16 =	vor.u32 v1, v3;
	v19 =	vld [tilespmem:$0x1FE70]  }
0x371: {  	v17 =	vor.u32 v43, v3;
	v6 =	vld.idx.msk [tilespmem:v6+s22+$0x0], $0xffff  }
0x372: {  	v18 =	vor.u32 v48, v3;
	v20 =	vld [tilespmem:$0x1FE80]  }
0x373: {  	v3 =	vor.u32 v45, v3;
	v21 =	vld [tilespmem:$0x1FE90]  }
0x374: {  	v22 =	vld [tilespmem:$0x1FEA0]  }
0x375: {  	v19 =	vor.u32 s0, v19;
	v16 =	vld.idx.msk [tilespmem:v16+s22+$0x0], $0xffff  }
0x376: {  	v17 =	vld.idx.msk [tilespmem:v17+s22+$0x0], $0xffff  }
0x377: {  	v18 =	vld.idx.msk [tilespmem:v18+s22+$0x0], $0xffff  }
0x378: {  	v23 =	vld.idx.msk [tilespmem:v3+s22+$0x0], $0xffff  }
0x379: {  	v3 =	vld [tilespmem:$0x1FEB0]  }
0x37a: {  	[tilespmem:v19+s15+$0x0] =	vst.idx.msk $0xffff, v10;
	v10 =	vld [tilespmem:$0x1FEC0]  }
0x37b: {  	v20 =	vor.u32 s0, v20  }
0x37c: {  	v21 =	vor.u32 s0, v21  }
0x37d: {  	v22 =	vor.u32 s0, v22  }
0x37e: {  	v3 =	vor.u32 s0, v3  }
0x37f: {  	v10 =	vor.u32 s0, v10  }
0x380: {  	[tilespmem:v20+s15+$0x0] =	vst.idx.msk $0xffff, v6;
	v6 =	vld [tilespmem:$0x1FED0]  }
0x381: {  	[tilespmem:v21+s15+$0x0] =	vst.idx.msk $0xffff, v16;
	v16 =	vld [tilespmem:$0x1FC50]  }
0x382: {  	[tilespmem:v22+s15+$0x0] =	vst.idx.msk $0xffff, v17;
	v17 =	vld [tilespmem:$0x1FC60]  }
0x383: {  	[tilespmem:v3+s15+$0x0] =	vst.idx.msk $0xffff, v18;
	v3 =	vld [tilespmem:$0x1FEE0]  }
0x384: {  	[tilespmem:v10+s15+$0x0] =	vst.idx.msk $0xffff, v23;
	v10 =	vld [tilespmem:$0x1FEF0]  }
0x385: {  	v6 =	vor.u32 s0, v6  }
0x386: {  	v16 =	vor.u32 s0, v16  }
0x387: {  	v17 =	vor.u32 s0, v17  }
0x388: {  	v18 =	vor.u32 s0, v3  }
0x389: {  	v3 =	vld [tilespmem:$0x1FF60];
	v10 =	vor.u32 s0, v10  }
0x38a: {  	[tilespmem:v6+s15+$0x0] =	vst.idx.msk $0xffff, v11;
	v6 =	vld [tilespmem:$0x1FF00]  }
0x38b: {  	[tilespmem:v16+s15+$0x0] =	vst.idx.msk $0xffff, v13;
	v13 =	vld [tilespmem:$0x1FF10]  }
0x38c: {  	[tilespmem:v17+s15+$0x0] =	vst.idx.msk $0xffff, v14;
	v14 =	vld [tilespmem:$0x1FF20]  }
0x38d: {  	[tilespmem:v18+s15+$0x0] =	vst.idx.msk $0xffff, v12;
	v12 =	vld [tilespmem:$0x1FF30]  }
0x38e: {  	[tilespmem:v10+s15+$0x0] =	vst.idx.msk $0xffff, v15;
	v10 =	vld [tilespmem:$0x1FF40]  }
0x38f: {  	v6 =	vor.u32 s0, v6  }
0x390: {  	s31 =	sadd.s32 $0x10, s31;
	v13 =	vor.u32 s0, v13  }
0x391: {  	v21 =	vmov s31;
	v14 =	vor.u32 s0, v14  }
0x392: {  	v19 =	vshll.u32 v21, $0x5;
	v12 =	vor.u32 s0, v12  }
0x393: {  	v3 =	vor.u32 v3, v19;
	v10 =	vor.u32 s0, v10  }
0x394: {  	v20 =	vor.u32 v26, v3;
	[tilespmem:v6+s15+$0x0] =	vst.idx.msk $0xffff, v9  }
0x395: {  	v27 =	vmov v26;
	v26 =	vor.u32 v57, v3;
	[tilespmem:v13+s15+$0x0] =	vst.idx.msk $0xffff, v8  }
0x396: {  	v22 =	vor.u32 v49, v3;
	[tilespmem:v14+s15+$0x0] =	vst.idx.msk $0xffff, v7  }
0x397: {  	v21 =	vor.u32 v30, v3;
	[tilespmem:v12+s15+$0x0] =	vst.idx.msk $0xffff, v5  }
0x398: {  	v16 =	vor.u32 v32, v3;
	[tilespmem:v10+s15+$0x0] =	vst.idx.msk $0xffff, v4  }
0x399: {  	v19 =	vor.u32 v25, v3;
	v25 =	vor.u32 v50, v3;
	v4 =	vld.idx.msk [tilespmem:v20+s22+$0x0], $0xffff  }
0x39a: {  	v11 =	vor.u32 v29, v3;
	v5 =	vld.idx.msk [tilespmem:v26+s22+$0x0], $0xffff  }
0x39b: {  	v9 =	vor.u32 v53, v3;
	v7 =	vld.idx.msk [tilespmem:v22+s22+$0x0], $0xffff  }
0x39c: {  	v23 =	vor.u32 v52, v3;
	v8 =	vld.idx.msk [tilespmem:v21+s22+$0x0], $0xffff  }
0x39d: {  	v17 =	vor.u32 v51, v3;
	v12 =	vld.idx.msk [tilespmem:v16+s22+$0x0], $0xffff  }
0x39e: {  	v13 =	vld.idx.msk [tilespmem:v25+s22+$0x0], $0xffff  }
0x39f: {  	v15 =	vor.u32 v28, v3;
	v11 =	vld.idx.msk [tilespmem:v11+s22+$0x0], $0xffff  }
0x3a0: {  	s23 =	smov.u32 s5;
	v18 =	vor.u32 v54, v3;
	v9 =	vld.idx.msk [tilespmem:v9+s22+$0x0], $0xffff  }
0x3a1: {  	s23 =	sand.u32 $0xC00, s23;
	s24 =	sand.u32 $0x70, s31;
	v24 =	vor.u32 v55, v3;
	v14 =	vld.idx.msk [tilespmem:v23+s22+$0x0], $0xffff  }
0x3a2: {  	s0 =	sor.u32 s24, s23;
	v10 =	vor.u32 v56, v3;
	v16 =	vld.idx.msk [tilespmem:v17+s22+$0x0], $0xffff  }
0x3a3: {  	v17 =	vld.idx.msk [tilespmem:v19+s22+$0x0], $0xffff;
	v19 =	vor.u32 v31, v3;
	v20 =	vor.u32 s0, v58  }
0x3a4: {  	v15 =	vld.idx.msk [tilespmem:v15+s22+$0x0], $0xffff;
	v21 =	vor.u32 s0, v59  }
0x3a5: {  	v18 =	vld.idx.msk [tilespmem:v18+s22+$0x0], $0xffff;
	v22 =	vor.u32 s0, v60  }
0x3a6: {  	v23 =	vld.idx.msk [tilespmem:v24+s22+$0x0], $0xffff;
	v24 =	vor.u32 s0, v61  }
0x3a7: {  	v25 =	vor.u32 s0, v62;
	v10 =	vld.idx.msk [tilespmem:v10+s22+$0x0], $0xffff  }
0x3a8: {  	v19 =	vld.idx.msk [tilespmem:v19+s22+$0x0], $0xffff;
	[tilespmem:v20+s15+$0x0] =	vst.idx.msk $0xffff, v17;
	v17 =	vor.u32 s0, v63  }
0x3a9: {  	[tilespmem:v21+s15+$0x0] =	vst.idx.msk $0xffff, v4;
	v4 =	vor.u32 s0, v33  }
0x3aa: {  	[tilespmem:v22+s15+$0x0] =	vst.idx.msk $0xffff, v15;
	v15 =	vor.u32 s0, v35  }
0x3ab: {  	[tilespmem:v24+s15+$0x0] =	vst.idx.msk $0xffff, v11;
	v11 =	vor.u32 s0, v40  }
0x3ac: {  	[tilespmem:v25+s15+$0x0] =	vst.idx.msk $0xffff, v8;
	v8 =	vor.u32 s0, v36  }
0x3ad: {  	[tilespmem:v17+s15+$0x0] =	vst.idx.msk $0xffff, v19;
	v17 =	vor.u32 s0, v37  }
0x3ae: {  	[tilespmem:v4+s15+$0x0] =	vst.idx.msk $0xffff, v12;
	v4 =	vor.u32 s0, v34  }
0x3af: {  	[tilespmem:v15+s15+$0x0] =	vst.idx.msk $0xffff, v7;
	v7 =	vor.u32 s0, v38  }
0x3b0: {  	[tilespmem:v11+s15+$0x0] =	vst.idx.msk $0xffff, v13;
	v11 =	vor.u32 s0, v39  }
0x3b1: {  	[tilespmem:v8+s15+$0x0] =	vst.idx.msk $0xffff, v16;
	v8 =	vor.u32 s0, v41  }
0x3b2: {  	v12 =	vor.u32 s0, v42;
	[tilespmem:v17+s15+$0x0] =	vst.idx.msk $0xffff, v14  }
0x3b3: {  	[tilespmem:v4+s15+$0x0] =	vst.idx.msk $0xffff, v9;
	v4 =	vor.u32 v2, v3  }
0x3b4: {  	[tilespmem:v7+s15+$0x0] =	vst.idx.msk $0xffff, v18  }
0x3b5: {  	v9 =	vld [tilespmem:$0x1FAA0];
	[tilespmem:v11+s15+$0x0] =	vst.idx.msk $0xffff, v23  }
0x3b6: {  	v7 =	vld [tilespmem:$0x1FAB0];
	[tilespmem:v8+s15+$0x0] =	vst.idx.msk $0xffff, v10  }
0x3b7: {  	[tilespmem:v12+s15+$0x0] =	vst.idx.msk $0xffff, v5;
	v5 =	vld [tilespmem:$0x1FA80]  }
0x3b8: {  	v10 =	vld.idx.msk [tilespmem:v4+s22+$0x0], $0xffff  }
0x3b9: {  	v4 =	vld [tilespmem:$0x1FA70]  }
0x3ba: {  	v8 =	vld [tilespmem:$0x1FA90];
	_ =	sdelay $0x2  }
0x3bb: {  	v9 =	vor.u32 v9, v3;
	v11 =	vor.u32 v5, v3;
	v5 =	vld [tilespmem:$0x1FB20]  }
0x3bc: {  	v7 =	vor.u32 v7, v3;
	v16 =	vor.u32 v4, v3;
	v4 =	vld [tilespmem:$0x1FA50]  }
0x3bd: {  	v8 =	vor.u32 v8, v3;
	_ =	sdelay $0x1  }
0x3be: {  	p0 =	sne.s32 s5, $0xF80  }
.Ltmp6:
0x3bf: {  	v12 =	vor.u32 v5, v3;
	v5 =	vld.idx.msk [tilespmem:v9+s22+$0x0], $0xffff;
	(pc) =	sbr.rel @p0 .LBB2_15-.Ltmp6, $4  }
0x3c0: {  	v15 =	vor.u32 v4, v3;
	v4 =	vld.idx.msk [tilespmem:v7+s22+$0x0], $0xffff  }
0x3c1: {  	v7 =	vld.idx.msk [tilespmem:v8+s22+$0x0], $0xffff  }
0x3c2: {  	v6 =	vor.u32 v0, v3;
	v26 =	vmov v27;
	v25 =	vlaneseq.u32;
	v8 =	vld.idx.msk [tilespmem:v11+s22+$0x0], $0xffff  }
0x3c3: {  	s5 =	sadd.s32 $0x80, s5;
	v13 =	vor.u32 v47, v3;
	v14 =	vor.u32 v44, v3;
	v11 =	vor.u32 v46, v3;
	v9 =	vld.idx.msk [tilespmem:v16+s22+$0x0], $0xffff  }
0x3c4: {  	v0 =	vld [tilespmem:$0x1FE70];
	_ =	sdelay $0x4  }
0x3c5: {  	v19 =	vor.u32 s0, v0;
	v0 =	vld [tilespmem:$0x1FE80];
	_ =	sdelay $0x4  }
0x3c6: {  	v20 =	vor.u32 s0, v0;
	v0 =	vld [tilespmem:$0x1FE90];
	_ =	sdelay $0x4  }
0x3c7: {  	v21 =	vor.u32 s0, v0;
	v0 =	vld [tilespmem:$0x1FEA0];
	_ =	sdelay $0x4  }
0x3c8: {  	v22 =	vor.u32 s0, v0;
	v0 =	vld [tilespmem:$0x1FEB0];
	_ =	sdelay $0x2  }
0x3c9: {  	v15 =	vld.idx.msk [tilespmem:v15+s22+$0x0], $0xffff  }
0x3ca: {  	v12 =	vld.idx.msk [tilespmem:v12+s22+$0x0], $0xffff  }
0x3cb: {  	v23 =	vor.u32 s0, v0;
	v0 =	vld [tilespmem:$0x1FEC0]  }
0x3cc: {  	v16 =	vor.u32 v1, v3;
	v14 =	vld.idx.msk [tilespmem:v14+s22+$0x0], $0xffff  }
0x3cd: {  	v17 =	vor.u32 v43, v3;
	v13 =	vld.idx.msk [tilespmem:v13+s22+$0x0], $0xffff  }
0x3ce: {  	v18 =	vor.u32 v48, v3;
	v11 =	vld.idx.msk [tilespmem:v11+s22+$0x0], $0xffff  }
0x3cf: {  	v3 =	vor.u32 v45, v3;
	v6 =	vld.idx.msk [tilespmem:v6+s22+$0x0], $0xffff  }
0x3d0: {  	v56 =	vor.u32 s0, v0;
	v0 =	vld [tilespmem:$0x1FED0]  }
0x3d1: {  	v16 =	vld.idx.msk [tilespmem:v16+s22+$0x0], $0xffff  }
0x3d2: {  	v17 =	vld.idx.msk [tilespmem:v17+s22+$0x0], $0xffff  }
0x3d3: {  	v18 =	vld.idx.msk [tilespmem:v18+s22+$0x0], $0xffff  }
0x3d4: {  	v3 =	vld.idx.msk [tilespmem:v3+s22+$0x0], $0xffff;
	[tilespmem:v19+s15+$0x0] =	vst.idx.msk $0xffff, v10  }
0x3d5: {  	[tilespmem:v20+s15+$0x0] =	vst.idx.msk $0xffff, v6;
	v6 =	vor.u32 s0, v0;
	v0 =	vld [tilespmem:$0x1FC50];
	_ =	sdelay $0x4  }
0x3d6: {  	v58 =	vor.u32 s0, v0;
	v0 =	vld [tilespmem:$0x1FC60];
	_ =	sdelay $0x4  }
0x3d7: {  	v59 =	vor.u32 s0, v0;
	v0 =	vld [tilespmem:$0x1FEE0];
	_ =	sdelay $0x4  }
0x3d8: {  	v60 =	vor.u32 s0, v0;
	v0 =	vld [tilespmem:$0x1FEF0];
	_ =	sdelay $0x1  }
0x3d9: {  	[tilespmem:v21+s15+$0x0] =	vst.idx.msk $0xffff, v16  }
0x3da: {  	[tilespmem:v22+s15+$0x0] =	vst.idx.msk $0xffff, v17  }
0x3db: {  	[tilespmem:v23+s15+$0x0] =	vst.idx.msk $0xffff, v18  }
0x3dc: {  	[tilespmem:v56+s15+$0x0] =	vst.idx.msk $0xffff, v3;
	v3 =	vor.u32 s0, v0;
	v0 =	vld [tilespmem:$0x1FF00];
	_ =	sdelay $0x4  }
0x3dd: {  	[tilespmem:v6+s15+$0x0] =	vst.idx.msk $0xffff, v11;
	v6 =	vor.u32 s0, v0;
	v0 =	vld [tilespmem:$0x1FF10];
	_ =	sdelay $0x4  }
0x3de: {  	v61 =	vor.u32 s0, v0;
	v0 =	vld [tilespmem:$0x1FF20];
	_ =	sdelay $0x4  }
0x3df: {  	v62 =	vor.u32 s0, v0;
	v0 =	vld [tilespmem:$0x1FF30];
	_ =	sdelay $0x4  }
0x3e0: {  	v63 =	vor.u32 s0, v0;
	v0 =	vld [tilespmem:$0x1FF40];
	_ =	sdelay $0x1  }
0x3e1: {  	[tilespmem:v58+s15+$0x0] =	vst.idx.msk $0xffff, v13  }
0x3e2: {  	[tilespmem:v59+s15+$0x0] =	vst.idx.msk $0xffff, v14  }
0x3e3: {  	[tilespmem:v60+s15+$0x0] =	vst.idx.msk $0xffff, v12  }
0x3e4: {  	[tilespmem:v3+s15+$0x0] =	vst.idx.msk $0xffff, v15;
	v3 =	vor.u32 s0, v0  }
0x3e5: {  	[tilespmem:v6+s15+$0x0] =	vst.idx.msk $0xffff, v9  }
0x3e6: {  	s24 =	sshll.u32 s13, $0x14;
	[tilespmem:v61+s15+$0x0] =	vst.idx.msk $0xffff, v8  }
0x3e7: {  	[tilespmem:v62+s15+$0x0] =	vst.idx.msk $0xffff, v7;
	s0 =	sor.u32 s6, s24;
	v0 =	vld [tilespmem:$0x1FF50]  }
0x3e8: {  	[tilespmem:v63+s15+$0x0] =	vst.idx.msk $0xffff, v5;
	s5 =	sshrl.u32 s0, $0x3  }
0x3e9: {  	s0 =	simm.s32 $0x0;
	s23 =	sadd.s32 s2, s5;
	[tilespmem:v3+s15+$0x0] =	vst.idx.msk $0xffff, v4  }
0x3ea: {  	[hbm4b:s23+s0] =	stream.linear.scatter [tilespmem:s15], [sflag:$0x4], $0x1000, $0x38;
	[tilespmem:$0x16800] =	vst v63  }
0x3eb: {  	s24 =	simm.s32 $0xF800;
	s31 =	sadd.s32 s5, s8  }
0x3ec: {  	v3 =	vadd.s32 s18, v0;
	[hbm4b:s31+s0] =	stream.linear.scatter [tilespmem:s24], [sflag:$0x4], $0x1000, $0x38;
	[tilespmem:$0x16800] =	vst v63  }
0x3ed: {  	s24 =	sadd.s32 s5, s9;
	s31 =	simm.s32 $0x10800  }
0x3ee: {  	[hbm4b:s24+s0] =	stream.linear.scatter [tilespmem:s31], [sflag:$0x4], $0x1000, $0x38;
	[tilespmem:$0x16800] =	vst v63  }
0x3ef: {  	s5 =	sadd.s32 s5, s10;
	s31 =	simm.s32 $0x11800  }
0x3f0: {  	[hbm4b:s5+s0] =	stream.linear.scatter [tilespmem:s31], [sflag:$0x4], $0x1000, $0x38;
	[tilespmem:$0x16800] =	vst v63  }
0x3f1: {  	v4 =	vld.idx.msk [tilespmem:v3+s3+$0x0], $0xffff;
	_ =	sdelay $0x2  }
0x3f2: {  	s18 =	sadd.s32 $0x320, s18  }
0x3f3: {  	v24 =	vmov v32;
	s23 =	simm.s32 $0x80;
	s5 =	simm.s32 $0x40;
	v3 =	vadd.s32 s18, v0  }
.LBB2_17:
0x3f4: {  	p0 =	sne.s32 s23, $0x7C0;
	vm1 =	vgt.s32 v4, $0x0  }
0x3f5: {  	v4 =	vnsel vm1, $0x0, v4  }
0x3f6: {  	s24 =	sshra.s32 s0, $0x2;
	s0 =	smov.u32 s5;
	s5 =	smov.u32 s23;
	v4 =	vmin.u32 v4, $0x186A0  }
0x3f7: {  	[tilespmem:s24+$0x6400] =	vst v4  }
0x3f8: {  	v4 =	vld.idx.msk [tilespmem:v3+s3+$0x0], $0xffff  }
.Ltmp7:
0x3f9: {  	(pc) =	sbr.rel @p0 .LBB2_17-.Ltmp7, $3  }
0x3fa: {  	_ =	sdelay $0x1  }
0x3fb: {  	s18 =	sadd.s32 $0x320, s18  }
0x3fc: {  	s23 =	sadd.s32 $0x40, s23;
	v3 =	vadd.s32 s18, v0  }
0x3fd: {  	vm1 =	vgt.s32 v4, $0x0  }
0x3fe: {  	v4 =	vnsel vm1, $0x0, v4  }
0x3ff: {  	s0 =	sshra.s32 s0, $0x2;
	v4 =	vmin.u32 v4, $0x186A0  }
0x400: {  	[tilespmem:s0+$0x6400] =	vst v4  }
0x401: {  	v3 =	vld.idx.msk [tilespmem:v3+s3+$0x0], $0xffff;
	_ =	sdelay $0x4  }
0x402: {  	vm1 =	vgt.s32 v3, $0x0  }
0x403: {  	v3 =	vnsel vm1, $0x0, v3  }
0x404: {  	s5 =	sshra.s32 s5, $0x2;
	v3 =	vmin.u32 v3, $0x186A0  }
0x405: {  	[tilespmem:s5+$0x6400] =	vst v3  }
0x406: {  	_ =	swait.ge [sflag:s7], $0x1000  }
0x407: {  	[sflag:s7] =	ssyncset.done $0x0  }
0x408: {  	[sflag:s7] =	ssyncadd.s32 $0xFFFFF000  }
0x409: {  	_ =	swait.ge [sflag:s7], $0x1000  }
0x40a: {  	[sflag:s7] =	ssyncset.done $0x0  }
0x40b: {  	[sflag:s7] =	ssyncadd.s32 $0xFFFFF000  }
0x40c: {  	_ =	swait.ge [sflag:s7], $0x1000  }
0x40d: {  	[sflag:s7] =	ssyncset.done $0x0  }
0x40e: {  	[sflag:s7] =	ssyncadd.s32 $0xFFFFF000  }
0x40f: {  	_ =	swait.ge [sflag:s7], $0x1000  }
0x410: {  	[sflag:s7] =	ssyncset.done $0x0  }
0x411: {  	[sflag:s7] =	ssyncadd.s32 $0xFFFFF000  }
0x412: {  	[tilespmem:s22], [sflag:$0x2] =	stream.indirect.gather [hbm4b:s4+s20], $0x20, s21, s20, $0xb8;
	[tilespmem:$0x16800] =	vst v63  }
0x413: {  	s18 =	simm.s32 $0x6480;
	s23 =	simm.s32 $0x7800  }
0x414: {  	[tilespmem:s23], [sflag:$0x2] =	stream.indirect.gather [hbm4b:s4+s20], $0x20, s18, s20, $0xb8;
	[tilespmem:$0x16800] =	vst v63  }
0x415: {  	_ = 	snop  }
0x416: {  	[tilespmem:s26], [sflag:$0x2] =	stream.indirect.gather [hbm4b:s4+s20], $0x20, s25, s20, $0xb8;
	[tilespmem:$0x16800] =	vst v63  }
0x417: {  	_ = 	snop  }
0x418: {  	[tilespmem:s29], [sflag:$0x2] =	stream.indirect.gather [hbm4b:s4+s20], $0x20, s28, s20, $0xb8;
	[tilespmem:$0x16800] =	vst v63  }
0x419: {  	_ =	swait.ge [sflag:s12], $0x1000  }
0x41a: {  	[sflag:s12] =	ssyncset.done $0x0  }
0x41b: {  	[sflag:s12] =	ssyncadd.s32 $0xFFFFF000  }
0x41c: {  	_ =	swait.ge [sflag:s12], $0x1000  }
0x41d: {  	[sflag:s12] =	ssyncset.done $0x0  }
0x41e: {  	[sflag:s12] =	ssyncadd.s32 $0xFFFFF000  }
0x41f: {  	_ =	swait.ge [sflag:s12], $0x1000  }
0x420: {  	v0 =	vld [tilespmem:$0x1FF60];
	_ =	sdelay $0x1  }
0x421: {  	s18 =	simm.s32 $0x0;
	[sflag:s12] =	ssyncset.done $0x0  }
0x422: {  	v3 =	vmov s18;
	[sflag:s12] =	ssyncadd.s32 $0xFFFFF000  }
0x423: {  	v3 =	vshll.u32 v3, $0x5;
	_ =	swait.ge [sflag:s12], $0x1000  }
0x424: {  	v3 =	vor.u32 v0, v3;
	v0 =	vld [tilespmem:$0x1FD50];
	_ =	sdelay $0x4  }
0x425: {  	v9 =	vor.u32 v0, v3;
	v0 =	vld [tilespmem:$0x1FD80];
	_ =	sdelay $0x4  }
0x426: {  	v11 =	vor.u32 v0, v3;
	v0 =	vld [tilespmem:$0x1FD70];
	_ =	sdelay $0x4  }
0x427: {  	v12 =	vor.u32 v0, v3;
	v0 =	vld [tilespmem:$0x1FD60];
	_ =	sdelay $0x4  }
0x428: {  	v13 =	vor.u32 v0, v3;
	v0 =	vld [tilespmem:$0x1FDB0];
	_ =	sdelay $0x4  }
0x429: {  	v16 =	vor.u32 v0, v3;
	v0 =	vld [tilespmem:$0x1FD90];
	_ =	sdelay $0x4  }
0x42a: {  	v17 =	vor.u32 v0, v3;
	v0 =	vld [tilespmem:$0x1FDA0];
	_ =	sdelay $0x2  }
0x42b: {  	v40 =	vld [tilespmem:$0x1FB90]  }
0x42c: {  	v36 =	vld [tilespmem:$0x1FBA0]  }
0x42d: {  	v18 =	vor.u32 v0, v3;
	v0 =	vld [tilespmem:$0x1FD40]  }
0x42e: {  	v37 =	vld [tilespmem:$0x1FBB0]  }
0x42f: {  	v34 =	vld [tilespmem:$0x1FBC0]  }
0x430: {  	v38 =	vld [tilespmem:$0x1FE40]  }
0x431: {  	v39 =	vld [tilespmem:$0x1FE50]  }
0x432: {  	v19 =	vor.u32 v0, v3;
	v0 =	vld [tilespmem:$0x1FDC0]  }
0x433: {  	v41 =	vld [tilespmem:$0x1FE60]  }
0x434: {  	v53 =	vld [tilespmem:$0x1FAB0]  }
0x435: {  	s24 =	sand.u32 $0xC00, s18;
	s31 =	sand.u32 $0x70, s18;
	v54 =	vld [tilespmem:$0x1FA90]  }
0x436: {  	s0 =	sor.u32 s31, s24;
	v58 =	vld [tilespmem:$0x1FA70]  }
0x437: {  	v20 =	vor.u32 s0, v0;
	v0 =	vld [tilespmem:$0x1FDD0]  }
0x438: {  	v50 =	vld [tilespmem:$0x1FF80];
	v4 =	vor.u32 v26, v3  }
0x439: {  	v59 =	vld [tilespmem:$0x1FA50];
	v5 =	vor.u32 v57, v3  }
0x43a: {  	v52 =	vld [tilespmem:$0x1FB20];
	v6 =	vor.u32 v49, v3  }
0x43b: {  	[sflag:s12] =	ssyncset.done $0x0;
	v33 =	vld [tilespmem:$0x1FB60];
	v7 =	vor.u32 v30, v3  }
0x43c: {  	[sflag:s12] =	ssyncadd.s32 $0xFFFFF000;
	v21 =	vor.u32 s0, v0;
	v0 =	vld [tilespmem:$0x1FDE0]  }
0x43d: {  	v8 =	vor.u32 v24, v3;
	v4 =	vld.idx.msk [tilespmem:v4+s1+$0x0], $0xffff  }
0x43e: {  	v10 =	vor.u32 v29, v3;
	v5 =	vld.idx.msk [tilespmem:v5+s1+$0x0], $0xffff  }
0x43f: {  	v14 =	vor.u32 v25, v3;
	v6 =	vld.idx.msk [tilespmem:v6+s1+$0x0], $0xffff  }
0x440: {  	v15 =	vor.u32 v28, v3;
	v7 =	vld.idx.msk [tilespmem:v7+s1+$0x0], $0xffff  }
0x441: {  	v22 =	vor.u32 s0, v0;
	v0 =	vld [tilespmem:$0x1FDF0]  }
0x442: {  	v8 =	vld.idx.msk [tilespmem:v8+s1+$0x0], $0xffff  }
0x443: {  	v10 =	vld.idx.msk [tilespmem:v10+s1+$0x0], $0xffff  }
0x444: {  	v14 =	vld.idx.msk [tilespmem:v14+s1+$0x0], $0xffff  }
0x445: {  	v15 =	vld.idx.msk [tilespmem:v15+s1+$0x0], $0xffff  }
0x446: {  	v23 =	vor.u32 s0, v0;
	v0 =	vld [tilespmem:$0x1FE00]  }
0x447: {  	v9 =	vld.idx.msk [tilespmem:v9+s1+$0x0], $0xffff  }
0x448: {  	v11 =	vld.idx.msk [tilespmem:v11+s1+$0x0], $0xffff  }
0x449: {  	v12 =	vld.idx.msk [tilespmem:v12+s1+$0x0], $0xffff  }
0x44a: {  	v13 =	vld.idx.msk [tilespmem:v13+s1+$0x0], $0xffff  }
0x44b: {  	v24 =	vor.u32 s0, v0;
	v0 =	vld [tilespmem:$0x1FE10]  }
0x44c: {  	v16 =	vld.idx.msk [tilespmem:v16+s1+$0x0], $0xffff  }
0x44d: {  	v17 =	vld.idx.msk [tilespmem:v17+s1+$0x0], $0xffff  }
0x44e: {  	v18 =	vld.idx.msk [tilespmem:v18+s1+$0x0], $0xffff  }
0x44f: {  	v19 =	vld.idx.msk [tilespmem:v19+s1+$0x0], $0xffff  }
0x450: {  	[tilespmem:v20+s19+$0x0] =	vst.idx.msk $0xffff, v14;
	v14 =	vor.u32 s0, v0;
	v0 =	vld [tilespmem:$0x1FE20]  }
0x451: {  	v60 =	vld [tilespmem:$0x1FA60]  }
0x452: {  	v61 =	vld [tilespmem:$0x1FB30]  }
0x453: {  	v43 =	vld [tilespmem:$0x1FE70]  }
0x454: {  	v44 =	vld [tilespmem:$0x1FE80]  }
0x455: {  	[tilespmem:v21+s19+$0x0] =	vst.idx.msk $0xffff, v4;
	v4 =	vor.u32 s0, v0;
	v0 =	vld [tilespmem:$0x1FE30]  }
0x456: {  	v45 =	vld [tilespmem:$0x1FE90]  }
0x457: {  	v46 =	vld [tilespmem:$0x1FEA0]  }
0x458: {  	v47 =	vld [tilespmem:$0x1FEB0]  }
0x459: {  	v48 =	vld [tilespmem:$0x1FEC0]  }
0x45a: {  	[tilespmem:v22+s19+$0x0] =	vst.idx.msk $0xffff, v15;
	v15 =	vor.u32 s0, v0;
	v0 =	vld [tilespmem:$0x1FB80]  }
0x45b: {  	v1 =	vld [tilespmem:$0x1FED0]  }
0x45c: {  	v2 =	vld [tilespmem:$0x1FC60]  }
0x45d: {  	v42 =	vld [tilespmem:$0x1FEE0]  }
0x45e: {  	v56 =	vld [tilespmem:$0x1FEF0]  }
0x45f: {  	v32 =	vld [tilespmem:$0x1FF00];
	[tilespmem:v23+s19+$0x0] =	vst.idx.msk $0xffff, v10;
	v10 =	vor.u32 s0, v0  }
0x460: {  	v31 =	vld [tilespmem:$0x1FF10];
	[tilespmem:v24+s19+$0x0] =	vst.idx.msk $0xffff, v7;
	v7 =	vor.u32 s0, v40  }
0x461: {  	v51 =	vld [tilespmem:$0x1FF40];
	[tilespmem:v14+s19+$0x0] =	vst.idx.msk $0xffff, v19;
	v14 =	vor.u32 s0, v36  }
0x462: {  	v29 =	vld [tilespmem:$0x1FF70];
	[tilespmem:v4+s19+$0x0] =	vst.idx.msk $0xffff, v8;
	v4 =	vor.u32 s0, v37  }
0x463: {  	v55 =	vld [tilespmem:$0x1FF90];
	[tilespmem:v15+s19+$0x0] =	vst.idx.msk $0xffff, v6;
	v6 =	vor.u32 s0, v34  }
0x464: {  	v28 =	vld [tilespmem:$0x1FAA0];
	v8 =	vor.u32 s0, v38;
	[tilespmem:v10+s19+$0x0] =	vst.idx.msk $0xffff, v9  }
0x465: {  	v62 =	vld [tilespmem:$0x1FB40];
	[tilespmem:v7+s19+$0x0] =	vst.idx.msk $0xffff, v13;
	v7 =	vor.u32 s0, v39  }
0x466: {  	v57 =	vld [tilespmem:$0x1FA80];
	v9 =	vor.u32 s0, v41;
	[tilespmem:v14+s19+$0x0] =	vst.idx.msk $0xffff, v12  }
0x467: {  	v63 =	vld [tilespmem:$0x1FB50];
	[tilespmem:v4+s19+$0x0] =	vst.idx.msk $0xffff, v11;
	v4 =	vor.u32 v29, v3  }
0x468: {  	v35 =	vld [tilespmem:$0x1FB70];
	[tilespmem:v6+s19+$0x0] =	vst.idx.msk $0xffff, v17;
	v6 =	vor.u32 v53, v3  }
0x469: {  	v49 =	vld [tilespmem:$0x1FF20];
	[tilespmem:v8+s19+$0x0] =	vst.idx.msk $0xffff, v18;
	v8 =	vor.u32 v28, v3  }
0x46a: {  	v30 =	vld [tilespmem:$0x1FF30];
	[tilespmem:v7+s19+$0x0] =	vst.idx.msk $0xffff, v16;
	v7 =	vor.u32 v54, v3  }
0x46b: {  	v0 =	vld [tilespmem:$0x1FC50];
	[tilespmem:v9+s19+$0x0] =	vst.idx.msk $0xffff, v5;
	v9 =	vor.u32 v57, v3  }
0x46c: {  	v16 =	vor.u32 v58, v3;
	v10 =	vld.idx.msk [tilespmem:v4+s1+$0x0], $0xffff  }
0x46d: {  	v4 =	vld.idx.msk [tilespmem:v6+s1+$0x0], $0xffff  }
0x46e: {  	v5 =	vld.idx.msk [tilespmem:v8+s1+$0x0], $0xffff  }
0x46f: {  	v7 =	vld.idx.msk [tilespmem:v7+s1+$0x0], $0xffff  }
0x470: {  	v15 =	vor.u32 v59, v3;
	v13 =	vor.u32 v60, v3;
	v12 =	vor.u32 v52, v3;
	v8 =	vld.idx.msk [tilespmem:v9+s1+$0x0], $0xffff  }
0x471: {  	s5 =	simm.s32 $0x80;
	v14 =	vor.u32 v33, v3;
	v11 =	vor.u32 v61, v3;
	v6 =	vor.u32 v50, v3;
	v9 =	vld.idx.msk [tilespmem:v16+s1+$0x0], $0xffff  }
.LBB2_19:
0x472: {  	_ =	sdelay $0x2  }
0x473: {  	v15 =	vld.idx.msk [tilespmem:v15+s1+$0x0], $0xffff;
	v16 =	vor.u32 v55, v3  }
0x474: {  	v12 =	vld.idx.msk [tilespmem:v12+s1+$0x0], $0xffff;
	v17 =	vor.u32 v35, v3  }
0x475: {  	v14 =	vld.idx.msk [tilespmem:v14+s1+$0x0], $0xffff;
	v18 =	vor.u32 v63, v3  }
0x476: {  	v13 =	vld.idx.msk [tilespmem:v13+s1+$0x0], $0xffff;
	v3 =	vor.u32 v62, v3  }
0x477: {  	v6 =	vld.idx.msk [tilespmem:v6+s1+$0x0], $0xffff;
	v19 =	vor.u32 s0, v43  }
0x478: {  	v20 =	vor.u32 s0, v44;
	v16 =	vld.idx.msk [tilespmem:v16+s1+$0x0], $0xffff  }
0x479: {  	v21 =	vor.u32 s0, v45;
	v17 =	vld.idx.msk [tilespmem:v17+s1+$0x0], $0xffff  }
0x47a: {  	v22 =	vor.u32 s0, v46;
	v18 =	vld.idx.msk [tilespmem:v18+s1+$0x0], $0xffff  }
0x47b: {  	v23 =	vld.idx.msk [tilespmem:v3+s1+$0x0], $0xffff;
	v3 =	vor.u32 s0, v47  }
0x47c: {  	v11 =	vld.idx.msk [tilespmem:v11+s1+$0x0], $0xffff;
	[tilespmem:v19+s19+$0x0] =	vst.idx.msk $0xffff, v10;
	v10 =	vor.u32 s0, v48  }
0x47d: {  	[tilespmem:v20+s19+$0x0] =	vst.idx.msk $0xffff, v6;
	v6 =	vor.u32 s0, v1  }
0x47e: {  	s18 =	sadd.s32 $0x10, s18;
	[tilespmem:v21+s19+$0x0] =	vst.idx.msk $0xffff, v16;
	v16 =	vor.u32 s0, v0  }
0x47f: {  	v24 =	vld [tilespmem:$0x1FDA0];
	v21 =	vmov s18;
	[tilespmem:v22+s19+$0x0] =	vst.idx.msk $0xffff, v17;
	v17 =	vor.u32 s0, v2  }
0x480: {  	v19 =	vshll.u32 v21, $0x5;
	v21 =	vld [tilespmem:$0x1FFC0];
	[tilespmem:v3+s19+$0x0] =	vst.idx.msk $0xffff, v18;
	v18 =	vor.u32 s0, v42  }
0x481: {  	v22 =	vld [tilespmem:$0x1FFB0];
	[tilespmem:v10+s19+$0x0] =	vst.idx.msk $0xffff, v23;
	v10 =	vor.u32 s0, v56  }
0x482: {  	v3 =	vld [tilespmem:$0x1FF60];
	[tilespmem:v6+s19+$0x0] =	vst.idx.msk $0xffff, v11;
	v6 =	vor.u32 s0, v32  }
0x483: {  	v23 =	vld [tilespmem:$0x1FD70];
	[tilespmem:v16+s19+$0x0] =	vst.idx.msk $0xffff, v13;
	v13 =	vor.u32 s0, v31  }
0x484: {  	v11 =	vld [tilespmem:$0x1FFE0];
	[tilespmem:v17+s19+$0x0] =	vst.idx.msk $0xffff, v14;
	v14 =	vor.u32 s0, v49  }
0x485: {  	v16 =	vld [tilespmem:$0x1FFD0];
	[tilespmem:v18+s19+$0x0] =	vst.idx.msk $0xffff, v12;
	v12 =	vor.u32 s0, v30  }
0x486: {  	v17 =	vld [tilespmem:$0x1FD60];
	[tilespmem:v10+s19+$0x0] =	vst.idx.msk $0xffff, v15;
	v10 =	vor.u32 s0, v51  }
0x487: {  	v3 =	vor.u32 v3, v19;
	[tilespmem:v6+s19+$0x0] =	vst.idx.msk $0xffff, v9;
	v6 =	vld [tilespmem:$0x1FD80]  }
0x488: {  	v18 =	vld [tilespmem:$0x1FD90];
	v20 =	vor.u32 v26, v3;
	[tilespmem:v13+s19+$0x0] =	vst.idx.msk $0xffff, v8  }
0x489: {  	v22 =	vor.u32 v22, v3;
	v15 =	vld [tilespmem:$0x1FFF0];
	[tilespmem:v14+s19+$0x0] =	vst.idx.msk $0xffff, v7  }
0x48a: {  	v19 =	vor.u32 v25, v3;
	v21 =	vor.u32 v21, v3;
	v25 =	vld [tilespmem:$0x1FD50];
	[tilespmem:v12+s19+$0x0] =	vst.idx.msk $0xffff, v5  }
0x48b: {  	v11 =	vor.u32 v11, v3;
	[tilespmem:v10+s19+$0x0] =	vst.idx.msk $0xffff, v4;
	v10 =	vld [tilespmem:$0x1FDB0]  }
0x48c: {  	v23 =	vor.u32 v23, v3;
	v9 =	vor.u32 v6, v3;
	v6 =	vld [tilespmem:$0x1FFA0]  }
0x48d: {  	v4 =	vld.idx.msk [tilespmem:v20+s1+$0x0], $0xffff  }
0x48e: {  	v7 =	vld.idx.msk [tilespmem:v22+s1+$0x0], $0xffff  }
0x48f: {  	v8 =	vld.idx.msk [tilespmem:v21+s1+$0x0], $0xffff  }
0x490: {  	v11 =	vld.idx.msk [tilespmem:v11+s1+$0x0], $0xffff  }
0x491: {  	v16 =	vor.u32 v16, v3;
	v14 =	vld.idx.msk [tilespmem:v23+s1+$0x0], $0xffff  }
0x492: {  	v17 =	vor.u32 v17, v3;
	v23 =	vld [tilespmem:$0x1FD40]  }
0x493: {  	v20 =	vld [tilespmem:$0x1FDC0]  }
0x494: {  	v18 =	vor.u32 v18, v3;
	v21 =	vld [tilespmem:$0x1FDD0]  }
0x495: {  	v25 =	vor.u32 v25, v3;
	v22 =	vld [tilespmem:$0x1FDE0]  }
0x496: {  	v24 =	vor.u32 v24, v3;
	v12 =	vld.idx.msk [tilespmem:v16+s1+$0x0], $0xffff  }
0x497: {  	v16 =	vld.idx.msk [tilespmem:v17+s1+$0x0], $0xffff  }
0x498: {  	v15 =	vor.u32 v15, v3;
	v17 =	vld.idx.msk [tilespmem:v19+s1+$0x0], $0xffff  }
0x499: {  	v18 =	vld.idx.msk [tilespmem:v18+s1+$0x0], $0xffff  }
0x49a: {  	v13 =	vld.idx.msk [tilespmem:v25+s1+$0x0], $0xffff  }
0x49b: {  	s23 =	smov.u32 s5;
	v10 =	vor.u32 v10, v3;
	v19 =	vor.u32 v23, v3;
	v23 =	vld.idx.msk [tilespmem:v24+s1+$0x0], $0xffff  }
0x49c: {  	s24 =	sand.u32 $0xC00, s23;
	s31 =	sand.u32 $0x70, s18;
	v26 =	vor.u32 v6, v3;
	v24 =	vld [tilespmem:$0x1FDF0]  }
0x49d: {  	s0 =	sor.u32 s31, s24;
	v15 =	vld.idx.msk [tilespmem:v15+s1+$0x0], $0xffff  }
0x49e: {  	v25 =	vld [tilespmem:$0x1FE00];
	v20 =	vor.u32 s0, v20  }
0x49f: {  	v9 =	vld.idx.msk [tilespmem:v9+s1+$0x0], $0xffff;
	v21 =	vor.u32 s0, v21  }
0x4a0: {  	v22 =	vor.u32 s0, v22;
	v10 =	vld.idx.msk [tilespmem:v10+s1+$0x0], $0xffff  }
0x4a1: {  	v5 =	vld.idx.msk [tilespmem:v26+s1+$0x0], $0xffff;
	v24 =	vor.u32 s0, v24  }
0x4a2: {  	v19 =	vld.idx.msk [tilespmem:v19+s1+$0x0], $0xffff  }
0x4a3: {  	[tilespmem:v20+s19+$0x0] =	vst.idx.msk $0xffff, v17;
	v17 =	vld [tilespmem:$0x1FE10]  }
0x4a4: {  	[tilespmem:v21+s19+$0x0] =	vst.idx.msk $0xffff, v4;
	v4 =	vld [tilespmem:$0x1FE20]  }
0x4a5: {  	[tilespmem:v22+s19+$0x0] =	vst.idx.msk $0xffff, v15;
	v15 =	vld [tilespmem:$0x1FE30]  }
0x4a6: {  	[tilespmem:v24+s19+$0x0] =	vst.idx.msk $0xffff, v11;
	v11 =	vld [tilespmem:$0x1FB80]  }
0x4a7: {  	v25 =	vor.u32 s0, v25  }
0x4a8: {  	v17 =	vor.u32 s0, v17  }
0x4a9: {  	v4 =	vor.u32 s0, v4  }
0x4aa: {  	v15 =	vor.u32 s0, v15  }
0x4ab: {  	v11 =	vor.u32 s0, v11  }
0x4ac: {  	[tilespmem:v25+s19+$0x0] =	vst.idx.msk $0xffff, v8;
	v8 =	vor.u32 s0, v40  }
0x4ad: {  	[tilespmem:v17+s19+$0x0] =	vst.idx.msk $0xffff, v19;
	v17 =	vor.u32 s0, v36  }
0x4ae: {  	[tilespmem:v4+s19+$0x0] =	vst.idx.msk $0xffff, v12;
	v4 =	vor.u32 s0, v37  }
0x4af: {  	[tilespmem:v15+s19+$0x0] =	vst.idx.msk $0xffff, v7;
	v7 =	vor.u32 s0, v34  }
0x4b0: {  	[tilespmem:v11+s19+$0x0] =	vst.idx.msk $0xffff, v13;
	v11 =	vor.u32 s0, v38  }
0x4b1: {  	[tilespmem:v8+s19+$0x0] =	vst.idx.msk $0xffff, v16;
	v8 =	vor.u32 s0, v39  }
0x4b2: {  	v12 =	vor.u32 s0, v41;
	[tilespmem:v17+s19+$0x0] =	vst.idx.msk $0xffff, v14  }
0x4b3: {  	[tilespmem:v4+s19+$0x0] =	vst.idx.msk $0xffff, v9;
	v4 =	vor.u32 v29, v3  }
0x4b4: {  	v9 =	vor.u32 v28, v3;
	[tilespmem:v7+s19+$0x0] =	vst.idx.msk $0xffff, v18  }
0x4b5: {  	v16 =	vor.u32 v58, v3;
	[tilespmem:v11+s19+$0x0] =	vst.idx.msk $0xffff, v23  }
0x4b6: {  	v7 =	vor.u32 v53, v3;
	[tilespmem:v8+s19+$0x0] =	vst.idx.msk $0xffff, v10  }
0x4b7: {  	v8 =	vor.u32 v54, v3;
	[tilespmem:v12+s19+$0x0] =	vst.idx.msk $0xffff, v5  }
0x4b8: {  	p0 =	sne.s32 s5, $0xF80;
	v11 =	vor.u32 v57, v3;
	v10 =	vld.idx.msk [tilespmem:v4+s1+$0x0], $0xffff  }
.Ltmp8:
0x4b9: {  	v5 =	vld.idx.msk [tilespmem:v9+s1+$0x0], $0xffff;
	(pc) =	sbr.rel @p0 .LBB2_19-.Ltmp8, $4  }
0x4ba: {  	v9 =	vld.idx.msk [tilespmem:v16+s1+$0x0], $0xffff  }
0x4bb: {  	v6 =	vor.u32 v50, v3;
	v4 =	vld.idx.msk [tilespmem:v7+s1+$0x0], $0xffff  }
0x4bc: {  	v26 =	vmovc v27;
	v25 =	vlaneseq.u32;
	v15 =	vor.u32 v59, v3;
	v13 =	vor.u32 v60, v3;
	v7 =	vld.idx.msk [tilespmem:v8+s1+$0x0], $0xffff  }
0x4bd: {  	s5 =	sadd.s32 $0x80, s5;
	v14 =	vor.u32 v33, v3;
	v12 =	vor.u32 v52, v3;
	v8 =	vld.idx.msk [tilespmem:v11+s1+$0x0], $0xffff;
	v11 =	vor.u32 v61, v3  }
0x4be: {  	_ =	sdelay $0x3  }
0x4bf: {  	v15 =	vld.idx.msk [tilespmem:v15+s1+$0x0], $0xffff  }
0x4c0: {  	v16 =	vor.u32 v55, v3;
	v12 =	vld.idx.msk [tilespmem:v12+s1+$0x0], $0xffff  }
0x4c1: {  	v17 =	vor.u32 v35, v3;
	v14 =	vld.idx.msk [tilespmem:v14+s1+$0x0], $0xffff  }
0x4c2: {  	v18 =	vor.u32 v63, v3;
	v13 =	vld.idx.msk [tilespmem:v13+s1+$0x0], $0xffff  }
0x4c3: {  	v55 =	vor.u32 v62, v3;
	v11 =	vld.idx.msk [tilespmem:v11+s1+$0x0], $0xffff;
	v19 =	vor.u32 s0, v43  }
0x4c4: {  	v6 =	vld.idx.msk [tilespmem:v6+s1+$0x0], $0xffff;
	v20 =	vor.u32 s0, v44  }
0x4c5: {  	v21 =	vor.u32 s0, v45;
	v16 =	vld.idx.msk [tilespmem:v16+s1+$0x0], $0xffff  }
0x4c6: {  	v22 =	vor.u32 s0, v46;
	v17 =	vld.idx.msk [tilespmem:v17+s1+$0x0], $0xffff  }
0x4c7: {  	v23 =	vor.u32 s0, v47;
	v18 =	vld.idx.msk [tilespmem:v18+s1+$0x0], $0xffff  }
0x4c8: {  	v57 =	vor.u32 s0, v48;
	v3 =	vld.idx.msk [tilespmem:v55+s1+$0x0], $0xffff;
	[tilespmem:v19+s19+$0x0] =	vst.idx.msk $0xffff, v10  }
0x4c9: {  	v58 =	vor.u32 s0, v1;
	[tilespmem:v20+s19+$0x0] =	vst.idx.msk $0xffff, v6  }
0x4ca: {  	[tilespmem:v21+s19+$0x0] =	vst.idx.msk $0xffff, v16;
	v16 =	vor.u32 s0, v0  }
0x4cb: {  	[tilespmem:v22+s19+$0x0] =	vst.idx.msk $0xffff, v17;
	v17 =	vor.u32 s0, v2  }
0x4cc: {  	[tilespmem:v23+s19+$0x0] =	vst.idx.msk $0xffff, v18;
	v18 =	vor.u32 s0, v42  }
0x4cd: {  	v59 =	vor.u32 s0, v56;
	[tilespmem:v57+s19+$0x0] =	vst.idx.msk $0xffff, v3  }
0x4ce: {  	v60 =	vor.u32 s0, v32;
	[tilespmem:v58+s19+$0x0] =	vst.idx.msk $0xffff, v11  }
0x4cf: {  	v61 =	vor.u32 s0, v31;
	[tilespmem:v16+s19+$0x0] =	vst.idx.msk $0xffff, v13  }
0x4d0: {  	v62 =	vor.u32 s0, v49;
	[tilespmem:v17+s19+$0x0] =	vst.idx.msk $0xffff, v14  }
0x4d1: {  	[tilespmem:v18+s19+$0x0] =	vst.idx.msk $0xffff, v12;
	v12 =	vor.u32 s0, v30  }
0x4d2: {  	v63 =	vor.u32 s0, v51;
	[tilespmem:v59+s19+$0x0] =	vst.idx.msk $0xffff, v15  }
0x4d3: {  	v27 =	vld [tilespmem:$0x1FFF0];
	[tilespmem:v60+s19+$0x0] =	vst.idx.msk $0xffff, v9  }
0x4d4: {  	s5 =	sshll.u32 s17, $0x13;
	v45 =	vld [tilespmem:$0x1FFE0];
	[tilespmem:v61+s19+$0x0] =	vst.idx.msk $0xffff, v8  }
0x4d5: {  	v24 =	vld [tilespmem:$0x1FFD0];
	s0 =	sor.u32 s6, s5;
	[tilespmem:v62+s19+$0x0] =	vst.idx.msk $0xffff, v7  }
0x4d6: {  	v50 =	vld [tilespmem:$0x1FDA0];
	s0 =	sshrl.u32 s0, $0x3;
	[tilespmem:v12+s19+$0x0] =	vst.idx.msk $0xffff, v5  }
0x4d7: {  	s13 =	sadd.s32 $0x1, s13;
	v55 =	vld [tilespmem:$0x1FFC0];
	s5 =	sadd.s32 s2, s0;
	[tilespmem:v63+s19+$0x0] =	vst.idx.msk $0xffff, v4  }
0x4d8: {  	v19 =	vld [tilespmem:$0x1FD70];
	[hbm4b:s5+s3] =	stream.linear.scatter [tilespmem:s19], [sflag:$0x5], $0x1000, $0x38  }
0x4d9: {  	s18 =	simm.s32 $0x13800;
	p0 =	sne.s32 s13, $0x19;
	v22 =	vld [tilespmem:$0x1FF60];
	s17 =	sadd.s32 s0, s8  }
0x4da: {  	v23 =	vld [tilespmem:$0x1FD40];
	[hbm4b:s17+s3] =	stream.linear.scatter [tilespmem:s18], [sflag:$0x5], $0x1000, $0x38  }
.Ltmp9:
0x4db: {  	v16 =	vld [tilespmem:$0x1FD90];
	(pc) =	sbr.rel @p0 .LBB2_12-.Ltmp9, $4  }
0x4dc: {  	s24 =	simm.s32 $0x14800;
	s31 =	simm.s32 $0x15800;
	v17 =	vld [tilespmem:$0x1FD50];
	s23 =	sadd.s32 s0, s9  }
0x4dd: {  	v14 =	vld [tilespmem:$0x1FD80];
	[hbm4b:s23+s3] =	stream.linear.scatter [tilespmem:s24], [sflag:$0x5], $0x1000, $0x38  }
0x4de: {  	s14 =	sadd.s32 $0x2, s14;
	s16 =	sadd.s32 $0x2, s16;
	v18 =	vld [tilespmem:$0x1FD60];
	s0 =	sadd.s32 s0, s10  }
0x4df: {  	v43 =	vmov v36;
	v15 =	vld [tilespmem:$0x1FFB0];
	[hbm4b:s0+s3] =	stream.linear.scatter [tilespmem:s31], [sflag:$0x5], $0x1000, $0x38  }
0x4e0: {  	_ =	swait.ge [sflag:s30], $0x1000  }
0x4e1: {  	[sflag:s30] =	ssyncset.done $0x0  }
0x4e2: {  	[sflag:s30] =	ssyncadd.s32 $0xFFFFF000  }
0x4e3: {  	_ =	swait.ge [sflag:s30], $0x1000  }
0x4e4: {  	[sflag:s30] =	ssyncset.done $0x0  }
0x4e5: {  	[sflag:s30] =	ssyncadd.s32 $0xFFFFF000  }
0x4e6: {  	_ =	swait.ge [sflag:s30], $0x1000  }
0x4e7: {  	[sflag:s30] =	ssyncset.done $0x0  }
0x4e8: {  	[sflag:s30] =	ssyncadd.s32 $0xFFFFF000  }
0x4e9: {  	_ =	swait.ge [sflag:s30], $0x1000  }
0x4ea: {  	[sflag:s30] =	ssyncset.done $0x0  }
0x4eb: {  	[sflag:s30] =	ssyncadd.s32 $0xFFFFF000  }
0x4ec: {  	_ =	swait.ge [sflag:s11], $0x1000  }
0x4ed: {  	[sflag:s11] =	ssyncset.done $0x0  }
0x4ee: {  	[sflag:s11] =	ssyncadd.s32 $0xFFFFF000  }
0x4ef: {  	_ =	swait.ge [sflag:s11], $0x1000  }
0x4f0: {  	[sflag:s11] =	ssyncset.done $0x0  }
0x4f1: {  	[sflag:s11] =	ssyncadd.s32 $0xFFFFF000  }
0x4f2: {  	_ =	swait.ge [sflag:s11], $0x1000  }
0x4f3: {  	[sflag:s11] =	ssyncset.done $0x0  }
0x4f4: {  	[sflag:s11] =	ssyncadd.s32 $0xFFFFF000  }
0x4f5: {  	_ =	swait.ge [sflag:s11], $0x1000  }
0x4f6: {  	[sflag:s11] =	ssyncset.done $0x0  }
0x4f7: {  	[sflag:s11] =	ssyncadd.s32 $0xFFFFF000  }
0x4f8: {  	_ =	swait.ge [sflag:s12], $0x1000  }
0x4f9: {  	[sflag:s12] =	ssyncset.done $0x0  }
0x4fa: {  	[sflag:s12] =	ssyncadd.s32 $0xFFFFF000  }
0x4fb: {  	_ =	swait.ge [sflag:s12], $0x1000  }
0x4fc: {  	[sflag:s12] =	ssyncset.done $0x0  }
0x4fd: {  	[sflag:s12] =	ssyncadd.s32 $0xFFFFF000  }
0x4fe: {  	_ =	swait.ge [sflag:s12], $0x1000  }
0x4ff: {  	[sflag:s12] =	ssyncset.done $0x0  }
0x500: {  	[sflag:s12] =	ssyncadd.s32 $0xFFFFF000  }
0x501: {  	_ =	swait.ge [sflag:s12], $0x1000  }
0x502: {  	v20 =	vld [tilespmem:$0x1FD30]  }
0x503: {  	v63 =	vld [tilespmem:$0x1FF00]  }
0x504: {  	v35 =	vld [tilespmem:$0x1FF10]  }
0x505: {  	v34 =	vld [tilespmem:$0x1FF20]  }
0x506: {  	v54 =	vld [tilespmem:$0x1FF40]  }
0x507: {  	v32 =	vld [tilespmem:$0x1FF50]  }
0x508: {  	v52 =	vld [tilespmem:$0x1FF70]  }
0x509: {  	v21 =	vmov v56;
	s5 =	rddreg [dreg:$0xd];
	v56 =	vld [tilespmem:$0x1FF80]  }
0x50a: {  	s0 =	rddreg [dreg:$0xc];
	v51 =	vld [tilespmem:$0x1FDB0];
	s5 =	sadd.s32 $0x1, s5  }
0x50b: {  	v31 =	vld [tilespmem:$0x1FFA0];
	p0 =	sne.s32 s5, s0  }
.Ltmp10:
0x50c: {  	v62 =	vmov v24;
	v24 =	vmov v17;
	v17 =	vld [tilespmem:$0x1FDC0];
	(pc) =	sbr.rel @p0 .LBB2_1-.Ltmp10, $4  }
0x50d: {  	v36 =	vld [tilespmem:$0x1FDD0]  }
0x50e: {  	v28 =	vld [tilespmem:$0x1FDE0]  }
0x50f: {  	v49 =	vmov v30;
	[sflag:s12] =	ssyncset.done $0x0;
	v29 =	vld [tilespmem:$0x1FDF0]  }
0x510: {  	v47 =	vmovc v23;
	v57 =	vmovc v16;
	v37 =	vmov v50;
	v40 =	vmov v14;
	v23 =	vmov v15;
	v30 =	vld [tilespmem:$0x1FE00];
	[sflag:s12] =	ssyncadd.s32 $0xFFFFF000  }
0x511: {  	_ =	sfence.sel $0x180000  }
0x512: {  	[bflag:$0x0] =	sbarrier.arrive $0xFFFF  }
0x513: {  	_ =	strace $0x90000047  }
0x514: {  	s0 =	stileid.u32;
	[bflag:$0x2] =	sbarrier.arrive $0xFFFF  }
0x515: {  	p0 =	sne.s32 s0, $0x0;
	s0 =	rddreg [dreg:$0x2]  }
0x516: {  	s0 =	sadd.s32 @!p0 $0x100000, s0  }
0x517: {  	[sflag:s0] =	ssyncadd.tile.s32 @!p0 $0x1;
	_ =	shalt  }
.Lfunc_end2:
_tile_overlayer_lowered:
.L_overlay_start_2:
0x518: {  	(tag) =	ssettag $0x2  }
0x519: {  	s0 =	rddreg [dreg:$0x0];
	s2 =	stileid.u32  }
0x51a: {  	s1 =	rddreg [dreg:$0x1];
	p0 =	sne.s32 s2, $0x0  }
0x51b: {  	s3 =	rddreg [dreg:$0x2];
	[bflag:$0x3] =	sbarrier.arrive $0xFFFF;
	s2 =	simm.s32 @!p0 $0x1C06  }
0x51c: {  	[timem:s3], [sflag:s2] =	dma.local @!p0 [hbm:s0], s1  }
0x51d: {  	s0 =	simm.s32 @!p0 $0x6  }
0x51e: {  	_ =	swait.ge @!p0 [sflag:s0], s1  }
0x51f: {  	s1 =	ssub.s32 @!p0 $0x0, s1;
	[sflag:s0] =	ssyncset.done @!p0 $0x0  }
0x520: {  	[sflag:s0] =	ssyncadd.s32 @!p0 s1  }
0x521: {  	[bflag:$0x3] =	sbarrier.arrive $0xFFFF  }
0x522: {  	_ =	shalt  }

</sc_bundles>
